<compile_context>
chip_gen: v7x
topology: tpu7x:2x2x1
jax: 0.10.2.dev20260603
libtpu: 0.0.44.dev20260713+nightly
codegen_flags: <defaults>
</compile_context>

<pallas_src>
import functools

import jax
import jax.numpy as jnp
from jax import lax
from jax.experimental import pallas as pl
from jax.experimental.pallas import tpu as pltpu
from jax.experimental.pallas import tpu_sc as plsc


def kernel(x, E, P):
    B, S = x.shape
    V, D = E.shape
    DP = 2 * D
    NW = 32
    rows_per_w = B // NW
    C0 = 96
    C1 = S - C0
    nlane = 16
    nbuf = 4
    ngroups = rows_per_w // nbuf
    x2 = x.astype(jnp.int32) * 2

    BL = 8192

    def _tpad_body(et_ref, out_ref):
        out_ref[:, :D] = et_ref[...].T

    tpad = pl.pallas_call(
        _tpad_body,
        grid=(pl.cdiv(V, BL),),
        in_specs=[pl.BlockSpec((D, BL), lambda i: (0, i))],
        out_specs=pl.BlockSpec((BL, DP), lambda i: (i, 0)),
        out_shape=jax.ShapeDtypeStruct((V, DP), jnp.float32),
    )
    E2 = tpad(E.T).reshape(2 * V, D)

    mesh = plsc.VectorSubcoreMesh(core_axis_name="c", subcore_axis_name="s")

    @functools.partial(
        pl.kernel,
        mesh=mesh,
        out_type=jax.ShapeDtypeStruct((B, S, DP), jnp.float32),
        compiler_params=pltpu.CompilerParams(use_tc_tiling_on_sc=False),
        scratch_types=(
            [pltpu.VMEM((rows_per_w, S), jnp.int32),
             pltpu.VMEM((S, D), jnp.float32)]
            + [pltpu.VMEM((S, D), jnp.float32) for _ in range(nbuf)]
            + [pltpu.SemaphoreType.DMA for _ in range(2 * nbuf)]
        ),
    )
    def emb(x_hbm, p_hbm, e_hbm, out_hbm, idx_v, p_v, *rest):
        bufs = rest[:nbuf]
        gs = rest[nbuf:2 * nbuf]
        ws = rest[2 * nbuf:]
        cid = lax.axis_index("c")
        sid = lax.axis_index("s")
        wid = sid * 2 + cid
        b0 = wid * rows_per_w
        pltpu.sync_copy(x_hbm.at[pl.ds(b0, rows_per_w)], idx_v)
        pltpu.sync_copy(p_hbm, p_v)

        def g_start(j, b):
            pltpu.async_copy(
                e_hbm.at[idx_v.at[j, pl.ds(0, C0)]], bufs[b].at[pl.ds(0, C0)],
                gs[b])
            pltpu.async_copy(
                e_hbm.at[idx_v.at[j, pl.ds(C0, C1)]],
                bufs[b].at[pl.ds(C0, C1)], gs[b])

        def g_wait(j, b):
            pltpu.make_async_copy(
                e_hbm.at[idx_v.at[j, pl.ds(0, C0)]], bufs[b].at[pl.ds(0, C0)],
                gs[b]).wait()
            pltpu.make_async_copy(
                e_hbm.at[idx_v.at[j, pl.ds(C0, C1)]],
                bufs[b].at[pl.ds(C0, C1)], gs[b]).wait()

        def w_start(j, b):
            pltpu.async_copy(bufs[b], out_hbm.at[b0 + j, :, pl.ds(0, D)],
                             ws[b])

        def w_wait(j, b):
            pltpu.make_async_copy(bufs[b], out_hbm.at[b0 + j, :, pl.ds(0, D)],
                                  ws[b]).wait()

        def add_p(b):
            buf = bufs[b]

            @plsc.parallel_loop(0, S, unroll=8)
            def _(r):
                for w in range(D // nlane):
                    sl = pl.ds(w * nlane, nlane)
                    buf[r, sl] += p_v[r, sl]

        for jj in range(nbuf - 1):
            g_start(jj, jj)

        def step(j, b, do_wwait, do_gstart):
            g_wait(j, b)
            add_p(b)
            w_start(j, b)
            bprev = (b - 1) % nbuf
            if do_wwait:
                w_wait(j - 1, bprev)
            if do_gstart:
                g_start(j + nbuf - 1, bprev)

        for b in range(nbuf):
            step(b, b, do_wwait=(b > 0), do_gstart=True)

        def group(g, carry):
            for b in range(nbuf):
                step(g * nbuf + b, b, do_wwait=True, do_gstart=True)
            return carry

        lax.fori_loop(1, ngroups - 1, group, 0)

        for b in range(nbuf):
            j = (ngroups - 1) * nbuf + b
            step(j, b, do_wwait=(b == 0), do_gstart=(b == 0))
        for b in range(nbuf):
            w_wait((ngroups - 1) * nbuf + b, b)

    out = emb(x2, P, E2)
    return out[:, :, :D]

# --- scband reference (transcript-rebuilt; emitter-appended) ---
"""Pipeline reference for scband-embedding-module-28389733826636 (READ-ONLY COPY).

The authoritative reference and input builder live on the scoring server;
editing this copy changes nothing except your own understanding.
"""

import jax, jax.numpy as jnp
import numpy as np

VOCAB = 1000000
SEQ = 200
DM = 64
BATCH = 4096

def setup_inputs(seed: int = 0) -> dict:
    key = jax.random.key(seed)
    k1, k2, k3 = jax.random.split(key, 3)
    x = jax.random.randint(k1, (BATCH, SEQ), 0, VOCAB, dtype=jnp.int64 if jax.config.jax_enable_x64 else jnp.int32)
    E = jax.random.normal(k2, (VOCAB, DM), dtype=jnp.float32) * 0.02
    P = jax.random.normal(k3, (SEQ, DM), dtype=jnp.float32) * 0.02
    return {"x": x, "E": E, "P": P}

def reference(x, E, P):
    positions = jnp.arange(x.shape[1])
    tok = jnp.take(E, x, axis=0)          # [B, S, DM] embedding gather
    pos = jnp.take(P, positions, axis=0)  # [S, DM]
    return tok + pos[None, :, :]

if __name__ == "__main__":
    import jax
    _d = setup_inputs()
    print(jax.jit(kernel)(*tuple(_d.values())))

</pallas_src>

<mosaic_0001>
#map = affine_map<(d0, d1) -> (0, 0)>
#map1 = affine_map<(d0, d1) -> (0, 0, 0)>
module attributes {stable_mosaic.version = 14 : i64} {
  func.func @emb(%arg0: i32, %arg1: i32, %arg2: memref<4096x200xi32, #tpu.memory_space<hbm>>, %arg3: memref<200x64xf32, #tpu.memory_space<hbm>>, %arg4: memref<2000000x64xf32, #tpu.memory_space<hbm>>, %arg5: memref<4096x200x128xf32, #tpu.memory_space<hbm>>, %arg6: memref<128x200xi32, #tpu.memory_space<vmem>>, %arg7: memref<200x64xf32, #tpu.memory_space<vmem>>, %arg8: memref<200x64xf32, #tpu.memory_space<vmem>>, %arg9: memref<200x64xf32, #tpu.memory_space<vmem>>, %arg10: memref<200x64xf32, #tpu.memory_space<vmem>>, %arg11: memref<200x64xf32, #tpu.memory_space<vmem>>, %arg12: memref<!tpu.dma_semaphore, #tpu.memory_space<semaphore_mem>>, %arg13: memref<!tpu.dma_semaphore, #tpu.memory_space<semaphore_mem>>, %arg14: memref<!tpu.dma_semaphore, #tpu.memory_space<semaphore_mem>>, %arg15: memref<!tpu.dma_semaphore, #tpu.memory_space<semaphore_mem>>, %arg16: memref<!tpu.dma_semaphore, #tpu.memory_space<semaphore_mem>>, %arg17: memref<!tpu.dma_semaphore, #tpu.memory_space<semaphore_mem>>, %arg18: memref<!tpu.dma_semaphore, #tpu.memory_space<semaphore_mem>>, %arg19: memref<!tpu.dma_semaphore, #tpu.memory_space<semaphore_mem>>) attributes {dimension_semantics = [#tpu.dimension_semantics<core_parallel>, #tpu.dimension_semantics<subcore_parallel>], iteration_bounds = array<i64: 2, 16>, scalar_prefetch = 0 : i64, scratch_operands = 14 : i64, tpu.core_type = #tpu.core_type<sc_vector_subcore>, window_params = [{transform_indices = #map}, {transform_indices = #map}, {transform_indices = #map}, {transform_indices = #map1}]} {
    %mul3A = arith.constant 2 : i32
    %mul3A_0 = arith.muli %arg1, %mul3A : i32
    %add3A = arith.addi %mul3A_0, %arg0 : i32
    %mul3A_1 = arith.constant 128 : i32
    %mul3A_2 = arith.muli %add3A, %mul3A_1 : i32
    "tpu.region"() ({
      %run_scoped3A = tpu.sem_alloc : memref<!tpu.dma_semaphore, #tpu.memory_space<semaphore_mem>>
      %dma_start3A_509 = arith.constant 0 : i32
      %dma_start3A_510 = tpu.memref_slice %arg2[%mul3A_2, %dma_start3A_509] : memref<4096x200xi32, #tpu.memory_space<hbm>> -> memref<128x200xi32, #tpu.memory_space<hbm>>
      %dma_start3A_511 = arith.constant 0 : i32
      %dma_start3A_512 = tpu.memref_slice %arg2[%mul3A_2, %dma_start3A_511] : memref<4096x200xi32, #tpu.memory_space<hbm>> -> memref<128x200xi32, #tpu.memory_space<hbm>>
      tpu.enqueue_dma source(%dma_start3A_512 : memref<128x200xi32, #tpu.memory_space<hbm>>) target(%arg6 : memref<128x200xi32, #tpu.memory_space<vmem>>) target_semaphore(%run_scoped3A : memref<!tpu.dma_semaphore, #tpu.memory_space<semaphore_mem>>)
      %dma_wait3A_513 = arith.constant 0 : i32
      %dma_wait3A_514 = tpu.memref_slice %arg2[%mul3A_2, %dma_wait3A_513] : memref<4096x200xi32, #tpu.memory_space<hbm>> -> memref<128x200xi32, #tpu.memory_space<hbm>>
      %dma_wait3A_515 = arith.constant 0 : i32
      %dma_wait3A_516 = tpu.memref_slice %arg2[%mul3A_2, %dma_wait3A_515] : memref<4096x200xi32, #tpu.memory_space<hbm>> -> memref<128x200xi32, #tpu.memory_space<hbm>>
      tpu.wait_dma2 semaphore(%run_scoped3A : memref<!tpu.dma_semaphore, #tpu.memory_space<semaphore_mem>>) src(%dma_wait3A_516 : memref<128x200xi32, #tpu.memory_space<hbm>>) dst(%arg6 : memref<128x200xi32, #tpu.memory_space<vmem>>)
      tpu.yield
    }) : () -> ()
    "tpu.region"() ({
      %run_scoped3A = tpu.sem_alloc : memref<!tpu.dma_semaphore, #tpu.memory_space<semaphore_mem>>
      tpu.enqueue_dma source(%arg3 : memref<200x64xf32, #tpu.memory_space<hbm>>) target(%arg7 : memref<200x64xf32, #tpu.memory_space<vmem>>) target_semaphore(%run_scoped3A : memref<!tpu.dma_semaphore, #tpu.memory_space<semaphore_mem>>)
      tpu.wait_dma2 semaphore(%run_scoped3A : memref<!tpu.dma_semaphore, #tpu.memory_space<semaphore_mem>>) src(%arg3 : memref<200x64xf32, #tpu.memory_space<hbm>>) dst(%arg7 : memref<200x64xf32, #tpu.memory_space<vmem>>)
      tpu.yield
    }) : () -> ()
    %dma_start3A = arith.constant 0 : i32
    %dma_start3A_3 = arith.constant 0 : i32
    %dma_start3A_4 = arith.constant 0 : i32
    %dma_start3A_5 = tpu.memref_slice %arg8[%dma_start3A_3, %dma_start3A_4] : memref<200x64xf32, #tpu.memory_space<vmem>> -> memref<96x64xf32, #tpu.memory_space<vmem>>
    %dma_start3A_6 = arith.constant 0 : i32
    %dma_start3A_7 = tpu.memref_slice %arg6[%dma_start3A, %dma_start3A_6] : memref<128x200xi32, #tpu.memory_space<vmem>> -> memref<1x96xi32, #tpu.memory_space<vmem>>
    %dma_start3A_8 = tpu.memref_squeeze %dma_start3A_7 : memref<1x96xi32, #tpu.memory_space<vmem>> -> memref<96xi32, #tpu.memory_space<vmem>>
    %dma_start3A_9 = arith.constant 0 : i32
    %dma_start3A_10 = arith.constant 0 : i32
    %dma_start3A_11 = tpu.memref_slice %arg4[%dma_start3A_9, %dma_start3A_10] : memref<2000000x64xf32, #tpu.memory_space<hbm>> -> memref<2000000x64xf32, #tpu.memory_space<hbm>>
    tpu.enqueue_indirect_dma source(%dma_start3A_11 : memref<2000000x64xf32, #tpu.memory_space<hbm>>) target(%dma_start3A_5 : memref<96x64xf32, #tpu.memory_space<vmem>>) offsets(%dma_start3A_8 : memref<96xi32, #tpu.memory_space<vmem>>) semaphore(%arg12 : memref<!tpu.dma_semaphore, #tpu.memory_space<semaphore_mem>>)
    %dma_start3A_12 = arith.constant 0 : i32
    %dma_start3A_13 = arith.constant 96 : i32
    %dma_start3A_14 = arith.constant 0 : i32
    %dma_start3A_15 = tpu.memref_slice %arg8[%dma_start3A_13, %dma_start3A_14] : memref<200x64xf32, #tpu.memory_space<vmem>> -> memref<104x64xf32, #tpu.memory_space<vmem>>
    %dma_start3A_16 = arith.constant 96 : i32
    %dma_start3A_17 = tpu.memref_slice %arg6[%dma_start3A_12, %dma_start3A_16] : memref<128x200xi32, #tpu.memory_space<vmem>> -> memref<1x104xi32, #tpu.memory_space<vmem>>
    %dma_start3A_18 = tpu.memref_squeeze %dma_start3A_17 : memref<1x104xi32, #tpu.memory_space<vmem>> -> memref<104xi32, #tpu.memory_space<vmem>>
    %dma_start3A_19 = arith.constant 0 : i32
    %dma_start3A_20 = arith.constant 0 : i32
    %dma_start3A_21 = tpu.memref_slice %arg4[%dma_start3A_19, %dma_start3A_20] : memref<2000000x64xf32, #tpu.memory_space<hbm>> -> memref<2000000x64xf32, #tpu.memory_space<hbm>>
    tpu.enqueue_indirect_dma source(%dma_start3A_21 : memref<2000000x64xf32, #tpu.memory_space<hbm>>) target(%dma_start3A_15 : memref<104x64xf32, #tpu.memory_space<vmem>>) offsets(%dma_start3A_18 : memref<104xi32, #tpu.memory_space<vmem>>) semaphore(%arg12 : memref<!tpu.dma_semaphore, #tpu.memory_space<semaphore_mem>>)
    %dma_start3A_22 = arith.constant 1 : i32
    %dma_start3A_23 = arith.constant 0 : i32
    %dma_start3A_24 = arith.constant 0 : i32
    %dma_start3A_25 = tpu.memref_slice %arg9[%dma_start3A_23, %dma_start3A_24] : memref<200x64xf32, #tpu.memory_space<vmem>> -> memref<96x64xf32, #tpu.memory_space<vmem>>
    %dma_start3A_26 = arith.constant 0 : i32
    %dma_start3A_27 = tpu.memref_slice %arg6[%dma_start3A_22, %dma_start3A_26] : memref<128x200xi32, #tpu.memory_space<vmem>> -> memref<1x96xi32, #tpu.memory_space<vmem>>
    %dma_start3A_28 = tpu.memref_squeeze %dma_start3A_27 : memref<1x96xi32, #tpu.memory_space<vmem>> -> memref<96xi32, #tpu.memory_space<vmem>>
    %dma_start3A_29 = arith.constant 0 : i32
    %dma_start3A_30 = arith.constant 0 : i32
    %dma_start3A_31 = tpu.memref_slice %arg4[%dma_start3A_29, %dma_start3A_30] : memref<2000000x64xf32, #tpu.memory_space<hbm>> -> memref<2000000x64xf32, #tpu.memory_space<hbm>>
    tpu.enqueue_indirect_dma source(%dma_start3A_31 : memref<2000000x64xf32, #tpu.memory_space<hbm>>) target(%dma_start3A_25 : memref<96x64xf32, #tpu.memory_space<vmem>>) offsets(%dma_start3A_28 : memref<96xi32, #tpu.memory_space<vmem>>) semaphore(%arg13 : memref<!tpu.dma_semaphore, #tpu.memory_space<semaphore_mem>>)
    %dma_start3A_32 = arith.constant 1 : i32
    %dma_start3A_33 = arith.constant 96 : i32
    %dma_start3A_34 = arith.constant 0 : i32
    %dma_start3A_35 = tpu.memref_slice %arg9[%dma_start3A_33, %dma_start3A_34] : memref<200x64xf32, #tpu.memory_space<vmem>> -> memref<104x64xf32, #tpu.memory_space<vmem>>
    %dma_start3A_36 = arith.constant 96 : i32
    %dma_start3A_37 = tpu.memref_slice %arg6[%dma_start3A_32, %dma_start3A_36] : memref<128x200xi32, #tpu.memory_space<vmem>> -> memref<1x104xi32, #tpu.memory_space<vmem>>
    %dma_start3A_38 = tpu.memref_squeeze %dma_start3A_37 : memref<1x104xi32, #tpu.memory_space<vmem>> -> memref<104xi32, #tpu.memory_space<vmem>>
    %dma_start3A_39 = arith.constant 0 : i32
    %dma_start3A_40 = arith.constant 0 : i32
    %dma_start3A_41 = tpu.memref_slice %arg4[%dma_start3A_39, %dma_start3A_40] : memref<2000000x64xf32, #tpu.memory_space<hbm>> -> memref<2000000x64xf32, #tpu.memory_space<hbm>>
    tpu.enqueue_indirect_dma source(%dma_start3A_41 : memref<2000000x64xf32, #tpu.memory_space<hbm>>) target(%dma_start3A_35 : memref<104x64xf32, #tpu.memory_space<vmem>>) offsets(%dma_start3A_38 : memref<104xi32, #tpu.memory_space<vmem>>) semaphore(%arg13 : memref<!tpu.dma_semaphore, #tpu.memory_space<semaphore_mem>>)
    %dma_start3A_42 = arith.constant 2 : i32
    %dma_start3A_43 = arith.constant 0 : i32
    %dma_start3A_44 = arith.constant 0 : i32
    %dma_start3A_45 = tpu.memref_slice %arg10[%dma_start3A_43, %dma_start3A_44] : memref<200x64xf32, #tpu.memory_space<vmem>> -> memref<96x64xf32, #tpu.memory_space<vmem>>
    %dma_start3A_46 = arith.constant 0 : i32
    %dma_start3A_47 = tpu.memref_slice %arg6[%dma_start3A_42, %dma_start3A_46] : memref<128x200xi32, #tpu.memory_space<vmem>> -> memref<1x96xi32, #tpu.memory_space<vmem>>
    %dma_start3A_48 = tpu.memref_squeeze %dma_start3A_47 : memref<1x96xi32, #tpu.memory_space<vmem>> -> memref<96xi32, #tpu.memory_space<vmem>>
    %dma_start3A_49 = arith.constant 0 : i32
    %dma_start3A_50 = arith.constant 0 : i32
    %dma_start3A_51 = tpu.memref_slice %arg4[%dma_start3A_49, %dma_start3A_50] : memref<2000000x64xf32, #tpu.memory_space<hbm>> -> memref<2000000x64xf32, #tpu.memory_space<hbm>>
    tpu.enqueue_indirect_dma source(%dma_start3A_51 : memref<2000000x64xf32, #tpu.memory_space<hbm>>) target(%dma_start3A_45 : memref<96x64xf32, #tpu.memory_space<vmem>>) offsets(%dma_start3A_48 : memref<96xi32, #tpu.memory_space<vmem>>) semaphore(%arg14 : memref<!tpu.dma_semaphore, #tpu.memory_space<semaphore_mem>>)
    %dma_start3A_52 = arith.constant 2 : i32
    %dma_start3A_53 = arith.constant 96 : i32
    %dma_start3A_54 = arith.constant 0 : i32
    %dma_start3A_55 = tpu.memref_slice %arg10[%dma_start3A_53, %dma_start3A_54] : memref<200x64xf32, #tpu.memory_space<vmem>> -> memref<104x64xf32, #tpu.memory_space<vmem>>
    %dma_start3A_56 = arith.constant 96 : i32
    %dma_start3A_57 = tpu.memref_slice %arg6[%dma_start3A_52, %dma_start3A_56] : memref<128x200xi32, #tpu.memory_space<vmem>> -> memref<1x104xi32, #tpu.memory_space<vmem>>
    %dma_start3A_58 = tpu.memref_squeeze %dma_start3A_57 : memref<1x104xi32, #tpu.memory_space<vmem>> -> memref<104xi32, #tpu.memory_space<vmem>>
    %dma_start3A_59 = arith.constant 0 : i32
    %dma_start3A_60 = arith.constant 0 : i32
    %dma_start3A_61 = tpu.memref_slice %arg4[%dma_start3A_59, %dma_start3A_60] : memref<2000000x64xf32, #tpu.memory_space<hbm>> -> memref<2000000x64xf32, #tpu.memory_space<hbm>>
    tpu.enqueue_indirect_dma source(%dma_start3A_61 : memref<2000000x64xf32, #tpu.memory_space<hbm>>) target(%dma_start3A_55 : memref<104x64xf32, #tpu.memory_space<vmem>>) offsets(%dma_start3A_58 : memref<104xi32, #tpu.memory_space<vmem>>) semaphore(%arg14 : memref<!tpu.dma_semaphore, #tpu.memory_space<semaphore_mem>>)
    %dma_wait3A = arith.constant 0 : i32
    %dma_wait3A_62 = arith.constant 0 : i32
    %dma_wait3A_63 = arith.constant 0 : i32
    %dma_wait3A_64 = tpu.memref_slice %arg8[%dma_wait3A_62, %dma_wait3A_63] : memref<200x64xf32, #tpu.memory_space<vmem>> -> memref<96x64xf32, #tpu.memory_space<vmem>>
    %dma_wait3A_65 = arith.constant 0 : i32
    %dma_wait3A_66 = tpu.memref_slice %arg6[%dma_wait3A, %dma_wait3A_65] : memref<128x200xi32, #tpu.memory_space<vmem>> -> memref<1x96xi32, #tpu.memory_space<vmem>>
    %dma_wait3A_67 = tpu.memref_squeeze %dma_wait3A_66 : memref<1x96xi32, #tpu.memory_space<vmem>> -> memref<96xi32, #tpu.memory_space<vmem>>
    %dma_wait3A_68 = arith.constant 0 : i32
    %dma_wait3A_69 = arith.constant 0 : i32
    %dma_wait3A_70 = tpu.memref_slice %arg4[%dma_wait3A_68, %dma_wait3A_69] : memref<2000000x64xf32, #tpu.memory_space<hbm>> -> memref<2000000x64xf32, #tpu.memory_space<hbm>>
    tpu.wait_indirect_dma semaphore(%arg12 : memref<!tpu.dma_semaphore, #tpu.memory_space<semaphore_mem>>) src(%dma_wait3A_70 : memref<2000000x64xf32, #tpu.memory_space<hbm>>) dst(%dma_wait3A_64 : memref<96x64xf32, #tpu.memory_space<vmem>>)
    %dma_wait3A_71 = arith.constant 0 : i32
    %dma_wait3A_72 = arith.constant 96 : i32
    %dma_wait3A_73 = arith.constant 0 : i32
    %dma_wait3A_74 = tpu.memref_slice %arg8[%dma_wait3A_72, %dma_wait3A_73] : memref<200x64xf32, #tpu.memory_space<vmem>> -> memref<104x64xf32, #tpu.memory_space<vmem>>
    %dma_wait3A_75 = arith.constant 96 : i32
    %dma_wait3A_76 = tpu.memref_slice %arg6[%dma_wait3A_71, %dma_wait3A_75] : memref<128x200xi32, #tpu.memory_space<vmem>> -> memref<1x104xi32, #tpu.memory_space<vmem>>
    %dma_wait3A_77 = tpu.memref_squeeze %dma_wait3A_76 : memref<1x104xi32, #tpu.memory_space<vmem>> -> memref<104xi32, #tpu.memory_space<vmem>>
    %dma_wait3A_78 = arith.constant 0 : i32
    %dma_wait3A_79 = arith.constant 0 : i32
    %dma_wait3A_80 = tpu.memref_slice %arg4[%dma_wait3A_78, %dma_wait3A_79] : memref<2000000x64xf32, #tpu.memory_space<hbm>> -> memref<2000000x64xf32, #tpu.memory_space<hbm>>
    tpu.wait_indirect_dma semaphore(%arg12 : memref<!tpu.dma_semaphore, #tpu.memory_space<semaphore_mem>>) src(%dma_wait3A_80 : memref<2000000x64xf32, #tpu.memory_space<hbm>>) dst(%dma_wait3A_74 : memref<104x64xf32, #tpu.memory_space<vmem>>)
    %parallel_loop3A = arith.constant 0 : i32
    %parallel_loop3A_81 = arith.constant 200 : i32
    %parallel_loop3A_82 = arith.constant 1 : i32
    scf.for %parallel_loop3A_509 = %parallel_loop3A to %parallel_loop3A_81 step %parallel_loop3A_82  : i32 {
      %parallel_loop3A_510 = arith.index_cast %parallel_loop3A_509 : i32 to index
      %parallel_loop3A_511 = arith.constant 0 : index
      %parallel_loop3A_512 = tpu.vector_load %arg8[%parallel_loop3A_510, %parallel_loop3A_511] {strides = array<i32>} : memref<200x64xf32, #tpu.memory_space<vmem>>, vector<1x16xf32>,
      %parallel_loop3A_513 = vector.shape_cast %parallel_loop3A_512 : vector<1x16xf32> to vector<16xf32>
      %parallel_loop3A_514 = arith.index_cast %parallel_loop3A_509 : i32 to index
      %parallel_loop3A_515 = arith.constant 0 : index
      %parallel_loop3A_516 = tpu.vector_load %arg7[%parallel_loop3A_514, %parallel_loop3A_515] {strides = array<i32>} : memref<200x64xf32, #tpu.memory_space<vmem>>, vector<1x16xf32>,
      %parallel_loop3A_517 = vector.shape_cast %parallel_loop3A_516 : vector<1x16xf32> to vector<16xf32>
      %parallel_loop3A_518 = arith.addf %parallel_loop3A_513, %parallel_loop3A_517 : vector<16xf32>
      %parallel_loop3A_519 = arith.index_cast %parallel_loop3A_509 : i32 to index
      %parallel_loop3A_520 = arith.constant 0 : index
      %parallel_loop3A_521 = tpu.vector_load %arg8[%parallel_loop3A_519, %parallel_loop3A_520] {strides = array<i32>} : memref<200x64xf32, #tpu.memory_space<vmem>>, vector<1x16xf32>,
      %parallel_loop3A_522 = vector.shape_cast %parallel_loop3A_521 : vector<1x16xf32> to vector<16xf32>
      %parallel_loop3A_523 = vector.shape_cast %parallel_loop3A_518 : vector<16xf32> to vector<1x16xf32>
      tpu.vector_store %arg8[%parallel_loop3A_519, %parallel_loop3A_520], %parallel_loop3A_523 {strides = array<i32>} : memref<200x64xf32, #tpu.memory_space<vmem>>, vector<1x16xf32>,
      %parallel_loop3A_524 = arith.index_cast %parallel_loop3A_509 : i32 to index
      %parallel_loop3A_525 = arith.constant 16 : index
      %parallel_loop3A_526 = tpu.vector_load %arg8[%parallel_loop3A_524, %parallel_loop3A_525] {strides = array<i32>} : memref<200x64xf32, #tpu.memory_space<vmem>>, vector<1x16xf32>,
      %parallel_loop3A_527 = vector.shape_cast %parallel_loop3A_526 : vector<1x16xf32> to vector<16xf32>
      %parallel_loop3A_528 = arith.index_cast %parallel_loop3A_509 : i32 to index
      %parallel_loop3A_529 = arith.constant 16 : index
      %parallel_loop3A_530 = tpu.vector_load %arg7[%parallel_loop3A_528, %parallel_loop3A_529] {strides = array<i32>} : memref<200x64xf32, #tpu.memory_space<vmem>>, vector<1x16xf32>,
      %parallel_loop3A_531 = vector.shape_cast %parallel_loop3A_530 : vector<1x16xf32> to vector<16xf32>
      %parallel_loop3A_532 = arith.addf %parallel_loop3A_527, %parallel_loop3A_531 : vector<16xf32>
      %parallel_loop3A_533 = arith.index_cast %parallel_loop3A_509 : i32 to index
      %parallel_loop3A_534 = arith.constant 16 : index
      %parallel_loop3A_535 = tpu.vector_load %arg8[%parallel_loop3A_533, %parallel_loop3A_534] {strides = array<i32>} : memref<200x64xf32, #tpu.memory_space<vmem>>, vector<1x16xf32>,
      %parallel_loop3A_536 = vector.shape_cast %parallel_loop3A_535 : vector<1x16xf32> to vector<16xf32>
      %parallel_loop3A_537 = vector.shape_cast %parallel_loop3A_532 : vector<16xf32> to vector<1x16xf32>
      tpu.vector_store %arg8[%parallel_loop3A_533, %parallel_loop3A_534], %parallel_loop3A_537 {strides = array<i32>} : memref<200x64xf32, #tpu.memory_space<vmem>>, vector<1x16xf32>,
      %parallel_loop3A_538 = arith.index_cast %parallel_loop3A_509 : i32 to index
      %parallel_loop3A_539 = arith.constant 32 : index
      %parallel_loop3A_540 = tpu.vector_load %arg8[%parallel_loop3A_538, %parallel_loop3A_539] {strides = array<i32>} : memref<200x64xf32, #tpu.memory_space<vmem>>, vector<1x16xf32>,
      %parallel_loop3A_541 = vector.shape_cast %parallel_loop3A_540 : vector<1x16xf32> to vector<16xf32>
      %parallel_loop3A_542 = arith.index_cast %parallel_loop3A_509 : i32 to index
      %parallel_loop3A_543 = arith.constant 32 : index
      %parallel_loop3A_544 = tpu.vector_load %arg7[%parallel_loop3A_542, %parallel_loop3A_543] {strides = array<i32>} : memref<200x64xf32, #tpu.memory_space<vmem>>, vector<1x16xf32>,
      %parallel_loop3A_545 = vector.shape_cast %parallel_loop3A_544 : vector<1x16xf32> to vector<16xf32>
      %parallel_loop3A_546 = arith.addf %parallel_loop3A_541, %parallel_loop3A_545 : vector<16xf32>
      %parallel_loop3A_547 = arith.index_cast %parallel_loop3A_509 : i32 to index
      %parallel_loop3A_548 = arith.constant 32 : index
      %parallel_loop3A_549 = tpu.vector_load %arg8[%parallel_loop3A_547, %parallel_loop3A_548] {strides = array<i32>} : memref<200x64xf32, #tpu.memory_space<vmem>>, vector<1x16xf32>,
      %parallel_loop3A_550 = vector.shape_cast %parallel_loop3A_549 : vector<1x16xf32> to vector<16xf32>
      %parallel_loop3A_551 = vector.shape_cast %parallel_loop3A_546 : vector<16xf32> to vector<1x16xf32>
      tpu.vector_store %arg8[%parallel_loop3A_547, %parallel_loop3A_548], %parallel_loop3A_551 {strides = array<i32>} : memref<200x64xf32, #tpu.memory_space<vmem>>, vector<1x16xf32>,
      %parallel_loop3A_552 = arith.index_cast %parallel_loop3A_509 : i32 to index
      %parallel_loop3A_553 = arith.constant 48 : index
      %parallel_loop3A_554 = tpu.vector_load %arg8[%parallel_loop3A_552, %parallel_loop3A_553] {strides = array<i32>} : memref<200x64xf32, #tpu.memory_space<vmem>>, vector<1x16xf32>,
      %parallel_loop3A_555 = vector.shape_cast %parallel_loop3A_554 : vector<1x16xf32> to vector<16xf32>
      %parallel_loop3A_556 = arith.index_cast %parallel_loop3A_509 : i32 to index
      %parallel_loop3A_557 = arith.constant 48 : index
      %parallel_loop3A_558 = tpu.vector_load %arg7[%parallel_loop3A_556, %parallel_loop3A_557] {strides = array<i32>} : memref<200x64xf32, #tpu.memory_space<vmem>>, vector<1x16xf32>,
      %parallel_loop3A_559 = vector.shape_cast %parallel_loop3A_558 : vector<1x16xf32> to vector<16xf32>
      %parallel_loop3A_560 = arith.addf %parallel_loop3A_555, %parallel_loop3A_559 : vector<16xf32>
      %parallel_loop3A_561 = arith.index_cast %parallel_loop3A_509 : i32 to index
      %parallel_loop3A_562 = arith.constant 48 : index
      %parallel_loop3A_563 = tpu.vector_load %arg8[%parallel_loop3A_561, %parallel_loop3A_562] {strides = array<i32>} : memref<200x64xf32, #tpu.memory_space<vmem>>, vector<1x16xf32>,
      %parallel_loop3A_564 = vector.shape_cast %parallel_loop3A_563 : vector<1x16xf32> to vector<16xf32>
      %parallel_loop3A_565 = vector.shape_cast %parallel_loop3A_560 : vector<16xf32> to vector<1x16xf32>
      tpu.vector_store %arg8[%parallel_loop3A_561, %parallel_loop3A_562], %parallel_loop3A_565 {strides = array<i32>} : memref<200x64xf32, #tpu.memory_space<vmem>>, vector<1x16xf32>,
    } {sc.loop_unroll_factor = 8 : i64, sc.parallel_access}
    %add3A_83 = arith.constant 0 : i32
    %add3A_84 = arith.addi %mul3A_2, %add3A_83 : i32
    %dma_start3A_85 = arith.constant 0 : i32
    %dma_start3A_86 = arith.constant 0 : i32
    %dma_start3A_87 = tpu.memref_slice %arg5[%add3A_84, %dma_start3A_85, %dma_start3A_86] : memref<4096x200x128xf32, #tpu.memory_space<hbm>> -> memref<1x200x64xf32, #tpu.memory_space<hbm>>
    %dma_start3A_88 = tpu.memref_squeeze %dma_start3A_87 : memref<1x200x64xf32, #tpu.memory_space<hbm>> -> memref<200x64xf32, #tpu.memory_space<hbm>>
    %dma_start3A_89 = arith.constant 0 : i32
    %dma_start3A_90 = arith.constant 0 : i32
    %dma_start3A_91 = tpu.memref_slice %arg5[%add3A_84, %dma_start3A_89, %dma_start3A_90] : memref<4096x200x128xf32, #tpu.memory_space<hbm>> -> memref<1x200x64xf32, #tpu.memory_space<hbm>>
    %dma_start3A_92 = tpu.memref_squeeze %dma_start3A_91 : memref<1x200x64xf32, #tpu.memory_space<hbm>> -> memref<200x64xf32, #tpu.memory_space<hbm>>
    tpu.enqueue_dma source(%arg8 : memref<200x64xf32, #tpu.memory_space<vmem>>) target(%dma_start3A_92 : memref<200x64xf32, #tpu.memory_space<hbm>>) target_semaphore(%arg16 : memref<!tpu.dma_semaphore, #tpu.memory_space<semaphore_mem>>)
    %dma_start3A_93 = arith.constant 3 : i32
    %dma_start3A_94 = arith.constant 0 : i32
    %dma_start3A_95 = arith.constant 0 : i32
    %dma_start3A_96 = tpu.memref_slice %arg11[%dma_start3A_94, %dma_start3A_95] : memref<200x64xf32, #tpu.memory_space<vmem>> -> memref<96x64xf32, #tpu.memory_space<vmem>>
    %dma_start3A_97 = arith.constant 0 : i32
    %dma_start3A_98 = tpu.memref_slice %arg6[%dma_start3A_93, %dma_start3A_97] : memref<128x200xi32, #tpu.memory_space<vmem>> -> memref<1x96xi32, #tpu.memory_space<vmem>>
    %dma_start3A_99 = tpu.memref_squeeze %dma_start3A_98 : memref<1x96xi32, #tpu.memory_space<vmem>> -> memref<96xi32, #tpu.memory_space<vmem>>
    %dma_start3A_100 = arith.constant 0 : i32
    %dma_start3A_101 = arith.constant 0 : i32
    %dma_start3A_102 = tpu.memref_slice %arg4[%dma_start3A_100, %dma_start3A_101] : memref<2000000x64xf32, #tpu.memory_space<hbm>> -> memref<2000000x64xf32, #tpu.memory_space<hbm>>
    tpu.enqueue_indirect_dma source(%dma_start3A_102 : memref<2000000x64xf32, #tpu.memory_space<hbm>>) target(%dma_start3A_96 : memref<96x64xf32, #tpu.memory_space<vmem>>) offsets(%dma_start3A_99 : memref<96xi32, #tpu.memory_space<vmem>>) semaphore(%arg15 : memref<!tpu.dma_semaphore, #tpu.memory_space<semaphore_mem>>)
    %dma_start3A_103 = arith.constant 3 : i32
    %dma_start3A_104 = arith.constant 96 : i32
    %dma_start3A_105 = arith.constant 0 : i32
    %dma_start3A_106 = tpu.memref_slice %arg11[%dma_start3A_104, %dma_start3A_105] : memref<200x64xf32, #tpu.memory_space<vmem>> -> memref<104x64xf32, #tpu.memory_space<vmem>>
    %dma_start3A_107 = arith.constant 96 : i32
    %dma_start3A_108 = tpu.memref_slice %arg6[%dma_start3A_103, %dma_start3A_107] : memref<128x200xi32, #tpu.memory_space<vmem>> -> memref<1x104xi32, #tpu.memory_space<vmem>>
    %dma_start3A_109 = tpu.memref_squeeze %dma_start3A_108 : memref<1x104xi32, #tpu.memory_space<vmem>> -> memref<104xi32, #tpu.memory_space<vmem>>
    %dma_start3A_110 = arith.constant 0 : i32
    %dma_start3A_111 = arith.constant 0 : i32
    %dma_start3A_112 = tpu.memref_slice %arg4[%dma_start3A_110, %dma_start3A_111] : memref<2000000x64xf32, #tpu.memory_space<hbm>> -> memref<2000000x64xf32, #tpu.memory_space<hbm>>
    tpu.enqueue_indirect_dma source(%dma_start3A_112 : memref<2000000x64xf32, #tpu.memory_space<hbm>>) target(%dma_start3A_106 : memref<104x64xf32, #tpu.memory_space<vmem>>) offsets(%dma_start3A_109 : memref<104xi32, #tpu.memory_space<vmem>>) semaphore(%arg15 : memref<!tpu.dma_semaphore, #tpu.memory_space<semaphore_mem>>)
    %dma_wait3A_113 = arith.constant 1 : i32
    %dma_wait3A_114 = arith.constant 0 : i32
    %dma_wait3A_115 = arith.constant 0 : i32
    %dma_wait3A_116 = tpu.memref_slice %arg9[%dma_wait3A_114, %dma_wait3A_115] : memref<200x64xf32, #tpu.memory_space<vmem>> -> memref<96x64xf32, #tpu.memory_space<vmem>>
    %dma_wait3A_117 = arith.constant 0 : i32
    %dma_wait3A_118 = tpu.memref_slice %arg6[%dma_wait3A_113, %dma_wait3A_117] : memref<128x200xi32, #tpu.memory_space<vmem>> -> memref<1x96xi32, #tpu.memory_space<vmem>>
    %dma_wait3A_119 = tpu.memref_squeeze %dma_wait3A_118 : memref<1x96xi32, #tpu.memory_space<vmem>> -> memref<96xi32, #tpu.memory_space<vmem>>
    %dma_wait3A_120 = arith.constant 0 : i32
    %dma_wait3A_121 = arith.constant 0 : i32
    %dma_wait3A_122 = tpu.memref_slice %arg4[%dma_wait3A_120, %dma_wait3A_121] : memref<2000000x64xf32, #tpu.memory_space<hbm>> -> memref<2000000x64xf32, #tpu.memory_space<hbm>>
    tpu.wait_indirect_dma semaphore(%arg13 : memref<!tpu.dma_semaphore, #tpu.memory_space<semaphore_mem>>) src(%dma_wait3A_122 : memref<2000000x64xf32, #tpu.memory_space<hbm>>) dst(%dma_wait3A_116 : memref<96x64xf32, #tpu.memory_space<vmem>>)
    %dma_wait3A_123 = arith.constant 1 : i32
    %dma_wait3A_124 = arith.constant 96 : i32
    %dma_wait3A_125 = arith.constant 0 : i32
    %dma_wait3A_126 = tpu.memref_slice %arg9[%dma_wait3A_124, %dma_wait3A_125] : memref<200x64xf32, #tpu.memory_space<vmem>> -> memref<104x64xf32, #tpu.memory_space<vmem>>
    %dma_wait3A_127 = arith.constant 96 : i32
    %dma_wait3A_128 = tpu.memref_slice %arg6[%dma_wait3A_123, %dma_wait3A_127] : memref<128x200xi32, #tpu.memory_space<vmem>> -> memref<1x104xi32, #tpu.memory_space<vmem>>
    %dma_wait3A_129 = tpu.memref_squeeze %dma_wait3A_128 : memref<1x104xi32, #tpu.memory_space<vmem>> -> memref<104xi32, #tpu.memory_space<vmem>>
    %dma_wait3A_130 = arith.constant 0 : i32
    %dma_wait3A_131 = arith.constant 0 : i32
    %dma_wait3A_132 = tpu.memref_slice %arg4[%dma_wait3A_130, %dma_wait3A_131] : memref<2000000x64xf32, #tpu.memory_space<hbm>> -> memref<2000000x64xf32, #tpu.memory_space<hbm>>
    tpu.wait_indirect_dma semaphore(%arg13 : memref<!tpu.dma_semaphore, #tpu.memory_space<semaphore_mem>>) src(%dma_wait3A_132 : memref<2000000x64xf32, #tpu.memory_space<hbm>>) dst(%dma_wait3A_126 : memref<104x64xf32, #tpu.memory_space<vmem>>)
    %parallel_loop3A_133 = arith.constant 0 : i32
    %parallel_loop3A_134 = arith.constant 200 : i32
    %parallel_loop3A_135 = arith.constant 1 : i32
    scf.for %parallel_loop3A_509 = %parallel_loop3A_133 to %parallel_loop3A_134 step %parallel_loop3A_135  : i32 {
      %parallel_loop3A_510 = arith.index_cast %parallel_loop3A_509 : i32 to index
      %parallel_loop3A_511 = arith.constant 0 : index
      %parallel_loop3A_512 = tpu.vector_load %arg9[%parallel_loop3A_510, %parallel_loop3A_511] {strides = array<i32>} : memref<200x64xf32, #tpu.memory_space<vmem>>, vector<1x16xf32>,
      %parallel_loop3A_513 = vector.shape_cast %parallel_loop3A_512 : vector<1x16xf32> to vector<16xf32>
      %parallel_loop3A_514 = arith.index_cast %parallel_loop3A_509 : i32 to index
      %parallel_loop3A_515 = arith.constant 0 : index
      %parallel_loop3A_516 = tpu.vector_load %arg7[%parallel_loop3A_514, %parallel_loop3A_515] {strides = array<i32>} : memref<200x64xf32, #tpu.memory_space<vmem>>, vector<1x16xf32>,
      %parallel_loop3A_517 = vector.shape_cast %parallel_loop3A_516 : vector<1x16xf32> to vector<16xf32>
      %parallel_loop3A_518 = arith.addf %parallel_loop3A_513, %parallel_loop3A_517 : vector<16xf32>
      %parallel_loop3A_519 = arith.index_cast %parallel_loop3A_509 : i32 to index
      %parallel_loop3A_520 = arith.constant 0 : index
      %parallel_loop3A_521 = tpu.vector_load %arg9[%parallel_loop3A_519, %parallel_loop3A_520] {strides = array<i32>} : memref<200x64xf32, #tpu.memory_space<vmem>>, vector<1x16xf32>,
      %parallel_loop3A_522 = vector.shape_cast %parallel_loop3A_521 : vector<1x16xf32> to vector<16xf32>
      %parallel_loop3A_523 = vector.shape_cast %parallel_loop3A_518 : vector<16xf32> to vector<1x16xf32>
      tpu.vector_store %arg9[%parallel_loop3A_519, %parallel_loop3A_520], %parallel_loop3A_523 {strides = array<i32>} : memref<200x64xf32, #tpu.memory_space<vmem>>, vector<1x16xf32>,
      %parallel_loop3A_524 = arith.index_cast %parallel_loop3A_509 : i32 to index
      %parallel_loop3A_525 = arith.constant 16 : index
      %parallel_loop3A_526 = tpu.vector_load %arg9[%parallel_loop3A_524, %parallel_loop3A_525] {strides = array<i32>} : memref<200x64xf32, #tpu.memory_space<vmem>>, vector<1x16xf32>,
      %parallel_loop3A_527 = vector.shape_cast %parallel_loop3A_526 : vector<1x16xf32> to vector<16xf32>
      %parallel_loop3A_528 = arith.index_cast %parallel_loop3A_509 : i32 to index
      %parallel_loop3A_529 = arith.constant 16 : index
      %parallel_loop3A_530 = tpu.vector_load %arg7[%parallel_loop3A_528, %parallel_loop3A_529] {strides = array<i32>} : memref<200x64xf32, #tpu.memory_space<vmem>>, vector<1x16xf32>,
      %parallel_loop3A_531 = vector.shape_cast %parallel_loop3A_530 : vector<1x16xf32> to vector<16xf32>
      %parallel_loop3A_532 = arith.addf %parallel_loop3A_527, %parallel_loop3A_531 : vector<16xf32>
      %parallel_loop3A_533 = arith.index_cast %parallel_loop3A_509 : i32 to index
      %parallel_loop3A_534 = arith.constant 16 : index
      %parallel_loop3A_535 = tpu.vector_load %arg9[%parallel_loop3A_533, %parallel_loop3A_534] {strides = array<i32>} : memref<200x64xf32, #tpu.memory_space<vmem>>, vector<1x16xf32>,
      %parallel_loop3A_536 = vector.shape_cast %parallel_loop3A_535 : vector<1x16xf32> to vector<16xf32>
      %parallel_loop3A_537 = vector.shape_cast %parallel_loop3A_532 : vector<16xf32> to vector<1x16xf32>
      tpu.vector_store %arg9[%parallel_loop3A_533, %parallel_loop3A_534], %parallel_loop3A_537 {strides = array<i32>} : memref<200x64xf32, #tpu.memory_space<vmem>>, vector<1x16xf32>,
      %parallel_loop3A_538 = arith.index_cast %parallel_loop3A_509 : i32 to index
      %parallel_loop3A_539 = arith.constant 32 : index
      %parallel_loop3A_540 = tpu.vector_load %arg9[%parallel_loop3A_538, %parallel_loop3A_539] {strides = array<i32>} : memref<200x64xf32, #tpu.memory_space<vmem>>, vector<1x16xf32>,
      %parallel_loop3A_541 = vector.shape_cast %parallel_loop3A_540 : vector<1x16xf32> to vector<16xf32>
      %parallel_loop3A_542 = arith.index_cast %parallel_loop3A_509 : i32 to index
      %parallel_loop3A_543 = arith.constant 32 : index
      %parallel_loop3A_544 = tpu.vector_load %arg7[%parallel_loop3A_542, %parallel_loop3A_543] {strides = array<i32>} : memref<200x64xf32, #tpu.memory_space<vmem>>, vector<1x16xf32>,
      %parallel_loop3A_545 = vector.shape_cast %parallel_loop3A_544 : vector<1x16xf32> to vector<16xf32>
      %parallel_loop3A_546 = arith.addf %parallel_loop3A_541, %parallel_loop3A_545 : vector<16xf32>
      %parallel_loop3A_547 = arith.index_cast %parallel_loop3A_509 : i32 to index
      %parallel_loop3A_548 = arith.constant 32 : index
      %parallel_loop3A_549 = tpu.vector_load %arg9[%parallel_loop3A_547, %parallel_loop3A_548] {strides = array<i32>} : memref<200x64xf32, #tpu.memory_space<vmem>>, vector<1x16xf32>,
      %parallel_loop3A_550 = vector.shape_cast %parallel_loop3A_549 : vector<1x16xf32> to vector<16xf32>
      %parallel_loop3A_551 = vector.shape_cast %parallel_loop3A_546 : vector<16xf32> to vector<1x16xf32>
      tpu.vector_store %arg9[%parallel_loop3A_547, %parallel_loop3A_548], %parallel_loop3A_551 {strides = array<i32>} : memref<200x64xf32, #tpu.memory_space<vmem>>, vector<1x16xf32>,
      %parallel_loop3A_552 = arith.index_cast %parallel_loop3A_509 : i32 to index
      %parallel_loop3A_553 = arith.constant 48 : index
      %parallel_loop3A_554 = tpu.vector_load %arg9[%parallel_loop3A_552, %parallel_loop3A_553] {strides = array<i32>} : memref<200x64xf32, #tpu.memory_space<vmem>>, vector<1x16xf32>,
      %parallel_loop3A_555 = vector.shape_cast %parallel_loop3A_554 : vector<1x16xf32> to vector<16xf32>
      %parallel_loop3A_556 = arith.index_cast %parallel_loop3A_509 : i32 to index
      %parallel_loop3A_557 = arith.constant 48 : index
      %parallel_loop3A_558 = tpu.vector_load %arg7[%parallel_loop3A_556, %parallel_loop3A_557] {strides = array<i32>} : memref<200x64xf32, #tpu.memory_space<vmem>>, vector<1x16xf32>,
      %parallel_loop3A_559 = vector.shape_cast %parallel_loop3A_558 : vector<1x16xf32> to vector<16xf32>
      %parallel_loop3A_560 = arith.addf %parallel_loop3A_555, %parallel_loop3A_559 : vector<16xf32>
      %parallel_loop3A_561 = arith.index_cast %parallel_loop3A_509 : i32 to index
      %parallel_loop3A_562 = arith.constant 48 : index
      %parallel_loop3A_563 = tpu.vector_load %arg9[%parallel_loop3A_561, %parallel_loop3A_562] {strides = array<i32>} : memref<200x64xf32, #tpu.memory_space<vmem>>, vector<1x16xf32>,
      %parallel_loop3A_564 = vector.shape_cast %parallel_loop3A_563 : vector<1x16xf32> to vector<16xf32>
      %parallel_loop3A_565 = vector.shape_cast %parallel_loop3A_560 : vector<16xf32> to vector<1x16xf32>
      tpu.vector_store %arg9[%parallel_loop3A_561, %parallel_loop3A_562], %parallel_loop3A_565 {strides = array<i32>} : memref<200x64xf32, #tpu.memory_space<vmem>>, vector<1x16xf32>,
    } {sc.loop_unroll_factor = 8 : i64, sc.parallel_access}
    %add3A_136 = arith.constant 1 : i32
    %add3A_137 = arith.addi %mul3A_2, %add3A_136 : i32
    %dma_start3A_138 = arith.constant 0 : i32
    %dma_start3A_139 = arith.constant 0 : i32
    %dma_start3A_140 = tpu.memref_slice %arg5[%add3A_137, %dma_start3A_138, %dma_start3A_139] : memref<4096x200x128xf32, #tpu.memory_space<hbm>> -> memref<1x200x64xf32, #tpu.memory_space<hbm>>
    %dma_start3A_141 = tpu.memref_squeeze %dma_start3A_140 : memref<1x200x64xf32, #tpu.memory_space<hbm>> -> memref<200x64xf32, #tpu.memory_space<hbm>>
    %dma_start3A_142 = arith.constant 0 : i32
    %dma_start3A_143 = arith.constant 0 : i32
    %dma_start3A_144 = tpu.memref_slice %arg5[%add3A_137, %dma_start3A_142, %dma_start3A_143] : memref<4096x200x128xf32, #tpu.memory_space<hbm>> -> memref<1x200x64xf32, #tpu.memory_space<hbm>>
    %dma_start3A_145 = tpu.memref_squeeze %dma_start3A_144 : memref<1x200x64xf32, #tpu.memory_space<hbm>> -> memref<200x64xf32, #tpu.memory_space<hbm>>
    tpu.enqueue_dma source(%arg9 : memref<200x64xf32, #tpu.memory_space<vmem>>) target(%dma_start3A_145 : memref<200x64xf32, #tpu.memory_space<hbm>>) target_semaphore(%arg17 : memref<!tpu.dma_semaphore, #tpu.memory_space<semaphore_mem>>)
    %add3A_146 = arith.constant 0 : i32
    %add3A_147 = arith.addi %mul3A_2, %add3A_146 : i32
    %dma_wait3A_148 = arith.constant 0 : i32
    %dma_wait3A_149 = arith.constant 0 : i32
    %dma_wait3A_150 = tpu.memref_slice %arg5[%add3A_147, %dma_wait3A_148, %dma_wait3A_149] : memref<4096x200x128xf32, #tpu.memory_space<hbm>> -> memref<1x200x64xf32, #tpu.memory_space<hbm>>
    %dma_wait3A_151 = tpu.memref_squeeze %dma_wait3A_150 : memref<1x200x64xf32, #tpu.memory_space<hbm>> -> memref<200x64xf32, #tpu.memory_space<hbm>>
    %dma_wait3A_152 = arith.constant 0 : i32
    %dma_wait3A_153 = arith.constant 0 : i32
    %dma_wait3A_154 = tpu.memref_slice %arg5[%add3A_147, %dma_wait3A_152, %dma_wait3A_153] : memref<4096x200x128xf32, #tpu.memory_space<hbm>> -> memref<1x200x64xf32, #tpu.memory_space<hbm>>
    %dma_wait3A_155 = tpu.memref_squeeze %dma_wait3A_154 : memref<1x200x64xf32, #tpu.memory_space<hbm>> -> memref<200x64xf32, #tpu.memory_space<hbm>>
    tpu.wait_dma2 semaphore(%arg16 : memref<!tpu.dma_semaphore, #tpu.memory_space<semaphore_mem>>) src(%arg8 : memref<200x64xf32, #tpu.memory_space<vmem>>) dst(%dma_wait3A_155 : memref<200x64xf32, #tpu.memory_space<hbm>>)
    %dma_start3A_156 = arith.constant 4 : i32
    %dma_start3A_157 = arith.constant 0 : i32
    %dma_start3A_158 = arith.constant 0 : i32
    %dma_start3A_159 = tpu.memref_slice %arg8[%dma_start3A_157, %dma_start3A_158] : memref<200x64xf32, #tpu.memory_space<vmem>> -> memref<96x64xf32, #tpu.memory_space<vmem>>
    %dma_start3A_160 = arith.constant 0 : i32
    %dma_start3A_161 = tpu.memref_slice %arg6[%dma_start3A_156, %dma_start3A_160] : memref<128x200xi32, #tpu.memory_space<vmem>> -> memref<1x96xi32, #tpu.memory_space<vmem>>
    %dma_start3A_162 = tpu.memref_squeeze %dma_start3A_161 : memref<1x96xi32, #tpu.memory_space<vmem>> -> memref<96xi32, #tpu.memory_space<vmem>>
    %dma_start3A_163 = arith.constant 0 : i32
    %dma_start3A_164 = arith.constant 0 : i32
    %dma_start3A_165 = tpu.memref_slice %arg4[%dma_start3A_163, %dma_start3A_164] : memref<2000000x64xf32, #tpu.memory_space<hbm>> -> memref<2000000x64xf32, #tpu.memory_space<hbm>>
    tpu.enqueue_indirect_dma source(%dma_start3A_165 : memref<2000000x64xf32, #tpu.memory_space<hbm>>) target(%dma_start3A_159 : memref<96x64xf32, #tpu.memory_space<vmem>>) offsets(%dma_start3A_162 : memref<96xi32, #tpu.memory_space<vmem>>) semaphore(%arg12 : memref<!tpu.dma_semaphore, #tpu.memory_space<semaphore_mem>>)
    %dma_start3A_166 = arith.constant 4 : i32
    %dma_start3A_167 = arith.constant 96 : i32
    %dma_start3A_168 = arith.constant 0 : i32
    %dma_start3A_169 = tpu.memref_slice %arg8[%dma_start3A_167, %dma_start3A_168] : memref<200x64xf32, #tpu.memory_space<vmem>> -> memref<104x64xf32, #tpu.memory_space<vmem>>
    %dma_start3A_170 = arith.constant 96 : i32
    %dma_start3A_171 = tpu.memref_slice %arg6[%dma_start3A_166, %dma_start3A_170] : memref<128x200xi32, #tpu.memory_space<vmem>> -> memref<1x104xi32, #tpu.memory_space<vmem>>
    %dma_start3A_172 = tpu.memref_squeeze %dma_start3A_171 : memref<1x104xi32, #tpu.memory_space<vmem>> -> memref<104xi32, #tpu.memory_space<vmem>>
    %dma_start3A_173 = arith.constant 0 : i32
    %dma_start3A_174 = arith.constant 0 : i32
    %dma_start3A_175 = tpu.memref_slice %arg4[%dma_start3A_173, %dma_start3A_174] : memref<2000000x64xf32, #tpu.memory_space<hbm>> -> memref<2000000x64xf32, #tpu.memory_space<hbm>>
    tpu.enqueue_indirect_dma source(%dma_start3A_175 : memref<2000000x64xf32, #tpu.memory_space<hbm>>) target(%dma_start3A_169 : memref<104x64xf32, #tpu.memory_space<vmem>>) offsets(%dma_start3A_172 : memref<104xi32, #tpu.memory_space<vmem>>) semaphore(%arg12 : memref<!tpu.dma_semaphore, #tpu.memory_space<semaphore_mem>>)
    %dma_wait3A_176 = arith.constant 2 : i32
    %dma_wait3A_177 = arith.constant 0 : i32
    %dma_wait3A_178 = arith.constant 0 : i32
    %dma_wait3A_179 = tpu.memref_slice %arg10[%dma_wait3A_177, %dma_wait3A_178] : memref<200x64xf32, #tpu.memory_space<vmem>> -> memref<96x64xf32, #tpu.memory_space<vmem>>
    %dma_wait3A_180 = arith.constant 0 : i32
    %dma_wait3A_181 = tpu.memref_slice %arg6[%dma_wait3A_176, %dma_wait3A_180] : memref<128x200xi32, #tpu.memory_space<vmem>> -> memref<1x96xi32, #tpu.memory_space<vmem>>
    %dma_wait3A_182 = tpu.memref_squeeze %dma_wait3A_181 : memref<1x96xi32, #tpu.memory_space<vmem>> -> memref<96xi32, #tpu.memory_space<vmem>>
    %dma_wait3A_183 = arith.constant 0 : i32
    %dma_wait3A_184 = arith.constant 0 : i32
    %dma_wait3A_185 = tpu.memref_slice %arg4[%dma_wait3A_183, %dma_wait3A_184] : memref<2000000x64xf32, #tpu.memory_space<hbm>> -> memref<2000000x64xf32, #tpu.memory_space<hbm>>
    tpu.wait_indirect_dma semaphore(%arg14 : memref<!tpu.dma_semaphore, #tpu.memory_space<semaphore_mem>>) src(%dma_wait3A_185 : memref<2000000x64xf32, #tpu.memory_space<hbm>>) dst(%dma_wait3A_179 : memref<96x64xf32, #tpu.memory_space<vmem>>)
    %dma_wait3A_186 = arith.constant 2 : i32
    %dma_wait3A_187 = arith.constant 96 : i32
    %dma_wait3A_188 = arith.constant 0 : i32
    %dma_wait3A_189 = tpu.memref_slice %arg10[%dma_wait3A_187, %dma_wait3A_188] : memref<200x64xf32, #tpu.memory_space<vmem>> -> memref<104x64xf32, #tpu.memory_space<vmem>>
    %dma_wait3A_190 = arith.constant 96 : i32
    %dma_wait3A_191 = tpu.memref_slice %arg6[%dma_wait3A_186, %dma_wait3A_190] : memref<128x200xi32, #tpu.memory_space<vmem>> -> memref<1x104xi32, #tpu.memory_space<vmem>>
    %dma_wait3A_192 = tpu.memref_squeeze %dma_wait3A_191 : memref<1x104xi32, #tpu.memory_space<vmem>> -> memref<104xi32, #tpu.memory_space<vmem>>
    %dma_wait3A_193 = arith.constant 0 : i32
    %dma_wait3A_194 = arith.constant 0 : i32
    %dma_wait3A_195 = tpu.memref_slice %arg4[%dma_wait3A_193, %dma_wait3A_194] : memref<2000000x64xf32, #tpu.memory_space<hbm>> -> memref<2000000x64xf32, #tpu.memory_space<hbm>>
    tpu.wait_indirect_dma semaphore(%arg14 : memref<!tpu.dma_semaphore, #tpu.memory_space<semaphore_mem>>) src(%dma_wait3A_195 : memref<2000000x64xf32, #tpu.memory_space<hbm>>) dst(%dma_wait3A_189 : memref<104x64xf32, #tpu.memory_space<vmem>>)
    %parallel_loop3A_196 = arith.constant 0 : i32
    %parallel_loop3A_197 = arith.constant 200 : i32
    %parallel_loop3A_198 = arith.constant 1 : i32
    scf.for %parallel_loop3A_509 = %parallel_loop3A_196 to %parallel_loop3A_197 step %parallel_loop3A_198  : i32 {
      %parallel_loop3A_510 = arith.index_cast %parallel_loop3A_509 : i32 to index
      %parallel_loop3A_511 = arith.constant 0 : index
      %parallel_loop3A_512 = tpu.vector_load %arg10[%parallel_loop3A_510, %parallel_loop3A_511] {strides = array<i32>} : memref<200x64xf32, #tpu.memory_space<vmem>>, vector<1x16xf32>,
      %parallel_loop3A_513 = vector.shape_cast %parallel_loop3A_512 : vector<1x16xf32> to vector<16xf32>
      %parallel_loop3A_514 = arith.index_cast %parallel_loop3A_509 : i32 to index
      %parallel_loop3A_515 = arith.constant 0 : index
      %parallel_loop3A_516 = tpu.vector_load %arg7[%parallel_loop3A_514, %parallel_loop3A_515] {strides = array<i32>} : memref<200x64xf32, #tpu.memory_space<vmem>>, vector<1x16xf32>,
      %parallel_loop3A_517 = vector.shape_cast %parallel_loop3A_516 : vector<1x16xf32> to vector<16xf32>
      %parallel_loop3A_518 = arith.addf %parallel_loop3A_513, %parallel_loop3A_517 : vector<16xf32>
      %parallel_loop3A_519 = arith.index_cast %parallel_loop3A_509 : i32 to index
      %parallel_loop3A_520 = arith.constant 0 : index
      %parallel_loop3A_521 = tpu.vector_load %arg10[%parallel_loop3A_519, %parallel_loop3A_520] {strides = array<i32>} : memref<200x64xf32, #tpu.memory_space<vmem>>, vector<1x16xf32>,
      %parallel_loop3A_522 = vector.shape_cast %parallel_loop3A_521 : vector<1x16xf32> to vector<16xf32>
      %parallel_loop3A_523 = vector.shape_cast %parallel_loop3A_518 : vector<16xf32> to vector<1x16xf32>
      tpu.vector_store %arg10[%parallel_loop3A_519, %parallel_loop3A_520], %parallel_loop3A_523 {strides = array<i32>} : memref<200x64xf32, #tpu.memory_space<vmem>>, vector<1x16xf32>,
      %parallel_loop3A_524 = arith.index_cast %parallel_loop3A_509 : i32 to index
      %parallel_loop3A_525 = arith.constant 16 : index
      %parallel_loop3A_526 = tpu.vector_load %arg10[%parallel_loop3A_524, %parallel_loop3A_525] {strides = array<i32>} : memref<200x64xf32, #tpu.memory_space<vmem>>, vector<1x16xf32>,
      %parallel_loop3A_527 = vector.shape_cast %parallel_loop3A_526 : vector<1x16xf32> to vector<16xf32>
      %parallel_loop3A_528 = arith.index_cast %parallel_loop3A_509 : i32 to index
      %parallel_loop3A_529 = arith.constant 16 : index
      %parallel_loop3A_530 = tpu.vector_load %arg7[%parallel_loop3A_528, %parallel_loop3A_529] {strides = array<i32>} : memref<200x64xf32, #tpu.memory_space<vmem>>, vector<1x16xf32>,
      %parallel_loop3A_531 = vector.shape_cast %parallel_loop3A_530 : vector<1x16xf32> to vector<16xf32>
      %parallel_loop3A_532 = arith.addf %parallel_loop3A_527, %parallel_loop3A_531 : vector<16xf32>
      %parallel_loop3A_533 = arith.index_cast %parallel_loop3A_509 : i32 to index
      %parallel_loop3A_534 = arith.constant 16 : index
      %parallel_loop3A_535 = tpu.vector_load %arg10[%parallel_loop3A_533, %parallel_loop3A_534] {strides = array<i32>} : memref<200x64xf32, #tpu.memory_space<vmem>>, vector<1x16xf32>,
      %parallel_loop3A_536 = vector.shape_cast %parallel_loop3A_535 : vector<1x16xf32> to vector<16xf32>
      %parallel_loop3A_537 = vector.shape_cast %parallel_loop3A_532 : vector<16xf32> to vector<1x16xf32>
      tpu.vector_store %arg10[%parallel_loop3A_533, %parallel_loop3A_534], %parallel_loop3A_537 {strides = array<i32>} : memref<200x64xf32, #tpu.memory_space<vmem>>, vector<1x16xf32>,
      %parallel_loop3A_538 = arith.index_cast %parallel_loop3A_509 : i32 to index
      %parallel_loop3A_539 = arith.constant 32 : index
      %parallel_loop3A_540 = tpu.vector_load %arg10[%parallel_loop3A_538, %parallel_loop3A_539] {strides = array<i32>} : memref<200x64xf32, #tpu.memory_space<vmem>>, vector<1x16xf32>,
      %parallel_loop3A_541 = vector.shape_cast %parallel_loop3A_540 : vector<1x16xf32> to vector<16xf32>
      %parallel_loop3A_542 = arith.index_cast %parallel_loop3A_509 : i32 to index
      %parallel_loop3A_543 = arith.constant 32 : index
      %parallel_loop3A_544 = tpu.vector_load %arg7[%parallel_loop3A_542, %parallel_loop3A_543] {strides = array<i32>} : memref<200x64xf32, #tpu.memory_space<vmem>>, vector<1x16xf32>,
      %parallel_loop3A_545 = vector.shape_cast %parallel_loop3A_544 : vector<1x16xf32> to vector<16xf32>
      %parallel_loop3A_546 = arith.addf %parallel_loop3A_541, %parallel_loop3A_545 : vector<16xf32>
      %parallel_loop3A_547 = arith.index_cast %parallel_loop3A_509 : i32 to index
      %parallel_loop3A_548 = arith.constant 32 : index
      %parallel_loop3A_549 = tpu.vector_load %arg10[%parallel_loop3A_547, %parallel_loop3A_548] {strides = array<i32>} : memref<200x64xf32, #tpu.memory_space<vmem>>, vector<1x16xf32>,
      %parallel_loop3A_550 = vector.shape_cast %parallel_loop3A_549 : vector<1x16xf32> to vector<16xf32>
      %parallel_loop3A_551 = vector.shape_cast %parallel_loop3A_546 : vector<16xf32> to vector<1x16xf32>
      tpu.vector_store %arg10[%parallel_loop3A_547, %parallel_loop3A_548], %parallel_loop3A_551 {strides = array<i32>} : memref<200x64xf32, #tpu.memory_space<vmem>>, vector<1x16xf32>,
      %parallel_loop3A_552 = arith.index_cast %parallel_loop3A_509 : i32 to index
      %parallel_loop3A_553 = arith.constant 48 : index
      %parallel_loop3A_554 = tpu.vector_load %arg10[%parallel_loop3A_552, %parallel_loop3A_553] {strides = array<i32>} : memref<200x64xf32, #tpu.memory_space<vmem>>, vector<1x16xf32>,
      %parallel_loop3A_555 = vector.shape_cast %parallel_loop3A_554 : vector<1x16xf32> to vector<16xf32>
      %parallel_loop3A_556 = arith.index_cast %parallel_loop3A_509 : i32 to index
      %parallel_loop3A_557 = arith.constant 48 : index
      %parallel_loop3A_558 = tpu.vector_load %arg7[%parallel_loop3A_556, %parallel_loop3A_557] {strides = array<i32>} : memref<200x64xf32, #tpu.memory_space<vmem>>, vector<1x16xf32>,
      %parallel_loop3A_559 = vector.shape_cast %parallel_loop3A_558 : vector<1x16xf32> to vector<16xf32>
      %parallel_loop3A_560 = arith.addf %parallel_loop3A_555, %parallel_loop3A_559 : vector<16xf32>
      %parallel_loop3A_561 = arith.index_cast %parallel_loop3A_509 : i32 to index
      %parallel_loop3A_562 = arith.constant 48 : index
      %parallel_loop3A_563 = tpu.vector_load %arg10[%parallel_loop3A_561, %parallel_loop3A_562] {strides = array<i32>} : memref<200x64xf32, #tpu.memory_space<vmem>>, vector<1x16xf32>,
      %parallel_loop3A_564 = vector.shape_cast %parallel_loop3A_563 : vector<1x16xf32> to vector<16xf32>
      %parallel_loop3A_565 = vector.shape_cast %parallel_loop3A_560 : vector<16xf32> to vector<1x16xf32>
      tpu.vector_store %arg10[%parallel_loop3A_561, %parallel_loop3A_562], %parallel_loop3A_565 {strides = array<i32>} : memref<200x64xf32, #tpu.memory_space<vmem>>, vector<1x16xf32>,
    } {sc.loop_unroll_factor = 8 : i64, sc.parallel_access}
    %add3A_199 = arith.constant 2 : i32
    %add3A_200 = arith.addi %mul3A_2, %add3A_199 : i32
    %dma_start3A_201 = arith.constant 0 : i32
    %dma_start3A_202 = arith.constant 0 : i32
    %dma_start3A_203 = tpu.memref_slice %arg5[%add3A_200, %dma_start3A_201, %dma_start3A_202] : memref<4096x200x128xf32, #tpu.memory_space<hbm>> -> memref<1x200x64xf32, #tpu.memory_space<hbm>>
    %dma_start3A_204 = tpu.memref_squeeze %dma_start3A_203 : memref<1x200x64xf32, #tpu.memory_space<hbm>> -> memref<200x64xf32, #tpu.memory_space<hbm>>
    %dma_start3A_205 = arith.constant 0 : i32
    %dma_start3A_206 = arith.constant 0 : i32
    %dma_start3A_207 = tpu.memref_slice %arg5[%add3A_200, %dma_start3A_205, %dma_start3A_206] : memref<4096x200x128xf32, #tpu.memory_space<hbm>> -> memref<1x200x64xf32, #tpu.memory_space<hbm>>
    %dma_start3A_208 = tpu.memref_squeeze %dma_start3A_207 : memref<1x200x64xf32, #tpu.memory_space<hbm>> -> memref<200x64xf32, #tpu.memory_space<hbm>>
    tpu.enqueue_dma source(%arg10 : memref<200x64xf32, #tpu.memory_space<vmem>>) target(%dma_start3A_208 : memref<200x64xf32, #tpu.memory_space<hbm>>) target_semaphore(%arg18 : memref<!tpu.dma_semaphore, #tpu.memory_space<semaphore_mem>>)
    %add3A_209 = arith.constant 1 : i32
    %add3A_210 = arith.addi %mul3A_2, %add3A_209 : i32
    %dma_wait3A_211 = arith.constant 0 : i32
    %dma_wait3A_212 = arith.constant 0 : i32
    %dma_wait3A_213 = tpu.memref_slice %arg5[%add3A_210, %dma_wait3A_211, %dma_wait3A_212] : memref<4096x200x128xf32, #tpu.memory_space<hbm>> -> memref<1x200x64xf32, #tpu.memory_space<hbm>>
    %dma_wait3A_214 = tpu.memref_squeeze %dma_wait3A_213 : memref<1x200x64xf32, #tpu.memory_space<hbm>> -> memref<200x64xf32, #tpu.memory_space<hbm>>
    %dma_wait3A_215 = arith.constant 0 : i32
    %dma_wait3A_216 = arith.constant 0 : i32
    %dma_wait3A_217 = tpu.memref_slice %arg5[%add3A_210, %dma_wait3A_215, %dma_wait3A_216] : memref<4096x200x128xf32, #tpu.memory_space<hbm>> -> memref<1x200x64xf32, #tpu.memory_space<hbm>>
    %dma_wait3A_218 = tpu.memref_squeeze %dma_wait3A_217 : memref<1x200x64xf32, #tpu.memory_space<hbm>> -> memref<200x64xf32, #tpu.memory_space<hbm>>
    tpu.wait_dma2 semaphore(%arg17 : memref<!tpu.dma_semaphore, #tpu.memory_space<semaphore_mem>>) src(%arg9 : memref<200x64xf32, #tpu.memory_space<vmem>>) dst(%dma_wait3A_218 : memref<200x64xf32, #tpu.memory_space<hbm>>)
    %dma_start3A_219 = arith.constant 5 : i32
    %dma_start3A_220 = arith.constant 0 : i32
    %dma_start3A_221 = arith.constant 0 : i32
    %dma_start3A_222 = tpu.memref_slice %arg9[%dma_start3A_220, %dma_start3A_221] : memref<200x64xf32, #tpu.memory_space<vmem>> -> memref<96x64xf32, #tpu.memory_space<vmem>>
    %dma_start3A_223 = arith.constant 0 : i32
    %dma_start3A_224 = tpu.memref_slice %arg6[%dma_start3A_219, %dma_start3A_223] : memref<128x200xi32, #tpu.memory_space<vmem>> -> memref<1x96xi32, #tpu.memory_space<vmem>>
    %dma_start3A_225 = tpu.memref_squeeze %dma_start3A_224 : memref<1x96xi32, #tpu.memory_space<vmem>> -> memref<96xi32, #tpu.memory_space<vmem>>
    %dma_start3A_226 = arith.constant 0 : i32
    %dma_start3A_227 = arith.constant 0 : i32
    %dma_start3A_228 = tpu.memref_slice %arg4[%dma_start3A_226, %dma_start3A_227] : memref<2000000x64xf32, #tpu.memory_space<hbm>> -> memref<2000000x64xf32, #tpu.memory_space<hbm>>
    tpu.enqueue_indirect_dma source(%dma_start3A_228 : memref<2000000x64xf32, #tpu.memory_space<hbm>>) target(%dma_start3A_222 : memref<96x64xf32, #tpu.memory_space<vmem>>) offsets(%dma_start3A_225 : memref<96xi32, #tpu.memory_space<vmem>>) semaphore(%arg13 : memref<!tpu.dma_semaphore, #tpu.memory_space<semaphore_mem>>)
    %dma_start3A_229 = arith.constant 5 : i32
    %dma_start3A_230 = arith.constant 96 : i32
    %dma_start3A_231 = arith.constant 0 : i32
    %dma_start3A_232 = tpu.memref_slice %arg9[%dma_start3A_230, %dma_start3A_231] : memref<200x64xf32, #tpu.memory_space<vmem>> -> memref<104x64xf32, #tpu.memory_space<vmem>>
    %dma_start3A_233 = arith.constant 96 : i32
    %dma_start3A_234 = tpu.memref_slice %arg6[%dma_start3A_229, %dma_start3A_233] : memref<128x200xi32, #tpu.memory_space<vmem>> -> memref<1x104xi32, #tpu.memory_space<vmem>>
    %dma_start3A_235 = tpu.memref_squeeze %dma_start3A_234 : memref<1x104xi32, #tpu.memory_space<vmem>> -> memref<104xi32, #tpu.memory_space<vmem>>
    %dma_start3A_236 = arith.constant 0 : i32
    %dma_start3A_237 = arith.constant 0 : i32
    %dma_start3A_238 = tpu.memref_slice %arg4[%dma_start3A_236, %dma_start3A_237] : memref<2000000x64xf32, #tpu.memory_space<hbm>> -> memref<2000000x64xf32, #tpu.memory_space<hbm>>
    tpu.enqueue_indirect_dma source(%dma_start3A_238 : memref<2000000x64xf32, #tpu.memory_space<hbm>>) target(%dma_start3A_232 : memref<104x64xf32, #tpu.memory_space<vmem>>) offsets(%dma_start3A_235 : memref<104xi32, #tpu.memory_space<vmem>>) semaphore(%arg13 : memref<!tpu.dma_semaphore, #tpu.memory_space<semaphore_mem>>)
    %dma_wait3A_239 = arith.constant 3 : i32
    %dma_wait3A_240 = arith.constant 0 : i32
    %dma_wait3A_241 = arith.constant 0 : i32
    %dma_wait3A_242 = tpu.memref_slice %arg11[%dma_wait3A_240, %dma_wait3A_241] : memref<200x64xf32, #tpu.memory_space<vmem>> -> memref<96x64xf32, #tpu.memory_space<vmem>>
    %dma_wait3A_243 = arith.constant 0 : i32
    %dma_wait3A_244 = tpu.memref_slice %arg6[%dma_wait3A_239, %dma_wait3A_243] : memref<128x200xi32, #tpu.memory_space<vmem>> -> memref<1x96xi32, #tpu.memory_space<vmem>>
    %dma_wait3A_245 = tpu.memref_squeeze %dma_wait3A_244 : memref<1x96xi32, #tpu.memory_space<vmem>> -> memref<96xi32, #tpu.memory_space<vmem>>
    %dma_wait3A_246 = arith.constant 0 : i32
    %dma_wait3A_247 = arith.constant 0 : i32
    %dma_wait3A_248 = tpu.memref_slice %arg4[%dma_wait3A_246, %dma_wait3A_247] : memref<2000000x64xf32, #tpu.memory_space<hbm>> -> memref<2000000x64xf32, #tpu.memory_space<hbm>>
    tpu.wait_indirect_dma semaphore(%arg15 : memref<!tpu.dma_semaphore, #tpu.memory_space<semaphore_mem>>) src(%dma_wait3A_248 : memref<2000000x64xf32, #tpu.memory_space<hbm>>) dst(%dma_wait3A_242 : memref<96x64xf32, #tpu.memory_space<vmem>>)
    %dma_wait3A_249 = arith.constant 3 : i32
    %dma_wait3A_250 = arith.constant 96 : i32
    %dma_wait3A_251 = arith.constant 0 : i32
    %dma_wait3A_252 = tpu.memref_slice %arg11[%dma_wait3A_250, %dma_wait3A_251] : memref<200x64xf32, #tpu.memory_space<vmem>> -> memref<104x64xf32, #tpu.memory_space<vmem>>
    %dma_wait3A_253 = arith.constant 96 : i32
    %dma_wait3A_254 = tpu.memref_slice %arg6[%dma_wait3A_249, %dma_wait3A_253] : memref<128x200xi32, #tpu.memory_space<vmem>> -> memref<1x104xi32, #tpu.memory_space<vmem>>
    %dma_wait3A_255 = tpu.memref_squeeze %dma_wait3A_254 : memref<1x104xi32, #tpu.memory_space<vmem>> -> memref<104xi32, #tpu.memory_space<vmem>>
    %dma_wait3A_256 = arith.constant 0 : i32
    %dma_wait3A_257 = arith.constant 0 : i32
    %dma_wait3A_258 = tpu.memref_slice %arg4[%dma_wait3A_256, %dma_wait3A_257] : memref<2000000x64xf32, #tpu.memory_space<hbm>> -> memref<2000000x64xf32, #tpu.memory_space<hbm>>
    tpu.wait_indirect_dma semaphore(%arg15 : memref<!tpu.dma_semaphore, #tpu.memory_space<semaphore_mem>>) src(%dma_wait3A_258 : memref<2000000x64xf32, #tpu.memory_space<hbm>>) dst(%dma_wait3A_252 : memref<104x64xf32, #tpu.memory_space<vmem>>)
    %parallel_loop3A_259 = arith.constant 0 : i32
    %parallel_loop3A_260 = arith.constant 200 : i32
    %parallel_loop3A_261 = arith.constant 1 : i32
    scf.for %parallel_loop3A_509 = %parallel_loop3A_259 to %parallel_loop3A_260 step %parallel_loop3A_261  : i32 {
      %parallel_loop3A_510 = arith.index_cast %parallel_loop3A_509 : i32 to index
      %parallel_loop3A_511 = arith.constant 0 : index
      %parallel_loop3A_512 = tpu.vector_load %arg11[%parallel_loop3A_510, %parallel_loop3A_511] {strides = array<i32>} : memref<200x64xf32, #tpu.memory_space<vmem>>, vector<1x16xf32>,
      %parallel_loop3A_513 = vector.shape_cast %parallel_loop3A_512 : vector<1x16xf32> to vector<16xf32>
      %parallel_loop3A_514 = arith.index_cast %parallel_loop3A_509 : i32 to index
      %parallel_loop3A_515 = arith.constant 0 : index
      %parallel_loop3A_516 = tpu.vector_load %arg7[%parallel_loop3A_514, %parallel_loop3A_515] {strides = array<i32>} : memref<200x64xf32, #tpu.memory_space<vmem>>, vector<1x16xf32>,
      %parallel_loop3A_517 = vector.shape_cast %parallel_loop3A_516 : vector<1x16xf32> to vector<16xf32>
      %parallel_loop3A_518 = arith.addf %parallel_loop3A_513, %parallel_loop3A_517 : vector<16xf32>
      %parallel_loop3A_519 = arith.index_cast %parallel_loop3A_509 : i32 to index
      %parallel_loop3A_520 = arith.constant 0 : index
      %parallel_loop3A_521 = tpu.vector_load %arg11[%parallel_loop3A_519, %parallel_loop3A_520] {strides = array<i32>} : memref<200x64xf32, #tpu.memory_space<vmem>>, vector<1x16xf32>,
      %parallel_loop3A_522 = vector.shape_cast %parallel_loop3A_521 : vector<1x16xf32> to vector<16xf32>
      %parallel_loop3A_523 = vector.shape_cast %parallel_loop3A_518 : vector<16xf32> to vector<1x16xf32>
      tpu.vector_store %arg11[%parallel_loop3A_519, %parallel_loop3A_520], %parallel_loop3A_523 {strides = array<i32>} : memref<200x64xf32, #tpu.memory_space<vmem>>, vector<1x16xf32>,
      %parallel_loop3A_524 = arith.index_cast %parallel_loop3A_509 : i32 to index
      %parallel_loop3A_525 = arith.constant 16 : index
      %parallel_loop3A_526 = tpu.vector_load %arg11[%parallel_loop3A_524, %parallel_loop3A_525] {strides = array<i32>} : memref<200x64xf32, #tpu.memory_space<vmem>>, vector<1x16xf32>,
      %parallel_loop3A_527 = vector.shape_cast %parallel_loop3A_526 : vector<1x16xf32> to vector<16xf32>
      %parallel_loop3A_528 = arith.index_cast %parallel_loop3A_509 : i32 to index
      %parallel_loop3A_529 = arith.constant 16 : index
      %parallel_loop3A_530 = tpu.vector_load %arg7[%parallel_loop3A_528, %parallel_loop3A_529] {strides = array<i32>} : memref<200x64xf32, #tpu.memory_space<vmem>>, vector<1x16xf32>,
      %parallel_loop3A_531 = vector.shape_cast %parallel_loop3A_530 : vector<1x16xf32> to vector<16xf32>
      %parallel_loop3A_532 = arith.addf %parallel_loop3A_527, %parallel_loop3A_531 : vector<16xf32>
      %parallel_loop3A_533 = arith.index_cast %parallel_loop3A_509 : i32 to index
      %parallel_loop3A_534 = arith.constant 16 : index
      %parallel_loop3A_535 = tpu.vector_load %arg11[%parallel_loop3A_533, %parallel_loop3A_534] {strides = array<i32>} : memref<200x64xf32, #tpu.memory_space<vmem>>, vector<1x16xf32>,
      %parallel_loop3A_536 = vector.shape_cast %parallel_loop3A_535 : vector<1x16xf32> to vector<16xf32>
      %parallel_loop3A_537 = vector.shape_cast %parallel_loop3A_532 : vector<16xf32> to vector<1x16xf32>
      tpu.vector_store %arg11[%parallel_loop3A_533, %parallel_loop3A_534], %parallel_loop3A_537 {strides = array<i32>} : memref<200x64xf32, #tpu.memory_space<vmem>>, vector<1x16xf32>,
      %parallel_loop3A_538 = arith.index_cast %parallel_loop3A_509 : i32 to index
      %parallel_loop3A_539 = arith.constant 32 : index
      %parallel_loop3A_540 = tpu.vector_load %arg11[%parallel_loop3A_538, %parallel_loop3A_539] {strides = array<i32>} : memref<200x64xf32, #tpu.memory_space<vmem>>, vector<1x16xf32>,
      %parallel_loop3A_541 = vector.shape_cast %parallel_loop3A_540 : vector<1x16xf32> to vector<16xf32>
      %parallel_loop3A_542 = arith.index_cast %parallel_loop3A_509 : i32 to index
      %parallel_loop3A_543 = arith.constant 32 : index
      %parallel_loop3A_544 = tpu.vector_load %arg7[%parallel_loop3A_542, %parallel_loop3A_543] {strides = array<i32>} : memref<200x64xf32, #tpu.memory_space<vmem>>, vector<1x16xf32>,
      %parallel_loop3A_545 = vector.shape_cast %parallel_loop3A_544 : vector<1x16xf32> to vector<16xf32>
      %parallel_loop3A_546 = arith.addf %parallel_loop3A_541, %parallel_loop3A_545 : vector<16xf32>
      %parallel_loop3A_547 = arith.index_cast %parallel_loop3A_509 : i32 to index
      %parallel_loop3A_548 = arith.constant 32 : index
      %parallel_loop3A_549 = tpu.vector_load %arg11[%parallel_loop3A_547, %parallel_loop3A_548] {strides = array<i32>} : memref<200x64xf32, #tpu.memory_space<vmem>>, vector<1x16xf32>,
      %parallel_loop3A_550 = vector.shape_cast %parallel_loop3A_549 : vector<1x16xf32> to vector<16xf32>
      %parallel_loop3A_551 = vector.shape_cast %parallel_loop3A_546 : vector<16xf32> to vector<1x16xf32>
      tpu.vector_store %arg11[%parallel_loop3A_547, %parallel_loop3A_548], %parallel_loop3A_551 {strides = array<i32>} : memref<200x64xf32, #tpu.memory_space<vmem>>, vector<1x16xf32>,
      %parallel_loop3A_552 = arith.index_cast %parallel_loop3A_509 : i32 to index
      %parallel_loop3A_553 = arith.constant 48 : index
      %parallel_loop3A_554 = tpu.vector_load %arg11[%parallel_loop3A_552, %parallel_loop3A_553] {strides = array<i32>} : memref<200x64xf32, #tpu.memory_space<vmem>>, vector<1x16xf32>,
      %parallel_loop3A_555 = vector.shape_cast %parallel_loop3A_554 : vector<1x16xf32> to vector<16xf32>
      %parallel_loop3A_556 = arith.index_cast %parallel_loop3A_509 : i32 to index
      %parallel_loop3A_557 = arith.constant 48 : index
      %parallel_loop3A_558 = tpu.vector_load %arg7[%parallel_loop3A_556, %parallel_loop3A_557] {strides = array<i32>} : memref<200x64xf32, #tpu.memory_space<vmem>>, vector<1x16xf32>,
      %parallel_loop3A_559 = vector.shape_cast %parallel_loop3A_558 : vector<1x16xf32> to vector<16xf32>
      %parallel_loop3A_560 = arith.addf %parallel_loop3A_555, %parallel_loop3A_559 : vector<16xf32>
      %parallel_loop3A_561 = arith.index_cast %parallel_loop3A_509 : i32 to index
      %parallel_loop3A_562 = arith.constant 48 : index
      %parallel_loop3A_563 = tpu.vector_load %arg11[%parallel_loop3A_561, %parallel_loop3A_562] {strides = array<i32>} : memref<200x64xf32, #tpu.memory_space<vmem>>, vector<1x16xf32>,
      %parallel_loop3A_564 = vector.shape_cast %parallel_loop3A_563 : vector<1x16xf32> to vector<16xf32>
      %parallel_loop3A_565 = vector.shape_cast %parallel_loop3A_560 : vector<16xf32> to vector<1x16xf32>
      tpu.vector_store %arg11[%parallel_loop3A_561, %parallel_loop3A_562], %parallel_loop3A_565 {strides = array<i32>} : memref<200x64xf32, #tpu.memory_space<vmem>>, vector<1x16xf32>,
    } {sc.loop_unroll_factor = 8 : i64, sc.parallel_access}
    %add3A_262 = arith.constant 3 : i32
    %add3A_263 = arith.addi %mul3A_2, %add3A_262 : i32
    %dma_start3A_264 = arith.constant 0 : i32
    %dma_start3A_265 = arith.constant 0 : i32
    %dma_start3A_266 = tpu.memref_slice %arg5[%add3A_263, %dma_start3A_264, %dma_start3A_265] : memref<4096x200x128xf32, #tpu.memory_space<hbm>> -> memref<1x200x64xf32, #tpu.memory_space<hbm>>
    %dma_start3A_267 = tpu.memref_squeeze %dma_start3A_266 : memref<1x200x64xf32, #tpu.memory_space<hbm>> -> memref<200x64xf32, #tpu.memory_space<hbm>>
    %dma_start3A_268 = arith.constant 0 : i32
    %dma_start3A_269 = arith.constant 0 : i32
    %dma_start3A_270 = tpu.memref_slice %arg5[%add3A_263, %dma_start3A_268, %dma_start3A_269] : memref<4096x200x128xf32, #tpu.memory_space<hbm>> -> memref<1x200x64xf32, #tpu.memory_space<hbm>>
    %dma_start3A_271 = tpu.memref_squeeze %dma_start3A_270 : memref<1x200x64xf32, #tpu.memory_space<hbm>> -> memref<200x64xf32, #tpu.memory_space<hbm>>
    tpu.enqueue_dma source(%arg11 : memref<200x64xf32, #tpu.memory_space<vmem>>) target(%dma_start3A_271 : memref<200x64xf32, #tpu.memory_space<hbm>>) target_semaphore(%arg19 : memref<!tpu.dma_semaphore, #tpu.memory_space<semaphore_mem>>)
    %add3A_272 = arith.constant 2 : i32
    %add3A_273 = arith.addi %mul3A_2, %add3A_272 : i32
    %dma_wait3A_274 = arith.constant 0 : i32
    %dma_wait3A_275 = arith.constant 0 : i32
    %dma_wait3A_276 = tpu.memref_slice %arg5[%add3A_273, %dma_wait3A_274, %dma_wait3A_275] : memref<4096x200x128xf32, #tpu.memory_space<hbm>> -> memref<1x200x64xf32, #tpu.memory_space<hbm>>
    %dma_wait3A_277 = tpu.memref_squeeze %dma_wait3A_276 : memref<1x200x64xf32, #tpu.memory_space<hbm>> -> memref<200x64xf32, #tpu.memory_space<hbm>>
    %dma_wait3A_278 = arith.constant 0 : i32
    %dma_wait3A_279 = arith.constant 0 : i32
    %dma_wait3A_280 = tpu.memref_slice %arg5[%add3A_273, %dma_wait3A_278, %dma_wait3A_279] : memref<4096x200x128xf32, #tpu.memory_space<hbm>> -> memref<1x200x64xf32, #tpu.memory_space<hbm>>
    %dma_wait3A_281 = tpu.memref_squeeze %dma_wait3A_280 : memref<1x200x64xf32, #tpu.memory_space<hbm>> -> memref<200x64xf32, #tpu.memory_space<hbm>>
    tpu.wait_dma2 semaphore(%arg18 : memref<!tpu.dma_semaphore, #tpu.memory_space<semaphore_mem>>) src(%arg10 : memref<200x64xf32, #tpu.memory_space<vmem>>) dst(%dma_wait3A_281 : memref<200x64xf32, #tpu.memory_space<hbm>>)
    %dma_start3A_282 = arith.constant 6 : i32
    %dma_start3A_283 = arith.constant 0 : i32
    %dma_start3A_284 = arith.constant 0 : i32
    %dma_start3A_285 = tpu.memref_slice %arg10[%dma_start3A_283, %dma_start3A_284] : memref<200x64xf32, #tpu.memory_space<vmem>> -> memref<96x64xf32, #tpu.memory_space<vmem>>
    %dma_start3A_286 = arith.constant 0 : i32
    %dma_start3A_287 = tpu.memref_slice %arg6[%dma_start3A_282, %dma_start3A_286] : memref<128x200xi32, #tpu.memory_space<vmem>> -> memref<1x96xi32, #tpu.memory_space<vmem>>
    %dma_start3A_288 = tpu.memref_squeeze %dma_start3A_287 : memref<1x96xi32, #tpu.memory_space<vmem>> -> memref<96xi32, #tpu.memory_space<vmem>>
    %dma_start3A_289 = arith.constant 0 : i32
    %dma_start3A_290 = arith.constant 0 : i32
    %dma_start3A_291 = tpu.memref_slice %arg4[%dma_start3A_289, %dma_start3A_290] : memref<2000000x64xf32, #tpu.memory_space<hbm>> -> memref<2000000x64xf32, #tpu.memory_space<hbm>>
    tpu.enqueue_indirect_dma source(%dma_start3A_291 : memref<2000000x64xf32, #tpu.memory_space<hbm>>) target(%dma_start3A_285 : memref<96x64xf32, #tpu.memory_space<vmem>>) offsets(%dma_start3A_288 : memref<96xi32, #tpu.memory_space<vmem>>) semaphore(%arg14 : memref<!tpu.dma_semaphore, #tpu.memory_space<semaphore_mem>>)
    %dma_start3A_292 = arith.constant 6 : i32
    %dma_start3A_293 = arith.constant 96 : i32
    %dma_start3A_294 = arith.constant 0 : i32
    %dma_start3A_295 = tpu.memref_slice %arg10[%dma_start3A_293, %dma_start3A_294] : memref<200x64xf32, #tpu.memory_space<vmem>> -> memref<104x64xf32, #tpu.memory_space<vmem>>
    %dma_start3A_296 = arith.constant 96 : i32
    %dma_start3A_297 = tpu.memref_slice %arg6[%dma_start3A_292, %dma_start3A_296] : memref<128x200xi32, #tpu.memory_space<vmem>> -> memref<1x104xi32, #tpu.memory_space<vmem>>
    %dma_start3A_298 = tpu.memref_squeeze %dma_start3A_297 : memref<1x104xi32, #tpu.memory_space<vmem>> -> memref<104xi32, #tpu.memory_space<vmem>>
    %dma_start3A_299 = arith.constant 0 : i32
    %dma_start3A_300 = arith.constant 0 : i32
    %dma_start3A_301 = tpu.memref_slice %arg4[%dma_start3A_299, %dma_start3A_300] : memref<2000000x64xf32, #tpu.memory_space<hbm>> -> memref<2000000x64xf32, #tpu.memory_space<hbm>>
    tpu.enqueue_indirect_dma source(%dma_start3A_301 : memref<2000000x64xf32, #tpu.memory_space<hbm>>) target(%dma_start3A_295 : memref<104x64xf32, #tpu.memory_space<vmem>>) offsets(%dma_start3A_298 : memref<104xi32, #tpu.memory_space<vmem>>) semaphore(%arg14 : memref<!tpu.dma_semaphore, #tpu.memory_space<semaphore_mem>>)
    %scan3A = arith.constant 0 : i32
    %scan3A_302 = arith.constant 1 : i32
    %scan3A_303 = arith.constant 30 : i32
    %scan3A_304 = arith.addi %scan3A_302, %scan3A_303 : i32
    %scan3A_305 = arith.constant 1 : i32
    scf.for %scan3A_509 = %scan3A_302 to %scan3A_304 step %scan3A_305  : i32 {
      %mul3A_510 = arith.constant 4 : i32
      %mul3A_511 = arith.muli %scan3A_509, %mul3A_510 : i32
      %add3A_512 = arith.constant 0 : i32
      %add3A_513 = arith.addi %mul3A_511, %add3A_512 : i32
      %dma_wait3A_514 = arith.constant 0 : i32
      %dma_wait3A_515 = arith.constant 0 : i32
      %dma_wait3A_516 = tpu.memref_slice %arg8[%dma_wait3A_514, %dma_wait3A_515] : memref<200x64xf32, #tpu.memory_space<vmem>> -> memref<96x64xf32, #tpu.memory_space<vmem>>
      %dma_wait3A_517 = arith.constant 0 : i32
      %dma_wait3A_518 = tpu.memref_slice %arg6[%add3A_513, %dma_wait3A_517] : memref<128x200xi32, #tpu.memory_space<vmem>> -> memref<1x96xi32, #tpu.memory_space<vmem>>
      %dma_wait3A_519 = tpu.memref_squeeze %dma_wait3A_518 : memref<1x96xi32, #tpu.memory_space<vmem>> -> memref<96xi32, #tpu.memory_space<vmem>>
      %dma_wait3A_520 = arith.constant 0 : i32
      %dma_wait3A_521 = arith.constant 0 : i32
      %dma_wait3A_522 = tpu.memref_slice %arg4[%dma_wait3A_520, %dma_wait3A_521] : memref<2000000x64xf32, #tpu.memory_space<hbm>> -> memref<2000000x64xf32, #tpu.memory_space<hbm>>
      tpu.wait_indirect_dma semaphore(%arg12 : memref<!tpu.dma_semaphore, #tpu.memory_space<semaphore_mem>>) src(%dma_wait3A_522 : memref<2000000x64xf32, #tpu.memory_space<hbm>>) dst(%dma_wait3A_516 : memref<96x64xf32, #tpu.memory_space<vmem>>)
      %dma_wait3A_523 = arith.constant 96 : i32
      %dma_wait3A_524 = arith.constant 0 : i32
      %dma_wait3A_525 = tpu.memref_slice %arg8[%dma_wait3A_523, %dma_wait3A_524] : memref<200x64xf32, #tpu.memory_space<vmem>> -> memref<104x64xf32, #tpu.memory_space<vmem>>
      %dma_wait3A_526 = arith.constant 96 : i32
      %dma_wait3A_527 = tpu.memref_slice %arg6[%add3A_513, %dma_wait3A_526] : memref<128x200xi32, #tpu.memory_space<vmem>> -> memref<1x104xi32, #tpu.memory_space<vmem>>
      %dma_wait3A_528 = tpu.memref_squeeze %dma_wait3A_527 : memref<1x104xi32, #tpu.memory_space<vmem>> -> memref<104xi32, #tpu.memory_space<vmem>>
      %dma_wait3A_529 = arith.constant 0 : i32
      %dma_wait3A_530 = arith.constant 0 : i32
      %dma_wait3A_531 = tpu.memref_slice %arg4[%dma_wait3A_529, %dma_wait3A_530] : memref<2000000x64xf32, #tpu.memory_space<hbm>> -> memref<2000000x64xf32, #tpu.memory_space<hbm>>
      tpu.wait_indirect_dma semaphore(%arg12 : memref<!tpu.dma_semaphore, #tpu.memory_space<semaphore_mem>>) src(%dma_wait3A_531 : memref<2000000x64xf32, #tpu.memory_space<hbm>>) dst(%dma_wait3A_525 : memref<104x64xf32, #tpu.memory_space<vmem>>)
      %parallel_loop3A_532 = arith.constant 0 : i32
      %parallel_loop3A_533 = arith.constant 200 : i32
      %parallel_loop3A_534 = arith.constant 1 : i32
      scf.for %parallel_loop3A_777 = %parallel_loop3A_532 to %parallel_loop3A_533 step %parallel_loop3A_534  : i32 {
        %parallel_loop3A_778 = arith.index_cast %parallel_loop3A_777 : i32 to index
        %parallel_loop3A_779 = arith.constant 0 : index
        %parallel_loop3A_780 = tpu.vector_load %arg8[%parallel_loop3A_778, %parallel_loop3A_779] {strides = array<i32>} : memref<200x64xf32, #tpu.memory_space<vmem>>, vector<1x16xf32>,
        %parallel_loop3A_781 = vector.shape_cast %parallel_loop3A_780 : vector<1x16xf32> to vector<16xf32>
        %parallel_loop3A_782 = arith.index_cast %parallel_loop3A_777 : i32 to index
        %parallel_loop3A_783 = arith.constant 0 : index
        %parallel_loop3A_784 = tpu.vector_load %arg7[%parallel_loop3A_782, %parallel_loop3A_783] {strides = array<i32>} : memref<200x64xf32, #tpu.memory_space<vmem>>, vector<1x16xf32>,
        %parallel_loop3A_785 = vector.shape_cast %parallel_loop3A_784 : vector<1x16xf32> to vector<16xf32>
        %parallel_loop3A_786 = arith.addf %parallel_loop3A_781, %parallel_loop3A_785 : vector<16xf32>
        %parallel_loop3A_787 = arith.index_cast %parallel_loop3A_777 : i32 to index
        %parallel_loop3A_788 = arith.constant 0 : index
        %parallel_loop3A_789 = tpu.vector_load %arg8[%parallel_loop3A_787, %parallel_loop3A_788] {strides = array<i32>} : memref<200x64xf32, #tpu.memory_space<vmem>>, vector<1x16xf32>,
        %parallel_loop3A_790 = vector.shape_cast %parallel_loop3A_789 : vector<1x16xf32> to vector<16xf32>
        %parallel_loop3A_791 = vector.shape_cast %parallel_loop3A_786 : vector<16xf32> to vector<1x16xf32>
        tpu.vector_store %arg8[%parallel_loop3A_787, %parallel_loop3A_788], %parallel_loop3A_791 {strides = array<i32>} : memref<200x64xf32, #tpu.memory_space<vmem>>, vector<1x16xf32>,
        %parallel_loop3A_792 = arith.index_cast %parallel_loop3A_777 : i32 to index
        %parallel_loop3A_793 = arith.constant 16 : index
        %parallel_loop3A_794 = tpu.vector_load %arg8[%parallel_loop3A_792, %parallel_loop3A_793] {strides = array<i32>} : memref<200x64xf32, #tpu.memory_space<vmem>>, vector<1x16xf32>,
        %parallel_loop3A_795 = vector.shape_cast %parallel_loop3A_794 : vector<1x16xf32> to vector<16xf32>
        %parallel_loop3A_796 = arith.index_cast %parallel_loop3A_777 : i32 to index
        %parallel_loop3A_797 = arith.constant 16 : index
        %parallel_loop3A_798 = tpu.vector_load %arg7[%parallel_loop3A_796, %parallel_loop3A_797] {strides = array<i32>} : memref<200x64xf32, #tpu.memory_space<vmem>>, vector<1x16xf32>,
        %parallel_loop3A_799 = vector.shape_cast %parallel_loop3A_798 : vector<1x16xf32> to vector<16xf32>
        %parallel_loop3A_800 = arith.addf %parallel_loop3A_795, %parallel_loop3A_799 : vector<16xf32>
        %parallel_loop3A_801 = arith.index_cast %parallel_loop3A_777 : i32 to index
        %parallel_loop3A_802 = arith.constant 16 : index
        %parallel_loop3A_803 = tpu.vector_load %arg8[%parallel_loop3A_801, %parallel_loop3A_802] {strides = array<i32>} : memref<200x64xf32, #tpu.memory_space<vmem>>, vector<1x16xf32>,
        %parallel_loop3A_804 = vector.shape_cast %parallel_loop3A_803 : vector<1x16xf32> to vector<16xf32>
        %parallel_loop3A_805 = vector.shape_cast %parallel_loop3A_800 : vector<16xf32> to vector<1x16xf32>
        tpu.vector_store %arg8[%parallel_loop3A_801, %parallel_loop3A_802], %parallel_loop3A_805 {strides = array<i32>} : memref<200x64xf32, #tpu.memory_space<vmem>>, vector<1x16xf32>,
        %parallel_loop3A_806 = arith.index_cast %parallel_loop3A_777 : i32 to index
        %parallel_loop3A_807 = arith.constant 32 : index
        %parallel_loop3A_808 = tpu.vector_load %arg8[%parallel_loop3A_806, %parallel_loop3A_807] {strides = array<i32>} : memref<200x64xf32, #tpu.memory_space<vmem>>, vector<1x16xf32>,
        %parallel_loop3A_809 = vector.shape_cast %parallel_loop3A_808 : vector<1x16xf32> to vector<16xf32>
        %parallel_loop3A_810 = arith.index_cast %parallel_loop3A_777 : i32 to index
        %parallel_loop3A_811 = arith.constant 32 : index
        %parallel_loop3A_812 = tpu.vector_load %arg7[%parallel_loop3A_810, %parallel_loop3A_811] {strides = array<i32>} : memref<200x64xf32, #tpu.memory_space<vmem>>, vector<1x16xf32>,
        %parallel_loop3A_813 = vector.shape_cast %parallel_loop3A_812 : vector<1x16xf32> to vector<16xf32>
        %parallel_loop3A_814 = arith.addf %parallel_loop3A_809, %parallel_loop3A_813 : vector<16xf32>
        %parallel_loop3A_815 = arith.index_cast %parallel_loop3A_777 : i32 to index
        %parallel_loop3A_816 = arith.constant 32 : index
        %parallel_loop3A_817 = tpu.vector_load %arg8[%parallel_loop3A_815, %parallel_loop3A_816] {strides = array<i32>} : memref<200x64xf32, #tpu.memory_space<vmem>>, vector<1x16xf32>,
        %parallel_loop3A_818 = vector.shape_cast %parallel_loop3A_817 : vector<1x16xf32> to vector<16xf32>
        %parallel_loop3A_819 = vector.shape_cast %parallel_loop3A_814 : vector<16xf32> to vector<1x16xf32>
        tpu.vector_store %arg8[%parallel_loop3A_815, %parallel_loop3A_816], %parallel_loop3A_819 {strides = array<i32>} : memref<200x64xf32, #tpu.memory_space<vmem>>, vector<1x16xf32>,
        %parallel_loop3A_820 = arith.index_cast %parallel_loop3A_777 : i32 to index
        %parallel_loop3A_821 = arith.constant 48 : index
        %parallel_loop3A_822 = tpu.vector_load %arg8[%parallel_loop3A_820, %parallel_loop3A_821] {strides = array<i32>} : memref<200x64xf32, #tpu.memory_space<vmem>>, vector<1x16xf32>,
        %parallel_loop3A_823 = vector.shape_cast %parallel_loop3A_822 : vector<1x16xf32> to vector<16xf32>
        %parallel_loop3A_824 = arith.index_cast %parallel_loop3A_777 : i32 to index
        %parallel_loop3A_825 = arith.constant 48 : index
        %parallel_loop3A_826 = tpu.vector_load %arg7[%parallel_loop3A_824, %parallel_loop3A_825] {strides = array<i32>} : memref<200x64xf32, #tpu.memory_space<vmem>>, vector<1x16xf32>,
        %parallel_loop3A_827 = vector.shape_cast %parallel_loop3A_826 : vector<1x16xf32> to vector<16xf32>
        %parallel_loop3A_828 = arith.addf %parallel_loop3A_823, %parallel_loop3A_827 : vector<16xf32>
        %parallel_loop3A_829 = arith.index_cast %parallel_loop3A_777 : i32 to index
        %parallel_loop3A_830 = arith.constant 48 : index
        %parallel_loop3A_831 = tpu.vector_load %arg8[%parallel_loop3A_829, %parallel_loop3A_830] {strides = array<i32>} : memref<200x64xf32, #tpu.memory_space<vmem>>, vector<1x16xf32>,
        %parallel_loop3A_832 = vector.shape_cast %parallel_loop3A_831 : vector<1x16xf32> to vector<16xf32>
        %parallel_loop3A_833 = vector.shape_cast %parallel_loop3A_828 : vector<16xf32> to vector<1x16xf32>
        tpu.vector_store %arg8[%parallel_loop3A_829, %parallel_loop3A_830], %parallel_loop3A_833 {strides = array<i32>} : memref<200x64xf32, #tpu.memory_space<vmem>>, vector<1x16xf32>,
      } {sc.loop_unroll_factor = 8 : i64, sc.parallel_access}
      %add3A_535 = arith.addi %mul3A_2, %add3A_513 : i32
      %dma_start3A_536 = arith.constant 0 : i32
      %dma_start3A_537 = arith.constant 0 : i32
      %dma_start3A_538 = tpu.memref_slice %arg5[%add3A_535, %dma_start3A_536, %dma_start3A_537] : memref<4096x200x128xf32, #tpu.memory_space<hbm>> -> memref<1x200x64xf32, #tpu.memory_space<hbm>>
      %dma_start3A_539 = tpu.memref_squeeze %dma_start3A_538 : memref<1x200x64xf32, #tpu.memory_space<hbm>> -> memref<200x64xf32, #tpu.memory_space<hbm>>
      %dma_start3A_540 = arith.constant 0 : i32
      %dma_start3A_541 = arith.constant 0 : i32
      %dma_start3A_542 = tpu.memref_slice %arg5[%add3A_535, %dma_start3A_540, %dma_start3A_541] : memref<4096x200x128xf32, #tpu.memory_space<hbm>> -> memref<1x200x64xf32, #tpu.memory_space<hbm>>
      %dma_start3A_543 = tpu.memref_squeeze %dma_start3A_542 : memref<1x200x64xf32, #tpu.memory_space<hbm>> -> memref<200x64xf32, #tpu.memory_space<hbm>>
      tpu.enqueue_dma source(%arg8 : memref<200x64xf32, #tpu.memory_space<vmem>>) target(%dma_start3A_543 : memref<200x64xf32, #tpu.memory_space<hbm>>) target_semaphore(%arg16 : memref<!tpu.dma_semaphore, #tpu.memory_space<semaphore_mem>>)
      %sub3A = arith.constant 1 : i32
      %sub3A_544 = arith.subi %add3A_513, %sub3A : i32
      %add3A_545 = arith.addi %mul3A_2, %sub3A_544 : i32
      %dma_wait3A_546 = arith.constant 0 : i32
      %dma_wait3A_547 = arith.constant 0 : i32
      %dma_wait3A_548 = tpu.memref_slice %arg5[%add3A_545, %dma_wait3A_546, %dma_wait3A_547] : memref<4096x200x128xf32, #tpu.memory_space<hbm>> -> memref<1x200x64xf32, #tpu.memory_space<hbm>>
      %dma_wait3A_549 = tpu.memref_squeeze %dma_wait3A_548 : memref<1x200x64xf32, #tpu.memory_space<hbm>> -> memref<200x64xf32, #tpu.memory_space<hbm>>
      %dma_wait3A_550 = arith.constant 0 : i32
      %dma_wait3A_551 = arith.constant 0 : i32
      %dma_wait3A_552 = tpu.memref_slice %arg5[%add3A_545, %dma_wait3A_550, %dma_wait3A_551] : memref<4096x200x128xf32, #tpu.memory_space<hbm>> -> memref<1x200x64xf32, #tpu.memory_space<hbm>>
      %dma_wait3A_553 = tpu.memref_squeeze %dma_wait3A_552 : memref<1x200x64xf32, #tpu.memory_space<hbm>> -> memref<200x64xf32, #tpu.memory_space<hbm>>
      tpu.wait_dma2 semaphore(%arg19 : memref<!tpu.dma_semaphore, #tpu.memory_space<semaphore_mem>>) src(%arg11 : memref<200x64xf32, #tpu.memory_space<vmem>>) dst(%dma_wait3A_553 : memref<200x64xf32, #tpu.memory_space<hbm>>)
      %add3A_554 = arith.constant 4 : i32
      %add3A_555 = arith.addi %add3A_513, %add3A_554 : i32
      %sub3A_556 = arith.constant 1 : i32
      %sub3A_557 = arith.subi %add3A_555, %sub3A_556 : i32
      %dma_start3A_558 = arith.constant 0 : i32
      %dma_start3A_559 = arith.constant 0 : i32
      %dma_start3A_560 = tpu.memref_slice %arg11[%dma_start3A_558, %dma_start3A_559] : memref<200x64xf32, #tpu.memory_space<vmem>> -> memref<96x64xf32, #tpu.memory_space<vmem>>
      %dma_start3A_561 = arith.constant 0 : i32
      %dma_start3A_562 = tpu.memref_slice %arg6[%sub3A_557, %dma_start3A_561] : memref<128x200xi32, #tpu.memory_space<vmem>> -> memref<1x96xi32, #tpu.memory_space<vmem>>
      %dma_start3A_563 = tpu.memref_squeeze %dma_start3A_562 : memref<1x96xi32, #tpu.memory_space<vmem>> -> memref<96xi32, #tpu.memory_space<vmem>>
      %dma_start3A_564 = arith.constant 0 : i32
      %dma_start3A_565 = arith.constant 0 : i32
      %dma_start3A_566 = tpu.memref_slice %arg4[%dma_start3A_564, %dma_start3A_565] : memref<2000000x64xf32, #tpu.memory_space<hbm>> -> memref<2000000x64xf32, #tpu.memory_space<hbm>>
      tpu.enqueue_indirect_dma source(%dma_start3A_566 : memref<2000000x64xf32, #tpu.memory_space<hbm>>) target(%dma_start3A_560 : memref<96x64xf32, #tpu.memory_space<vmem>>) offsets(%dma_start3A_563 : memref<96xi32, #tpu.memory_space<vmem>>) semaphore(%arg15 : memref<!tpu.dma_semaphore, #tpu.memory_space<semaphore_mem>>)
      %dma_start3A_567 = arith.constant 96 : i32
      %dma_start3A_568 = arith.constant 0 : i32
      %dma_start3A_569 = tpu.memref_slice %arg11[%dma_start3A_567, %dma_start3A_568] : memref<200x64xf32, #tpu.memory_space<vmem>> -> memref<104x64xf32, #tpu.memory_space<vmem>>
      %dma_start3A_570 = arith.constant 96 : i32
      %dma_start3A_571 = tpu.memref_slice %arg6[%sub3A_557, %dma_start3A_570] : memref<128x200xi32, #tpu.memory_space<vmem>> -> memref<1x104xi32, #tpu.memory_space<vmem>>
      %dma_start3A_572 = tpu.memref_squeeze %dma_start3A_571 : memref<1x104xi32, #tpu.memory_space<vmem>> -> memref<104xi32, #tpu.memory_space<vmem>>
      %dma_start3A_573 = arith.constant 0 : i32
      %dma_start3A_574 = arith.constant 0 : i32
      %dma_start3A_575 = tpu.memref_slice %arg4[%dma_start3A_573, %dma_start3A_574] : memref<2000000x64xf32, #tpu.memory_space<hbm>> -> memref<2000000x64xf32, #tpu.memory_space<hbm>>
      tpu.enqueue_indirect_dma source(%dma_start3A_575 : memref<2000000x64xf32, #tpu.memory_space<hbm>>) target(%dma_start3A_569 : memref<104x64xf32, #tpu.memory_space<vmem>>) offsets(%dma_start3A_572 : memref<104xi32, #tpu.memory_space<vmem>>) semaphore(%arg15 : memref<!tpu.dma_semaphore, #tpu.memory_space<semaphore_mem>>)
      %mul3A_576 = arith.constant 4 : i32
      %mul3A_577 = arith.muli %scan3A_509, %mul3A_576 : i32
      %add3A_578 = arith.constant 1 : i32
      %add3A_579 = arith.addi %mul3A_577, %add3A_578 : i32
      %dma_wait3A_580 = arith.constant 0 : i32
      %dma_wait3A_581 = arith.constant 0 : i32
      %dma_wait3A_582 = tpu.memref_slice %arg9[%dma_wait3A_580, %dma_wait3A_581] : memref<200x64xf32, #tpu.memory_space<vmem>> -> memref<96x64xf32, #tpu.memory_space<vmem>>
      %dma_wait3A_583 = arith.constant 0 : i32
      %dma_wait3A_584 = tpu.memref_slice %arg6[%add3A_579, %dma_wait3A_583] : memref<128x200xi32, #tpu.memory_space<vmem>> -> memref<1x96xi32, #tpu.memory_space<vmem>>
      %dma_wait3A_585 = tpu.memref_squeeze %dma_wait3A_584 : memref<1x96xi32, #tpu.memory_space<vmem>> -> memref<96xi32, #tpu.memory_space<vmem>>
      %dma_wait3A_586 = arith.constant 0 : i32
      %dma_wait3A_587 = arith.constant 0 : i32
      %dma_wait3A_588 = tpu.memref_slice %arg4[%dma_wait3A_586, %dma_wait3A_587] : memref<2000000x64xf32, #tpu.memory_space<hbm>> -> memref<2000000x64xf32, #tpu.memory_space<hbm>>
      tpu.wait_indirect_dma semaphore(%arg13 : memref<!tpu.dma_semaphore, #tpu.memory_space<semaphore_mem>>) src(%dma_wait3A_588 : memref<2000000x64xf32, #tpu.memory_space<hbm>>) dst(%dma_wait3A_582 : memref<96x64xf32, #tpu.memory_space<vmem>>)
      %dma_wait3A_589 = arith.constant 96 : i32
      %dma_wait3A_590 = arith.constant 0 : i32
      %dma_wait3A_591 = tpu.memref_slice %arg9[%dma_wait3A_589, %dma_wait3A_590] : memref<200x64xf32, #tpu.memory_space<vmem>> -> memref<104x64xf32, #tpu.memory_space<vmem>>
      %dma_wait3A_592 = arith.constant 96 : i32
      %dma_wait3A_593 = tpu.memref_slice %arg6[%add3A_579, %dma_wait3A_592] : memref<128x200xi32, #tpu.memory_space<vmem>> -> memref<1x104xi32, #tpu.memory_space<vmem>>
      %dma_wait3A_594 = tpu.memref_squeeze %dma_wait3A_593 : memref<1x104xi32, #tpu.memory_space<vmem>> -> memref<104xi32, #tpu.memory_space<vmem>>
      %dma_wait3A_595 = arith.constant 0 : i32
      %dma_wait3A_596 = arith.constant 0 : i32
      %dma_wait3A_597 = tpu.memref_slice %arg4[%dma_wait3A_595, %dma_wait3A_596] : memref<2000000x64xf32, #tpu.memory_space<hbm>> -> memref<2000000x64xf32, #tpu.memory_space<hbm>>
      tpu.wait_indirect_dma semaphore(%arg13 : memref<!tpu.dma_semaphore, #tpu.memory_space<semaphore_mem>>) src(%dma_wait3A_597 : memref<2000000x64xf32, #tpu.memory_space<hbm>>) dst(%dma_wait3A_591 : memref<104x64xf32, #tpu.memory_space<vmem>>)
      %parallel_loop3A_598 = arith.constant 0 : i32
      %parallel_loop3A_599 = arith.constant 200 : i32
      %parallel_loop3A_600 = arith.constant 1 : i32
      scf.for %parallel_loop3A_777 = %parallel_loop3A_598 to %parallel_loop3A_599 step %parallel_loop3A_600  : i32 {
        %parallel_loop3A_778 = arith.index_cast %parallel_loop3A_777 : i32 to index
        %parallel_loop3A_779 = arith.constant 0 : index
        %parallel_loop3A_780 = tpu.vector_load %arg9[%parallel_loop3A_778, %parallel_loop3A_779] {strides = array<i32>} : memref<200x64xf32, #tpu.memory_space<vmem>>, vector<1x16xf32>,
        %parallel_loop3A_781 = vector.shape_cast %parallel_loop3A_780 : vector<1x16xf32> to vector<16xf32>
        %parallel_loop3A_782 = arith.index_cast %parallel_loop3A_777 : i32 to index
        %parallel_loop3A_783 = arith.constant 0 : index
        %parallel_loop3A_784 = tpu.vector_load %arg7[%parallel_loop3A_782, %parallel_loop3A_783] {strides = array<i32>} : memref<200x64xf32, #tpu.memory_space<vmem>>, vector<1x16xf32>,
        %parallel_loop3A_785 = vector.shape_cast %parallel_loop3A_784 : vector<1x16xf32> to vector<16xf32>
        %parallel_loop3A_786 = arith.addf %parallel_loop3A_781, %parallel_loop3A_785 : vector<16xf32>
        %parallel_loop3A_787 = arith.index_cast %parallel_loop3A_777 : i32 to index
        %parallel_loop3A_788 = arith.constant 0 : index
        %parallel_loop3A_789 = tpu.vector_load %arg9[%parallel_loop3A_787, %parallel_loop3A_788] {strides = array<i32>} : memref<200x64xf32, #tpu.memory_space<vmem>>, vector<1x16xf32>,
        %parallel_loop3A_790 = vector.shape_cast %parallel_loop3A_789 : vector<1x16xf32> to vector<16xf32>
        %parallel_loop3A_791 = vector.shape_cast %parallel_loop3A_786 : vector<16xf32> to vector<1x16xf32>
        tpu.vector_store %arg9[%parallel_loop3A_787, %parallel_loop3A_788], %parallel_loop3A_791 {strides = array<i32>} : memref<200x64xf32, #tpu.memory_space<vmem>>, vector<1x16xf32>,
        %parallel_loop3A_792 = arith.index_cast %parallel_loop3A_777 : i32 to index
        %parallel_loop3A_793 = arith.constant 16 : index
        %parallel_loop3A_794 = tpu.vector_load %arg9[%parallel_loop3A_792, %parallel_loop3A_793] {strides = array<i32>} : memref<200x64xf32, #tpu.memory_space<vmem>>, vector<1x16xf32>,
        %parallel_loop3A_795 = vector.shape_cast %parallel_loop3A_794 : vector<1x16xf32> to vector<16xf32>
        %parallel_loop3A_796 = arith.index_cast %parallel_loop3A_777 : i32 to index
        %parallel_loop3A_797 = arith.constant 16 : index
        %parallel_loop3A_798 = tpu.vector_load %arg7[%parallel_loop3A_796, %parallel_loop3A_797] {strides = array<i32>} : memref<200x64xf32, #tpu.memory_space<vmem>>, vector<1x16xf32>,
        %parallel_loop3A_799 = vector.shape_cast %parallel_loop3A_798 : vector<1x16xf32> to vector<16xf32>
        %parallel_loop3A_800 = arith.addf %parallel_loop3A_795, %parallel_loop3A_799 : vector<16xf32>
        %parallel_loop3A_801 = arith.index_cast %parallel_loop3A_777 : i32 to index
        %parallel_loop3A_802 = arith.constant 16 : index
        %parallel_loop3A_803 = tpu.vector_load %arg9[%parallel_loop3A_801, %parallel_loop3A_802] {strides = array<i32>} : memref<200x64xf32, #tpu.memory_space<vmem>>, vector<1x16xf32>,
        %parallel_loop3A_804 = vector.shape_cast %parallel_loop3A_803 : vector<1x16xf32> to vector<16xf32>
        %parallel_loop3A_805 = vector.shape_cast %parallel_loop3A_800 : vector<16xf32> to vector<1x16xf32>
        tpu.vector_store %arg9[%parallel_loop3A_801, %parallel_loop3A_802], %parallel_loop3A_805 {strides = array<i32>} : memref<200x64xf32, #tpu.memory_space<vmem>>, vector<1x16xf32>,
        %parallel_loop3A_806 = arith.index_cast %parallel_loop3A_777 : i32 to index
        %parallel_loop3A_807 = arith.constant 32 : index
        %parallel_loop3A_808 = tpu.vector_load %arg9[%parallel_loop3A_806, %parallel_loop3A_807] {strides = array<i32>} : memref<200x64xf32, #tpu.memory_space<vmem>>, vector<1x16xf32>,
        %parallel_loop3A_809 = vector.shape_cast %parallel_loop3A_808 : vector<1x16xf32> to vector<16xf32>
        %parallel_loop3A_810 = arith.index_cast %parallel_loop3A_777 : i32 to index
        %parallel_loop3A_811 = arith.constant 32 : index
        %parallel_loop3A_812 = tpu.vector_load %arg7[%parallel_loop3A_810, %parallel_loop3A_811] {strides = array<i32>} : memref<200x64xf32, #tpu.memory_space<vmem>>, vector<1x16xf32>,
        %parallel_loop3A_813 = vector.shape_cast %parallel_loop3A_812 : vector<1x16xf32> to vector<16xf32>
        %parallel_loop3A_814 = arith.addf %parallel_loop3A_809, %parallel_loop3A_813 : vector<16xf32>
        %parallel_loop3A_815 = arith.index_cast %parallel_loop3A_777 : i32 to index
        %parallel_loop3A_816 = arith.constant 32 : index
        %parallel_loop3A_817 = tpu.vector_load %arg9[%parallel_loop3A_815, %parallel_loop3A_816] {strides = array<i32>} : memref<200x64xf32, #tpu.memory_space<vmem>>, vector<1x16xf32>,
        %parallel_loop3A_818 = vector.shape_cast %parallel_loop3A_817 : vector<1x16xf32> to vector<16xf32>
        %parallel_loop3A_819 = vector.shape_cast %parallel_loop3A_814 : vector<16xf32> to vector<1x16xf32>
        tpu.vector_store %arg9[%parallel_loop3A_815, %parallel_loop3A_816], %parallel_loop3A_819 {strides = array<i32>} : memref<200x64xf32, #tpu.memory_space<vmem>>, vector<1x16xf32>,
        %parallel_loop3A_820 = arith.index_cast %parallel_loop3A_777 : i32 to index
        %parallel_loop3A_821 = arith.constant 48 : index
        %parallel_loop3A_822 = tpu.vector_load %arg9[%parallel_loop3A_820, %parallel_loop3A_821] {strides = array<i32>} : memref<200x64xf32, #tpu.memory_space<vmem>>, vector<1x16xf32>,
        %parallel_loop3A_823 = vector.shape_cast %parallel_loop3A_822 : vector<1x16xf32> to vector<16xf32>
        %parallel_loop3A_824 = arith.index_cast %parallel_loop3A_777 : i32 to index
        %parallel_loop3A_825 = arith.constant 48 : index
        %parallel_loop3A_826 = tpu.vector_load %arg7[%parallel_loop3A_824, %parallel_loop3A_825] {strides = array<i32>} : memref<200x64xf32, #tpu.memory_space<vmem>>, vector<1x16xf32>,
        %parallel_loop3A_827 = vector.shape_cast %parallel_loop3A_826 : vector<1x16xf32> to vector<16xf32>
        %parallel_loop3A_828 = arith.addf %parallel_loop3A_823, %parallel_loop3A_827 : vector<16xf32>
        %parallel_loop3A_829 = arith.index_cast %parallel_loop3A_777 : i32 to index
        %parallel_loop3A_830 = arith.constant 48 : index
        %parallel_loop3A_831 = tpu.vector_load %arg9[%parallel_loop3A_829, %parallel_loop3A_830] {strides = array<i32>} : memref<200x64xf32, #tpu.memory_space<vmem>>, vector<1x16xf32>,
        %parallel_loop3A_832 = vector.shape_cast %parallel_loop3A_831 : vector<1x16xf32> to vector<16xf32>
        %parallel_loop3A_833 = vector.shape_cast %parallel_loop3A_828 : vector<16xf32> to vector<1x16xf32>
        tpu.vector_store %arg9[%parallel_loop3A_829, %parallel_loop3A_830], %parallel_loop3A_833 {strides = array<i32>} : memref<200x64xf32, #tpu.memory_space<vmem>>, vector<1x16xf32>,
      } {sc.loop_unroll_factor = 8 : i64, sc.parallel_access}
      %add3A_601 = arith.addi %mul3A_2, %add3A_579 : i32
      %dma_start3A_602 = arith.constant 0 : i32
      %dma_start3A_603 = arith.constant 0 : i32
      %dma_start3A_604 = tpu.memref_slice %arg5[%add3A_601, %dma_start3A_602, %dma_start3A_603] : memref<4096x200x128xf32, #tpu.memory_space<hbm>> -> memref<1x200x64xf32, #tpu.memory_space<hbm>>
      %dma_start3A_605 = tpu.memref_squeeze %dma_start3A_604 : memref<1x200x64xf32, #tpu.memory_space<hbm>> -> memref<200x64xf32, #tpu.memory_space<hbm>>
      %dma_start3A_606 = arith.constant 0 : i32
      %dma_start3A_607 = arith.constant 0 : i32
      %dma_start3A_608 = tpu.memref_slice %arg5[%add3A_601, %dma_start3A_606, %dma_start3A_607] : memref<4096x200x128xf32, #tpu.memory_space<hbm>> -> memref<1x200x64xf32, #tpu.memory_space<hbm>>
      %dma_start3A_609 = tpu.memref_squeeze %dma_start3A_608 : memref<1x200x64xf32, #tpu.memory_space<hbm>> -> memref<200x64xf32, #tpu.memory_space<hbm>>
      tpu.enqueue_dma source(%arg9 : memref<200x64xf32, #tpu.memory_space<vmem>>) target(%dma_start3A_609 : memref<200x64xf32, #tpu.memory_space<hbm>>) target_semaphore(%arg17 : memref<!tpu.dma_semaphore, #tpu.memory_space<semaphore_mem>>)
      %sub3A_610 = arith.constant 1 : i32
      %sub3A_611 = arith.subi %add3A_579, %sub3A_610 : i32
      %add3A_612 = arith.addi %mul3A_2, %sub3A_611 : i32
      %dma_wait3A_613 = arith.constant 0 : i32
      %dma_wait3A_614 = arith.constant 0 : i32
      %dma_wait3A_615 = tpu.memref_slice %arg5[%add3A_612, %dma_wait3A_613, %dma_wait3A_614] : memref<4096x200x128xf32, #tpu.memory_space<hbm>> -> memref<1x200x64xf32, #tpu.memory_space<hbm>>
      %dma_wait3A_616 = tpu.memref_squeeze %dma_wait3A_615 : memref<1x200x64xf32, #tpu.memory_space<hbm>> -> memref<200x64xf32, #tpu.memory_space<hbm>>
      %dma_wait3A_617 = arith.constant 0 : i32
      %dma_wait3A_618 = arith.constant 0 : i32
      %dma_wait3A_619 = tpu.memref_slice %arg5[%add3A_612, %dma_wait3A_617, %dma_wait3A_618] : memref<4096x200x128xf32, #tpu.memory_space<hbm>> -> memref<1x200x64xf32, #tpu.memory_space<hbm>>
      %dma_wait3A_620 = tpu.memref_squeeze %dma_wait3A_619 : memref<1x200x64xf32, #tpu.memory_space<hbm>> -> memref<200x64xf32, #tpu.memory_space<hbm>>
      tpu.wait_dma2 semaphore(%arg16 : memref<!tpu.dma_semaphore, #tpu.memory_space<semaphore_mem>>) src(%arg8 : memref<200x64xf32, #tpu.memory_space<vmem>>) dst(%dma_wait3A_620 : memref<200x64xf32, #tpu.memory_space<hbm>>)
      %add3A_621 = arith.constant 4 : i32
      %add3A_622 = arith.addi %add3A_579, %add3A_621 : i32
      %sub3A_623 = arith.constant 1 : i32
      %sub3A_624 = arith.subi %add3A_622, %sub3A_623 : i32
      %dma_start3A_625 = arith.constant 0 : i32
      %dma_start3A_626 = arith.constant 0 : i32
      %dma_start3A_627 = tpu.memref_slice %arg8[%dma_start3A_625, %dma_start3A_626] : memref<200x64xf32, #tpu.memory_space<vmem>> -> memref<96x64xf32, #tpu.memory_space<vmem>>
      %dma_start3A_628 = arith.constant 0 : i32
      %dma_start3A_629 = tpu.memref_slice %arg6[%sub3A_624, %dma_start3A_628] : memref<128x200xi32, #tpu.memory_space<vmem>> -> memref<1x96xi32, #tpu.memory_space<vmem>>
      %dma_start3A_630 = tpu.memref_squeeze %dma_start3A_629 : memref<1x96xi32, #tpu.memory_space<vmem>> -> memref<96xi32, #tpu.memory_space<vmem>>
      %dma_start3A_631 = arith.constant 0 : i32
      %dma_start3A_632 = arith.constant 0 : i32
      %dma_start3A_633 = tpu.memref_slice %arg4[%dma_start3A_631, %dma_start3A_632] : memref<2000000x64xf32, #tpu.memory_space<hbm>> -> memref<2000000x64xf32, #tpu.memory_space<hbm>>
      tpu.enqueue_indirect_dma source(%dma_start3A_633 : memref<2000000x64xf32, #tpu.memory_space<hbm>>) target(%dma_start3A_627 : memref<96x64xf32, #tpu.memory_space<vmem>>) offsets(%dma_start3A_630 : memref<96xi32, #tpu.memory_space<vmem>>) semaphore(%arg12 : memref<!tpu.dma_semaphore, #tpu.memory_space<semaphore_mem>>)
      %dma_start3A_634 = arith.constant 96 : i32
      %dma_start3A_635 = arith.constant 0 : i32
      %dma_start3A_636 = tpu.memref_slice %arg8[%dma_start3A_634, %dma_start3A_635] : memref<200x64xf32, #tpu.memory_space<vmem>> -> memref<104x64xf32, #tpu.memory_space<vmem>>
      %dma_start3A_637 = arith.constant 96 : i32
      %dma_start3A_638 = tpu.memref_slice %arg6[%sub3A_624, %dma_start3A_637] : memref<128x200xi32, #tpu.memory_space<vmem>> -> memref<1x104xi32, #tpu.memory_space<vmem>>
      %dma_start3A_639 = tpu.memref_squeeze %dma_start3A_638 : memref<1x104xi32, #tpu.memory_space<vmem>> -> memref<104xi32, #tpu.memory_space<vmem>>
      %dma_start3A_640 = arith.constant 0 : i32
      %dma_start3A_641 = arith.constant 0 : i32
      %dma_start3A_642 = tpu.memref_slice %arg4[%dma_start3A_640, %dma_start3A_641] : memref<2000000x64xf32, #tpu.memory_space<hbm>> -> memref<2000000x64xf32, #tpu.memory_space<hbm>>
      tpu.enqueue_indirect_dma source(%dma_start3A_642 : memref<2000000x64xf32, #tpu.memory_space<hbm>>) target(%dma_start3A_636 : memref<104x64xf32, #tpu.memory_space<vmem>>) offsets(%dma_start3A_639 : memref<104xi32, #tpu.memory_space<vmem>>) semaphore(%arg12 : memref<!tpu.dma_semaphore, #tpu.memory_space<semaphore_mem>>)
      %mul3A_643 = arith.constant 4 : i32
      %mul3A_644 = arith.muli %scan3A_509, %mul3A_643 : i32
      %add3A_645 = arith.constant 2 : i32
      %add3A_646 = arith.addi %mul3A_644, %add3A_645 : i32
      %dma_wait3A_647 = arith.constant 0 : i32
      %dma_wait3A_648 = arith.constant 0 : i32
      %dma_wait3A_649 = tpu.memref_slice %arg10[%dma_wait3A_647, %dma_wait3A_648] : memref<200x64xf32, #tpu.memory_space<vmem>> -> memref<96x64xf32, #tpu.memory_space<vmem>>
      %dma_wait3A_650 = arith.constant 0 : i32
      %dma_wait3A_651 = tpu.memref_slice %arg6[%add3A_646, %dma_wait3A_650] : memref<128x200xi32, #tpu.memory_space<vmem>> -> memref<1x96xi32, #tpu.memory_space<vmem>>
      %dma_wait3A_652 = tpu.memref_squeeze %dma_wait3A_651 : memref<1x96xi32, #tpu.memory_space<vmem>> -> memref<96xi32, #tpu.memory_space<vmem>>
      %dma_wait3A_653 = arith.constant 0 : i32
      %dma_wait3A_654 = arith.constant 0 : i32
      %dma_wait3A_655 = tpu.memref_slice %arg4[%dma_wait3A_653, %dma_wait3A_654] : memref<2000000x64xf32, #tpu.memory_space<hbm>> -> memref<2000000x64xf32, #tpu.memory_space<hbm>>
      tpu.wait_indirect_dma semaphore(%arg14 : memref<!tpu.dma_semaphore, #tpu.memory_space<semaphore_mem>>) src(%dma_wait3A_655 : memref<2000000x64xf32, #tpu.memory_space<hbm>>) dst(%dma_wait3A_649 : memref<96x64xf32, #tpu.memory_space<vmem>>)
      %dma_wait3A_656 = arith.constant 96 : i32
      %dma_wait3A_657 = arith.constant 0 : i32
      %dma_wait3A_658 = tpu.memref_slice %arg10[%dma_wait3A_656, %dma_wait3A_657] : memref<200x64xf32, #tpu.memory_space<vmem>> -> memref<104x64xf32, #tpu.memory_space<vmem>>
      %dma_wait3A_659 = arith.constant 96 : i32
      %dma_wait3A_660 = tpu.memref_slice %arg6[%add3A_646, %dma_wait3A_659] : memref<128x200xi32, #tpu.memory_space<vmem>> -> memref<1x104xi32, #tpu.memory_space<vmem>>
      %dma_wait3A_661 = tpu.memref_squeeze %dma_wait3A_660 : memref<1x104xi32, #tpu.memory_space<vmem>> -> memref<104xi32, #tpu.memory_space<vmem>>
      %dma_wait3A_662 = arith.constant 0 : i32
      %dma_wait3A_663 = arith.constant 0 : i32
      %dma_wait3A_664 = tpu.memref_slice %arg4[%dma_wait3A_662, %dma_wait3A_663] : memref<2000000x64xf32, #tpu.memory_space<hbm>> -> memref<2000000x64xf32, #tpu.memory_space<hbm>>
      tpu.wait_indirect_dma semaphore(%arg14 : memref<!tpu.dma_semaphore, #tpu.memory_space<semaphore_mem>>) src(%dma_wait3A_664 : memref<2000000x64xf32, #tpu.memory_space<hbm>>) dst(%dma_wait3A_658 : memref<104x64xf32, #tpu.memory_space<vmem>>)
      %parallel_loop3A_665 = arith.constant 0 : i32
      %parallel_loop3A_666 = arith.constant 200 : i32
      %parallel_loop3A_667 = arith.constant 1 : i32
      scf.for %parallel_loop3A_777 = %parallel_loop3A_665 to %parallel_loop3A_666 step %parallel_loop3A_667  : i32 {
        %parallel_loop3A_778 = arith.index_cast %parallel_loop3A_777 : i32 to index
        %parallel_loop3A_779 = arith.constant 0 : index
        %parallel_loop3A_780 = tpu.vector_load %arg10[%parallel_loop3A_778, %parallel_loop3A_779] {strides = array<i32>} : memref<200x64xf32, #tpu.memory_space<vmem>>, vector<1x16xf32>,
        %parallel_loop3A_781 = vector.shape_cast %parallel_loop3A_780 : vector<1x16xf32> to vector<16xf32>
        %parallel_loop3A_782 = arith.index_cast %parallel_loop3A_777 : i32 to index
        %parallel_loop3A_783 = arith.constant 0 : index
        %parallel_loop3A_784 = tpu.vector_load %arg7[%parallel_loop3A_782, %parallel_loop3A_783] {strides = array<i32>} : memref<200x64xf32, #tpu.memory_space<vmem>>, vector<1x16xf32>,
        %parallel_loop3A_785 = vector.shape_cast %parallel_loop3A_784 : vector<1x16xf32> to vector<16xf32>
        %parallel_loop3A_786 = arith.addf %parallel_loop3A_781, %parallel_loop3A_785 : vector<16xf32>
        %parallel_loop3A_787 = arith.index_cast %parallel_loop3A_777 : i32 to index
        %parallel_loop3A_788 = arith.constant 0 : index
        %parallel_loop3A_789 = tpu.vector_load %arg10[%parallel_loop3A_787, %parallel_loop3A_788] {strides = array<i32>} : memref<200x64xf32, #tpu.memory_space<vmem>>, vector<1x16xf32>,
        %parallel_loop3A_790 = vector.shape_cast %parallel_loop3A_789 : vector<1x16xf32> to vector<16xf32>
        %parallel_loop3A_791 = vector.shape_cast %parallel_loop3A_786 : vector<16xf32> to vector<1x16xf32>
        tpu.vector_store %arg10[%parallel_loop3A_787, %parallel_loop3A_788], %parallel_loop3A_791 {strides = array<i32>} : memref<200x64xf32, #tpu.memory_space<vmem>>, vector<1x16xf32>,
        %parallel_loop3A_792 = arith.index_cast %parallel_loop3A_777 : i32 to index
        %parallel_loop3A_793 = arith.constant 16 : index
        %parallel_loop3A_794 = tpu.vector_load %arg10[%parallel_loop3A_792, %parallel_loop3A_793] {strides = array<i32>} : memref<200x64xf32, #tpu.memory_space<vmem>>, vector<1x16xf32>,
        %parallel_loop3A_795 = vector.shape_cast %parallel_loop3A_794 : vector<1x16xf32> to vector<16xf32>
        %parallel_loop3A_796 = arith.index_cast %parallel_loop3A_777 : i32 to index
        %parallel_loop3A_797 = arith.constant 16 : index
        %parallel_loop3A_798 = tpu.vector_load %arg7[%parallel_loop3A_796, %parallel_loop3A_797] {strides = array<i32>} : memref<200x64xf32, #tpu.memory_space<vmem>>, vector<1x16xf32>,
        %parallel_loop3A_799 = vector.shape_cast %parallel_loop3A_798 : vector<1x16xf32> to vector<16xf32>
        %parallel_loop3A_800 = arith.addf %parallel_loop3A_795, %parallel_loop3A_799 : vector<16xf32>
        %parallel_loop3A_801 = arith.index_cast %parallel_loop3A_777 : i32 to index
        %parallel_loop3A_802 = arith.constant 16 : index
        %parallel_loop3A_803 = tpu.vector_load %arg10[%parallel_loop3A_801, %parallel_loop3A_802] {strides = array<i32>} : memref<200x64xf32, #tpu.memory_space<vmem>>, vector<1x16xf32>,
        %parallel_loop3A_804 = vector.shape_cast %parallel_loop3A_803 : vector<1x16xf32> to vector<16xf32>
        %parallel_loop3A_805 = vector.shape_cast %parallel_loop3A_800 : vector<16xf32> to vector<1x16xf32>
        tpu.vector_store %arg10[%parallel_loop3A_801, %parallel_loop3A_802], %parallel_loop3A_805 {strides = array<i32>} : memref<200x64xf32, #tpu.memory_space<vmem>>, vector<1x16xf32>,
        %parallel_loop3A_806 = arith.index_cast %parallel_loop3A_777 : i32 to index
        %parallel_loop3A_807 = arith.constant 32 : index
        %parallel_loop3A_808 = tpu.vector_load %arg10[%parallel_loop3A_806, %parallel_loop3A_807] {strides = array<i32>} : memref<200x64xf32, #tpu.memory_space<vmem>>, vector<1x16xf32>,
        %parallel_loop3A_809 = vector.shape_cast %parallel_loop3A_808 : vector<1x16xf32> to vector<16xf32>
        %parallel_loop3A_810 = arith.index_cast %parallel_loop3A_777 : i32 to index
        %parallel_loop3A_811 = arith.constant 32 : index
        %parallel_loop3A_812 = tpu.vector_load %arg7[%parallel_loop3A_810, %parallel_loop3A_811] {strides = array<i32>} : memref<200x64xf32, #tpu.memory_space<vmem>>, vector<1x16xf32>,
        %parallel_loop3A_813 = vector.shape_cast %parallel_loop3A_812 : vector<1x16xf32> to vector<16xf32>
        %parallel_loop3A_814 = arith.addf %parallel_loop3A_809, %parallel_loop3A_813 : vector<16xf32>
        %parallel_loop3A_815 = arith.index_cast %parallel_loop3A_777 : i32 to index
        %parallel_loop3A_816 = arith.constant 32 : index
        %parallel_loop3A_817 = tpu.vector_load %arg10[%parallel_loop3A_815, %parallel_loop3A_816] {strides = array<i32>} : memref<200x64xf32, #tpu.memory_space<vmem>>, vector<1x16xf32>,
        %parallel_loop3A_818 = vector.shape_cast %parallel_loop3A_817 : vector<1x16xf32> to vector<16xf32>
        %parallel_loop3A_819 = vector.shape_cast %parallel_loop3A_814 : vector<16xf32> to vector<1x16xf32>
        tpu.vector_store %arg10[%parallel_loop3A_815, %parallel_loop3A_816], %parallel_loop3A_819 {strides = array<i32>} : memref<200x64xf32, #tpu.memory_space<vmem>>, vector<1x16xf32>,
        %parallel_loop3A_820 = arith.index_cast %parallel_loop3A_777 : i32 to index
        %parallel_loop3A_821 = arith.constant 48 : index
        %parallel_loop3A_822 = tpu.vector_load %arg10[%parallel_loop3A_820, %parallel_loop3A_821] {strides = array<i32>} : memref<200x64xf32, #tpu.memory_space<vmem>>, vector<1x16xf32>,
        %parallel_loop3A_823 = vector.shape_cast %parallel_loop3A_822 : vector<1x16xf32> to vector<16xf32>
        %parallel_loop3A_824 = arith.index_cast %parallel_loop3A_777 : i32 to index
        %parallel_loop3A_825 = arith.constant 48 : index
        %parallel_loop3A_826 = tpu.vector_load %arg7[%parallel_loop3A_824, %parallel_loop3A_825] {strides = array<i32>} : memref<200x64xf32, #tpu.memory_space<vmem>>, vector<1x16xf32>,
        %parallel_loop3A_827 = vector.shape_cast %parallel_loop3A_826 : vector<1x16xf32> to vector<16xf32>
        %parallel_loop3A_828 = arith.addf %parallel_loop3A_823, %parallel_loop3A_827 : vector<16xf32>
        %parallel_loop3A_829 = arith.index_cast %parallel_loop3A_777 : i32 to index
        %parallel_loop3A_830 = arith.constant 48 : index
        %parallel_loop3A_831 = tpu.vector_load %arg10[%parallel_loop3A_829, %parallel_loop3A_830] {strides = array<i32>} : memref<200x64xf32, #tpu.memory_space<vmem>>, vector<1x16xf32>,
        %parallel_loop3A_832 = vector.shape_cast %parallel_loop3A_831 : vector<1x16xf32> to vector<16xf32>
        %parallel_loop3A_833 = vector.shape_cast %parallel_loop3A_828 : vector<16xf32> to vector<1x16xf32>
        tpu.vector_store %arg10[%parallel_loop3A_829, %parallel_loop3A_830], %parallel_loop3A_833 {strides = array<i32>} : memref<200x64xf32, #tpu.memory_space<vmem>>, vector<1x16xf32>,
      } {sc.loop_unroll_factor = 8 : i64, sc.parallel_access}
      %add3A_668 = arith.addi %mul3A_2, %add3A_646 : i32
      %dma_start3A_669 = arith.constant 0 : i32
      %dma_start3A_670 = arith.constant 0 : i32
      %dma_start3A_671 = tpu.memref_slice %arg5[%add3A_668, %dma_start3A_669, %dma_start3A_670] : memref<4096x200x128xf32, #tpu.memory_space<hbm>> -> memref<1x200x64xf32, #tpu.memory_space<hbm>>
      %dma_start3A_672 = tpu.memref_squeeze %dma_start3A_671 : memref<1x200x64xf32, #tpu.memory_space<hbm>> -> memref<200x64xf32, #tpu.memory_space<hbm>>
      %dma_start3A_673 = arith.constant 0 : i32
      %dma_start3A_674 = arith.constant 0 : i32
      %dma_start3A_675 = tpu.memref_slice %arg5[%add3A_668, %dma_start3A_673, %dma_start3A_674] : memref<4096x200x128xf32, #tpu.memory_space<hbm>> -> memref<1x200x64xf32, #tpu.memory_space<hbm>>
      %dma_start3A_676 = tpu.memref_squeeze %dma_start3A_675 : memref<1x200x64xf32, #tpu.memory_space<hbm>> -> memref<200x64xf32, #tpu.memory_space<hbm>>
      tpu.enqueue_dma source(%arg10 : memref<200x64xf32, #tpu.memory_space<vmem>>) target(%dma_start3A_676 : memref<200x64xf32, #tpu.memory_space<hbm>>) target_semaphore(%arg18 : memref<!tpu.dma_semaphore, #tpu.memory_space<semaphore_mem>>)
      %sub3A_677 = arith.constant 1 : i32
      %sub3A_678 = arith.subi %add3A_646, %sub3A_677 : i32
      %add3A_679 = arith.addi %mul3A_2, %sub3A_678 : i32
      %dma_wait3A_680 = arith.constant 0 : i32
      %dma_wait3A_681 = arith.constant 0 : i32
      %dma_wait3A_682 = tpu.memref_slice %arg5[%add3A_679, %dma_wait3A_680, %dma_wait3A_681] : memref<4096x200x128xf32, #tpu.memory_space<hbm>> -> memref<1x200x64xf32, #tpu.memory_space<hbm>>
      %dma_wait3A_683 = tpu.memref_squeeze %dma_wait3A_682 : memref<1x200x64xf32, #tpu.memory_space<hbm>> -> memref<200x64xf32, #tpu.memory_space<hbm>>
      %dma_wait3A_684 = arith.constant 0 : i32
      %dma_wait3A_685 = arith.constant 0 : i32
      %dma_wait3A_686 = tpu.memref_slice %arg5[%add3A_679, %dma_wait3A_684, %dma_wait3A_685] : memref<4096x200x128xf32, #tpu.memory_space<hbm>> -> memref<1x200x64xf32, #tpu.memory_space<hbm>>
      %dma_wait3A_687 = tpu.memref_squeeze %dma_wait3A_686 : memref<1x200x64xf32, #tpu.memory_space<hbm>> -> memref<200x64xf32, #tpu.memory_space<hbm>>
      tpu.wait_dma2 semaphore(%arg17 : memref<!tpu.dma_semaphore, #tpu.memory_space<semaphore_mem>>) src(%arg9 : memref<200x64xf32, #tpu.memory_space<vmem>>) dst(%dma_wait3A_687 : memref<200x64xf32, #tpu.memory_space<hbm>>)
      %add3A_688 = arith.constant 4 : i32
      %add3A_689 = arith.addi %add3A_646, %add3A_688 : i32
      %sub3A_690 = arith.constant 1 : i32
      %sub3A_691 = arith.subi %add3A_689, %sub3A_690 : i32
      %dma_start3A_692 = arith.constant 0 : i32
      %dma_start3A_693 = arith.constant 0 : i32
      %dma_start3A_694 = tpu.memref_slice %arg9[%dma_start3A_692, %dma_start3A_693] : memref<200x64xf32, #tpu.memory_space<vmem>> -> memref<96x64xf32, #tpu.memory_space<vmem>>
      %dma_start3A_695 = arith.constant 0 : i32
      %dma_start3A_696 = tpu.memref_slice %arg6[%sub3A_691, %dma_start3A_695] : memref<128x200xi32, #tpu.memory_space<vmem>> -> memref<1x96xi32, #tpu.memory_space<vmem>>
      %dma_start3A_697 = tpu.memref_squeeze %dma_start3A_696 : memref<1x96xi32, #tpu.memory_space<vmem>> -> memref<96xi32, #tpu.memory_space<vmem>>
      %dma_start3A_698 = arith.constant 0 : i32
      %dma_start3A_699 = arith.constant 0 : i32
      %dma_start3A_700 = tpu.memref_slice %arg4[%dma_start3A_698, %dma_start3A_699] : memref<2000000x64xf32, #tpu.memory_space<hbm>> -> memref<2000000x64xf32, #tpu.memory_space<hbm>>
      tpu.enqueue_indirect_dma source(%dma_start3A_700 : memref<2000000x64xf32, #tpu.memory_space<hbm>>) target(%dma_start3A_694 : memref<96x64xf32, #tpu.memory_space<vmem>>) offsets(%dma_start3A_697 : memref<96xi32, #tpu.memory_space<vmem>>) semaphore(%arg13 : memref<!tpu.dma_semaphore, #tpu.memory_space<semaphore_mem>>)
      %dma_start3A_701 = arith.constant 96 : i32
      %dma_start3A_702 = arith.constant 0 : i32
      %dma_start3A_703 = tpu.memref_slice %arg9[%dma_start3A_701, %dma_start3A_702] : memref<200x64xf32, #tpu.memory_space<vmem>> -> memref<104x64xf32, #tpu.memory_space<vmem>>
      %dma_start3A_704 = arith.constant 96 : i32
      %dma_start3A_705 = tpu.memref_slice %arg6[%sub3A_691, %dma_start3A_704] : memref<128x200xi32, #tpu.memory_space<vmem>> -> memref<1x104xi32, #tpu.memory_space<vmem>>
      %dma_start3A_706 = tpu.memref_squeeze %dma_start3A_705 : memref<1x104xi32, #tpu.memory_space<vmem>> -> memref<104xi32, #tpu.memory_space<vmem>>
      %dma_start3A_707 = arith.constant 0 : i32
      %dma_start3A_708 = arith.constant 0 : i32
      %dma_start3A_709 = tpu.memref_slice %arg4[%dma_start3A_707, %dma_start3A_708] : memref<2000000x64xf32, #tpu.memory_space<hbm>> -> memref<2000000x64xf32, #tpu.memory_space<hbm>>
      tpu.enqueue_indirect_dma source(%dma_start3A_709 : memref<2000000x64xf32, #tpu.memory_space<hbm>>) target(%dma_start3A_703 : memref<104x64xf32, #tpu.memory_space<vmem>>) offsets(%dma_start3A_706 : memref<104xi32, #tpu.memory_space<vmem>>) semaphore(%arg13 : memref<!tpu.dma_semaphore, #tpu.memory_space<semaphore_mem>>)
      %mul3A_710 = arith.constant 4 : i32
      %mul3A_711 = arith.muli %scan3A_509, %mul3A_710 : i32
      %add3A_712 = arith.constant 3 : i32
      %add3A_713 = arith.addi %mul3A_711, %add3A_712 : i32
      %dma_wait3A_714 = arith.constant 0 : i32
      %dma_wait3A_715 = arith.constant 0 : i32
      %dma_wait3A_716 = tpu.memref_slice %arg11[%dma_wait3A_714, %dma_wait3A_715] : memref<200x64xf32, #tpu.memory_space<vmem>> -> memref<96x64xf32, #tpu.memory_space<vmem>>
      %dma_wait3A_717 = arith.constant 0 : i32
      %dma_wait3A_718 = tpu.memref_slice %arg6[%add3A_713, %dma_wait3A_717] : memref<128x200xi32, #tpu.memory_space<vmem>> -> memref<1x96xi32, #tpu.memory_space<vmem>>
      %dma_wait3A_719 = tpu.memref_squeeze %dma_wait3A_718 : memref<1x96xi32, #tpu.memory_space<vmem>> -> memref<96xi32, #tpu.memory_space<vmem>>
      %dma_wait3A_720 = arith.constant 0 : i32
      %dma_wait3A_721 = arith.constant 0 : i32
      %dma_wait3A_722 = tpu.memref_slice %arg4[%dma_wait3A_720, %dma_wait3A_721] : memref<2000000x64xf32, #tpu.memory_space<hbm>> -> memref<2000000x64xf32, #tpu.memory_space<hbm>>
      tpu.wait_indirect_dma semaphore(%arg15 : memref<!tpu.dma_semaphore, #tpu.memory_space<semaphore_mem>>) src(%dma_wait3A_722 : memref<2000000x64xf32, #tpu.memory_space<hbm>>) dst(%dma_wait3A_716 : memref<96x64xf32, #tpu.memory_space<vmem>>)
      %dma_wait3A_723 = arith.constant 96 : i32
      %dma_wait3A_724 = arith.constant 0 : i32
      %dma_wait3A_725 = tpu.memref_slice %arg11[%dma_wait3A_723, %dma_wait3A_724] : memref<200x64xf32, #tpu.memory_space<vmem>> -> memref<104x64xf32, #tpu.memory_space<vmem>>
      %dma_wait3A_726 = arith.constant 96 : i32
      %dma_wait3A_727 = tpu.memref_slice %arg6[%add3A_713, %dma_wait3A_726] : memref<128x200xi32, #tpu.memory_space<vmem>> -> memref<1x104xi32, #tpu.memory_space<vmem>>
      %dma_wait3A_728 = tpu.memref_squeeze %dma_wait3A_727 : memref<1x104xi32, #tpu.memory_space<vmem>> -> memref<104xi32, #tpu.memory_space<vmem>>
      %dma_wait3A_729 = arith.constant 0 : i32
      %dma_wait3A_730 = arith.constant 0 : i32
      %dma_wait3A_731 = tpu.memref_slice %arg4[%dma_wait3A_729, %dma_wait3A_730] : memref<2000000x64xf32, #tpu.memory_space<hbm>> -> memref<2000000x64xf32, #tpu.memory_space<hbm>>
      tpu.wait_indirect_dma semaphore(%arg15 : memref<!tpu.dma_semaphore, #tpu.memory_space<semaphore_mem>>) src(%dma_wait3A_731 : memref<2000000x64xf32, #tpu.memory_space<hbm>>) dst(%dma_wait3A_725 : memref<104x64xf32, #tpu.memory_space<vmem>>)
      %parallel_loop3A_732 = arith.constant 0 : i32
      %parallel_loop3A_733 = arith.constant 200 : i32
      %parallel_loop3A_734 = arith.constant 1 : i32
      scf.for %parallel_loop3A_777 = %parallel_loop3A_732 to %parallel_loop3A_733 step %parallel_loop3A_734  : i32 {
        %parallel_loop3A_778 = arith.index_cast %parallel_loop3A_777 : i32 to index
        %parallel_loop3A_779 = arith.constant 0 : index
        %parallel_loop3A_780 = tpu.vector_load %arg11[%parallel_loop3A_778, %parallel_loop3A_779] {strides = array<i32>} : memref<200x64xf32, #tpu.memory_space<vmem>>, vector<1x16xf32>,
        %parallel_loop3A_781 = vector.shape_cast %parallel_loop3A_780 : vector<1x16xf32> to vector<16xf32>
        %parallel_loop3A_782 = arith.index_cast %parallel_loop3A_777 : i32 to index
        %parallel_loop3A_783 = arith.constant 0 : index
        %parallel_loop3A_784 = tpu.vector_load %arg7[%parallel_loop3A_782, %parallel_loop3A_783] {strides = array<i32>} : memref<200x64xf32, #tpu.memory_space<vmem>>, vector<1x16xf32>,
        %parallel_loop3A_785 = vector.shape_cast %parallel_loop3A_784 : vector<1x16xf32> to vector<16xf32>
        %parallel_loop3A_786 = arith.addf %parallel_loop3A_781, %parallel_loop3A_785 : vector<16xf32>
        %parallel_loop3A_787 = arith.index_cast %parallel_loop3A_777 : i32 to index
        %parallel_loop3A_788 = arith.constant 0 : index
        %parallel_loop3A_789 = tpu.vector_load %arg11[%parallel_loop3A_787, %parallel_loop3A_788] {strides = array<i32>} : memref<200x64xf32, #tpu.memory_space<vmem>>, vector<1x16xf32>,
        %parallel_loop3A_790 = vector.shape_cast %parallel_loop3A_789 : vector<1x16xf32> to vector<16xf32>
        %parallel_loop3A_791 = vector.shape_cast %parallel_loop3A_786 : vector<16xf32> to vector<1x16xf32>
        tpu.vector_store %arg11[%parallel_loop3A_787, %parallel_loop3A_788], %parallel_loop3A_791 {strides = array<i32>} : memref<200x64xf32, #tpu.memory_space<vmem>>, vector<1x16xf32>,
        %parallel_loop3A_792 = arith.index_cast %parallel_loop3A_777 : i32 to index
        %parallel_loop3A_793 = arith.constant 16 : index
        %parallel_loop3A_794 = tpu.vector_load %arg11[%parallel_loop3A_792, %parallel_loop3A_793] {strides = array<i32>} : memref<200x64xf32, #tpu.memory_space<vmem>>, vector<1x16xf32>,
        %parallel_loop3A_795 = vector.shape_cast %parallel_loop3A_794 : vector<1x16xf32> to vector<16xf32>
        %parallel_loop3A_796 = arith.index_cast %parallel_loop3A_777 : i32 to index
        %parallel_loop3A_797 = arith.constant 16 : index
        %parallel_loop3A_798 = tpu.vector_load %arg7[%parallel_loop3A_796, %parallel_loop3A_797] {strides = array<i32>} : memref<200x64xf32, #tpu.memory_space<vmem>>, vector<1x16xf32>,
        %parallel_loop3A_799 = vector.shape_cast %parallel_loop3A_798 : vector<1x16xf32> to vector<16xf32>
        %parallel_loop3A_800 = arith.addf %parallel_loop3A_795, %parallel_loop3A_799 : vector<16xf32>
        %parallel_loop3A_801 = arith.index_cast %parallel_loop3A_777 : i32 to index
        %parallel_loop3A_802 = arith.constant 16 : index
        %parallel_loop3A_803 = tpu.vector_load %arg11[%parallel_loop3A_801, %parallel_loop3A_802] {strides = array<i32>} : memref<200x64xf32, #tpu.memory_space<vmem>>, vector<1x16xf32>,
        %parallel_loop3A_804 = vector.shape_cast %parallel_loop3A_803 : vector<1x16xf32> to vector<16xf32>
        %parallel_loop3A_805 = vector.shape_cast %parallel_loop3A_800 : vector<16xf32> to vector<1x16xf32>
        tpu.vector_store %arg11[%parallel_loop3A_801, %parallel_loop3A_802], %parallel_loop3A_805 {strides = array<i32>} : memref<200x64xf32, #tpu.memory_space<vmem>>, vector<1x16xf32>,
        %parallel_loop3A_806 = arith.index_cast %parallel_loop3A_777 : i32 to index
        %parallel_loop3A_807 = arith.constant 32 : index
        %parallel_loop3A_808 = tpu.vector_load %arg11[%parallel_loop3A_806, %parallel_loop3A_807] {strides = array<i32>} : memref<200x64xf32, #tpu.memory_space<vmem>>, vector<1x16xf32>,
        %parallel_loop3A_809 = vector.shape_cast %parallel_loop3A_808 : vector<1x16xf32> to vector<16xf32>
        %parallel_loop3A_810 = arith.index_cast %parallel_loop3A_777 : i32 to index
        %parallel_loop3A_811 = arith.constant 32 : index
        %parallel_loop3A_812 = tpu.vector_load %arg7[%parallel_loop3A_810, %parallel_loop3A_811] {strides = array<i32>} : memref<200x64xf32, #tpu.memory_space<vmem>>, vector<1x16xf32>,
        %parallel_loop3A_813 = vector.shape_cast %parallel_loop3A_812 : vector<1x16xf32> to vector<16xf32>
        %parallel_loop3A_814 = arith.addf %parallel_loop3A_809, %parallel_loop3A_813 : vector<16xf32>
        %parallel_loop3A_815 = arith.index_cast %parallel_loop3A_777 : i32 to index
        %parallel_loop3A_816 = arith.constant 32 : index
        %parallel_loop3A_817 = tpu.vector_load %arg11[%parallel_loop3A_815, %parallel_loop3A_816] {strides = array<i32>} : memref<200x64xf32, #tpu.memory_space<vmem>>, vector<1x16xf32>,
        %parallel_loop3A_818 = vector.shape_cast %parallel_loop3A_817 : vector<1x16xf32> to vector<16xf32>
        %parallel_loop3A_819 = vector.shape_cast %parallel_loop3A_814 : vector<16xf32> to vector<1x16xf32>
        tpu.vector_store %arg11[%parallel_loop3A_815, %parallel_loop3A_816], %parallel_loop3A_819 {strides = array<i32>} : memref<200x64xf32, #tpu.memory_space<vmem>>, vector<1x16xf32>,
        %parallel_loop3A_820 = arith.index_cast %parallel_loop3A_777 : i32 to index
        %parallel_loop3A_821 = arith.constant 48 : index
        %parallel_loop3A_822 = tpu.vector_load %arg11[%parallel_loop3A_820, %parallel_loop3A_821] {strides = array<i32>} : memref<200x64xf32, #tpu.memory_space<vmem>>, vector<1x16xf32>,
        %parallel_loop3A_823 = vector.shape_cast %parallel_loop3A_822 : vector<1x16xf32> to vector<16xf32>
        %parallel_loop3A_824 = arith.index_cast %parallel_loop3A_777 : i32 to index
        %parallel_loop3A_825 = arith.constant 48 : index
        %parallel_loop3A_826 = tpu.vector_load %arg7[%parallel_loop3A_824, %parallel_loop3A_825] {strides = array<i32>} : memref<200x64xf32, #tpu.memory_space<vmem>>, vector<1x16xf32>,
        %parallel_loop3A_827 = vector.shape_cast %parallel_loop3A_826 : vector<1x16xf32> to vector<16xf32>
        %parallel_loop3A_828 = arith.addf %parallel_loop3A_823, %parallel_loop3A_827 : vector<16xf32>
        %parallel_loop3A_829 = arith.index_cast %parallel_loop3A_777 : i32 to index
        %parallel_loop3A_830 = arith.constant 48 : index
        %parallel_loop3A_831 = tpu.vector_load %arg11[%parallel_loop3A_829, %parallel_loop3A_830] {strides = array<i32>} : memref<200x64xf32, #tpu.memory_space<vmem>>, vector<1x16xf32>,
        %parallel_loop3A_832 = vector.shape_cast %parallel_loop3A_831 : vector<1x16xf32> to vector<16xf32>
        %parallel_loop3A_833 = vector.shape_cast %parallel_loop3A_828 : vector<16xf32> to vector<1x16xf32>
        tpu.vector_store %arg11[%parallel_loop3A_829, %parallel_loop3A_830], %parallel_loop3A_833 {strides = array<i32>} : memref<200x64xf32, #tpu.memory_space<vmem>>, vector<1x16xf32>,
      } {sc.loop_unroll_factor = 8 : i64, sc.parallel_access}
      %add3A_735 = arith.addi %mul3A_2, %add3A_713 : i32
      %dma_start3A_736 = arith.constant 0 : i32
      %dma_start3A_737 = arith.constant 0 : i32
      %dma_start3A_738 = tpu.memref_slice %arg5[%add3A_735, %dma_start3A_736, %dma_start3A_737] : memref<4096x200x128xf32, #tpu.memory_space<hbm>> -> memref<1x200x64xf32, #tpu.memory_space<hbm>>
      %dma_start3A_739 = tpu.memref_squeeze %dma_start3A_738 : memref<1x200x64xf32, #tpu.memory_space<hbm>> -> memref<200x64xf32, #tpu.memory_space<hbm>>
      %dma_start3A_740 = arith.constant 0 : i32
      %dma_start3A_741 = arith.constant 0 : i32
      %dma_start3A_742 = tpu.memref_slice %arg5[%add3A_735, %dma_start3A_740, %dma_start3A_741] : memref<4096x200x128xf32, #tpu.memory_space<hbm>> -> memref<1x200x64xf32, #tpu.memory_space<hbm>>
      %dma_start3A_743 = tpu.memref_squeeze %dma_start3A_742 : memref<1x200x64xf32, #tpu.memory_space<hbm>> -> memref<200x64xf32, #tpu.memory_space<hbm>>
      tpu.enqueue_dma source(%arg11 : memref<200x64xf32, #tpu.memory_space<vmem>>) target(%dma_start3A_743 : memref<200x64xf32, #tpu.memory_space<hbm>>) target_semaphore(%arg19 : memref<!tpu.dma_semaphore, #tpu.memory_space<semaphore_mem>>)
      %sub3A_744 = arith.constant 1 : i32
      %sub3A_745 = arith.subi %add3A_713, %sub3A_744 : i32
      %add3A_746 = arith.addi %mul3A_2, %sub3A_745 : i32
      %dma_wait3A_747 = arith.constant 0 : i32
      %dma_wait3A_748 = arith.constant 0 : i32
      %dma_wait3A_749 = tpu.memref_slice %arg5[%add3A_746, %dma_wait3A_747, %dma_wait3A_748] : memref<4096x200x128xf32, #tpu.memory_space<hbm>> -> memref<1x200x64xf32, #tpu.memory_space<hbm>>
      %dma_wait3A_750 = tpu.memref_squeeze %dma_wait3A_749 : memref<1x200x64xf32, #tpu.memory_space<hbm>> -> memref<200x64xf32, #tpu.memory_space<hbm>>
      %dma_wait3A_751 = arith.constant 0 : i32
      %dma_wait3A_752 = arith.constant 0 : i32
      %dma_wait3A_753 = tpu.memref_slice %arg5[%add3A_746, %dma_wait3A_751, %dma_wait3A_752] : memref<4096x200x128xf32, #tpu.memory_space<hbm>> -> memref<1x200x64xf32, #tpu.memory_space<hbm>>
      %dma_wait3A_754 = tpu.memref_squeeze %dma_wait3A_753 : memref<1x200x64xf32, #tpu.memory_space<hbm>> -> memref<200x64xf32, #tpu.memory_space<hbm>>
      tpu.wait_dma2 semaphore(%arg18 : memref<!tpu.dma_semaphore, #tpu.memory_space<semaphore_mem>>) src(%arg10 : memref<200x64xf32, #tpu.memory_space<vmem>>) dst(%dma_wait3A_754 : memref<200x64xf32, #tpu.memory_space<hbm>>)
      %add3A_755 = arith.constant 4 : i32
      %add3A_756 = arith.addi %add3A_713, %add3A_755 : i32
      %sub3A_757 = arith.constant 1 : i32
      %sub3A_758 = arith.subi %add3A_756, %sub3A_757 : i32
      %dma_start3A_759 = arith.constant 0 : i32
      %dma_start3A_760 = arith.constant 0 : i32
      %dma_start3A_761 = tpu.memref_slice %arg10[%dma_start3A_759, %dma_start3A_760] : memref<200x64xf32, #tpu.memory_space<vmem>> -> memref<96x64xf32, #tpu.memory_space<vmem>>
      %dma_start3A_762 = arith.constant 0 : i32
      %dma_start3A_763 = tpu.memref_slice %arg6[%sub3A_758, %dma_start3A_762] : memref<128x200xi32, #tpu.memory_space<vmem>> -> memref<1x96xi32, #tpu.memory_space<vmem>>
      %dma_start3A_764 = tpu.memref_squeeze %dma_start3A_763 : memref<1x96xi32, #tpu.memory_space<vmem>> -> memref<96xi32, #tpu.memory_space<vmem>>
      %dma_start3A_765 = arith.constant 0 : i32
      %dma_start3A_766 = arith.constant 0 : i32
      %dma_start3A_767 = tpu.memref_slice %arg4[%dma_start3A_765, %dma_start3A_766] : memref<2000000x64xf32, #tpu.memory_space<hbm>> -> memref<2000000x64xf32, #tpu.memory_space<hbm>>
      tpu.enqueue_indirect_dma source(%dma_start3A_767 : memref<2000000x64xf32, #tpu.memory_space<hbm>>) target(%dma_start3A_761 : memref<96x64xf32, #tpu.memory_space<vmem>>) offsets(%dma_start3A_764 : memref<96xi32, #tpu.memory_space<vmem>>) semaphore(%arg14 : memref<!tpu.dma_semaphore, #tpu.memory_space<semaphore_mem>>)
      %dma_start3A_768 = arith.constant 96 : i32
      %dma_start3A_769 = arith.constant 0 : i32
      %dma_start3A_770 = tpu.memref_slice %arg10[%dma_start3A_768, %dma_start3A_769] : memref<200x64xf32, #tpu.memory_space<vmem>> -> memref<104x64xf32, #tpu.memory_space<vmem>>
      %dma_start3A_771 = arith.constant 96 : i32
      %dma_start3A_772 = tpu.memref_slice %arg6[%sub3A_758, %dma_start3A_771] : memref<128x200xi32, #tpu.memory_space<vmem>> -> memref<1x104xi32, #tpu.memory_space<vmem>>
      %dma_start3A_773 = tpu.memref_squeeze %dma_start3A_772 : memref<1x104xi32, #tpu.memory_space<vmem>> -> memref<104xi32, #tpu.memory_space<vmem>>
      %dma_start3A_774 = arith.constant 0 : i32
      %dma_start3A_775 = arith.constant 0 : i32
      %dma_start3A_776 = tpu.memref_slice %arg4[%dma_start3A_774, %dma_start3A_775] : memref<2000000x64xf32, #tpu.memory_space<hbm>> -> memref<2000000x64xf32, #tpu.memory_space<hbm>>
      tpu.enqueue_indirect_dma source(%dma_start3A_776 : memref<2000000x64xf32, #tpu.memory_space<hbm>>) target(%dma_start3A_770 : memref<104x64xf32, #tpu.memory_space<vmem>>) offsets(%dma_start3A_773 : memref<104xi32, #tpu.memory_space<vmem>>) semaphore(%arg14 : memref<!tpu.dma_semaphore, #tpu.memory_space<semaphore_mem>>)
    }
    %scan3A_306 = arith.constant 30 : i32
    %dma_wait3A_307 = arith.constant 124 : i32
    %dma_wait3A_308 = arith.constant 0 : i32
    %dma_wait3A_309 = arith.constant 0 : i32
    %dma_wait3A_310 = tpu.memref_slice %arg8[%dma_wait3A_308, %dma_wait3A_309] : memref<200x64xf32, #tpu.memory_space<vmem>> -> memref<96x64xf32, #tpu.memory_space<vmem>>
    %dma_wait3A_311 = arith.constant 0 : i32
    %dma_wait3A_312 = tpu.memref_slice %arg6[%dma_wait3A_307, %dma_wait3A_311] : memref<128x200xi32, #tpu.memory_space<vmem>> -> memref<1x96xi32, #tpu.memory_space<vmem>>
    %dma_wait3A_313 = tpu.memref_squeeze %dma_wait3A_312 : memref<1x96xi32, #tpu.memory_space<vmem>> -> memref<96xi32, #tpu.memory_space<vmem>>
    %dma_wait3A_314 = arith.constant 0 : i32
    %dma_wait3A_315 = arith.constant 0 : i32
    %dma_wait3A_316 = tpu.memref_slice %arg4[%dma_wait3A_314, %dma_wait3A_315] : memref<2000000x64xf32, #tpu.memory_space<hbm>> -> memref<2000000x64xf32, #tpu.memory_space<hbm>>
    tpu.wait_indirect_dma semaphore(%arg12 : memref<!tpu.dma_semaphore, #tpu.memory_space<semaphore_mem>>) src(%dma_wait3A_316 : memref<2000000x64xf32, #tpu.memory_space<hbm>>) dst(%dma_wait3A_310 : memref<96x64xf32, #tpu.memory_space<vmem>>)
    %dma_wait3A_317 = arith.constant 124 : i32
    %dma_wait3A_318 = arith.constant 96 : i32
    %dma_wait3A_319 = arith.constant 0 : i32
    %dma_wait3A_320 = tpu.memref_slice %arg8[%dma_wait3A_318, %dma_wait3A_319] : memref<200x64xf32, #tpu.memory_space<vmem>> -> memref<104x64xf32, #tpu.memory_space<vmem>>
    %dma_wait3A_321 = arith.constant 96 : i32
    %dma_wait3A_322 = tpu.memref_slice %arg6[%dma_wait3A_317, %dma_wait3A_321] : memref<128x200xi32, #tpu.memory_space<vmem>> -> memref<1x104xi32, #tpu.memory_space<vmem>>
    %dma_wait3A_323 = tpu.memref_squeeze %dma_wait3A_322 : memref<1x104xi32, #tpu.memory_space<vmem>> -> memref<104xi32, #tpu.memory_space<vmem>>
    %dma_wait3A_324 = arith.constant 0 : i32
    %dma_wait3A_325 = arith.constant 0 : i32
    %dma_wait3A_326 = tpu.memref_slice %arg4[%dma_wait3A_324, %dma_wait3A_325] : memref<2000000x64xf32, #tpu.memory_space<hbm>> -> memref<2000000x64xf32, #tpu.memory_space<hbm>>
    tpu.wait_indirect_dma semaphore(%arg12 : memref<!tpu.dma_semaphore, #tpu.memory_space<semaphore_mem>>) src(%dma_wait3A_326 : memref<2000000x64xf32, #tpu.memory_space<hbm>>) dst(%dma_wait3A_320 : memref<104x64xf32, #tpu.memory_space<vmem>>)
    %parallel_loop3A_327 = arith.constant 0 : i32
    %parallel_loop3A_328 = arith.constant 200 : i32
    %parallel_loop3A_329 = arith.constant 1 : i32
    scf.for %parallel_loop3A_509 = %parallel_loop3A_327 to %parallel_loop3A_328 step %parallel_loop3A_329  : i32 {
      %parallel_loop3A_510 = arith.index_cast %parallel_loop3A_509 : i32 to index
      %parallel_loop3A_511 = arith.constant 0 : index
      %parallel_loop3A_512 = tpu.vector_load %arg8[%parallel_loop3A_510, %parallel_loop3A_511] {strides = array<i32>} : memref<200x64xf32, #tpu.memory_space<vmem>>, vector<1x16xf32>,
      %parallel_loop3A_513 = vector.shape_cast %parallel_loop3A_512 : vector<1x16xf32> to vector<16xf32>
      %parallel_loop3A_514 = arith.index_cast %parallel_loop3A_509 : i32 to index
      %parallel_loop3A_515 = arith.constant 0 : index
      %parallel_loop3A_516 = tpu.vector_load %arg7[%parallel_loop3A_514, %parallel_loop3A_515] {strides = array<i32>} : memref<200x64xf32, #tpu.memory_space<vmem>>, vector<1x16xf32>,
      %parallel_loop3A_517 = vector.shape_cast %parallel_loop3A_516 : vector<1x16xf32> to vector<16xf32>
      %parallel_loop3A_518 = arith.addf %parallel_loop3A_513, %parallel_loop3A_517 : vector<16xf32>
      %parallel_loop3A_519 = arith.index_cast %parallel_loop3A_509 : i32 to index
      %parallel_loop3A_520 = arith.constant 0 : index
      %parallel_loop3A_521 = tpu.vector_load %arg8[%parallel_loop3A_519, %parallel_loop3A_520] {strides = array<i32>} : memref<200x64xf32, #tpu.memory_space<vmem>>, vector<1x16xf32>,
      %parallel_loop3A_522 = vector.shape_cast %parallel_loop3A_521 : vector<1x16xf32> to vector<16xf32>
      %parallel_loop3A_523 = vector.shape_cast %parallel_loop3A_518 : vector<16xf32> to vector<1x16xf32>
      tpu.vector_store %arg8[%parallel_loop3A_519, %parallel_loop3A_520], %parallel_loop3A_523 {strides = array<i32>} : memref<200x64xf32, #tpu.memory_space<vmem>>, vector<1x16xf32>,
      %parallel_loop3A_524 = arith.index_cast %parallel_loop3A_509 : i32 to index
      %parallel_loop3A_525 = arith.constant 16 : index
      %parallel_loop3A_526 = tpu.vector_load %arg8[%parallel_loop3A_524, %parallel_loop3A_525] {strides = array<i32>} : memref<200x64xf32, #tpu.memory_space<vmem>>, vector<1x16xf32>,
      %parallel_loop3A_527 = vector.shape_cast %parallel_loop3A_526 : vector<1x16xf32> to vector<16xf32>
      %parallel_loop3A_528 = arith.index_cast %parallel_loop3A_509 : i32 to index
      %parallel_loop3A_529 = arith.constant 16 : index
      %parallel_loop3A_530 = tpu.vector_load %arg7[%parallel_loop3A_528, %parallel_loop3A_529] {strides = array<i32>} : memref<200x64xf32, #tpu.memory_space<vmem>>, vector<1x16xf32>,
      %parallel_loop3A_531 = vector.shape_cast %parallel_loop3A_530 : vector<1x16xf32> to vector<16xf32>
      %parallel_loop3A_532 = arith.addf %parallel_loop3A_527, %parallel_loop3A_531 : vector<16xf32>
      %parallel_loop3A_533 = arith.index_cast %parallel_loop3A_509 : i32 to index
      %parallel_loop3A_534 = arith.constant 16 : index
      %parallel_loop3A_535 = tpu.vector_load %arg8[%parallel_loop3A_533, %parallel_loop3A_534] {strides = array<i32>} : memref<200x64xf32, #tpu.memory_space<vmem>>, vector<1x16xf32>,
      %parallel_loop3A_536 = vector.shape_cast %parallel_loop3A_535 : vector<1x16xf32> to vector<16xf32>
      %parallel_loop3A_537 = vector.shape_cast %parallel_loop3A_532 : vector<16xf32> to vector<1x16xf32>
      tpu.vector_store %arg8[%parallel_loop3A_533, %parallel_loop3A_534], %parallel_loop3A_537 {strides = array<i32>} : memref<200x64xf32, #tpu.memory_space<vmem>>, vector<1x16xf32>,
      %parallel_loop3A_538 = arith.index_cast %parallel_loop3A_509 : i32 to index
      %parallel_loop3A_539 = arith.constant 32 : index
      %parallel_loop3A_540 = tpu.vector_load %arg8[%parallel_loop3A_538, %parallel_loop3A_539] {strides = array<i32>} : memref<200x64xf32, #tpu.memory_space<vmem>>, vector<1x16xf32>,
      %parallel_loop3A_541 = vector.shape_cast %parallel_loop3A_540 : vector<1x16xf32> to vector<16xf32>
      %parallel_loop3A_542 = arith.index_cast %parallel_loop3A_509 : i32 to index
      %parallel_loop3A_543 = arith.constant 32 : index
      %parallel_loop3A_544 = tpu.vector_load %arg7[%parallel_loop3A_542, %parallel_loop3A_543] {strides = array<i32>} : memref<200x64xf32, #tpu.memory_space<vmem>>, vector<1x16xf32>,
      %parallel_loop3A_545 = vector.shape_cast %parallel_loop3A_544 : vector<1x16xf32> to vector<16xf32>
      %parallel_loop3A_546 = arith.addf %parallel_loop3A_541, %parallel_loop3A_545 : vector<16xf32>
      %parallel_loop3A_547 = arith.index_cast %parallel_loop3A_509 : i32 to index
      %parallel_loop3A_548 = arith.constant 32 : index
      %parallel_loop3A_549 = tpu.vector_load %arg8[%parallel_loop3A_547, %parallel_loop3A_548] {strides = array<i32>} : memref<200x64xf32, #tpu.memory_space<vmem>>, vector<1x16xf32>,
      %parallel_loop3A_550 = vector.shape_cast %parallel_loop3A_549 : vector<1x16xf32> to vector<16xf32>
      %parallel_loop3A_551 = vector.shape_cast %parallel_loop3A_546 : vector<16xf32> to vector<1x16xf32>
      tpu.vector_store %arg8[%parallel_loop3A_547, %parallel_loop3A_548], %parallel_loop3A_551 {strides = array<i32>} : memref<200x64xf32, #tpu.memory_space<vmem>>, vector<1x16xf32>,
      %parallel_loop3A_552 = arith.index_cast %parallel_loop3A_509 : i32 to index
      %parallel_loop3A_553 = arith.constant 48 : index
      %parallel_loop3A_554 = tpu.vector_load %arg8[%parallel_loop3A_552, %parallel_loop3A_553] {strides = array<i32>} : memref<200x64xf32, #tpu.memory_space<vmem>>, vector<1x16xf32>,
      %parallel_loop3A_555 = vector.shape_cast %parallel_loop3A_554 : vector<1x16xf32> to vector<16xf32>
      %parallel_loop3A_556 = arith.index_cast %parallel_loop3A_509 : i32 to index
      %parallel_loop3A_557 = arith.constant 48 : index
      %parallel_loop3A_558 = tpu.vector_load %arg7[%parallel_loop3A_556, %parallel_loop3A_557] {strides = array<i32>} : memref<200x64xf32, #tpu.memory_space<vmem>>, vector<1x16xf32>,
      %parallel_loop3A_559 = vector.shape_cast %parallel_loop3A_558 : vector<1x16xf32> to vector<16xf32>
      %parallel_loop3A_560 = arith.addf %parallel_loop3A_555, %parallel_loop3A_559 : vector<16xf32>
      %parallel_loop3A_561 = arith.index_cast %parallel_loop3A_509 : i32 to index
      %parallel_loop3A_562 = arith.constant 48 : index
      %parallel_loop3A_563 = tpu.vector_load %arg8[%parallel_loop3A_561, %parallel_loop3A_562] {strides = array<i32>} : memref<200x64xf32, #tpu.memory_space<vmem>>, vector<1x16xf32>,
      %parallel_loop3A_564 = vector.shape_cast %parallel_loop3A_563 : vector<1x16xf32> to vector<16xf32>
      %parallel_loop3A_565 = vector.shape_cast %parallel_loop3A_560 : vector<16xf32> to vector<1x16xf32>
      tpu.vector_store %arg8[%parallel_loop3A_561, %parallel_loop3A_562], %parallel_loop3A_565 {strides = array<i32>} : memref<200x64xf32, #tpu.memory_space<vmem>>, vector<1x16xf32>,
    } {sc.loop_unroll_factor = 8 : i64, sc.parallel_access}
    %add3A_330 = arith.constant 124 : i32
    %add3A_331 = arith.addi %mul3A_2, %add3A_330 : i32
    %dma_start3A_332 = arith.constant 0 : i32
    %dma_start3A_333 = arith.constant 0 : i32
    %dma_start3A_334 = tpu.memref_slice %arg5[%add3A_331, %dma_start3A_332, %dma_start3A_333] : memref<4096x200x128xf32, #tpu.memory_space<hbm>> -> memref<1x200x64xf32, #tpu.memory_space<hbm>>
    %dma_start3A_335 = tpu.memref_squeeze %dma_start3A_334 : memref<1x200x64xf32, #tpu.memory_space<hbm>> -> memref<200x64xf32, #tpu.memory_space<hbm>>
    %dma_start3A_336 = arith.constant 0 : i32
    %dma_start3A_337 = arith.constant 0 : i32
    %dma_start3A_338 = tpu.memref_slice %arg5[%add3A_331, %dma_start3A_336, %dma_start3A_337] : memref<4096x200x128xf32, #tpu.memory_space<hbm>> -> memref<1x200x64xf32, #tpu.memory_space<hbm>>
    %dma_start3A_339 = tpu.memref_squeeze %dma_start3A_338 : memref<1x200x64xf32, #tpu.memory_space<hbm>> -> memref<200x64xf32, #tpu.memory_space<hbm>>
    tpu.enqueue_dma source(%arg8 : memref<200x64xf32, #tpu.memory_space<vmem>>) target(%dma_start3A_339 : memref<200x64xf32, #tpu.memory_space<hbm>>) target_semaphore(%arg16 : memref<!tpu.dma_semaphore, #tpu.memory_space<semaphore_mem>>)
    %add3A_340 = arith.constant 123 : i32
    %add3A_341 = arith.addi %mul3A_2, %add3A_340 : i32
    %dma_wait3A_342 = arith.constant 0 : i32
    %dma_wait3A_343 = arith.constant 0 : i32
    %dma_wait3A_344 = tpu.memref_slice %arg5[%add3A_341, %dma_wait3A_342, %dma_wait3A_343] : memref<4096x200x128xf32, #tpu.memory_space<hbm>> -> memref<1x200x64xf32, #tpu.memory_space<hbm>>
    %dma_wait3A_345 = tpu.memref_squeeze %dma_wait3A_344 : memref<1x200x64xf32, #tpu.memory_space<hbm>> -> memref<200x64xf32, #tpu.memory_space<hbm>>
    %dma_wait3A_346 = arith.constant 0 : i32
    %dma_wait3A_347 = arith.constant 0 : i32
    %dma_wait3A_348 = tpu.memref_slice %arg5[%add3A_341, %dma_wait3A_346, %dma_wait3A_347] : memref<4096x200x128xf32, #tpu.memory_space<hbm>> -> memref<1x200x64xf32, #tpu.memory_space<hbm>>
    %dma_wait3A_349 = tpu.memref_squeeze %dma_wait3A_348 : memref<1x200x64xf32, #tpu.memory_space<hbm>> -> memref<200x64xf32, #tpu.memory_space<hbm>>
    tpu.wait_dma2 semaphore(%arg19 : memref<!tpu.dma_semaphore, #tpu.memory_space<semaphore_mem>>) src(%arg11 : memref<200x64xf32, #tpu.memory_space<vmem>>) dst(%dma_wait3A_349 : memref<200x64xf32, #tpu.memory_space<hbm>>)
    %dma_start3A_350 = arith.constant 127 : i32
    %dma_start3A_351 = arith.constant 0 : i32
    %dma_start3A_352 = arith.constant 0 : i32
    %dma_start3A_353 = tpu.memref_slice %arg11[%dma_start3A_351, %dma_start3A_352] : memref<200x64xf32, #tpu.memory_space<vmem>> -> memref<96x64xf32, #tpu.memory_space<vmem>>
    %dma_start3A_354 = arith.constant 0 : i32
    %dma_start3A_355 = tpu.memref_slice %arg6[%dma_start3A_350, %dma_start3A_354] : memref<128x200xi32, #tpu.memory_space<vmem>> -> memref<1x96xi32, #tpu.memory_space<vmem>>
    %dma_start3A_356 = tpu.memref_squeeze %dma_start3A_355 : memref<1x96xi32, #tpu.memory_space<vmem>> -> memref<96xi32, #tpu.memory_space<vmem>>
    %dma_start3A_357 = arith.constant 0 : i32
    %dma_start3A_358 = arith.constant 0 : i32
    %dma_start3A_359 = tpu.memref_slice %arg4[%dma_start3A_357, %dma_start3A_358] : memref<2000000x64xf32, #tpu.memory_space<hbm>> -> memref<2000000x64xf32, #tpu.memory_space<hbm>>
    tpu.enqueue_indirect_dma source(%dma_start3A_359 : memref<2000000x64xf32, #tpu.memory_space<hbm>>) target(%dma_start3A_353 : memref<96x64xf32, #tpu.memory_space<vmem>>) offsets(%dma_start3A_356 : memref<96xi32, #tpu.memory_space<vmem>>) semaphore(%arg15 : memref<!tpu.dma_semaphore, #tpu.memory_space<semaphore_mem>>)
    %dma_start3A_360 = arith.constant 127 : i32
    %dma_start3A_361 = arith.constant 96 : i32
    %dma_start3A_362 = arith.constant 0 : i32
    %dma_start3A_363 = tpu.memref_slice %arg11[%dma_start3A_361, %dma_start3A_362] : memref<200x64xf32, #tpu.memory_space<vmem>> -> memref<104x64xf32, #tpu.memory_space<vmem>>
    %dma_start3A_364 = arith.constant 96 : i32
    %dma_start3A_365 = tpu.memref_slice %arg6[%dma_start3A_360, %dma_start3A_364] : memref<128x200xi32, #tpu.memory_space<vmem>> -> memref<1x104xi32, #tpu.memory_space<vmem>>
    %dma_start3A_366 = tpu.memref_squeeze %dma_start3A_365 : memref<1x104xi32, #tpu.memory_space<vmem>> -> memref<104xi32, #tpu.memory_space<vmem>>
    %dma_start3A_367 = arith.constant 0 : i32
    %dma_start3A_368 = arith.constant 0 : i32
    %dma_start3A_369 = tpu.memref_slice %arg4[%dma_start3A_367, %dma_start3A_368] : memref<2000000x64xf32, #tpu.memory_space<hbm>> -> memref<2000000x64xf32, #tpu.memory_space<hbm>>
    tpu.enqueue_indirect_dma source(%dma_start3A_369 : memref<2000000x64xf32, #tpu.memory_space<hbm>>) target(%dma_start3A_363 : memref<104x64xf32, #tpu.memory_space<vmem>>) offsets(%dma_start3A_366 : memref<104xi32, #tpu.memory_space<vmem>>) semaphore(%arg15 : memref<!tpu.dma_semaphore, #tpu.memory_space<semaphore_mem>>)
    %dma_wait3A_370 = arith.constant 125 : i32
    %dma_wait3A_371 = arith.constant 0 : i32
    %dma_wait3A_372 = arith.constant 0 : i32
    %dma_wait3A_373 = tpu.memref_slice %arg9[%dma_wait3A_371, %dma_wait3A_372] : memref<200x64xf32, #tpu.memory_space<vmem>> -> memref<96x64xf32, #tpu.memory_space<vmem>>
    %dma_wait3A_374 = arith.constant 0 : i32
    %dma_wait3A_375 = tpu.memref_slice %arg6[%dma_wait3A_370, %dma_wait3A_374] : memref<128x200xi32, #tpu.memory_space<vmem>> -> memref<1x96xi32, #tpu.memory_space<vmem>>
    %dma_wait3A_376 = tpu.memref_squeeze %dma_wait3A_375 : memref<1x96xi32, #tpu.memory_space<vmem>> -> memref<96xi32, #tpu.memory_space<vmem>>
    %dma_wait3A_377 = arith.constant 0 : i32
    %dma_wait3A_378 = arith.constant 0 : i32
    %dma_wait3A_379 = tpu.memref_slice %arg4[%dma_wait3A_377, %dma_wait3A_378] : memref<2000000x64xf32, #tpu.memory_space<hbm>> -> memref<2000000x64xf32, #tpu.memory_space<hbm>>
    tpu.wait_indirect_dma semaphore(%arg13 : memref<!tpu.dma_semaphore, #tpu.memory_space<semaphore_mem>>) src(%dma_wait3A_379 : memref<2000000x64xf32, #tpu.memory_space<hbm>>) dst(%dma_wait3A_373 : memref<96x64xf32, #tpu.memory_space<vmem>>)
    %dma_wait3A_380 = arith.constant 125 : i32
    %dma_wait3A_381 = arith.constant 96 : i32
    %dma_wait3A_382 = arith.constant 0 : i32
    %dma_wait3A_383 = tpu.memref_slice %arg9[%dma_wait3A_381, %dma_wait3A_382] : memref<200x64xf32, #tpu.memory_space<vmem>> -> memref<104x64xf32, #tpu.memory_space<vmem>>
    %dma_wait3A_384 = arith.constant 96 : i32
    %dma_wait3A_385 = tpu.memref_slice %arg6[%dma_wait3A_380, %dma_wait3A_384] : memref<128x200xi32, #tpu.memory_space<vmem>> -> memref<1x104xi32, #tpu.memory_space<vmem>>
    %dma_wait3A_386 = tpu.memref_squeeze %dma_wait3A_385 : memref<1x104xi32, #tpu.memory_space<vmem>> -> memref<104xi32, #tpu.memory_space<vmem>>
    %dma_wait3A_387 = arith.constant 0 : i32
    %dma_wait3A_388 = arith.constant 0 : i32
    %dma_wait3A_389 = tpu.memref_slice %arg4[%dma_wait3A_387, %dma_wait3A_388] : memref<2000000x64xf32, #tpu.memory_space<hbm>> -> memref<2000000x64xf32, #tpu.memory_space<hbm>>
    tpu.wait_indirect_dma semaphore(%arg13 : memref<!tpu.dma_semaphore, #tpu.memory_space<semaphore_mem>>) src(%dma_wait3A_389 : memref<2000000x64xf32, #tpu.memory_space<hbm>>) dst(%dma_wait3A_383 : memref<104x64xf32, #tpu.memory_space<vmem>>)
    %parallel_loop3A_390 = arith.constant 0 : i32
    %parallel_loop3A_391 = arith.constant 200 : i32
    %parallel_loop3A_392 = arith.constant 1 : i32
    scf.for %parallel_loop3A_509 = %parallel_loop3A_390 to %parallel_loop3A_391 step %parallel_loop3A_392  : i32 {
      %parallel_loop3A_510 = arith.index_cast %parallel_loop3A_509 : i32 to index
      %parallel_loop3A_511 = arith.constant 0 : index
      %parallel_loop3A_512 = tpu.vector_load %arg9[%parallel_loop3A_510, %parallel_loop3A_511] {strides = array<i32>} : memref<200x64xf32, #tpu.memory_space<vmem>>, vector<1x16xf32>,
      %parallel_loop3A_513 = vector.shape_cast %parallel_loop3A_512 : vector<1x16xf32> to vector<16xf32>
      %parallel_loop3A_514 = arith.index_cast %parallel_loop3A_509 : i32 to index
      %parallel_loop3A_515 = arith.constant 0 : index
      %parallel_loop3A_516 = tpu.vector_load %arg7[%parallel_loop3A_514, %parallel_loop3A_515] {strides = array<i32>} : memref<200x64xf32, #tpu.memory_space<vmem>>, vector<1x16xf32>,
      %parallel_loop3A_517 = vector.shape_cast %parallel_loop3A_516 : vector<1x16xf32> to vector<16xf32>
      %parallel_loop3A_518 = arith.addf %parallel_loop3A_513, %parallel_loop3A_517 : vector<16xf32>
      %parallel_loop3A_519 = arith.index_cast %parallel_loop3A_509 : i32 to index
      %parallel_loop3A_520 = arith.constant 0 : index
      %parallel_loop3A_521 = tpu.vector_load %arg9[%parallel_loop3A_519, %parallel_loop3A_520] {strides = array<i32>} : memref<200x64xf32, #tpu.memory_space<vmem>>, vector<1x16xf32>,
      %parallel_loop3A_522 = vector.shape_cast %parallel_loop3A_521 : vector<1x16xf32> to vector<16xf32>
      %parallel_loop3A_523 = vector.shape_cast %parallel_loop3A_518 : vector<16xf32> to vector<1x16xf32>
      tpu.vector_store %arg9[%parallel_loop3A_519, %parallel_loop3A_520], %parallel_loop3A_523 {strides = array<i32>} : memref<200x64xf32, #tpu.memory_space<vmem>>, vector<1x16xf32>,
      %parallel_loop3A_524 = arith.index_cast %parallel_loop3A_509 : i32 to index
      %parallel_loop3A_525 = arith.constant 16 : index
      %parallel_loop3A_526 = tpu.vector_load %arg9[%parallel_loop3A_524, %parallel_loop3A_525] {strides = array<i32>} : memref<200x64xf32, #tpu.memory_space<vmem>>, vector<1x16xf32>,
      %parallel_loop3A_527 = vector.shape_cast %parallel_loop3A_526 : vector<1x16xf32> to vector<16xf32>
      %parallel_loop3A_528 = arith.index_cast %parallel_loop3A_509 : i32 to index
      %parallel_loop3A_529 = arith.constant 16 : index
      %parallel_loop3A_530 = tpu.vector_load %arg7[%parallel_loop3A_528, %parallel_loop3A_529] {strides = array<i32>} : memref<200x64xf32, #tpu.memory_space<vmem>>, vector<1x16xf32>,
      %parallel_loop3A_531 = vector.shape_cast %parallel_loop3A_530 : vector<1x16xf32> to vector<16xf32>
      %parallel_loop3A_532 = arith.addf %parallel_loop3A_527, %parallel_loop3A_531 : vector<16xf32>
      %parallel_loop3A_533 = arith.index_cast %parallel_loop3A_509 : i32 to index
      %parallel_loop3A_534 = arith.constant 16 : index
      %parallel_loop3A_535 = tpu.vector_load %arg9[%parallel_loop3A_533, %parallel_loop3A_534] {strides = array<i32>} : memref<200x64xf32, #tpu.memory_space<vmem>>, vector<1x16xf32>,
      %parallel_loop3A_536 = vector.shape_cast %parallel_loop3A_535 : vector<1x16xf32> to vector<16xf32>
      %parallel_loop3A_537 = vector.shape_cast %parallel_loop3A_532 : vector<16xf32> to vector<1x16xf32>
      tpu.vector_store %arg9[%parallel_loop3A_533, %parallel_loop3A_534], %parallel_loop3A_537 {strides = array<i32>} : memref<200x64xf32, #tpu.memory_space<vmem>>, vector<1x16xf32>,
      %parallel_loop3A_538 = arith.index_cast %parallel_loop3A_509 : i32 to index
      %parallel_loop3A_539 = arith.constant 32 : index
      %parallel_loop3A_540 = tpu.vector_load %arg9[%parallel_loop3A_538, %parallel_loop3A_539] {strides = array<i32>} : memref<200x64xf32, #tpu.memory_space<vmem>>, vector<1x16xf32>,
      %parallel_loop3A_541 = vector.shape_cast %parallel_loop3A_540 : vector<1x16xf32> to vector<16xf32>
      %parallel_loop3A_542 = arith.index_cast %parallel_loop3A_509 : i32 to index
      %parallel_loop3A_543 = arith.constant 32 : index
      %parallel_loop3A_544 = tpu.vector_load %arg7[%parallel_loop3A_542, %parallel_loop3A_543] {strides = array<i32>} : memref<200x64xf32, #tpu.memory_space<vmem>>, vector<1x16xf32>,
      %parallel_loop3A_545 = vector.shape_cast %parallel_loop3A_544 : vector<1x16xf32> to vector<16xf32>
      %parallel_loop3A_546 = arith.addf %parallel_loop3A_541, %parallel_loop3A_545 : vector<16xf32>
      %parallel_loop3A_547 = arith.index_cast %parallel_loop3A_509 : i32 to index
      %parallel_loop3A_548 = arith.constant 32 : index
      %parallel_loop3A_549 = tpu.vector_load %arg9[%parallel_loop3A_547, %parallel_loop3A_548] {strides = array<i32>} : memref<200x64xf32, #tpu.memory_space<vmem>>, vector<1x16xf32>,
      %parallel_loop3A_550 = vector.shape_cast %parallel_loop3A_549 : vector<1x16xf32> to vector<16xf32>
      %parallel_loop3A_551 = vector.shape_cast %parallel_loop3A_546 : vector<16xf32> to vector<1x16xf32>
      tpu.vector_store %arg9[%parallel_loop3A_547, %parallel_loop3A_548], %parallel_loop3A_551 {strides = array<i32>} : memref<200x64xf32, #tpu.memory_space<vmem>>, vector<1x16xf32>,
      %parallel_loop3A_552 = arith.index_cast %parallel_loop3A_509 : i32 to index
      %parallel_loop3A_553 = arith.constant 48 : index
      %parallel_loop3A_554 = tpu.vector_load %arg9[%parallel_loop3A_552, %parallel_loop3A_553] {strides = array<i32>} : memref<200x64xf32, #tpu.memory_space<vmem>>, vector<1x16xf32>,
      %parallel_loop3A_555 = vector.shape_cast %parallel_loop3A_554 : vector<1x16xf32> to vector<16xf32>
      %parallel_loop3A_556 = arith.index_cast %parallel_loop3A_509 : i32 to index
      %parallel_loop3A_557 = arith.constant 48 : index
      %parallel_loop3A_558 = tpu.vector_load %arg7[%parallel_loop3A_556, %parallel_loop3A_557] {strides = array<i32>} : memref<200x64xf32, #tpu.memory_space<vmem>>, vector<1x16xf32>,
      %parallel_loop3A_559 = vector.shape_cast %parallel_loop3A_558 : vector<1x16xf32> to vector<16xf32>
      %parallel_loop3A_560 = arith.addf %parallel_loop3A_555, %parallel_loop3A_559 : vector<16xf32>
      %parallel_loop3A_561 = arith.index_cast %parallel_loop3A_509 : i32 to index
      %parallel_loop3A_562 = arith.constant 48 : index
      %parallel_loop3A_563 = tpu.vector_load %arg9[%parallel_loop3A_561, %parallel_loop3A_562] {strides = array<i32>} : memref<200x64xf32, #tpu.memory_space<vmem>>, vector<1x16xf32>,
      %parallel_loop3A_564 = vector.shape_cast %parallel_loop3A_563 : vector<1x16xf32> to vector<16xf32>
      %parallel_loop3A_565 = vector.shape_cast %parallel_loop3A_560 : vector<16xf32> to vector<1x16xf32>
      tpu.vector_store %arg9[%parallel_loop3A_561, %parallel_loop3A_562], %parallel_loop3A_565 {strides = array<i32>} : memref<200x64xf32, #tpu.memory_space<vmem>>, vector<1x16xf32>,
    } {sc.loop_unroll_factor = 8 : i64, sc.parallel_access}
    %add3A_393 = arith.constant 125 : i32
    %add3A_394 = arith.addi %mul3A_2, %add3A_393 : i32
    %dma_start3A_395 = arith.constant 0 : i32
    %dma_start3A_396 = arith.constant 0 : i32
    %dma_start3A_397 = tpu.memref_slice %arg5[%add3A_394, %dma_start3A_395, %dma_start3A_396] : memref<4096x200x128xf32, #tpu.memory_space<hbm>> -> memref<1x200x64xf32, #tpu.memory_space<hbm>>
    %dma_start3A_398 = tpu.memref_squeeze %dma_start3A_397 : memref<1x200x64xf32, #tpu.memory_space<hbm>> -> memref<200x64xf32, #tpu.memory_space<hbm>>
    %dma_start3A_399 = arith.constant 0 : i32
    %dma_start3A_400 = arith.constant 0 : i32
    %dma_start3A_401 = tpu.memref_slice %arg5[%add3A_394, %dma_start3A_399, %dma_start3A_400] : memref<4096x200x128xf32, #tpu.memory_space<hbm>> -> memref<1x200x64xf32, #tpu.memory_space<hbm>>
    %dma_start3A_402 = tpu.memref_squeeze %dma_start3A_401 : memref<1x200x64xf32, #tpu.memory_space<hbm>> -> memref<200x64xf32, #tpu.memory_space<hbm>>
    tpu.enqueue_dma source(%arg9 : memref<200x64xf32, #tpu.memory_space<vmem>>) target(%dma_start3A_402 : memref<200x64xf32, #tpu.memory_space<hbm>>) target_semaphore(%arg17 : memref<!tpu.dma_semaphore, #tpu.memory_space<semaphore_mem>>)
    %dma_wait3A_403 = arith.constant 126 : i32
    %dma_wait3A_404 = arith.constant 0 : i32
    %dma_wait3A_405 = arith.constant 0 : i32
    %dma_wait3A_406 = tpu.memref_slice %arg10[%dma_wait3A_404, %dma_wait3A_405] : memref<200x64xf32, #tpu.memory_space<vmem>> -> memref<96x64xf32, #tpu.memory_space<vmem>>
    %dma_wait3A_407 = arith.constant 0 : i32
    %dma_wait3A_408 = tpu.memref_slice %arg6[%dma_wait3A_403, %dma_wait3A_407] : memref<128x200xi32, #tpu.memory_space<vmem>> -> memref<1x96xi32, #tpu.memory_space<vmem>>
    %dma_wait3A_409 = tpu.memref_squeeze %dma_wait3A_408 : memref<1x96xi32, #tpu.memory_space<vmem>> -> memref<96xi32, #tpu.memory_space<vmem>>
    %dma_wait3A_410 = arith.constant 0 : i32
    %dma_wait3A_411 = arith.constant 0 : i32
    %dma_wait3A_412 = tpu.memref_slice %arg4[%dma_wait3A_410, %dma_wait3A_411] : memref<2000000x64xf32, #tpu.memory_space<hbm>> -> memref<2000000x64xf32, #tpu.memory_space<hbm>>
    tpu.wait_indirect_dma semaphore(%arg14 : memref<!tpu.dma_semaphore, #tpu.memory_space<semaphore_mem>>) src(%dma_wait3A_412 : memref<2000000x64xf32, #tpu.memory_space<hbm>>) dst(%dma_wait3A_406 : memref<96x64xf32, #tpu.memory_space<vmem>>)
    %dma_wait3A_413 = arith.constant 126 : i32
    %dma_wait3A_414 = arith.constant 96 : i32
    %dma_wait3A_415 = arith.constant 0 : i32
    %dma_wait3A_416 = tpu.memref_slice %arg10[%dma_wait3A_414, %dma_wait3A_415] : memref<200x64xf32, #tpu.memory_space<vmem>> -> memref<104x64xf32, #tpu.memory_space<vmem>>
    %dma_wait3A_417 = arith.constant 96 : i32
    %dma_wait3A_418 = tpu.memref_slice %arg6[%dma_wait3A_413, %dma_wait3A_417] : memref<128x200xi32, #tpu.memory_space<vmem>> -> memref<1x104xi32, #tpu.memory_space<vmem>>
    %dma_wait3A_419 = tpu.memref_squeeze %dma_wait3A_418 : memref<1x104xi32, #tpu.memory_space<vmem>> -> memref<104xi32, #tpu.memory_space<vmem>>
    %dma_wait3A_420 = arith.constant 0 : i32
    %dma_wait3A_421 = arith.constant 0 : i32
    %dma_wait3A_422 = tpu.memref_slice %arg4[%dma_wait3A_420, %dma_wait3A_421] : memref<2000000x64xf32, #tpu.memory_space<hbm>> -> memref<2000000x64xf32, #tpu.memory_space<hbm>>
    tpu.wait_indirect_dma semaphore(%arg14 : memref<!tpu.dma_semaphore, #tpu.memory_space<semaphore_mem>>) src(%dma_wait3A_422 : memref<2000000x64xf32, #tpu.memory_space<hbm>>) dst(%dma_wait3A_416 : memref<104x64xf32, #tpu.memory_space<vmem>>)
    %parallel_loop3A_423 = arith.constant 0 : i32
    %parallel_loop3A_424 = arith.constant 200 : i32
    %parallel_loop3A_425 = arith.constant 1 : i32
    scf.for %parallel_loop3A_509 = %parallel_loop3A_423 to %parallel_loop3A_424 step %parallel_loop3A_425  : i32 {
      %parallel_loop3A_510 = arith.index_cast %parallel_loop3A_509 : i32 to index
      %parallel_loop3A_511 = arith.constant 0 : index
      %parallel_loop3A_512 = tpu.vector_load %arg10[%parallel_loop3A_510, %parallel_loop3A_511] {strides = array<i32>} : memref<200x64xf32, #tpu.memory_space<vmem>>, vector<1x16xf32>,
      %parallel_loop3A_513 = vector.shape_cast %parallel_loop3A_512 : vector<1x16xf32> to vector<16xf32>
      %parallel_loop3A_514 = arith.index_cast %parallel_loop3A_509 : i32 to index
      %parallel_loop3A_515 = arith.constant 0 : index
      %parallel_loop3A_516 = tpu.vector_load %arg7[%parallel_loop3A_514, %parallel_loop3A_515] {strides = array<i32>} : memref<200x64xf32, #tpu.memory_space<vmem>>, vector<1x16xf32>,
      %parallel_loop3A_517 = vector.shape_cast %parallel_loop3A_516 : vector<1x16xf32> to vector<16xf32>
      %parallel_loop3A_518 = arith.addf %parallel_loop3A_513, %parallel_loop3A_517 : vector<16xf32>
      %parallel_loop3A_519 = arith.index_cast %parallel_loop3A_509 : i32 to index
      %parallel_loop3A_520 = arith.constant 0 : index
      %parallel_loop3A_521 = tpu.vector_load %arg10[%parallel_loop3A_519, %parallel_loop3A_520] {strides = array<i32>} : memref<200x64xf32, #tpu.memory_space<vmem>>, vector<1x16xf32>,
      %parallel_loop3A_522 = vector.shape_cast %parallel_loop3A_521 : vector<1x16xf32> to vector<16xf32>
      %parallel_loop3A_523 = vector.shape_cast %parallel_loop3A_518 : vector<16xf32> to vector<1x16xf32>
      tpu.vector_store %arg10[%parallel_loop3A_519, %parallel_loop3A_520], %parallel_loop3A_523 {strides = array<i32>} : memref<200x64xf32, #tpu.memory_space<vmem>>, vector<1x16xf32>,
      %parallel_loop3A_524 = arith.index_cast %parallel_loop3A_509 : i32 to index
      %parallel_loop3A_525 = arith.constant 16 : index
      %parallel_loop3A_526 = tpu.vector_load %arg10[%parallel_loop3A_524, %parallel_loop3A_525] {strides = array<i32>} : memref<200x64xf32, #tpu.memory_space<vmem>>, vector<1x16xf32>,
      %parallel_loop3A_527 = vector.shape_cast %parallel_loop3A_526 : vector<1x16xf32> to vector<16xf32>
      %parallel_loop3A_528 = arith.index_cast %parallel_loop3A_509 : i32 to index
      %parallel_loop3A_529 = arith.constant 16 : index
      %parallel_loop3A_530 = tpu.vector_load %arg7[%parallel_loop3A_528, %parallel_loop3A_529] {strides = array<i32>} : memref<200x64xf32, #tpu.memory_space<vmem>>, vector<1x16xf32>,
      %parallel_loop3A_531 = vector.shape_cast %parallel_loop3A_530 : vector<1x16xf32> to vector<16xf32>
      %parallel_loop3A_532 = arith.addf %parallel_loop3A_527, %parallel_loop3A_531 : vector<16xf32>
      %parallel_loop3A_533 = arith.index_cast %parallel_loop3A_509 : i32 to index
      %parallel_loop3A_534 = arith.constant 16 : index
      %parallel_loop3A_535 = tpu.vector_load %arg10[%parallel_loop3A_533, %parallel_loop3A_534] {strides = array<i32>} : memref<200x64xf32, #tpu.memory_space<vmem>>, vector<1x16xf32>,
      %parallel_loop3A_536 = vector.shape_cast %parallel_loop3A_535 : vector<1x16xf32> to vector<16xf32>
      %parallel_loop3A_537 = vector.shape_cast %parallel_loop3A_532 : vector<16xf32> to vector<1x16xf32>
      tpu.vector_store %arg10[%parallel_loop3A_533, %parallel_loop3A_534], %parallel_loop3A_537 {strides = array<i32>} : memref<200x64xf32, #tpu.memory_space<vmem>>, vector<1x16xf32>,
      %parallel_loop3A_538 = arith.index_cast %parallel_loop3A_509 : i32 to index
      %parallel_loop3A_539 = arith.constant 32 : index
      %parallel_loop3A_540 = tpu.vector_load %arg10[%parallel_loop3A_538, %parallel_loop3A_539] {strides = array<i32>} : memref<200x64xf32, #tpu.memory_space<vmem>>, vector<1x16xf32>,
      %parallel_loop3A_541 = vector.shape_cast %parallel_loop3A_540 : vector<1x16xf32> to vector<16xf32>
      %parallel_loop3A_542 = arith.index_cast %parallel_loop3A_509 : i32 to index
      %parallel_loop3A_543 = arith.constant 32 : index
      %parallel_loop3A_544 = tpu.vector_load %arg7[%parallel_loop3A_542, %parallel_loop3A_543] {strides = array<i32>} : memref<200x64xf32, #tpu.memory_space<vmem>>, vector<1x16xf32>,
      %parallel_loop3A_545 = vector.shape_cast %parallel_loop3A_544 : vector<1x16xf32> to vector<16xf32>
      %parallel_loop3A_546 = arith.addf %parallel_loop3A_541, %parallel_loop3A_545 : vector<16xf32>
      %parallel_loop3A_547 = arith.index_cast %parallel_loop3A_509 : i32 to index
      %parallel_loop3A_548 = arith.constant 32 : index
      %parallel_loop3A_549 = tpu.vector_load %arg10[%parallel_loop3A_547, %parallel_loop3A_548] {strides = array<i32>} : memref<200x64xf32, #tpu.memory_space<vmem>>, vector<1x16xf32>,
      %parallel_loop3A_550 = vector.shape_cast %parallel_loop3A_549 : vector<1x16xf32> to vector<16xf32>
      %parallel_loop3A_551 = vector.shape_cast %parallel_loop3A_546 : vector<16xf32> to vector<1x16xf32>
      tpu.vector_store %arg10[%parallel_loop3A_547, %parallel_loop3A_548], %parallel_loop3A_551 {strides = array<i32>} : memref<200x64xf32, #tpu.memory_space<vmem>>, vector<1x16xf32>,
      %parallel_loop3A_552 = arith.index_cast %parallel_loop3A_509 : i32 to index
      %parallel_loop3A_553 = arith.constant 48 : index
      %parallel_loop3A_554 = tpu.vector_load %arg10[%parallel_loop3A_552, %parallel_loop3A_553] {strides = array<i32>} : memref<200x64xf32, #tpu.memory_space<vmem>>, vector<1x16xf32>,
      %parallel_loop3A_555 = vector.shape_cast %parallel_loop3A_554 : vector<1x16xf32> to vector<16xf32>
      %parallel_loop3A_556 = arith.index_cast %parallel_loop3A_509 : i32 to index
      %parallel_loop3A_557 = arith.constant 48 : index
      %parallel_loop3A_558 = tpu.vector_load %arg7[%parallel_loop3A_556, %parallel_loop3A_557] {strides = array<i32>} : memref<200x64xf32, #tpu.memory_space<vmem>>, vector<1x16xf32>,
      %parallel_loop3A_559 = vector.shape_cast %parallel_loop3A_558 : vector<1x16xf32> to vector<16xf32>
      %parallel_loop3A_560 = arith.addf %parallel_loop3A_555, %parallel_loop3A_559 : vector<16xf32>
      %parallel_loop3A_561 = arith.index_cast %parallel_loop3A_509 : i32 to index
      %parallel_loop3A_562 = arith.constant 48 : index
      %parallel_loop3A_563 = tpu.vector_load %arg10[%parallel_loop3A_561, %parallel_loop3A_562] {strides = array<i32>} : memref<200x64xf32, #tpu.memory_space<vmem>>, vector<1x16xf32>,
      %parallel_loop3A_564 = vector.shape_cast %parallel_loop3A_563 : vector<1x16xf32> to vector<16xf32>
      %parallel_loop3A_565 = vector.shape_cast %parallel_loop3A_560 : vector<16xf32> to vector<1x16xf32>
      tpu.vector_store %arg10[%parallel_loop3A_561, %parallel_loop3A_562], %parallel_loop3A_565 {strides = array<i32>} : memref<200x64xf32, #tpu.memory_space<vmem>>, vector<1x16xf32>,
    } {sc.loop_unroll_factor = 8 : i64, sc.parallel_access}
    %add3A_426 = arith.constant 126 : i32
    %add3A_427 = arith.addi %mul3A_2, %add3A_426 : i32
    %dma_start3A_428 = arith.constant 0 : i32
    %dma_start3A_429 = arith.constant 0 : i32
    %dma_start3A_430 = tpu.memref_slice %arg5[%add3A_427, %dma_start3A_428, %dma_start3A_429] : memref<4096x200x128xf32, #tpu.memory_space<hbm>> -> memref<1x200x64xf32, #tpu.memory_space<hbm>>
    %dma_start3A_431 = tpu.memref_squeeze %dma_start3A_430 : memref<1x200x64xf32, #tpu.memory_space<hbm>> -> memref<200x64xf32, #tpu.memory_space<hbm>>
    %dma_start3A_432 = arith.constant 0 : i32
    %dma_start3A_433 = arith.constant 0 : i32
    %dma_start3A_434 = tpu.memref_slice %arg5[%add3A_427, %dma_start3A_432, %dma_start3A_433] : memref<4096x200x128xf32, #tpu.memory_space<hbm>> -> memref<1x200x64xf32, #tpu.memory_space<hbm>>
    %dma_start3A_435 = tpu.memref_squeeze %dma_start3A_434 : memref<1x200x64xf32, #tpu.memory_space<hbm>> -> memref<200x64xf32, #tpu.memory_space<hbm>>
    tpu.enqueue_dma source(%arg10 : memref<200x64xf32, #tpu.memory_space<vmem>>) target(%dma_start3A_435 : memref<200x64xf32, #tpu.memory_space<hbm>>) target_semaphore(%arg18 : memref<!tpu.dma_semaphore, #tpu.memory_space<semaphore_mem>>)
    %dma_wait3A_436 = arith.constant 127 : i32
    %dma_wait3A_437 = arith.constant 0 : i32
    %dma_wait3A_438 = arith.constant 0 : i32
    %dma_wait3A_439 = tpu.memref_slice %arg11[%dma_wait3A_437, %dma_wait3A_438] : memref<200x64xf32, #tpu.memory_space<vmem>> -> memref<96x64xf32, #tpu.memory_space<vmem>>
    %dma_wait3A_440 = arith.constant 0 : i32
    %dma_wait3A_441 = tpu.memref_slice %arg6[%dma_wait3A_436, %dma_wait3A_440] : memref<128x200xi32, #tpu.memory_space<vmem>> -> memref<1x96xi32, #tpu.memory_space<vmem>>
    %dma_wait3A_442 = tpu.memref_squeeze %dma_wait3A_441 : memref<1x96xi32, #tpu.memory_space<vmem>> -> memref<96xi32, #tpu.memory_space<vmem>>
    %dma_wait3A_443 = arith.constant 0 : i32
    %dma_wait3A_444 = arith.constant 0 : i32
    %dma_wait3A_445 = tpu.memref_slice %arg4[%dma_wait3A_443, %dma_wait3A_444] : memref<2000000x64xf32, #tpu.memory_space<hbm>> -> memref<2000000x64xf32, #tpu.memory_space<hbm>>
    tpu.wait_indirect_dma semaphore(%arg15 : memref<!tpu.dma_semaphore, #tpu.memory_space<semaphore_mem>>) src(%dma_wait3A_445 : memref<2000000x64xf32, #tpu.memory_space<hbm>>) dst(%dma_wait3A_439 : memref<96x64xf32, #tpu.memory_space<vmem>>)
    %dma_wait3A_446 = arith.constant 127 : i32
    %dma_wait3A_447 = arith.constant 96 : i32
    %dma_wait3A_448 = arith.constant 0 : i32
    %dma_wait3A_449 = tpu.memref_slice %arg11[%dma_wait3A_447, %dma_wait3A_448] : memref<200x64xf32, #tpu.memory_space<vmem>> -> memref<104x64xf32, #tpu.memory_space<vmem>>
    %dma_wait3A_450 = arith.constant 96 : i32
    %dma_wait3A_451 = tpu.memref_slice %arg6[%dma_wait3A_446, %dma_wait3A_450] : memref<128x200xi32, #tpu.memory_space<vmem>> -> memref<1x104xi32, #tpu.memory_space<vmem>>
    %dma_wait3A_452 = tpu.memref_squeeze %dma_wait3A_451 : memref<1x104xi32, #tpu.memory_space<vmem>> -> memref<104xi32, #tpu.memory_space<vmem>>
    %dma_wait3A_453 = arith.constant 0 : i32
    %dma_wait3A_454 = arith.constant 0 : i32
    %dma_wait3A_455 = tpu.memref_slice %arg4[%dma_wait3A_453, %dma_wait3A_454] : memref<2000000x64xf32, #tpu.memory_space<hbm>> -> memref<2000000x64xf32, #tpu.memory_space<hbm>>
    tpu.wait_indirect_dma semaphore(%arg15 : memref<!tpu.dma_semaphore, #tpu.memory_space<semaphore_mem>>) src(%dma_wait3A_455 : memref<2000000x64xf32, #tpu.memory_space<hbm>>) dst(%dma_wait3A_449 : memref<104x64xf32, #tpu.memory_space<vmem>>)
    %parallel_loop3A_456 = arith.constant 0 : i32
    %parallel_loop3A_457 = arith.constant 200 : i32
    %parallel_loop3A_458 = arith.constant 1 : i32
    scf.for %parallel_loop3A_509 = %parallel_loop3A_456 to %parallel_loop3A_457 step %parallel_loop3A_458  : i32 {
      %parallel_loop3A_510 = arith.index_cast %parallel_loop3A_509 : i32 to index
      %parallel_loop3A_511 = arith.constant 0 : index
      %parallel_loop3A_512 = tpu.vector_load %arg11[%parallel_loop3A_510, %parallel_loop3A_511] {strides = array<i32>} : memref<200x64xf32, #tpu.memory_space<vmem>>, vector<1x16xf32>,
      %parallel_loop3A_513 = vector.shape_cast %parallel_loop3A_512 : vector<1x16xf32> to vector<16xf32>
      %parallel_loop3A_514 = arith.index_cast %parallel_loop3A_509 : i32 to index
      %parallel_loop3A_515 = arith.constant 0 : index
      %parallel_loop3A_516 = tpu.vector_load %arg7[%parallel_loop3A_514, %parallel_loop3A_515] {strides = array<i32>} : memref<200x64xf32, #tpu.memory_space<vmem>>, vector<1x16xf32>,
      %parallel_loop3A_517 = vector.shape_cast %parallel_loop3A_516 : vector<1x16xf32> to vector<16xf32>
      %parallel_loop3A_518 = arith.addf %parallel_loop3A_513, %parallel_loop3A_517 : vector<16xf32>
      %parallel_loop3A_519 = arith.index_cast %parallel_loop3A_509 : i32 to index
      %parallel_loop3A_520 = arith.constant 0 : index
      %parallel_loop3A_521 = tpu.vector_load %arg11[%parallel_loop3A_519, %parallel_loop3A_520] {strides = array<i32>} : memref<200x64xf32, #tpu.memory_space<vmem>>, vector<1x16xf32>,
      %parallel_loop3A_522 = vector.shape_cast %parallel_loop3A_521 : vector<1x16xf32> to vector<16xf32>
      %parallel_loop3A_523 = vector.shape_cast %parallel_loop3A_518 : vector<16xf32> to vector<1x16xf32>
      tpu.vector_store %arg11[%parallel_loop3A_519, %parallel_loop3A_520], %parallel_loop3A_523 {strides = array<i32>} : memref<200x64xf32, #tpu.memory_space<vmem>>, vector<1x16xf32>,
      %parallel_loop3A_524 = arith.index_cast %parallel_loop3A_509 : i32 to index
      %parallel_loop3A_525 = arith.constant 16 : index
      %parallel_loop3A_526 = tpu.vector_load %arg11[%parallel_loop3A_524, %parallel_loop3A_525] {strides = array<i32>} : memref<200x64xf32, #tpu.memory_space<vmem>>, vector<1x16xf32>,
      %parallel_loop3A_527 = vector.shape_cast %parallel_loop3A_526 : vector<1x16xf32> to vector<16xf32>
      %parallel_loop3A_528 = arith.index_cast %parallel_loop3A_509 : i32 to index
      %parallel_loop3A_529 = arith.constant 16 : index
      %parallel_loop3A_530 = tpu.vector_load %arg7[%parallel_loop3A_528, %parallel_loop3A_529] {strides = array<i32>} : memref<200x64xf32, #tpu.memory_space<vmem>>, vector<1x16xf32>,
      %parallel_loop3A_531 = vector.shape_cast %parallel_loop3A_530 : vector<1x16xf32> to vector<16xf32>
      %parallel_loop3A_532 = arith.addf %parallel_loop3A_527, %parallel_loop3A_531 : vector<16xf32>
      %parallel_loop3A_533 = arith.index_cast %parallel_loop3A_509 : i32 to index
      %parallel_loop3A_534 = arith.constant 16 : index
      %parallel_loop3A_535 = tpu.vector_load %arg11[%parallel_loop3A_533, %parallel_loop3A_534] {strides = array<i32>} : memref<200x64xf32, #tpu.memory_space<vmem>>, vector<1x16xf32>,
      %parallel_loop3A_536 = vector.shape_cast %parallel_loop3A_535 : vector<1x16xf32> to vector<16xf32>
      %parallel_loop3A_537 = vector.shape_cast %parallel_loop3A_532 : vector<16xf32> to vector<1x16xf32>
      tpu.vector_store %arg11[%parallel_loop3A_533, %parallel_loop3A_534], %parallel_loop3A_537 {strides = array<i32>} : memref<200x64xf32, #tpu.memory_space<vmem>>, vector<1x16xf32>,
      %parallel_loop3A_538 = arith.index_cast %parallel_loop3A_509 : i32 to index
      %parallel_loop3A_539 = arith.constant 32 : index
      %parallel_loop3A_540 = tpu.vector_load %arg11[%parallel_loop3A_538, %parallel_loop3A_539] {strides = array<i32>} : memref<200x64xf32, #tpu.memory_space<vmem>>, vector<1x16xf32>,
      %parallel_loop3A_541 = vector.shape_cast %parallel_loop3A_540 : vector<1x16xf32> to vector<16xf32>
      %parallel_loop3A_542 = arith.index_cast %parallel_loop3A_509 : i32 to index
      %parallel_loop3A_543 = arith.constant 32 : index
      %parallel_loop3A_544 = tpu.vector_load %arg7[%parallel_loop3A_542, %parallel_loop3A_543] {strides = array<i32>} : memref<200x64xf32, #tpu.memory_space<vmem>>, vector<1x16xf32>,
      %parallel_loop3A_545 = vector.shape_cast %parallel_loop3A_544 : vector<1x16xf32> to vector<16xf32>
      %parallel_loop3A_546 = arith.addf %parallel_loop3A_541, %parallel_loop3A_545 : vector<16xf32>
      %parallel_loop3A_547 = arith.index_cast %parallel_loop3A_509 : i32 to index
      %parallel_loop3A_548 = arith.constant 32 : index
      %parallel_loop3A_549 = tpu.vector_load %arg11[%parallel_loop3A_547, %parallel_loop3A_548] {strides = array<i32>} : memref<200x64xf32, #tpu.memory_space<vmem>>, vector<1x16xf32>,
      %parallel_loop3A_550 = vector.shape_cast %parallel_loop3A_549 : vector<1x16xf32> to vector<16xf32>
      %parallel_loop3A_551 = vector.shape_cast %parallel_loop3A_546 : vector<16xf32> to vector<1x16xf32>
      tpu.vector_store %arg11[%parallel_loop3A_547, %parallel_loop3A_548], %parallel_loop3A_551 {strides = array<i32>} : memref<200x64xf32, #tpu.memory_space<vmem>>, vector<1x16xf32>,
      %parallel_loop3A_552 = arith.index_cast %parallel_loop3A_509 : i32 to index
      %parallel_loop3A_553 = arith.constant 48 : index
      %parallel_loop3A_554 = tpu.vector_load %arg11[%parallel_loop3A_552, %parallel_loop3A_553] {strides = array<i32>} : memref<200x64xf32, #tpu.memory_space<vmem>>, vector<1x16xf32>,
      %parallel_loop3A_555 = vector.shape_cast %parallel_loop3A_554 : vector<1x16xf32> to vector<16xf32>
      %parallel_loop3A_556 = arith.index_cast %parallel_loop3A_509 : i32 to index
      %parallel_loop3A_557 = arith.constant 48 : index
      %parallel_loop3A_558 = tpu.vector_load %arg7[%parallel_loop3A_556, %parallel_loop3A_557] {strides = array<i32>} : memref<200x64xf32, #tpu.memory_space<vmem>>, vector<1x16xf32>,
      %parallel_loop3A_559 = vector.shape_cast %parallel_loop3A_558 : vector<1x16xf32> to vector<16xf32>
      %parallel_loop3A_560 = arith.addf %parallel_loop3A_555, %parallel_loop3A_559 : vector<16xf32>
      %parallel_loop3A_561 = arith.index_cast %parallel_loop3A_509 : i32 to index
      %parallel_loop3A_562 = arith.constant 48 : index
      %parallel_loop3A_563 = tpu.vector_load %arg11[%parallel_loop3A_561, %parallel_loop3A_562] {strides = array<i32>} : memref<200x64xf32, #tpu.memory_space<vmem>>, vector<1x16xf32>,
      %parallel_loop3A_564 = vector.shape_cast %parallel_loop3A_563 : vector<1x16xf32> to vector<16xf32>
      %parallel_loop3A_565 = vector.shape_cast %parallel_loop3A_560 : vector<16xf32> to vector<1x16xf32>
      tpu.vector_store %arg11[%parallel_loop3A_561, %parallel_loop3A_562], %parallel_loop3A_565 {strides = array<i32>} : memref<200x64xf32, #tpu.memory_space<vmem>>, vector<1x16xf32>,
    } {sc.loop_unroll_factor = 8 : i64, sc.parallel_access}
    %add3A_459 = arith.constant 127 : i32
    %add3A_460 = arith.addi %mul3A_2, %add3A_459 : i32
    %dma_start3A_461 = arith.constant 0 : i32
    %dma_start3A_462 = arith.constant 0 : i32
    %dma_start3A_463 = tpu.memref_slice %arg5[%add3A_460, %dma_start3A_461, %dma_start3A_462] : memref<4096x200x128xf32, #tpu.memory_space<hbm>> -> memref<1x200x64xf32, #tpu.memory_space<hbm>>
    %dma_start3A_464 = tpu.memref_squeeze %dma_start3A_463 : memref<1x200x64xf32, #tpu.memory_space<hbm>> -> memref<200x64xf32, #tpu.memory_space<hbm>>
    %dma_start3A_465 = arith.constant 0 : i32
    %dma_start3A_466 = arith.constant 0 : i32
    %dma_start3A_467 = tpu.memref_slice %arg5[%add3A_460, %dma_start3A_465, %dma_start3A_466] : memref<4096x200x128xf32, #tpu.memory_space<hbm>> -> memref<1x200x64xf32, #tpu.memory_space<hbm>>
    %dma_start3A_468 = tpu.memref_squeeze %dma_start3A_467 : memref<1x200x64xf32, #tpu.memory_space<hbm>> -> memref<200x64xf32, #tpu.memory_space<hbm>>
    tpu.enqueue_dma source(%arg11 : memref<200x64xf32, #tpu.memory_space<vmem>>) target(%dma_start3A_468 : memref<200x64xf32, #tpu.memory_space<hbm>>) target_semaphore(%arg19 : memref<!tpu.dma_semaphore, #tpu.memory_space<semaphore_mem>>)
    %add3A_469 = arith.constant 124 : i32
    %add3A_470 = arith.addi %mul3A_2, %add3A_469 : i32
    %dma_wait3A_471 = arith.constant 0 : i32
    %dma_wait3A_472 = arith.constant 0 : i32
    %dma_wait3A_473 = tpu.memref_slice %arg5[%add3A_470, %dma_wait3A_471, %dma_wait3A_472] : memref<4096x200x128xf32, #tpu.memory_space<hbm>> -> memref<1x200x64xf32, #tpu.memory_space<hbm>>
    %dma_wait3A_474 = tpu.memref_squeeze %dma_wait3A_473 : memref<1x200x64xf32, #tpu.memory_space<hbm>> -> memref<200x64xf32, #tpu.memory_space<hbm>>
    %dma_wait3A_475 = arith.constant 0 : i32
    %dma_wait3A_476 = arith.constant 0 : i32
    %dma_wait3A_477 = tpu.memref_slice %arg5[%add3A_470, %dma_wait3A_475, %dma_wait3A_476] : memref<4096x200x128xf32, #tpu.memory_space<hbm>> -> memref<1x200x64xf32, #tpu.memory_space<hbm>>
    %dma_wait3A_478 = tpu.memref_squeeze %dma_wait3A_477 : memref<1x200x64xf32, #tpu.memory_space<hbm>> -> memref<200x64xf32, #tpu.memory_space<hbm>>
    tpu.wait_dma2 semaphore(%arg16 : memref<!tpu.dma_semaphore, #tpu.memory_space<semaphore_mem>>) src(%arg8 : memref<200x64xf32, #tpu.memory_space<vmem>>) dst(%dma_wait3A_478 : memref<200x64xf32, #tpu.memory_space<hbm>>)
    %add3A_479 = arith.constant 125 : i32
    %add3A_480 = arith.addi %mul3A_2, %add3A_479 : i32
    %dma_wait3A_481 = arith.constant 0 : i32
    %dma_wait3A_482 = arith.constant 0 : i32
    %dma_wait3A_483 = tpu.memref_slice %arg5[%add3A_480, %dma_wait3A_481, %dma_wait3A_482] : memref<4096x200x128xf32, #tpu.memory_space<hbm>> -> memref<1x200x64xf32, #tpu.memory_space<hbm>>
    %dma_wait3A_484 = tpu.memref_squeeze %dma_wait3A_483 : memref<1x200x64xf32, #tpu.memory_space<hbm>> -> memref<200x64xf32, #tpu.memory_space<hbm>>
    %dma_wait3A_485 = arith.constant 0 : i32
    %dma_wait3A_486 = arith.constant 0 : i32
    %dma_wait3A_487 = tpu.memref_slice %arg5[%add3A_480, %dma_wait3A_485, %dma_wait3A_486] : memref<4096x200x128xf32, #tpu.memory_space<hbm>> -> memref<1x200x64xf32, #tpu.memory_space<hbm>>
    %dma_wait3A_488 = tpu.memref_squeeze %dma_wait3A_487 : memref<1x200x64xf32, #tpu.memory_space<hbm>> -> memref<200x64xf32, #tpu.memory_space<hbm>>
    tpu.wait_dma2 semaphore(%arg17 : memref<!tpu.dma_semaphore, #tpu.memory_space<semaphore_mem>>) src(%arg9 : memref<200x64xf32, #tpu.memory_space<vmem>>) dst(%dma_wait3A_488 : memref<200x64xf32, #tpu.memory_space<hbm>>)
    %add3A_489 = arith.constant 126 : i32
    %add3A_490 = arith.addi %mul3A_2, %add3A_489 : i32
    %dma_wait3A_491 = arith.constant 0 : i32
    %dma_wait3A_492 = arith.constant 0 : i32
    %dma_wait3A_493 = tpu.memref_slice %arg5[%add3A_490, %dma_wait3A_491, %dma_wait3A_492] : memref<4096x200x128xf32, #tpu.memory_space<hbm>> -> memref<1x200x64xf32, #tpu.memory_space<hbm>>
    %dma_wait3A_494 = tpu.memref_squeeze %dma_wait3A_493 : memref<1x200x64xf32, #tpu.memory_space<hbm>> -> memref<200x64xf32, #tpu.memory_space<hbm>>
    %dma_wait3A_495 = arith.constant 0 : i32
    %dma_wait3A_496 = arith.constant 0 : i32
    %dma_wait3A_497 = tpu.memref_slice %arg5[%add3A_490, %dma_wait3A_495, %dma_wait3A_496] : memref<4096x200x128xf32, #tpu.memory_space<hbm>> -> memref<1x200x64xf32, #tpu.memory_space<hbm>>
    %dma_wait3A_498 = tpu.memref_squeeze %dma_wait3A_497 : memref<1x200x64xf32, #tpu.memory_space<hbm>> -> memref<200x64xf32, #tpu.memory_space<hbm>>
    tpu.wait_dma2 semaphore(%arg18 : memref<!tpu.dma_semaphore, #tpu.memory_space<semaphore_mem>>) src(%arg10 : memref<200x64xf32, #tpu.memory_space<vmem>>) dst(%dma_wait3A_498 : memref<200x64xf32, #tpu.memory_space<hbm>>)
    %add3A_499 = arith.constant 127 : i32
    %add3A_500 = arith.addi %mul3A_2, %add3A_499 : i32
    %dma_wait3A_501 = arith.constant 0 : i32
    %dma_wait3A_502 = arith.constant 0 : i32
    %dma_wait3A_503 = tpu.memref_slice %arg5[%add3A_500, %dma_wait3A_501, %dma_wait3A_502] : memref<4096x200x128xf32, #tpu.memory_space<hbm>> -> memref<1x200x64xf32, #tpu.memory_space<hbm>>
    %dma_wait3A_504 = tpu.memref_squeeze %dma_wait3A_503 : memref<1x200x64xf32, #tpu.memory_space<hbm>> -> memref<200x64xf32, #tpu.memory_space<hbm>>
    %dma_wait3A_505 = arith.constant 0 : i32
    %dma_wait3A_506 = arith.constant 0 : i32
    %dma_wait3A_507 = tpu.memref_slice %arg5[%add3A_500, %dma_wait3A_505, %dma_wait3A_506] : memref<4096x200x128xf32, #tpu.memory_space<hbm>> -> memref<1x200x64xf32, #tpu.memory_space<hbm>>
    %dma_wait3A_508 = tpu.memref_squeeze %dma_wait3A_507 : memref<1x200x64xf32, #tpu.memory_space<hbm>> -> memref<200x64xf32, #tpu.memory_space<hbm>>
    tpu.wait_dma2 semaphore(%arg19 : memref<!tpu.dma_semaphore, #tpu.memory_space<semaphore_mem>>) src(%arg11 : memref<200x64xf32, #tpu.memory_space<vmem>>) dst(%dma_wait3A_508 : memref<200x64xf32, #tpu.memory_space<hbm>>)
    return
  }
}

module attributes {stable_mosaic.version = 14 : i64} {
  func.func @_tpad_body(%arg0: i32, %arg1: memref<64x8192xf32, #tpu.memory_space<vmem>>, %arg2: memref<8192x128xf32, #tpu.memory_space<vmem>>) attributes {dimension_semantics = [#tpu.dimension_semantics<arbitrary>], iteration_bounds = array<i64: 123>, scalar_prefetch = 0 : i64, scratch_operands = 0 : i64, tpu.core_type = #tpu.core_type<tc>, window_params = [{transform_indices = @transform_0, window_bounds = array<i64: 64, 8192>}, {transform_indices = @transform_1, window_bounds = array<i64: 8192, 128>}]} {
    %get3A = arith.constant 0 : index
    %get3A_0 = arith.constant 0 : index
    %get3A_1 = vector.load %arg1[%get3A, %get3A_0] : memref<64x8192xf32, #tpu.memory_space<vmem>>, vector<64x8192xf32>
    %transpose3A = tpu.transpose %get3A_1, [1, 0] : vector<64x8192xf32> -> vector<8192x64xf32>
    %swap3A = arith.constant 0 : index
    %swap3A_2 = arith.constant 0 : index
    %swap3A_3 = vector.load %arg2[%swap3A, %swap3A_2] : memref<8192x128xf32, #tpu.memory_space<vmem>>, vector<8192x64xf32>
    tpu.vector_store %arg2[%swap3A, %swap3A_2], %transpose3A {strides = array<i32>} : memref<8192x128xf32, #tpu.memory_space<vmem>>, vector<8192x64xf32>,
    return
  }
  func.func @transform_0(%arg0: i32) -> (i32, i32) {
    %c0_i32 = arith.constant 0 : i32
    %c0_i32_0 = arith.constant 0 : i32
    return %c0_i32, %arg0 : i32, i32
  }
  func.func @transform_1(%arg0: i32) -> (i32, i32) {
    %c0_i32 = arith.constant 0 : i32
    %c0_i32_0 = arith.constant 0 : i32
    return %arg0, %c0_i32 : i32, i32
  }
}

</mosaic_0001>

<sc_bundles>
// kernel: kernel.4.cloned.1.call-start
scs
__scs_entry_jumppad:
0x0: {  	(pc) =	sbr.rel $0x88, $3  }
0x1: {  	(tag) =	ssettag $0x0;
	lr =	simm.s32 $0x1  }
0x2: {  	[smem:$0x3F9E] =	sst lr;
	_ =	strace $0xD0000000  }
0x3: {  	_ = 	snop  }
0x4: {  	_ = 	snop  }
0x5: {  	_ = 	snop  }
0x6: {  	_ = 	snop  }
0x7: {  	_ = 	snop  }
__scs_overlays_trampoline_lowered:
0x8: {  	[smem:$0x3FAD] =	sst s0  }
0x9: {  	[smem:$0x3FAE] =	sst s1  }
0xa: {  	[smem:$0x3FAF] =	sst s2  }
0xb: {  	[smem:$0x3FB0] =	sst s3  }
0xc: {  	[smem:$0x3FB1] =	sst s4  }
0xd: {  	[smem:$0x3FB2] =	sst s5  }
0xe: {  	[smem:$0x3FB3] =	sst s6  }
0xf: {  	[smem:$0x3FB4] =	sst s7  }
0x10: {  	[smem:$0x3FB5] =	sst s8  }
0x11: {  	[smem:$0x3FB6] =	sst s9;
	s0 =	simm.s32 @!p0 $0x0  }
0x12: {  	s1 =	sld [smem:$0x3F9C];
	s0 =	simm.s32 @p0 $0x1  }
0x13: {  	[smem:$0x3FB7] =	sst s0;
	s0 =	simm.s32 @!p1 $0x0  }
0x14: {  	s2 =	sld [smem:$0x3F9B];
	s0 =	simm.s32 @p1 $0x1  }
0x15: {  	[smem:$0x3FB8] =	sst s0;
	s0 =	simm.s32 @!p2 $0x0  }
0x16: {  	s3 =	sld [smem:$0x3FDB];
	s0 =	simm.s32 @p2 $0x1  }
0x17: {  	s4 =	simm.s32 $0x1BF5;
	[smem:$0x3FBA] =	sst s0  }
0x18: {  	s0 =	sld [smem:$0x3F9D];
	_ =	swait.ge [sflag:s4], $0x0  }
0x19: {  	s7 =	sld [smem:$0x3F9E]  }
0x1a: {  	s8 =	sadd.s32 $0xFFFFE003, lr  }
0x1b: {  	s9 =	sadd.s32 $0xFFFFFEF7, lr;
	s5 =	simm.s32 $0xFFFFFFFF;
	p2 =	slt.u32 s8, $0xFFFFF086  }
0x1c: {  	p1 =	slt.u32 s9, $0xF7A;
	s5 =	simm.s32 @!p2 $0x0  }
0x1d: {  	s5 =	simm.s32 @p1 $0x1;
	p0 =	seq.s32 s7, s2  }
0x1e: {  	s7 =	smul.u32 @!p0 $0xF7A, s2;
	p2 =	seq.s32 @!p0 s5, $0x0  }
0x1f: {  	s9 =	smul.u32 $0xF7A, s1;
	s8 =	simm.s32 @!p0 $0x1BF5;
	p2 =	por !p2, p0  }
0x20: {  	[sflag:s8] =	ssyncset.s32 @!p0 $0xFFFFF086;
	s6 =	sadd.s32 @!p0 s3, s7;
	s7 =	simm.s32 @!p0 $0x108  }
0x21: {  	s3 =	sadd.s32 s3, s9;
	s6 =	sadd.s32 @!p0 $0x88, s6;
	s7 =	simm.s32 @p2 $0x1082  }
0x22: {  	[simem:s7], [sflag:s8] =	dma.local @!p0 [hbm:s6], $0xF7A  }
0x23: {  	s9 =	sor.u32 $0xD0000000, s2;
	s6 =	simm.s32 $0x108;
	_ =	swait.ge @!p0 [sflag:s8], $0x0  }
0x24: {  	s3 =	sadd.s32 $0x88, s3;
	s6 =	simm.s32 @!p1 $0x1082;
	[sflag:s4] =	ssyncset.s32 $0xFFFFF086  }
0x25: {  	[simem:s6], [sflag:s4] =	dma.local [hbm:s3], $0xF7A  }
0x26: {  	[smem:$0x3F9E] =	sst s1;
	(tag) =	ssettag s2;
	_ =	strace s9  }
0x27: {  	s1 =	sld [smem:$0x3FAE]  }
0x28: {  	s2 =	sld [smem:$0x3FAF]  }
0x29: {  	s4 =	sld [smem:$0x3FB1]  }
0x2a: {  	p0 =	seq.s32 s5, $0x0;
	s5 =	sld [smem:$0x3FB2]  }
0x2b: {  	s6 =	sld [smem:$0x3FB3]  }
0x2c: {  	s7 =	sld [smem:$0x3FB4]  }
0x2d: {  	s3 =	simm.s32 $0x108;
	s8 =	sld [smem:$0x3FB5]  }
0x2e: {  	s3 =	simm.s32 @!p0 $0x1082;
	s9 =	sld [smem:$0x3FB6]  }
0x2f: {  	lr =	sadd.s32 s0, s3;
	s0 =	sld [smem:$0x3FAD]  }
0x30: {  	s3 =	sld [smem:$0x3FB0]  }
0x31: {  	[smem:$0x3FB9] =	sst s10  }
0x32: {  	s10 =	sld [smem:$0x3FB7];
	_ =	sdelay $0x3  }
0x33: {  	p0 =	seq.s32 s10, $0x1;
	s10 =	sld [smem:$0x3FB9];
	_ =	sdelay $0x3  }
0x34: {  	[smem:$0x3FB9] =	sst s10  }
0x35: {  	s10 =	sld [smem:$0x3FB8];
	_ =	sdelay $0x3  }
0x36: {  	p1 =	seq.s32 s10, $0x1;
	s10 =	sld [smem:$0x3FB9];
	_ =	sdelay $0x3  }
0x37: {  	[smem:$0x3FB9] =	sst s10  }
0x38: {  	s10 =	sld [smem:$0x3FBA]  }
0x39: {  	_ = 	snop;
	(pc) =	sbr.ind lr, $3  }
0x3a: {  	_ = 	snop  }
0x3b: {  	_ = 	snop  }
0x3c: {  	p2 =	seq.s32 s10, $0x1;
	s10 =	sld [smem:$0x3FB9]  }
0x3d: {  	_ =	shalt  }
0x3e: {  	_ =	shalt  }
0x3f: {  	_ =	shalt  }
0x40: {  	_ =	shalt  }
0x41: {  	_ =	shalt  }
0x42: {  	_ =	shalt  }
0x43: {  	_ =	shalt  }
0x44: {  	_ =	shalt  }
0x45: {  	_ =	shalt  }
0x46: {  	_ =	shalt  }
0x47: {  	_ =	shalt  }
0x48: {  	_ =	shalt  }
0x49: {  	_ =	shalt  }
0x4a: {  	_ =	shalt  }
0x4b: {  	_ =	shalt  }
0x4c: {  	_ =	shalt  }
0x4d: {  	_ =	shalt  }
0x4e: {  	_ =	shalt  }
0x4f: {  	_ =	shalt  }
0x50: {  	_ =	shalt  }
0x51: {  	_ =	shalt  }
0x52: {  	_ =	shalt  }
0x53: {  	_ =	shalt  }
0x54: {  	_ =	shalt  }
0x55: {  	_ =	shalt  }
0x56: {  	_ =	shalt  }
0x57: {  	_ =	shalt  }
0x58: {  	_ =	shalt  }
0x59: {  	_ =	shalt  }
0x5a: {  	_ =	shalt  }
0x5b: {  	_ =	shalt  }
0x5c: {  	_ =	shalt  }
0x5d: {  	_ =	shalt  }
0x5e: {  	_ =	shalt  }
0x5f: {  	_ =	shalt  }
0x60: {  	_ =	shalt  }
0x61: {  	_ =	shalt  }
0x62: {  	_ =	shalt  }
0x63: {  	_ =	shalt  }
0x64: {  	_ =	shalt  }
0x65: {  	_ =	shalt  }
0x66: {  	_ =	shalt  }
0x67: {  	_ =	shalt  }
0x68: {  	_ =	shalt  }
0x69: {  	_ =	shalt  }
0x6a: {  	_ =	shalt  }
0x6b: {  	_ =	shalt  }
0x6c: {  	_ =	shalt  }
0x6d: {  	_ =	shalt  }
0x6e: {  	_ =	shalt  }
0x6f: {  	_ =	shalt  }
0x70: {  	_ =	shalt  }
0x71: {  	_ =	shalt  }
0x72: {  	_ =	shalt  }
0x73: {  	_ =	shalt  }
0x74: {  	_ =	shalt  }
0x75: {  	_ =	shalt  }
0x76: {  	_ =	shalt  }
0x77: {  	_ =	shalt  }
0x78: {  	_ =	shalt  }
0x79: {  	_ =	shalt  }
0x7a: {  	_ =	shalt  }
0x7b: {  	_ =	shalt  }
0x7c: {  	_ =	shalt  }
0x7d: {  	_ =	shalt  }
0x7e: {  	_ =	shalt  }
0x7f: {  	_ =	shalt  }
0x80: {  	_ =	shalt  }
0x81: {  	_ =	shalt  }
0x82: {  	_ =	shalt  }
0x83: {  	_ =	shalt  }
0x84: {  	_ =	shalt  }
0x85: {  	_ =	shalt  }
0x86: {  	_ =	shalt  }
0x87: {  	_ =	shalt  }
.Lfunc_end0:
.L_simem_size_0:
called_computation.1_lowered:
.L_overlay_start_0:
0x88: {  	s2 =	sld [smem:$0x3FD9]  }
0x89: {  	s3 =	sld [smem:$0x3FFE];
	_ =	sdelay $0x1  }
0x8a: {  	s1 =	srdreg.scid  }
0x8b: {  	s0 =	sand.u32 $0x1, s1  }
0x8c: {  	s17 =	sshll.u32 s0, $0xA;
	s2 =	sadd.s32 s3, s2  }
0x8d: {  	s2 =	sadd.s32 s2, s17  }
0x8e: {  	[smem:$0x3FC5] =	sst s2  }
0x8f: {  	_ = 	snop  }
0x90: {  	s2 =	sld [smem:$0x3FD0];
	(tm) =	ssettm $0x1  }
0x91: {  	s18 =	sld [smem:$0x3FFB];
	_ =	sdelay $0x3  }
0x92: {  	_ =	strace s18  }
0x93: {  	s3 =	sld [smem:$0x3FFC];
	_ =	sdelay $0x3  }
0x94: {  	_ =	strace s3  }
0x95: {  	s3 =	sld [smem:$0x3FFD];
	_ =	sdelay $0x3  }
0x96: {  	_ =	strace s3  }
0x97: {  	_ =	strace $0x8FFFFFFF  }
0x98: {  	s19 =	sld [smem:$0x3FDB];
	_ =	sdelay $0x1  }
0x99: {  	s4 =	simm.s32 $_scs_section_size  }
0x9a: {  	s5 =	simm.s32 $_size__tile_overlayer_lowered;
	s6 =	simm.s32 $_tile_overlayer_lowered  }
0x9b: {  	s22 =	simm.s32 $0x1BFF;
	s21 =	sshll.u32 s6, $0x1;
	s3 =	sadd.s32 s4, s19  }
0x9c: {  	s7 =	simm.s32 $0x0;
	s20 =	sshll.u32 s5, $0x1;
	s5 =	sadd.s32 s21, s3  }
0x9d: {  	[timem:s7], [sflag:s22] =	dma.local [hbm:s5], s20  }
0x9e: {  	_ =	swait.ge [sflag:s22], s20  }
0x9f: {  	s4 =	ssub.s32 $0x0, s20;
	[sflag:s22] =	ssyncset.done $0x0  }
0xa0: {  	[sflag:s22] =	ssyncadd.s32 s4;
	_ =	sdelay $0x1  }
0xa1: {  	s23 =	simm.s32 $0x1B8B  }
0xa2: {  	_ =	swait.ge [sflag:s23], $0x1  }
0xa3: {  	[sflag:s23] =	ssyncset.done $0x0  }
0xa4: {  	s25 =	simm.s32 $0x1B8E;
	s24 =	sld [smem:$0x3FFE];
	[sflag:s23] =	ssyncadd.s32 $0xFFFFFFFF  }
0xa5: {  	s26 =	simm.s32 $execute0_lowered;
	[smem:$0x3FD2] =	sst s25  }
0xa6: {  	s5 =	sshll.u32 s26, $0x1;
	_ =	strace $0x80000046;
	[dreg:$0x1] =	wrdreg $0xFFFFFFFF  }
0xa7: {  	s28 =	simm.s32 $_size_execute0_lowered;
	s3 =	sadd.s32 s3, s5;
	[dreg:$0x0] =	wrdreg $0x0  }
0xa8: {  	s5 =	sshll.u32 s28, $0x1;
	[dreg:$0x2] =	wrdreg s3  }
0xa9: {  	[dreg:$0x3] =	wrdreg s5  }
0xaa: {  	[dreg:$0x4] =	wrdreg $0xC0  }
0xab: {  	_ =	task [dreg:s7], $0x5FFFF  }
0xac: {  	[dreg:$0x1] =	wrdreg $0xFFFFFFFF  }
0xad: {  	[dreg:$0x0] =	wrdreg $0x60  }
0xae: {  	[dreg:$0x2] =	wrdreg s2  }
0xaf: {  	[dreg:$0x3] =	wrdreg s24  }
0xb0: {  	[dreg:$0x4] =	wrdreg $0x9  }
0xb1: {  	_ =	task.clear_ibuf [dreg:s7], $0x5FFFF;
	_ =	strace $0x90000046  }
0xb2: {  	s29 =	simm.s32 $0x9;
	_ =	strace $0x80000048  }
0xb3: {  	_ =	swait.ge [sflag:s29], $0x1  }
0xb4: {  	[sflag:s29] =	ssyncadd.s32 $0xFFFFFFFF  }
0xb5: {  	_ =	strace $0x90000048  }
0xb6: {  	_ =	sfence  }
0xb7: {  	s30 =	sld [smem:$0x0];
	_ =	sdelay $0x2  }
0xb8: {  	s31 =	sshll.u32 s1, $0xD;
	s1 =	sshrl.u32 s1, $0x2  }
0xb9: {  	s3 =	sand.u32 $0x4000, s31;
	s1 =	sadd.s32 s1, s30  }
0xba: {  	s0 =	sor.u32 s3, s0;
	s1 =	sshll.u32 s1, $0x11  }
0xbb: {  	s0 =	sor.u32 s1, s0  }
0xbc: {  	s0 =	sadd.s32 $0x8F2B, s0  }
0xbd: {  	[sflag:s0] =	ssyncadd.remote.s32 $0x1  }
0xbe: {  	_ =	sfence.sel $0xFFFF  }
0xbf: {  	[dreg:$0x0] =	wrdreg $0xFFFFFFFF;
	(pc) =	sbr.abs _section_cstart, $3  }
0xc0: {  	[dreg:$0x1] =	wrdreg $0xFFFFFFFF  }
0xc1: {  	_ =	task.clear_ibuf [dreg:s7], $0x2FFFF;
	_ =	strace $0x9FFFFFFF  }
0xc2: {  	(tm) =	ssettm $0x7FFFFFFF  }
0xc3: {  	_ =	shalt  }
tec
execute0_lowered:
.L_overlay_start_1:
0x0: {  	(tag) =	ssettag $0x1  }
0x1: {  	s0 =	rddreg [dreg:$0x0]  }
0x2: {  	s1 =	rddreg [dreg:$0x1]  }
0x3: {  	s2 =	srdreg.scid;
	s3 =	stileid.u32  }
0x4: {  	s5 =	simm.s32 $0x0;
	s29 =	simm.s32 $0xFA00;
	s31 =	simm.s32 $0x11200  }
0x5: {  	s30 =	simm.s32 $0x14400;
	s28 =	simm.s32 $0x5;
	s10 =	simm.s32 $0x7  }
0x6: {  	s11 =	simm.s32 $0x8;
	s2 =	sand.u32 $0x1, s2;
	s3 =	sshll.u32 s3, $0x8  }
0x7: {  	[smem:$0x7FF] =	sst s5;
	s17 =	sadd.s32 $0x800, s1;
	s4 =	sshll.u32 s2, $0x7  }
0x8: {  	s5 =	sadd.s32 $0xF43400, s1;
	s6 =	sadd.s32 $0x1000, s1;
	s3 =	sor.u32 s4, s3  }
0x9: {  	s1 =	simm.s32 $0x40;
	s2 =	ssub.s32 $0x2, s2;
	s4 =	smul.u32 $0x19, s3  }
0xa: {  	_ =	strace $0x80000047;
	s8 =	sshrl.u32 s2, $0x1;
	s7 =	smul.u32 $0xC80, s3  }
0xb: {  	[dreg:$0x3] =	wrdreg s17;
	s9 =	smul.u32 $0x6400, s3;
	s18 =	ssub.s32 s2, s8  }
0xc: {  	s8 =	simm.s32 $0x6;
	s26 =	smax.u32 s18, $0x1;
	s18 =	simm.s32 $0x80  }
0xd: {  	s19 =	sadd.s32 s5, s7;
	s0 =	sadd.s32 s0, s4;
	[dreg:$0xd] =	wrdreg s26  }
0xe: {  	s21 =	sshrl.u32 s9, $0x3;
	s26 =	simm.s32 $0xE000;
	[dreg:$0x5] =	wrdreg s0  }
0xf: {  	s4 =	simm.s32 $0x3;
	s20 =	sadd.s32 $0xC80, s19;
	[dreg:$0x4] =	wrdreg s19  }
0x10: {  	s9 =	simm.s32 $0x4;
	s22 =	sadd.s32 $0x1900, s19;
	[dreg:$0x6] =	wrdreg s20  }
0x11: {  	s2 =	sadd.s32 $0x2580, s19;
	s0 =	sadd.s32 s5, s21;
	[dreg:$0x7] =	wrdreg s22  }
0x12: {  	s7 =	simm.s32 $0x0;
	[dreg:$0x8] =	wrdreg s2;
	s23 =	sadd.s32 $0x60E00, s0  }
0x13: {  	s19 =	simm.s32 $0x60;
	s24 =	sadd.s32 $0x61A80, s0;
	[dreg:$0x9] =	wrdreg s23  }
0x14: {  	s21 =	simm.s32 $0x68;
	s25 =	sadd.s32 $0x62700, s0;
	[dreg:$0xa] =	wrdreg s24  }
0x15: {  	s0 =	sadd.s32 $0x63380, s0;
	s20 =	simm.s32 $0x9600;
	[dreg:$0xb] =	wrdreg s25  }
0x16: {  	s22 =	simm.s32 $0xAE00;
	[dreg:$0xc] =	wrdreg s0;
	s24 =	simm.s32 $0xC800  }
0x17: {  	s0 =	simm.s32 $0x1;
	s25 =	simm.s32 $0x12C00;
	s23 =	simm.s32 $0x2  }
.LBB2_1:
0x18: {  	[dreg:$0xe] =	wrdreg s7  }
0x19: {  	s2 =	simm.s32 $0x0;
	s16 =	rddreg [dreg:$0x5];
	s12 =	simm.s32 $0x9  }
0x1a: {  	[tilespmem:s2], [sflag:$0x9] =	stream.linear.gather [hbm4b:s16+s2], $0x6400, $0x38;
	[tilespmem:$0x15E00] =	vst v63  }
0x1b: {  	_ =	swait.ge [sflag:s12], $0x6400  }
0x1c: {  	[sflag:s12] =	ssyncset.done $0x0  }
0x1d: {  	s13 =	simm.s32 $0x6400;
	s17 =	rddreg [dreg:$0x3];
	[sflag:s12] =	ssyncadd.s32 $0xFFFF9C00  }
0x1e: {  	[tilespmem:s13], [sflag:$0x9] =	stream.linear.gather [hbm4b:s17+s2], $0x3200, $0x38;
	[tilespmem:$0x15E00] =	vst v63  }
0x1f: {  	_ =	swait.ge [sflag:s12], $0x3200  }
0x20: {  	[sflag:s12] =	ssyncset.done $0x0  }
0x21: {  	[sflag:s12] =	ssyncadd.s32 $0xFFFFCE00  }
0x22: {  	[tilespmem:s20], [sflag:$0x1] =	stream.indirect.gather [hbm4b:s6+s19], $0x40, s2, s19, $0xb8;
	[tilespmem:$0x15E00] =	vst v63  }
0x23: {  	_ = 	snop  }
0x24: {  	[tilespmem:s22], [sflag:$0x1] =	stream.indirect.gather [hbm4b:s6+s21], $0x40, s19, s21, $0xb8;
	[tilespmem:$0x15E00] =	vst v63  }
0x25: {  	s14 =	simm.s32 $0xC8  }
0x26: {  	[tilespmem:s24], [sflag:$0x2] =	stream.indirect.gather [hbm4b:s6+s19], $0x40, s14, s19, $0xb8;
	[tilespmem:$0x15E00] =	vst v63  }
0x27: {  	s15 =	simm.s32 $0x128  }
0x28: {  	[tilespmem:s26], [sflag:$0x2] =	stream.indirect.gather [hbm4b:s6+s21], $0x40, s15, s21, $0xb8;
	[tilespmem:$0x15E00] =	vst v63  }
0x29: {  	s16 =	simm.s32 $0x190  }
0x2a: {  	[tilespmem:s29], [sflag:$0x3] =	stream.indirect.gather [hbm4b:s6+s19], $0x40, s16, s19, $0xb8;
	[tilespmem:$0x15E00] =	vst v63  }
0x2b: {  	s17 =	simm.s32 $0x1F0  }
0x2c: {  	[tilespmem:s31], [sflag:$0x3] =	stream.indirect.gather [hbm4b:s6+s21], $0x40, s17, s21, $0xb8;
	[tilespmem:$0x15E00] =	vst v63  }
0x2d: {  	_ =	swait.ge [sflag:s0], $0x1800  }
0x2e: {  	[sflag:s0] =	ssyncset.done $0x0  }
0x2f: {  	[sflag:s0] =	ssyncadd.s32 $0xFFFFE800  }
0x30: {  	_ =	swait.ge [sflag:s0], $0x1A00  }
0x31: {  	[sflag:s0] =	ssyncset.done $0x0  }
0x32: {  	s7 =	simm.s32 $0x9700;
	[sflag:s0] =	ssyncadd.s32 $0xFFFFE600  }
0x33: {  	s13 =	simm.s32 $0x6500;
	v0 =	vld [tilespmem:s7+$0xC0]  }
0x34: {  	v1 =	vld [tilespmem:s13+$0xC0]  }
0x35: {  	v2 =	vld [tilespmem:s13+$0xFFFFFF00]  }
0x36: {  	v3 =	vld [tilespmem:s7+$0xFFFFFF40]  }
0x37: {  	v4 =	vld [tilespmem:s7+$0xFFFFFF80]  }
0x38: {  	v6 =	vld [tilespmem:s13+$0xFFFFFF80]  }
0x39: {  	v7 =	vld [tilespmem:s7+$0xFFFFFFC0]  }
0x3a: {  	v8 =	vld [tilespmem:s13+$0xFFFFFFC0]  }
0x3b: {  	v9 =	vld [tilespmem:s7+$0x0]  }
0x3c: {  	v10 =	vld [tilespmem:s13+$0x0]  }
0x3d: {  	v11 =	vld [tilespmem:s13+$0x40]  }
0x3e: {  	v60 =	vld [tilespmem:s7+$0xFFFFFFD0]  }
0x3f: {  	v13 =	vld [tilespmem:s7+$0x10]  }
0x40: {  	v61 =	vld [tilespmem:s7+$0xFFFFFFE0]  }
0x41: {  	v62 =	vld [tilespmem:s7+$0x60];
	v0 =	vadd.f32 v1, v0  }
0x42: {  	v1 =	vld [tilespmem:s13+$0xFFFFFF40]  }
0x43: {  	[tilespmem:s7+$0xC0] =	vst v0;
	v0 =	vld [tilespmem:s7+$0xD0]  }
0x44: {  	v5 =	vld [tilespmem:s13+$0xD0]  }
0x45: {  	v63 =	vld [tilespmem:s7+$0xFFFFFF30];
	v4 =	vadd.f32 v6, v4  }
0x46: {  	v6 =	vld [tilespmem:s13+$0x80]  }
0x47: {  	[tilespmem:s7+$0xFFFFFF80] =	vst v4;
	v4 =	vadd.f32 v10, v9;
	v10 =	vld [tilespmem:s7+$0xFFFFFF50];
	v1 =	vadd.f32 v1, v3  }
0x48: {  	v3 =	vld [tilespmem:s7+$0x80]  }
0x49: {  	[tilespmem:s7+$0xFFFFFF40] =	vst v1;
	v0 =	vadd.f32 v5, v0;
	v5 =	vld [tilespmem:s7+$0x40]  }
0x4a: {  	v1 =	vadd.f32 v8, v7;
	v8 =	vld [tilespmem:s13+$0xFFFFFF50]  }
0x4b: {  	[tilespmem:s7+$0xD0] =	vst v0;
	v0 =	vld [tilespmem:s7+$0xE0]  }
0x4c: {  	[tilespmem:s7+$0x0] =	vst v4;
	v12 =	vld [tilespmem:s13+$0xE0]  }
0x4d: {  	v9 =	vld [tilespmem:s13+$0x10]  }
0x4e: {  	v7 =	vld [tilespmem:s7+$0xFFFFFF00]  }
0x4f: {  	[tilespmem:s7+$0xFFFFFFC0] =	vst v1;
	v1 =	vld [tilespmem:s13+$0xFFFFFF90]  }
0x50: {  	v4 =	vld [tilespmem:s13+$0xFFFFFFD0];
	v8 =	vadd.f32 v8, v10  }
0x51: {  	v5 =	vadd.f32 v11, v5;
	v11 =	vld [tilespmem:s7+$0xFFFFFF90];
	v0 =	vadd.f32 v12, v0  }
0x52: {  	v10 =	vld [tilespmem:s7+$0x90];
	[tilespmem:s7+$0xFFFFFF50] =	vst v8  }
0x53: {  	v8 =	vld [tilespmem:s13+$0xFFFFFF60];
	[tilespmem:s7+$0xE0] =	vst v0;
	v0 =	vadd.f32 v2, v7  }
0x54: {  	[tilespmem:s7+$0x40] =	vst v5;
	v7 =	vld [tilespmem:s7+$0xF0];
	v2 =	vadd.f32 v6, v3  }
0x55: {  	v5 =	vld [tilespmem:s13+$0xF0];
	[tilespmem:s7+$0xFFFFFF00] =	vst v0  }
0x56: {  	v1 =	vadd.f32 v1, v11;
	[tilespmem:s7+$0x80] =	vst v2;
	v2 =	vld [tilespmem:s7+$0xFFFFFF10]  }
0x57: {  	v3 =	vld [tilespmem:s13+$0xFFFFFF10]  }
0x58: {  	[tilespmem:s7+$0xFFFFFF90] =	vst v1;
	v1 =	vadd.f32 v9, v13;
	v6 =	vld [tilespmem:s13+$0x90]  }
0x59: {  	v4 =	vadd.f32 v4, v60;
	v0 =	vld [tilespmem:s13+$0x50]  }
0x5a: {  	v9 =	vld [tilespmem:s13+$0xFFFFFFA0];
	[tilespmem:s7+$0x10] =	vst v1  }
0x5b: {  	[tilespmem:s7+$0xFFFFFFD0] =	vst v4;
	v4 =	vld [tilespmem:s13+$0x20]  }
0x5c: {  	v2 =	vadd.f32 v3, v2;
	v3 =	vld [tilespmem:s7+$0x50]  }
0x5d: {  	v1 =	vadd.f32 v6, v10;
	v10 =	vld [tilespmem:s7+$0xFFFFFFA0]  }
0x5e: {  	[tilespmem:s7+$0xFFFFFF10] =	vst v2;
	v2 =	vld [tilespmem:s7+$0xFFFFFF20]  }
0x5f: {  	v11 =	vld [tilespmem:s13+$0xFFFFFF20]  }
0x60: {  	v5 =	vadd.f32 v5, v7;
	[tilespmem:s7+$0x90] =	vst v1;
	v1 =	vld [tilespmem:s7+$0xFFFFFF60]  }
0x61: {  	v7 =	vld [tilespmem:s7+$0x30]  }
0x62: {  	[tilespmem:s7+$0xF0] =	vst v5;
	v5 =	vld [tilespmem:s7+$0x70]  }
0x63: {  	v6 =	vld [tilespmem:s13+$0xA0]  }
0x64: {  	v0 =	vadd.f32 v0, v3;
	v3 =	vld [tilespmem:s13+$0xFFFFFFE0];
	v2 =	vadd.f32 v11, v2  }
0x65: {  	v1 =	vadd.f32 v8, v1;
	v8 =	vadd.f32 v9, v10;
	v9 =	vld [tilespmem:s7+$0xFFFFFFB0]  }
0x66: {  	[tilespmem:s7+$0xFFFFFF20] =	vst v2;
	v2 =	vld [tilespmem:s7+$0xA0]  }
0x67: {  	[tilespmem:s7+$0x50] =	vst v0;
	v11 =	vld [tilespmem:s7+$0x20]  }
0x68: {  	v0 =	vld [tilespmem:s13+$0x60];
	[tilespmem:s7+$0xFFFFFF60] =	vst v1  }
0x69: {  	[tilespmem:s7+$0xFFFFFFA0] =	vst v8;
	v8 =	vld [tilespmem:s7+$0xFFFFFFF0]  }
0x6a: {  	v1 =	vadd.f32 v3, v61;
	v14 =	vld [tilespmem:s13+$0xFFFFFF70]  }
0x6b: {  	v10 =	vld [tilespmem:s13+$0xFFFFFF30];
	v6 =	vadd.f32 v6, v2  }
0x6c: {  	[tilespmem:s7+$0xFFFFFFE0] =	vst v1;
	v3 =	vadd.f32 v4, v11;
	v4 =	vld [tilespmem:s13+$0xFFFFFFB0]  }
0x6d: {  	v0 =	vadd.f32 v0, v62;
	[tilespmem:s7+$0xA0] =	vst v6;
	v6 =	vld [tilespmem:s7+$0xFFFFFF70]  }
0x6e: {  	v1 =	vld [tilespmem:s13+$0xFFFFFFF0];
	[tilespmem:s7+$0x20] =	vst v3  }
0x6f: {  	[tilespmem:s7+$0x60] =	vst v0;
	v2 =	vld [tilespmem:s13+$0x30]  }
0x70: {  	v3 =	vld [tilespmem:s13+$0x70];
	v10 =	vadd.f32 v10, v63  }
0x71: {  	v0 =	vld [tilespmem:s13+$0xB0]  }
0x72: {  	s2 =	simm.s32 $0x0;
	s14 =	simm.s32 $0x9900;
	[tilespmem:s7+$0xFFFFFF30] =	vst v10;
	v10 =	vadd.f32 v14, v6;
	v6 =	vld [tilespmem:s7+$0xB0]  }
.LBB2_2:
0x73: {  	v11 =	vld [tilespmem:s14+$0xC0];
	v4 =	vadd.f32 v4, v9;
	s13 =	sadd.s32 $0x200, s13  }
0x74: {  	s2 =	sadd.s32 $0x8, s2;
	v9 =	vld [tilespmem:s13+$0xC0];
	[tilespmem:s7+$0xFFFFFF70] =	vst v10;
	v1 =	vadd.f32 v1, v8  }
0x75: {  	p0 =	slt.u32 s2, $0xC0;
	v8 =	vld [tilespmem:s13+$0xFFFFFF00];
	[tilespmem:s7+$0xFFFFFFB0] =	vst v4;
	v2 =	vadd.f32 v2, v7  }
0x76: {  	v4 =	vld [tilespmem:s14+$0xFFFFFF40];
	[tilespmem:s7+$0xFFFFFFF0] =	vst v1;
	v1 =	vadd.f32 v3, v5  }
0x77: {  	v3 =	vld [tilespmem:s13+$0xFFFFFF40];
	[tilespmem:s7+$0x30] =	vst v2;
	v0 =	vadd.f32 v0, v6  }
0x78: {  	v2 =	vld [tilespmem:s14+$0xFFFFFF80];
	[tilespmem:s7+$0x70] =	vst v1  }
0x79: {  	v1 =	vld [tilespmem:s13+$0xFFFFFF80];
	v5 =	vadd.f32 v9, v11;
	[tilespmem:s7+$0xB0] =	vst v0;
	s7 =	smov.u32 s14  }
0x7a: {  	v0 =	vld [tilespmem:s14+$0xFFFFFFC0]  }
0x7b: {  	[tilespmem:s14+$0xC0] =	vst v5;
	v5 =	vld [tilespmem:s14+$0xD0]  }
0x7c: {  	v3 =	vadd.f32 v3, v4;
	v4 =	vld [tilespmem:s13+$0xD0]  }
0x7d: {  	v6 =	vld [tilespmem:s13+$0xFFFFFFC0]  }
0x7e: {  	[tilespmem:s14+$0xFFFFFF40] =	vst v3;
	v1 =	vadd.f32 v1, v2;
	v2 =	vld [tilespmem:s14+$0x0]  }
0x7f: {  	v3 =	vld [tilespmem:s13+$0x0]  }
0x80: {  	[tilespmem:s14+$0xFFFFFF80] =	vst v1;
	v1 =	vld [tilespmem:s14+$0x40]  }
0x81: {  	v7 =	vld [tilespmem:s13+$0x40];
	v4 =	vadd.f32 v4, v5  }
0x82: {  	v0 =	vadd.f32 v6, v0;
	v5 =	vld [tilespmem:s14+$0x80]  }
0x83: {  	[tilespmem:s14+$0xD0] =	vst v4;
	v4 =	vld [tilespmem:s14+$0xE0]  }
0x84: {  	[tilespmem:s14+$0xFFFFFFC0] =	vst v0;
	v0 =	vadd.f32 v3, v2;
	v2 =	vld [tilespmem:s13+$0xE0]  }
0x85: {  	v3 =	vld [tilespmem:s13+$0x80]  }
0x86: {  	v6 =	vld [tilespmem:s14+$0xFFFFFF00];
	[tilespmem:s14+$0x0] =	vst v0;
	v0 =	vadd.f32 v7, v1  }
0x87: {  	v1 =	vld [tilespmem:s13+$0xFFFFFF50]  }
0x88: {  	v7 =	vld [tilespmem:s13+$0xFFFFFF90];
	[tilespmem:s14+$0x40] =	vst v0  }
0x89: {  	v0 =	vld [tilespmem:s13+$0xFFFFFFD0];
	v2 =	vadd.f32 v2, v4  }
0x8a: {  	v4 =	vld [tilespmem:s13+$0x10];
	v3 =	vadd.f32 v3, v5  }
0x8b: {  	v5 =	vadd.f32 v8, v6;
	[tilespmem:s14+$0xE0] =	vst v2;
	v2 =	vld [tilespmem:s14+$0xF0]  }
0x8c: {  	[tilespmem:s14+$0x80] =	vst v3;
	v3 =	vld [tilespmem:s13+$0xF0]  }
0x8d: {  	[tilespmem:s14+$0xFFFFFF00] =	vst v5;
	v5 =	vld [tilespmem:s13+$0x50]  }
0x8e: {  	v6 =	vld [tilespmem:s13+$0xFFFFFF10]  }
0x8f: {  	v8 =	vld [tilespmem:s13+$0x90]  }
0x90: {  	v9 =	vld [tilespmem:s14+$0xFFFFFF10]  }
0x91: {  	v10 =	vld [tilespmem:s14+$0xFFFFFF50];
	v2 =	vadd.f32 v3, v2  }
0x92: {  	v3 =	vld [tilespmem:s14+$0xFFFFFF90]  }
0x93: {  	v11 =	vld [tilespmem:s14+$0xFFFFFFD0];
	[tilespmem:s14+$0xF0] =	vst v2  }
0x94: {  	v2 =	vld [tilespmem:s14+$0x10]  }
0x95: {  	v6 =	vadd.f32 v6, v9;
	v9 =	vld [tilespmem:s14+$0x50]  }
0x96: {  	v1 =	vadd.f32 v1, v10;
	v10 =	vld [tilespmem:s14+$0x90]  }
0x97: {  	[tilespmem:s14+$0xFFFFFF10] =	vst v6;
	v6 =	vld [tilespmem:s14+$0xFFFFFF20];
	v3 =	vadd.f32 v7, v3  }
0x98: {  	v7 =	vld [tilespmem:s13+$0xFFFFFF20];
	[tilespmem:s14+$0xFFFFFF50] =	vst v1;
	v0 =	vadd.f32 v0, v11  }
0x99: {  	v1 =	vld [tilespmem:s13+$0xFFFFFF60];
	[tilespmem:s14+$0xFFFFFF90] =	vst v3;
	v2 =	vadd.f32 v4, v2  }
0x9a: {  	v3 =	vld [tilespmem:s13+$0xFFFFFFA0];
	[tilespmem:s14+$0xFFFFFFD0] =	vst v0;
	v0 =	vadd.f32 v5, v9  }
0x9b: {  	v4 =	vld [tilespmem:s13+$0xFFFFFFE0];
	[tilespmem:s14+$0x10] =	vst v2;
	v2 =	vadd.f32 v8, v10  }
0x9c: {  	v5 =	vld [tilespmem:s13+$0x20];
	[tilespmem:s14+$0x50] =	vst v0  }
0x9d: {  	v0 =	vadd.f32 v7, v6;
	v6 =	vld [tilespmem:s13+$0x60];
	[tilespmem:s14+$0x90] =	vst v2  }
0x9e: {  	v2 =	vld [tilespmem:s13+$0xA0]  }
0x9f: {  	[tilespmem:s14+$0xFFFFFF20] =	vst v0;
	v0 =	vld [tilespmem:s14+$0xFFFFFF60]  }
0xa0: {  	v7 =	vld [tilespmem:s14+$0xFFFFFFA0]  }
0xa1: {  	v8 =	vld [tilespmem:s14+$0xFFFFFFE0]  }
0xa2: {  	v9 =	vld [tilespmem:s14+$0x20]  }
0xa3: {  	v10 =	vld [tilespmem:s14+$0x60]  }
0xa4: {  	v0 =	vadd.f32 v1, v0;
	v11 =	vld [tilespmem:s14+$0xA0]  }
0xa5: {  	v12 =	vld [tilespmem:s13+$0xFFFFFF30];
	v1 =	vadd.f32 v3, v7  }
0xa6: {  	v3 =	vld [tilespmem:s14+$0xFFFFFF30];
	[tilespmem:s14+$0xFFFFFF60] =	vst v0;
	v0 =	vadd.f32 v4, v8  }
0xa7: {  	v13 =	vld [tilespmem:s13+$0xFFFFFF70];
	[tilespmem:s14+$0xFFFFFFA0] =	vst v1;
	v5 =	vadd.f32 v5, v9  }
0xa8: {  	v4 =	vld [tilespmem:s13+$0xFFFFFFB0];
	[tilespmem:s14+$0xFFFFFFE0] =	vst v0;
	v0 =	vadd.f32 v6, v10  }
0xa9: {  	v1 =	vld [tilespmem:s13+$0xFFFFFFF0];
	[tilespmem:s14+$0x20] =	vst v5;
	v5 =	vadd.f32 v2, v11  }
0xaa: {  	v2 =	vld [tilespmem:s13+$0x30];
	[tilespmem:s14+$0x60] =	vst v0  }
0xab: {  	v6 =	vadd.f32 v12, v3;
	v3 =	vld [tilespmem:s13+$0x70];
	[tilespmem:s14+$0xA0] =	vst v5  }
0xac: {  	v0 =	vld [tilespmem:s13+$0xB0]  }
0xad: {  	[tilespmem:s14+$0xFFFFFF30] =	vst v6;
	v6 =	vld [tilespmem:s14+$0xFFFFFF70]  }
.Ltmp0:
0xae: {  	v9 =	vld [tilespmem:s14+$0xFFFFFFB0];
	(pc) =	sbr.rel @p0 .LBB2_2-.Ltmp0, $4  }
0xaf: {  	v8 =	vld [tilespmem:s14+$0xFFFFFFF0]  }
0xb0: {  	v7 =	vld [tilespmem:s14+$0x30]  }
0xb1: {  	v5 =	vld [tilespmem:s14+$0x70]  }
0xb2: {  	s14 =	sadd.s32 $0x200, s14;
	v10 =	vadd.f32 v13, v6;
	v6 =	vld [tilespmem:s7+$0xB0]  }
0xb3: {  	v4 =	vadd.f32 v4, v9  }
0xb4: {  	[tilespmem:s7+$0xFFFFFF70] =	vst v10;
	v1 =	vadd.f32 v1, v8  }
0xb5: {  	[tilespmem:s7+$0xFFFFFFB0] =	vst v4;
	v2 =	vadd.f32 v2, v7  }
0xb6: {  	[tilespmem:s7+$0xFFFFFFF0] =	vst v1;
	v1 =	vadd.f32 v3, v5  }
0xb7: {  	[tilespmem:s7+$0x30] =	vst v2;
	v0 =	vadd.f32 v0, v6  }
0xb8: {  	[tilespmem:s7+$0x70] =	vst v1  }
0xb9: {  	[tilespmem:s7+$0xB0] =	vst v0  }
0xba: {  	s2 =	rddreg [dreg:$0x4]  }
0xbb: {  	[hbm4b:s2+s1] =	stream.strided.scatter [tilespmem:s20], [sflag:$0x5], $0x3200, s18, s1, $0x38;
	[tilespmem:$0x15E00] =	vst v63  }
0xbc: {  	s16 =	simm.s32 $0x258  }
0xbd: {  	[tilespmem:s25], [sflag:$0x4] =	stream.indirect.gather [hbm4b:s6+s19], $0x40, s16, s19, $0xb8;
	[tilespmem:$0x15E00] =	vst v63  }
0xbe: {  	s17 =	simm.s32 $0x2B8  }
0xbf: {  	[tilespmem:s30], [sflag:$0x4] =	stream.indirect.gather [hbm4b:s6+s21], $0x40, s17, s21, $0xb8;
	[tilespmem:$0x15E00] =	vst v63  }
0xc0: {  	_ =	swait.ge [sflag:s23], $0x1800  }
0xc1: {  	[sflag:s23] =	ssyncset.done $0x0  }
0xc2: {  	[sflag:s23] =	ssyncadd.s32 $0xFFFFE800  }
0xc3: {  	_ =	swait.ge [sflag:s23], $0x1A00  }
0xc4: {  	[sflag:s23] =	ssyncset.done $0x0  }
0xc5: {  	s7 =	simm.s32 $0xC900;
	[sflag:s23] =	ssyncadd.s32 $0xFFFFE600  }
0xc6: {  	s13 =	simm.s32 $0x6500;
	v0 =	vld [tilespmem:s7+$0xC0]  }
0xc7: {  	v1 =	vld [tilespmem:s13+$0xC0]  }
0xc8: {  	v2 =	vld [tilespmem:s13+$0xFFFFFF00]  }
0xc9: {  	v3 =	vld [tilespmem:s7+$0xFFFFFF40]  }
0xca: {  	v4 =	vld [tilespmem:s7+$0xFFFFFF80]  }
0xcb: {  	v6 =	vld [tilespmem:s13+$0xFFFFFF80]  }
0xcc: {  	v7 =	vld [tilespmem:s7+$0xFFFFFFC0]  }
0xcd: {  	v8 =	vld [tilespmem:s13+$0xFFFFFFC0]  }
0xce: {  	v9 =	vld [tilespmem:s7+$0x0]  }
0xcf: {  	v10 =	vld [tilespmem:s13+$0x0]  }
0xd0: {  	v11 =	vld [tilespmem:s13+$0x40]  }
0xd1: {  	v60 =	vld [tilespmem:s7+$0xFFFFFFD0]  }
0xd2: {  	v13 =	vld [tilespmem:s7+$0x10]  }
0xd3: {  	v61 =	vld [tilespmem:s7+$0xFFFFFFE0]  }
0xd4: {  	v62 =	vld [tilespmem:s7+$0x60];
	v0 =	vadd.f32 v1, v0  }
0xd5: {  	v1 =	vld [tilespmem:s13+$0xFFFFFF40]  }
0xd6: {  	[tilespmem:s7+$0xC0] =	vst v0;
	v0 =	vld [tilespmem:s7+$0xD0]  }
0xd7: {  	v5 =	vld [tilespmem:s13+$0xD0]  }
0xd8: {  	v63 =	vld [tilespmem:s7+$0xFFFFFF30];
	v4 =	vadd.f32 v6, v4  }
0xd9: {  	v6 =	vld [tilespmem:s13+$0x80]  }
0xda: {  	[tilespmem:s7+$0xFFFFFF80] =	vst v4;
	v4 =	vadd.f32 v10, v9;
	v10 =	vld [tilespmem:s7+$0xFFFFFF50];
	v1 =	vadd.f32 v1, v3  }
0xdb: {  	v3 =	vld [tilespmem:s7+$0x80]  }
0xdc: {  	[tilespmem:s7+$0xFFFFFF40] =	vst v1;
	v0 =	vadd.f32 v5, v0;
	v5 =	vld [tilespmem:s7+$0x40]  }
0xdd: {  	v1 =	vadd.f32 v8, v7;
	v8 =	vld [tilespmem:s13+$0xFFFFFF50]  }
0xde: {  	[tilespmem:s7+$0xD0] =	vst v0;
	v0 =	vld [tilespmem:s7+$0xE0]  }
0xdf: {  	[tilespmem:s7+$0x0] =	vst v4;
	v12 =	vld [tilespmem:s13+$0xE0]  }
0xe0: {  	v9 =	vld [tilespmem:s13+$0x10]  }
0xe1: {  	v7 =	vld [tilespmem:s7+$0xFFFFFF00]  }
0xe2: {  	[tilespmem:s7+$0xFFFFFFC0] =	vst v1;
	v1 =	vld [tilespmem:s13+$0xFFFFFF90]  }
0xe3: {  	v4 =	vld [tilespmem:s13+$0xFFFFFFD0];
	v8 =	vadd.f32 v8, v10  }
0xe4: {  	v5 =	vadd.f32 v11, v5;
	v11 =	vld [tilespmem:s7+$0xFFFFFF90];
	v0 =	vadd.f32 v12, v0  }
0xe5: {  	v10 =	vld [tilespmem:s7+$0x90];
	[tilespmem:s7+$0xFFFFFF50] =	vst v8  }
0xe6: {  	v8 =	vld [tilespmem:s13+$0xFFFFFF60];
	[tilespmem:s7+$0xE0] =	vst v0;
	v0 =	vadd.f32 v2, v7  }
0xe7: {  	[tilespmem:s7+$0x40] =	vst v5;
	v7 =	vld [tilespmem:s7+$0xF0];
	v2 =	vadd.f32 v6, v3  }
0xe8: {  	v5 =	vld [tilespmem:s13+$0xF0];
	[tilespmem:s7+$0xFFFFFF00] =	vst v0  }
0xe9: {  	v1 =	vadd.f32 v1, v11;
	[tilespmem:s7+$0x80] =	vst v2;
	v2 =	vld [tilespmem:s7+$0xFFFFFF10]  }
0xea: {  	v3 =	vld [tilespmem:s13+$0xFFFFFF10]  }
0xeb: {  	[tilespmem:s7+$0xFFFFFF90] =	vst v1;
	v1 =	vadd.f32 v9, v13;
	v6 =	vld [tilespmem:s13+$0x90]  }
0xec: {  	v4 =	vadd.f32 v4, v60;
	v0 =	vld [tilespmem:s13+$0x50]  }
0xed: {  	v9 =	vld [tilespmem:s13+$0xFFFFFFA0];
	[tilespmem:s7+$0x10] =	vst v1  }
0xee: {  	[tilespmem:s7+$0xFFFFFFD0] =	vst v4;
	v4 =	vld [tilespmem:s13+$0x20]  }
0xef: {  	v2 =	vadd.f32 v3, v2;
	v3 =	vld [tilespmem:s7+$0x50]  }
0xf0: {  	v1 =	vadd.f32 v6, v10;
	v10 =	vld [tilespmem:s7+$0xFFFFFFA0]  }
0xf1: {  	[tilespmem:s7+$0xFFFFFF10] =	vst v2;
	v2 =	vld [tilespmem:s7+$0xFFFFFF20]  }
0xf2: {  	v11 =	vld [tilespmem:s13+$0xFFFFFF20]  }
0xf3: {  	v5 =	vadd.f32 v5, v7;
	[tilespmem:s7+$0x90] =	vst v1;
	v1 =	vld [tilespmem:s7+$0xFFFFFF60]  }
0xf4: {  	v7 =	vld [tilespmem:s7+$0x30]  }
0xf5: {  	[tilespmem:s7+$0xF0] =	vst v5;
	v5 =	vld [tilespmem:s7+$0x70]  }
0xf6: {  	v6 =	vld [tilespmem:s13+$0xA0]  }
0xf7: {  	v0 =	vadd.f32 v0, v3;
	v3 =	vld [tilespmem:s13+$0xFFFFFFE0];
	v2 =	vadd.f32 v11, v2  }
0xf8: {  	v1 =	vadd.f32 v8, v1;
	v8 =	vadd.f32 v9, v10;
	v9 =	vld [tilespmem:s7+$0xFFFFFFB0]  }
0xf9: {  	[tilespmem:s7+$0xFFFFFF20] =	vst v2;
	v2 =	vld [tilespmem:s7+$0xA0]  }
0xfa: {  	[tilespmem:s7+$0x50] =	vst v0;
	v11 =	vld [tilespmem:s7+$0x20]  }
0xfb: {  	v0 =	vld [tilespmem:s13+$0x60];
	[tilespmem:s7+$0xFFFFFF60] =	vst v1  }
0xfc: {  	[tilespmem:s7+$0xFFFFFFA0] =	vst v8;
	v8 =	vld [tilespmem:s7+$0xFFFFFFF0]  }
0xfd: {  	v1 =	vadd.f32 v3, v61;
	v14 =	vld [tilespmem:s13+$0xFFFFFF70]  }
0xfe: {  	v10 =	vld [tilespmem:s13+$0xFFFFFF30];
	v6 =	vadd.f32 v6, v2  }
0xff: {  	[tilespmem:s7+$0xFFFFFFE0] =	vst v1;
	v3 =	vadd.f32 v4, v11;
	v4 =	vld [tilespmem:s13+$0xFFFFFFB0]  }
0x100: {  	v0 =	vadd.f32 v0, v62;
	[tilespmem:s7+$0xA0] =	vst v6;
	v6 =	vld [tilespmem:s7+$0xFFFFFF70]  }
0x101: {  	v1 =	vld [tilespmem:s13+$0xFFFFFFF0];
	[tilespmem:s7+$0x20] =	vst v3  }
0x102: {  	[tilespmem:s7+$0x60] =	vst v0;
	v2 =	vld [tilespmem:s13+$0x30]  }
0x103: {  	v3 =	vld [tilespmem:s13+$0x70];
	v10 =	vadd.f32 v10, v63  }
0x104: {  	v0 =	vld [tilespmem:s13+$0xB0]  }
0x105: {  	s14 =	simm.s32 $0xCB00;
	s2 =	simm.s32 $0x0;
	[tilespmem:s7+$0xFFFFFF30] =	vst v10;
	v10 =	vadd.f32 v14, v6;
	v6 =	vld [tilespmem:s7+$0xB0]  }
.LBB2_4:
0x106: {  	v11 =	vld [tilespmem:s14+$0xC0];
	v4 =	vadd.f32 v4, v9;
	s13 =	sadd.s32 $0x200, s13  }
0x107: {  	s2 =	sadd.s32 $0x8, s2;
	v9 =	vld [tilespmem:s13+$0xC0];
	[tilespmem:s7+$0xFFFFFF70] =	vst v10;
	v1 =	vadd.f32 v1, v8  }
0x108: {  	p0 =	slt.u32 s2, $0xC0;
	v8 =	vld [tilespmem:s13+$0xFFFFFF00];
	[tilespmem:s7+$0xFFFFFFB0] =	vst v4;
	v2 =	vadd.f32 v2, v7  }
0x109: {  	v4 =	vld [tilespmem:s14+$0xFFFFFF40];
	[tilespmem:s7+$0xFFFFFFF0] =	vst v1;
	v1 =	vadd.f32 v3, v5  }
0x10a: {  	v3 =	vld [tilespmem:s13+$0xFFFFFF40];
	[tilespmem:s7+$0x30] =	vst v2;
	v0 =	vadd.f32 v0, v6  }
0x10b: {  	v2 =	vld [tilespmem:s14+$0xFFFFFF80];
	[tilespmem:s7+$0x70] =	vst v1  }
0x10c: {  	v1 =	vld [tilespmem:s13+$0xFFFFFF80];
	v5 =	vadd.f32 v9, v11;
	[tilespmem:s7+$0xB0] =	vst v0;
	s7 =	smov.u32 s14  }
0x10d: {  	v0 =	vld [tilespmem:s14+$0xFFFFFFC0]  }
0x10e: {  	[tilespmem:s14+$0xC0] =	vst v5;
	v5 =	vld [tilespmem:s14+$0xD0]  }
0x10f: {  	v3 =	vadd.f32 v3, v4;
	v4 =	vld [tilespmem:s13+$0xD0]  }
0x110: {  	v6 =	vld [tilespmem:s13+$0xFFFFFFC0]  }
0x111: {  	[tilespmem:s14+$0xFFFFFF40] =	vst v3;
	v1 =	vadd.f32 v1, v2;
	v2 =	vld [tilespmem:s14+$0x0]  }
0x112: {  	v3 =	vld [tilespmem:s13+$0x0]  }
0x113: {  	[tilespmem:s14+$0xFFFFFF80] =	vst v1;
	v1 =	vld [tilespmem:s14+$0x40]  }
0x114: {  	v7 =	vld [tilespmem:s13+$0x40];
	v4 =	vadd.f32 v4, v5  }
0x115: {  	v0 =	vadd.f32 v6, v0;
	v5 =	vld [tilespmem:s14+$0x80]  }
0x116: {  	[tilespmem:s14+$0xD0] =	vst v4;
	v4 =	vld [tilespmem:s14+$0xE0]  }
0x117: {  	[tilespmem:s14+$0xFFFFFFC0] =	vst v0;
	v0 =	vadd.f32 v3, v2;
	v2 =	vld [tilespmem:s13+$0xE0]  }
0x118: {  	v3 =	vld [tilespmem:s13+$0x80]  }
0x119: {  	v6 =	vld [tilespmem:s14+$0xFFFFFF00];
	[tilespmem:s14+$0x0] =	vst v0;
	v0 =	vadd.f32 v7, v1  }
0x11a: {  	v1 =	vld [tilespmem:s13+$0xFFFFFF50]  }
0x11b: {  	v7 =	vld [tilespmem:s13+$0xFFFFFF90];
	[tilespmem:s14+$0x40] =	vst v0  }
0x11c: {  	v0 =	vld [tilespmem:s13+$0xFFFFFFD0];
	v2 =	vadd.f32 v2, v4  }
0x11d: {  	v4 =	vld [tilespmem:s13+$0x10];
	v3 =	vadd.f32 v3, v5  }
0x11e: {  	v5 =	vadd.f32 v8, v6;
	[tilespmem:s14+$0xE0] =	vst v2;
	v2 =	vld [tilespmem:s14+$0xF0]  }
0x11f: {  	[tilespmem:s14+$0x80] =	vst v3;
	v3 =	vld [tilespmem:s13+$0xF0]  }
0x120: {  	[tilespmem:s14+$0xFFFFFF00] =	vst v5;
	v5 =	vld [tilespmem:s13+$0x50]  }
0x121: {  	v6 =	vld [tilespmem:s13+$0xFFFFFF10]  }
0x122: {  	v8 =	vld [tilespmem:s13+$0x90]  }
0x123: {  	v9 =	vld [tilespmem:s14+$0xFFFFFF10]  }
0x124: {  	v10 =	vld [tilespmem:s14+$0xFFFFFF50];
	v2 =	vadd.f32 v3, v2  }
0x125: {  	v3 =	vld [tilespmem:s14+$0xFFFFFF90]  }
0x126: {  	v11 =	vld [tilespmem:s14+$0xFFFFFFD0];
	[tilespmem:s14+$0xF0] =	vst v2  }
0x127: {  	v2 =	vld [tilespmem:s14+$0x10]  }
0x128: {  	v6 =	vadd.f32 v6, v9;
	v9 =	vld [tilespmem:s14+$0x50]  }
0x129: {  	v1 =	vadd.f32 v1, v10;
	v10 =	vld [tilespmem:s14+$0x90]  }
0x12a: {  	[tilespmem:s14+$0xFFFFFF10] =	vst v6;
	v6 =	vld [tilespmem:s14+$0xFFFFFF20];
	v3 =	vadd.f32 v7, v3  }
0x12b: {  	v7 =	vld [tilespmem:s13+$0xFFFFFF20];
	[tilespmem:s14+$0xFFFFFF50] =	vst v1;
	v0 =	vadd.f32 v0, v11  }
0x12c: {  	v1 =	vld [tilespmem:s13+$0xFFFFFF60];
	[tilespmem:s14+$0xFFFFFF90] =	vst v3;
	v2 =	vadd.f32 v4, v2  }
0x12d: {  	v3 =	vld [tilespmem:s13+$0xFFFFFFA0];
	[tilespmem:s14+$0xFFFFFFD0] =	vst v0;
	v0 =	vadd.f32 v5, v9  }
0x12e: {  	v4 =	vld [tilespmem:s13+$0xFFFFFFE0];
	[tilespmem:s14+$0x10] =	vst v2;
	v2 =	vadd.f32 v8, v10  }
0x12f: {  	v5 =	vld [tilespmem:s13+$0x20];
	[tilespmem:s14+$0x50] =	vst v0  }
0x130: {  	v0 =	vadd.f32 v7, v6;
	v6 =	vld [tilespmem:s13+$0x60];
	[tilespmem:s14+$0x90] =	vst v2  }
0x131: {  	v2 =	vld [tilespmem:s13+$0xA0]  }
0x132: {  	[tilespmem:s14+$0xFFFFFF20] =	vst v0;
	v0 =	vld [tilespmem:s14+$0xFFFFFF60]  }
0x133: {  	v7 =	vld [tilespmem:s14+$0xFFFFFFA0]  }
0x134: {  	v8 =	vld [tilespmem:s14+$0xFFFFFFE0]  }
0x135: {  	v9 =	vld [tilespmem:s14+$0x20]  }
0x136: {  	v10 =	vld [tilespmem:s14+$0x60]  }
0x137: {  	v0 =	vadd.f32 v1, v0;
	v11 =	vld [tilespmem:s14+$0xA0]  }
0x138: {  	v12 =	vld [tilespmem:s13+$0xFFFFFF30];
	v1 =	vadd.f32 v3, v7  }
0x139: {  	v3 =	vld [tilespmem:s14+$0xFFFFFF30];
	[tilespmem:s14+$0xFFFFFF60] =	vst v0;
	v0 =	vadd.f32 v4, v8  }
0x13a: {  	v13 =	vld [tilespmem:s13+$0xFFFFFF70];
	[tilespmem:s14+$0xFFFFFFA0] =	vst v1;
	v5 =	vadd.f32 v5, v9  }
0x13b: {  	v4 =	vld [tilespmem:s13+$0xFFFFFFB0];
	[tilespmem:s14+$0xFFFFFFE0] =	vst v0;
	v0 =	vadd.f32 v6, v10  }
0x13c: {  	v1 =	vld [tilespmem:s13+$0xFFFFFFF0];
	[tilespmem:s14+$0x20] =	vst v5;
	v5 =	vadd.f32 v2, v11  }
0x13d: {  	v2 =	vld [tilespmem:s13+$0x30];
	[tilespmem:s14+$0x60] =	vst v0  }
0x13e: {  	v6 =	vadd.f32 v12, v3;
	v3 =	vld [tilespmem:s13+$0x70];
	[tilespmem:s14+$0xA0] =	vst v5  }
0x13f: {  	v0 =	vld [tilespmem:s13+$0xB0]  }
0x140: {  	[tilespmem:s14+$0xFFFFFF30] =	vst v6;
	v6 =	vld [tilespmem:s14+$0xFFFFFF70]  }
.Ltmp1:
0x141: {  	v9 =	vld [tilespmem:s14+$0xFFFFFFB0];
	(pc) =	sbr.rel @p0 .LBB2_4-.Ltmp1, $4  }
0x142: {  	v8 =	vld [tilespmem:s14+$0xFFFFFFF0]  }
0x143: {  	v7 =	vld [tilespmem:s14+$0x30]  }
0x144: {  	v5 =	vld [tilespmem:s14+$0x70]  }
0x145: {  	s14 =	sadd.s32 $0x200, s14;
	v10 =	vadd.f32 v13, v6;
	v6 =	vld [tilespmem:s7+$0xB0]  }
0x146: {  	v4 =	vadd.f32 v4, v9  }
0x147: {  	[tilespmem:s7+$0xFFFFFF70] =	vst v10;
	v1 =	vadd.f32 v1, v8  }
0x148: {  	[tilespmem:s7+$0xFFFFFFB0] =	vst v4;
	v2 =	vadd.f32 v2, v7  }
0x149: {  	[tilespmem:s7+$0xFFFFFFF0] =	vst v1;
	v1 =	vadd.f32 v3, v5  }
0x14a: {  	[tilespmem:s7+$0x30] =	vst v2;
	v0 =	vadd.f32 v0, v6  }
0x14b: {  	[tilespmem:s7+$0x70] =	vst v1  }
0x14c: {  	[tilespmem:s7+$0xB0] =	vst v0  }
0x14d: {  	s2 =	rddreg [dreg:$0x6]  }
0x14e: {  	[hbm4b:s2+s1] =	stream.strided.scatter [tilespmem:s24], [sflag:$0x6], $0x3200, s18, s1, $0x38;
	[tilespmem:$0x15E00] =	vst v63  }
0x14f: {  	_ =	swait.ge [sflag:s28], $0x3200  }
0x150: {  	[sflag:s28] =	ssyncset.done $0x0  }
0x151: {  	s16 =	simm.s32 $0x320;
	[sflag:s28] =	ssyncadd.s32 $0xFFFFCE00  }
0x152: {  	[tilespmem:s20], [sflag:$0x1] =	stream.indirect.gather [hbm4b:s6+s19], $0x40, s16, s19, $0xb8;
	[tilespmem:$0x15E00] =	vst v63  }
0x153: {  	s17 =	simm.s32 $0x380  }
0x154: {  	[tilespmem:s22], [sflag:$0x1] =	stream.indirect.gather [hbm4b:s6+s21], $0x40, s17, s21, $0xb8;
	[tilespmem:$0x15E00] =	vst v63  }
0x155: {  	_ =	swait.ge [sflag:s4], $0x1800  }
0x156: {  	[sflag:s4] =	ssyncset.done $0x0  }
0x157: {  	[sflag:s4] =	ssyncadd.s32 $0xFFFFE800  }
0x158: {  	_ =	swait.ge [sflag:s4], $0x1A00  }
0x159: {  	[sflag:s4] =	ssyncset.done $0x0  }
0x15a: {  	s7 =	simm.s32 $0xFB00;
	[sflag:s4] =	ssyncadd.s32 $0xFFFFE600  }
0x15b: {  	s13 =	simm.s32 $0x6500;
	v0 =	vld [tilespmem:s7+$0xC0]  }
0x15c: {  	v1 =	vld [tilespmem:s13+$0xC0]  }
0x15d: {  	v2 =	vld [tilespmem:s13+$0xFFFFFF00]  }
0x15e: {  	v3 =	vld [tilespmem:s7+$0xFFFFFF40]  }
0x15f: {  	v4 =	vld [tilespmem:s7+$0xFFFFFF80]  }
0x160: {  	v6 =	vld [tilespmem:s13+$0xFFFFFF80]  }
0x161: {  	v7 =	vld [tilespmem:s7+$0xFFFFFFC0]  }
0x162: {  	v8 =	vld [tilespmem:s13+$0xFFFFFFC0]  }
0x163: {  	v9 =	vld [tilespmem:s7+$0x0]  }
0x164: {  	v10 =	vld [tilespmem:s13+$0x0]  }
0x165: {  	v11 =	vld [tilespmem:s13+$0x40]  }
0x166: {  	v60 =	vld [tilespmem:s7+$0xFFFFFFD0]  }
0x167: {  	v13 =	vld [tilespmem:s7+$0x10]  }
0x168: {  	v61 =	vld [tilespmem:s7+$0xFFFFFFE0]  }
0x169: {  	v62 =	vld [tilespmem:s7+$0x60];
	v0 =	vadd.f32 v1, v0  }
0x16a: {  	v1 =	vld [tilespmem:s13+$0xFFFFFF40]  }
0x16b: {  	[tilespmem:s7+$0xC0] =	vst v0;
	v0 =	vld [tilespmem:s7+$0xD0]  }
0x16c: {  	v5 =	vld [tilespmem:s13+$0xD0]  }
0x16d: {  	v63 =	vld [tilespmem:s7+$0xFFFFFF30];
	v4 =	vadd.f32 v6, v4  }
0x16e: {  	v6 =	vld [tilespmem:s13+$0x80]  }
0x16f: {  	[tilespmem:s7+$0xFFFFFF80] =	vst v4;
	v4 =	vadd.f32 v10, v9;
	v10 =	vld [tilespmem:s7+$0xFFFFFF50];
	v1 =	vadd.f32 v1, v3  }
0x170: {  	v3 =	vld [tilespmem:s7+$0x80]  }
0x171: {  	[tilespmem:s7+$0xFFFFFF40] =	vst v1;
	v0 =	vadd.f32 v5, v0;
	v5 =	vld [tilespmem:s7+$0x40]  }
0x172: {  	v1 =	vadd.f32 v8, v7;
	v8 =	vld [tilespmem:s13+$0xFFFFFF50]  }
0x173: {  	[tilespmem:s7+$0xD0] =	vst v0;
	v0 =	vld [tilespmem:s7+$0xE0]  }
0x174: {  	[tilespmem:s7+$0x0] =	vst v4;
	v12 =	vld [tilespmem:s13+$0xE0]  }
0x175: {  	v9 =	vld [tilespmem:s13+$0x10]  }
0x176: {  	v7 =	vld [tilespmem:s7+$0xFFFFFF00]  }
0x177: {  	[tilespmem:s7+$0xFFFFFFC0] =	vst v1;
	v1 =	vld [tilespmem:s13+$0xFFFFFF90]  }
0x178: {  	v4 =	vld [tilespmem:s13+$0xFFFFFFD0];
	v8 =	vadd.f32 v8, v10  }
0x179: {  	v5 =	vadd.f32 v11, v5;
	v11 =	vld [tilespmem:s7+$0xFFFFFF90];
	v0 =	vadd.f32 v12, v0  }
0x17a: {  	v10 =	vld [tilespmem:s7+$0x90];
	[tilespmem:s7+$0xFFFFFF50] =	vst v8  }
0x17b: {  	v8 =	vld [tilespmem:s13+$0xFFFFFF60];
	[tilespmem:s7+$0xE0] =	vst v0;
	v0 =	vadd.f32 v2, v7  }
0x17c: {  	[tilespmem:s7+$0x40] =	vst v5;
	v7 =	vld [tilespmem:s7+$0xF0];
	v2 =	vadd.f32 v6, v3  }
0x17d: {  	v5 =	vld [tilespmem:s13+$0xF0];
	[tilespmem:s7+$0xFFFFFF00] =	vst v0  }
0x17e: {  	v1 =	vadd.f32 v1, v11;
	[tilespmem:s7+$0x80] =	vst v2;
	v2 =	vld [tilespmem:s7+$0xFFFFFF10]  }
0x17f: {  	v3 =	vld [tilespmem:s13+$0xFFFFFF10]  }
0x180: {  	[tilespmem:s7+$0xFFFFFF90] =	vst v1;
	v1 =	vadd.f32 v9, v13;
	v6 =	vld [tilespmem:s13+$0x90]  }
0x181: {  	v4 =	vadd.f32 v4, v60;
	v0 =	vld [tilespmem:s13+$0x50]  }
0x182: {  	v9 =	vld [tilespmem:s13+$0xFFFFFFA0];
	[tilespmem:s7+$0x10] =	vst v1  }
0x183: {  	[tilespmem:s7+$0xFFFFFFD0] =	vst v4;
	v4 =	vld [tilespmem:s13+$0x20]  }
0x184: {  	v2 =	vadd.f32 v3, v2;
	v3 =	vld [tilespmem:s7+$0x50]  }
0x185: {  	v1 =	vadd.f32 v6, v10;
	v10 =	vld [tilespmem:s7+$0xFFFFFFA0]  }
0x186: {  	[tilespmem:s7+$0xFFFFFF10] =	vst v2;
	v2 =	vld [tilespmem:s7+$0xFFFFFF20]  }
0x187: {  	v11 =	vld [tilespmem:s13+$0xFFFFFF20]  }
0x188: {  	v5 =	vadd.f32 v5, v7;
	[tilespmem:s7+$0x90] =	vst v1;
	v1 =	vld [tilespmem:s7+$0xFFFFFF60]  }
0x189: {  	v7 =	vld [tilespmem:s7+$0x30]  }
0x18a: {  	[tilespmem:s7+$0xF0] =	vst v5;
	v5 =	vld [tilespmem:s7+$0x70]  }
0x18b: {  	v6 =	vld [tilespmem:s13+$0xA0]  }
0x18c: {  	v0 =	vadd.f32 v0, v3;
	v3 =	vld [tilespmem:s13+$0xFFFFFFE0];
	v2 =	vadd.f32 v11, v2  }
0x18d: {  	v1 =	vadd.f32 v8, v1;
	v8 =	vadd.f32 v9, v10;
	v9 =	vld [tilespmem:s7+$0xFFFFFFB0]  }
0x18e: {  	[tilespmem:s7+$0xFFFFFF20] =	vst v2;
	v2 =	vld [tilespmem:s7+$0xA0]  }
0x18f: {  	[tilespmem:s7+$0x50] =	vst v0;
	v11 =	vld [tilespmem:s7+$0x20]  }
0x190: {  	v0 =	vld [tilespmem:s13+$0x60];
	[tilespmem:s7+$0xFFFFFF60] =	vst v1  }
0x191: {  	[tilespmem:s7+$0xFFFFFFA0] =	vst v8;
	v8 =	vld [tilespmem:s7+$0xFFFFFFF0]  }
0x192: {  	v1 =	vadd.f32 v3, v61;
	v14 =	vld [tilespmem:s13+$0xFFFFFF70]  }
0x193: {  	v10 =	vld [tilespmem:s13+$0xFFFFFF30];
	v6 =	vadd.f32 v6, v2  }
0x194: {  	[tilespmem:s7+$0xFFFFFFE0] =	vst v1;
	v3 =	vadd.f32 v4, v11;
	v4 =	vld [tilespmem:s13+$0xFFFFFFB0]  }
0x195: {  	v0 =	vadd.f32 v0, v62;
	[tilespmem:s7+$0xA0] =	vst v6;
	v6 =	vld [tilespmem:s7+$0xFFFFFF70]  }
0x196: {  	v1 =	vld [tilespmem:s13+$0xFFFFFFF0];
	[tilespmem:s7+$0x20] =	vst v3  }
0x197: {  	[tilespmem:s7+$0x60] =	vst v0;
	v2 =	vld [tilespmem:s13+$0x30]  }
0x198: {  	v3 =	vld [tilespmem:s13+$0x70];
	v10 =	vadd.f32 v10, v63  }
0x199: {  	v0 =	vld [tilespmem:s13+$0xB0]  }
0x19a: {  	s14 =	simm.s32 $0xFD00;
	s2 =	simm.s32 $0x0;
	[tilespmem:s7+$0xFFFFFF30] =	vst v10;
	v10 =	vadd.f32 v14, v6;
	v6 =	vld [tilespmem:s7+$0xB0]  }
.LBB2_6:
0x19b: {  	v11 =	vld [tilespmem:s14+$0xC0];
	v4 =	vadd.f32 v4, v9;
	s13 =	sadd.s32 $0x200, s13  }
0x19c: {  	s2 =	sadd.s32 $0x8, s2;
	v9 =	vld [tilespmem:s13+$0xC0];
	[tilespmem:s7+$0xFFFFFF70] =	vst v10;
	v1 =	vadd.f32 v1, v8  }
0x19d: {  	p0 =	slt.u32 s2, $0xC0;
	v8 =	vld [tilespmem:s13+$0xFFFFFF00];
	[tilespmem:s7+$0xFFFFFFB0] =	vst v4;
	v2 =	vadd.f32 v2, v7  }
0x19e: {  	v4 =	vld [tilespmem:s14+$0xFFFFFF40];
	[tilespmem:s7+$0xFFFFFFF0] =	vst v1;
	v1 =	vadd.f32 v3, v5  }
0x19f: {  	v3 =	vld [tilespmem:s13+$0xFFFFFF40];
	[tilespmem:s7+$0x30] =	vst v2;
	v0 =	vadd.f32 v0, v6  }
0x1a0: {  	v2 =	vld [tilespmem:s14+$0xFFFFFF80];
	[tilespmem:s7+$0x70] =	vst v1  }
0x1a1: {  	v1 =	vld [tilespmem:s13+$0xFFFFFF80];
	v5 =	vadd.f32 v9, v11;
	[tilespmem:s7+$0xB0] =	vst v0;
	s7 =	smov.u32 s14  }
0x1a2: {  	v0 =	vld [tilespmem:s14+$0xFFFFFFC0]  }
0x1a3: {  	[tilespmem:s14+$0xC0] =	vst v5;
	v5 =	vld [tilespmem:s14+$0xD0]  }
0x1a4: {  	v3 =	vadd.f32 v3, v4;
	v4 =	vld [tilespmem:s13+$0xD0]  }
0x1a5: {  	v6 =	vld [tilespmem:s13+$0xFFFFFFC0]  }
0x1a6: {  	[tilespmem:s14+$0xFFFFFF40] =	vst v3;
	v1 =	vadd.f32 v1, v2;
	v2 =	vld [tilespmem:s14+$0x0]  }
0x1a7: {  	v3 =	vld [tilespmem:s13+$0x0]  }
0x1a8: {  	[tilespmem:s14+$0xFFFFFF80] =	vst v1;
	v1 =	vld [tilespmem:s14+$0x40]  }
0x1a9: {  	v7 =	vld [tilespmem:s13+$0x40];
	v4 =	vadd.f32 v4, v5  }
0x1aa: {  	v0 =	vadd.f32 v6, v0;
	v5 =	vld [tilespmem:s14+$0x80]  }
0x1ab: {  	[tilespmem:s14+$0xD0] =	vst v4;
	v4 =	vld [tilespmem:s14+$0xE0]  }
0x1ac: {  	[tilespmem:s14+$0xFFFFFFC0] =	vst v0;
	v0 =	vadd.f32 v3, v2;
	v2 =	vld [tilespmem:s13+$0xE0]  }
0x1ad: {  	v3 =	vld [tilespmem:s13+$0x80]  }
0x1ae: {  	v6 =	vld [tilespmem:s14+$0xFFFFFF00];
	[tilespmem:s14+$0x0] =	vst v0;
	v0 =	vadd.f32 v7, v1  }
0x1af: {  	v1 =	vld [tilespmem:s13+$0xFFFFFF50]  }
0x1b0: {  	v7 =	vld [tilespmem:s13+$0xFFFFFF90];
	[tilespmem:s14+$0x40] =	vst v0  }
0x1b1: {  	v0 =	vld [tilespmem:s13+$0xFFFFFFD0];
	v2 =	vadd.f32 v2, v4  }
0x1b2: {  	v4 =	vld [tilespmem:s13+$0x10];
	v3 =	vadd.f32 v3, v5  }
0x1b3: {  	v5 =	vadd.f32 v8, v6;
	[tilespmem:s14+$0xE0] =	vst v2;
	v2 =	vld [tilespmem:s14+$0xF0]  }
0x1b4: {  	[tilespmem:s14+$0x80] =	vst v3;
	v3 =	vld [tilespmem:s13+$0xF0]  }
0x1b5: {  	[tilespmem:s14+$0xFFFFFF00] =	vst v5;
	v5 =	vld [tilespmem:s13+$0x50]  }
0x1b6: {  	v6 =	vld [tilespmem:s13+$0xFFFFFF10]  }
0x1b7: {  	v8 =	vld [tilespmem:s13+$0x90]  }
0x1b8: {  	v9 =	vld [tilespmem:s14+$0xFFFFFF10]  }
0x1b9: {  	v10 =	vld [tilespmem:s14+$0xFFFFFF50];
	v2 =	vadd.f32 v3, v2  }
0x1ba: {  	v3 =	vld [tilespmem:s14+$0xFFFFFF90]  }
0x1bb: {  	v11 =	vld [tilespmem:s14+$0xFFFFFFD0];
	[tilespmem:s14+$0xF0] =	vst v2  }
0x1bc: {  	v2 =	vld [tilespmem:s14+$0x10]  }
0x1bd: {  	v6 =	vadd.f32 v6, v9;
	v9 =	vld [tilespmem:s14+$0x50]  }
0x1be: {  	v1 =	vadd.f32 v1, v10;
	v10 =	vld [tilespmem:s14+$0x90]  }
0x1bf: {  	[tilespmem:s14+$0xFFFFFF10] =	vst v6;
	v6 =	vld [tilespmem:s14+$0xFFFFFF20];
	v3 =	vadd.f32 v7, v3  }
0x1c0: {  	v7 =	vld [tilespmem:s13+$0xFFFFFF20];
	[tilespmem:s14+$0xFFFFFF50] =	vst v1;
	v0 =	vadd.f32 v0, v11  }
0x1c1: {  	v1 =	vld [tilespmem:s13+$0xFFFFFF60];
	[tilespmem:s14+$0xFFFFFF90] =	vst v3;
	v2 =	vadd.f32 v4, v2  }
0x1c2: {  	v3 =	vld [tilespmem:s13+$0xFFFFFFA0];
	[tilespmem:s14+$0xFFFFFFD0] =	vst v0;
	v0 =	vadd.f32 v5, v9  }
0x1c3: {  	v4 =	vld [tilespmem:s13+$0xFFFFFFE0];
	[tilespmem:s14+$0x10] =	vst v2;
	v2 =	vadd.f32 v8, v10  }
0x1c4: {  	v5 =	vld [tilespmem:s13+$0x20];
	[tilespmem:s14+$0x50] =	vst v0  }
0x1c5: {  	v0 =	vadd.f32 v7, v6;
	v6 =	vld [tilespmem:s13+$0x60];
	[tilespmem:s14+$0x90] =	vst v2  }
0x1c6: {  	v2 =	vld [tilespmem:s13+$0xA0]  }
0x1c7: {  	[tilespmem:s14+$0xFFFFFF20] =	vst v0;
	v0 =	vld [tilespmem:s14+$0xFFFFFF60]  }
0x1c8: {  	v7 =	vld [tilespmem:s14+$0xFFFFFFA0]  }
0x1c9: {  	v8 =	vld [tilespmem:s14+$0xFFFFFFE0]  }
0x1ca: {  	v9 =	vld [tilespmem:s14+$0x20]  }
0x1cb: {  	v10 =	vld [tilespmem:s14+$0x60]  }
0x1cc: {  	v0 =	vadd.f32 v1, v0;
	v11 =	vld [tilespmem:s14+$0xA0]  }
0x1cd: {  	v12 =	vld [tilespmem:s13+$0xFFFFFF30];
	v1 =	vadd.f32 v3, v7  }
0x1ce: {  	v3 =	vld [tilespmem:s14+$0xFFFFFF30];
	[tilespmem:s14+$0xFFFFFF60] =	vst v0;
	v0 =	vadd.f32 v4, v8  }
0x1cf: {  	v13 =	vld [tilespmem:s13+$0xFFFFFF70];
	[tilespmem:s14+$0xFFFFFFA0] =	vst v1;
	v5 =	vadd.f32 v5, v9  }
0x1d0: {  	v4 =	vld [tilespmem:s13+$0xFFFFFFB0];
	[tilespmem:s14+$0xFFFFFFE0] =	vst v0;
	v0 =	vadd.f32 v6, v10  }
0x1d1: {  	v1 =	vld [tilespmem:s13+$0xFFFFFFF0];
	[tilespmem:s14+$0x20] =	vst v5;
	v5 =	vadd.f32 v2, v11  }
0x1d2: {  	v2 =	vld [tilespmem:s13+$0x30];
	[tilespmem:s14+$0x60] =	vst v0  }
0x1d3: {  	v6 =	vadd.f32 v12, v3;
	v3 =	vld [tilespmem:s13+$0x70];
	[tilespmem:s14+$0xA0] =	vst v5  }
0x1d4: {  	v0 =	vld [tilespmem:s13+$0xB0]  }
0x1d5: {  	[tilespmem:s14+$0xFFFFFF30] =	vst v6;
	v6 =	vld [tilespmem:s14+$0xFFFFFF70]  }
.Ltmp2:
0x1d6: {  	v9 =	vld [tilespmem:s14+$0xFFFFFFB0];
	(pc) =	sbr.rel @p0 .LBB2_6-.Ltmp2, $4  }
0x1d7: {  	v8 =	vld [tilespmem:s14+$0xFFFFFFF0]  }
0x1d8: {  	v7 =	vld [tilespmem:s14+$0x30]  }
0x1d9: {  	v5 =	vld [tilespmem:s14+$0x70]  }
0x1da: {  	s14 =	sadd.s32 $0x200, s14;
	v10 =	vadd.f32 v13, v6;
	v6 =	vld [tilespmem:s7+$0xB0]  }
0x1db: {  	v4 =	vadd.f32 v4, v9  }
0x1dc: {  	[tilespmem:s7+$0xFFFFFF70] =	vst v10;
	v1 =	vadd.f32 v1, v8  }
0x1dd: {  	[tilespmem:s7+$0xFFFFFFB0] =	vst v4;
	v2 =	vadd.f32 v2, v7  }
0x1de: {  	[tilespmem:s7+$0xFFFFFFF0] =	vst v1;
	v1 =	vadd.f32 v3, v5  }
0x1df: {  	[tilespmem:s7+$0x30] =	vst v2;
	v0 =	vadd.f32 v0, v6  }
0x1e0: {  	[tilespmem:s7+$0x70] =	vst v1  }
0x1e1: {  	[tilespmem:s7+$0xB0] =	vst v0  }
0x1e2: {  	s2 =	rddreg [dreg:$0x7]  }
0x1e3: {  	[hbm4b:s2+s1] =	stream.strided.scatter [tilespmem:s29], [sflag:$0x7], $0x3200, s18, s1, $0x38;
	[tilespmem:$0x15E00] =	vst v63  }
0x1e4: {  	_ =	swait.ge [sflag:s8], $0x3200  }
0x1e5: {  	[sflag:s8] =	ssyncset.done $0x0  }
0x1e6: {  	s16 =	simm.s32 $0x3E8;
	[sflag:s8] =	ssyncadd.s32 $0xFFFFCE00  }
0x1e7: {  	[tilespmem:s24], [sflag:$0x2] =	stream.indirect.gather [hbm4b:s6+s19], $0x40, s16, s19, $0xb8;
	[tilespmem:$0x15E00] =	vst v63  }
0x1e8: {  	s17 =	simm.s32 $0x448  }
0x1e9: {  	[tilespmem:s26], [sflag:$0x2] =	stream.indirect.gather [hbm4b:s6+s21], $0x40, s17, s21, $0xb8;
	[tilespmem:$0x15E00] =	vst v63  }
0x1ea: {  	_ =	swait.ge [sflag:s9], $0x1800  }
0x1eb: {  	[sflag:s9] =	ssyncset.done $0x0  }
0x1ec: {  	[sflag:s9] =	ssyncadd.s32 $0xFFFFE800  }
0x1ed: {  	_ =	swait.ge [sflag:s9], $0x1A00  }
0x1ee: {  	[sflag:s9] =	ssyncset.done $0x0  }
0x1ef: {  	s7 =	simm.s32 $0x12D00;
	[sflag:s9] =	ssyncadd.s32 $0xFFFFE600  }
0x1f0: {  	s13 =	simm.s32 $0x6500;
	v0 =	vld [tilespmem:s7+$0xC0]  }
0x1f1: {  	v1 =	vld [tilespmem:s13+$0xC0]  }
0x1f2: {  	v2 =	vld [tilespmem:s13+$0xFFFFFF00]  }
0x1f3: {  	v3 =	vld [tilespmem:s7+$0xFFFFFF40]  }
0x1f4: {  	v4 =	vld [tilespmem:s7+$0xFFFFFF80]  }
0x1f5: {  	v6 =	vld [tilespmem:s13+$0xFFFFFF80]  }
0x1f6: {  	v7 =	vld [tilespmem:s7+$0xFFFFFFC0]  }
0x1f7: {  	v8 =	vld [tilespmem:s13+$0xFFFFFFC0]  }
0x1f8: {  	v9 =	vld [tilespmem:s7+$0x0]  }
0x1f9: {  	v10 =	vld [tilespmem:s13+$0x0]  }
0x1fa: {  	v11 =	vld [tilespmem:s13+$0x40]  }
0x1fb: {  	v60 =	vld [tilespmem:s7+$0xFFFFFFD0]  }
0x1fc: {  	v13 =	vld [tilespmem:s7+$0x10]  }
0x1fd: {  	v61 =	vld [tilespmem:s7+$0xFFFFFFE0]  }
0x1fe: {  	v62 =	vld [tilespmem:s7+$0x60];
	v0 =	vadd.f32 v1, v0  }
0x1ff: {  	v1 =	vld [tilespmem:s13+$0xFFFFFF40]  }
0x200: {  	[tilespmem:s7+$0xC0] =	vst v0;
	v0 =	vld [tilespmem:s7+$0xD0]  }
0x201: {  	v5 =	vld [tilespmem:s13+$0xD0]  }
0x202: {  	v63 =	vld [tilespmem:s7+$0xFFFFFF30];
	v4 =	vadd.f32 v6, v4  }
0x203: {  	v6 =	vld [tilespmem:s13+$0x80]  }
0x204: {  	[tilespmem:s7+$0xFFFFFF80] =	vst v4;
	v4 =	vadd.f32 v10, v9;
	v10 =	vld [tilespmem:s7+$0xFFFFFF50];
	v1 =	vadd.f32 v1, v3  }
0x205: {  	v3 =	vld [tilespmem:s7+$0x80]  }
0x206: {  	[tilespmem:s7+$0xFFFFFF40] =	vst v1;
	v0 =	vadd.f32 v5, v0;
	v5 =	vld [tilespmem:s7+$0x40]  }
0x207: {  	v1 =	vadd.f32 v8, v7;
	v8 =	vld [tilespmem:s13+$0xFFFFFF50]  }
0x208: {  	[tilespmem:s7+$0xD0] =	vst v0;
	v0 =	vld [tilespmem:s7+$0xE0]  }
0x209: {  	[tilespmem:s7+$0x0] =	vst v4;
	v12 =	vld [tilespmem:s13+$0xE0]  }
0x20a: {  	v9 =	vld [tilespmem:s13+$0x10]  }
0x20b: {  	v7 =	vld [tilespmem:s7+$0xFFFFFF00]  }
0x20c: {  	[tilespmem:s7+$0xFFFFFFC0] =	vst v1;
	v1 =	vld [tilespmem:s13+$0xFFFFFF90]  }
0x20d: {  	v4 =	vld [tilespmem:s13+$0xFFFFFFD0];
	v8 =	vadd.f32 v8, v10  }
0x20e: {  	v5 =	vadd.f32 v11, v5;
	v11 =	vld [tilespmem:s7+$0xFFFFFF90];
	v0 =	vadd.f32 v12, v0  }
0x20f: {  	v10 =	vld [tilespmem:s7+$0x90];
	[tilespmem:s7+$0xFFFFFF50] =	vst v8  }
0x210: {  	v8 =	vld [tilespmem:s13+$0xFFFFFF60];
	[tilespmem:s7+$0xE0] =	vst v0;
	v0 =	vadd.f32 v2, v7  }
0x211: {  	[tilespmem:s7+$0x40] =	vst v5;
	v7 =	vld [tilespmem:s7+$0xF0];
	v2 =	vadd.f32 v6, v3  }
0x212: {  	v5 =	vld [tilespmem:s13+$0xF0];
	[tilespmem:s7+$0xFFFFFF00] =	vst v0  }
0x213: {  	v1 =	vadd.f32 v1, v11;
	[tilespmem:s7+$0x80] =	vst v2;
	v2 =	vld [tilespmem:s7+$0xFFFFFF10]  }
0x214: {  	v3 =	vld [tilespmem:s13+$0xFFFFFF10]  }
0x215: {  	[tilespmem:s7+$0xFFFFFF90] =	vst v1;
	v1 =	vadd.f32 v9, v13;
	v6 =	vld [tilespmem:s13+$0x90]  }
0x216: {  	v4 =	vadd.f32 v4, v60;
	v0 =	vld [tilespmem:s13+$0x50]  }
0x217: {  	v9 =	vld [tilespmem:s13+$0xFFFFFFA0];
	[tilespmem:s7+$0x10] =	vst v1  }
0x218: {  	[tilespmem:s7+$0xFFFFFFD0] =	vst v4;
	v4 =	vld [tilespmem:s13+$0x20]  }
0x219: {  	v2 =	vadd.f32 v3, v2;
	v3 =	vld [tilespmem:s7+$0x50]  }
0x21a: {  	v1 =	vadd.f32 v6, v10;
	v10 =	vld [tilespmem:s7+$0xFFFFFFA0]  }
0x21b: {  	[tilespmem:s7+$0xFFFFFF10] =	vst v2;
	v2 =	vld [tilespmem:s7+$0xFFFFFF20]  }
0x21c: {  	v11 =	vld [tilespmem:s13+$0xFFFFFF20]  }
0x21d: {  	v5 =	vadd.f32 v5, v7;
	[tilespmem:s7+$0x90] =	vst v1;
	v1 =	vld [tilespmem:s7+$0xFFFFFF60]  }
0x21e: {  	v7 =	vld [tilespmem:s7+$0x30]  }
0x21f: {  	[tilespmem:s7+$0xF0] =	vst v5;
	v5 =	vld [tilespmem:s7+$0x70]  }
0x220: {  	v6 =	vld [tilespmem:s13+$0xA0]  }
0x221: {  	v0 =	vadd.f32 v0, v3;
	v3 =	vld [tilespmem:s13+$0xFFFFFFE0];
	v2 =	vadd.f32 v11, v2  }
0x222: {  	v1 =	vadd.f32 v8, v1;
	v8 =	vadd.f32 v9, v10;
	v9 =	vld [tilespmem:s7+$0xFFFFFFB0]  }
0x223: {  	[tilespmem:s7+$0xFFFFFF20] =	vst v2;
	v2 =	vld [tilespmem:s7+$0xA0]  }
0x224: {  	[tilespmem:s7+$0x50] =	vst v0;
	v11 =	vld [tilespmem:s7+$0x20]  }
0x225: {  	v0 =	vld [tilespmem:s13+$0x60];
	[tilespmem:s7+$0xFFFFFF60] =	vst v1  }
0x226: {  	[tilespmem:s7+$0xFFFFFFA0] =	vst v8;
	v8 =	vld [tilespmem:s7+$0xFFFFFFF0]  }
0x227: {  	v1 =	vadd.f32 v3, v61;
	v14 =	vld [tilespmem:s13+$0xFFFFFF70]  }
0x228: {  	v10 =	vld [tilespmem:s13+$0xFFFFFF30];
	v6 =	vadd.f32 v6, v2  }
0x229: {  	[tilespmem:s7+$0xFFFFFFE0] =	vst v1;
	v3 =	vadd.f32 v4, v11;
	v4 =	vld [tilespmem:s13+$0xFFFFFFB0]  }
0x22a: {  	v0 =	vadd.f32 v0, v62;
	[tilespmem:s7+$0xA0] =	vst v6;
	v6 =	vld [tilespmem:s7+$0xFFFFFF70]  }
0x22b: {  	v1 =	vld [tilespmem:s13+$0xFFFFFFF0];
	[tilespmem:s7+$0x20] =	vst v3  }
0x22c: {  	[tilespmem:s7+$0x60] =	vst v0;
	v2 =	vld [tilespmem:s13+$0x30]  }
0x22d: {  	v3 =	vld [tilespmem:s13+$0x70];
	v10 =	vadd.f32 v10, v63  }
0x22e: {  	v0 =	vld [tilespmem:s13+$0xB0]  }
0x22f: {  	s14 =	simm.s32 $0x12F00;
	s2 =	simm.s32 $0x0;
	[tilespmem:s7+$0xFFFFFF30] =	vst v10;
	v10 =	vadd.f32 v14, v6;
	v6 =	vld [tilespmem:s7+$0xB0]  }
.LBB2_8:
0x230: {  	v11 =	vld [tilespmem:s14+$0xC0];
	v4 =	vadd.f32 v4, v9;
	s13 =	sadd.s32 $0x200, s13  }
0x231: {  	s2 =	sadd.s32 $0x8, s2;
	v9 =	vld [tilespmem:s13+$0xC0];
	[tilespmem:s7+$0xFFFFFF70] =	vst v10;
	v1 =	vadd.f32 v1, v8  }
0x232: {  	p0 =	slt.u32 s2, $0xC0;
	v8 =	vld [tilespmem:s13+$0xFFFFFF00];
	[tilespmem:s7+$0xFFFFFFB0] =	vst v4;
	v2 =	vadd.f32 v2, v7  }
0x233: {  	v4 =	vld [tilespmem:s14+$0xFFFFFF40];
	[tilespmem:s7+$0xFFFFFFF0] =	vst v1;
	v1 =	vadd.f32 v3, v5  }
0x234: {  	v3 =	vld [tilespmem:s13+$0xFFFFFF40];
	[tilespmem:s7+$0x30] =	vst v2;
	v0 =	vadd.f32 v0, v6  }
0x235: {  	v2 =	vld [tilespmem:s14+$0xFFFFFF80];
	[tilespmem:s7+$0x70] =	vst v1  }
0x236: {  	v1 =	vld [tilespmem:s13+$0xFFFFFF80];
	v5 =	vadd.f32 v9, v11;
	[tilespmem:s7+$0xB0] =	vst v0;
	s7 =	smov.u32 s14  }
0x237: {  	v0 =	vld [tilespmem:s14+$0xFFFFFFC0]  }
0x238: {  	[tilespmem:s14+$0xC0] =	vst v5;
	v5 =	vld [tilespmem:s14+$0xD0]  }
0x239: {  	v3 =	vadd.f32 v3, v4;
	v4 =	vld [tilespmem:s13+$0xD0]  }
0x23a: {  	v6 =	vld [tilespmem:s13+$0xFFFFFFC0]  }
0x23b: {  	[tilespmem:s14+$0xFFFFFF40] =	vst v3;
	v1 =	vadd.f32 v1, v2;
	v2 =	vld [tilespmem:s14+$0x0]  }
0x23c: {  	v3 =	vld [tilespmem:s13+$0x0]  }
0x23d: {  	[tilespmem:s14+$0xFFFFFF80] =	vst v1;
	v1 =	vld [tilespmem:s14+$0x40]  }
0x23e: {  	v7 =	vld [tilespmem:s13+$0x40];
	v4 =	vadd.f32 v4, v5  }
0x23f: {  	v0 =	vadd.f32 v6, v0;
	v5 =	vld [tilespmem:s14+$0x80]  }
0x240: {  	[tilespmem:s14+$0xD0] =	vst v4;
	v4 =	vld [tilespmem:s14+$0xE0]  }
0x241: {  	[tilespmem:s14+$0xFFFFFFC0] =	vst v0;
	v0 =	vadd.f32 v3, v2;
	v2 =	vld [tilespmem:s13+$0xE0]  }
0x242: {  	v3 =	vld [tilespmem:s13+$0x80]  }
0x243: {  	v6 =	vld [tilespmem:s14+$0xFFFFFF00];
	[tilespmem:s14+$0x0] =	vst v0;
	v0 =	vadd.f32 v7, v1  }
0x244: {  	v1 =	vld [tilespmem:s13+$0xFFFFFF50]  }
0x245: {  	v7 =	vld [tilespmem:s13+$0xFFFFFF90];
	[tilespmem:s14+$0x40] =	vst v0  }
0x246: {  	v0 =	vld [tilespmem:s13+$0xFFFFFFD0];
	v2 =	vadd.f32 v2, v4  }
0x247: {  	v4 =	vld [tilespmem:s13+$0x10];
	v3 =	vadd.f32 v3, v5  }
0x248: {  	v5 =	vadd.f32 v8, v6;
	[tilespmem:s14+$0xE0] =	vst v2;
	v2 =	vld [tilespmem:s14+$0xF0]  }
0x249: {  	[tilespmem:s14+$0x80] =	vst v3;
	v3 =	vld [tilespmem:s13+$0xF0]  }
0x24a: {  	[tilespmem:s14+$0xFFFFFF00] =	vst v5;
	v5 =	vld [tilespmem:s13+$0x50]  }
0x24b: {  	v6 =	vld [tilespmem:s13+$0xFFFFFF10]  }
0x24c: {  	v8 =	vld [tilespmem:s13+$0x90]  }
0x24d: {  	v9 =	vld [tilespmem:s14+$0xFFFFFF10]  }
0x24e: {  	v10 =	vld [tilespmem:s14+$0xFFFFFF50];
	v2 =	vadd.f32 v3, v2  }
0x24f: {  	v3 =	vld [tilespmem:s14+$0xFFFFFF90]  }
0x250: {  	v11 =	vld [tilespmem:s14+$0xFFFFFFD0];
	[tilespmem:s14+$0xF0] =	vst v2  }
0x251: {  	v2 =	vld [tilespmem:s14+$0x10]  }
0x252: {  	v6 =	vadd.f32 v6, v9;
	v9 =	vld [tilespmem:s14+$0x50]  }
0x253: {  	v1 =	vadd.f32 v1, v10;
	v10 =	vld [tilespmem:s14+$0x90]  }
0x254: {  	[tilespmem:s14+$0xFFFFFF10] =	vst v6;
	v6 =	vld [tilespmem:s14+$0xFFFFFF20];
	v3 =	vadd.f32 v7, v3  }
0x255: {  	v7 =	vld [tilespmem:s13+$0xFFFFFF20];
	[tilespmem:s14+$0xFFFFFF50] =	vst v1;
	v0 =	vadd.f32 v0, v11  }
0x256: {  	v1 =	vld [tilespmem:s13+$0xFFFFFF60];
	[tilespmem:s14+$0xFFFFFF90] =	vst v3;
	v2 =	vadd.f32 v4, v2  }
0x257: {  	v3 =	vld [tilespmem:s13+$0xFFFFFFA0];
	[tilespmem:s14+$0xFFFFFFD0] =	vst v0;
	v0 =	vadd.f32 v5, v9  }
0x258: {  	v4 =	vld [tilespmem:s13+$0xFFFFFFE0];
	[tilespmem:s14+$0x10] =	vst v2;
	v2 =	vadd.f32 v8, v10  }
0x259: {  	v5 =	vld [tilespmem:s13+$0x20];
	[tilespmem:s14+$0x50] =	vst v0  }
0x25a: {  	v0 =	vadd.f32 v7, v6;
	v6 =	vld [tilespmem:s13+$0x60];
	[tilespmem:s14+$0x90] =	vst v2  }
0x25b: {  	v2 =	vld [tilespmem:s13+$0xA0]  }
0x25c: {  	[tilespmem:s14+$0xFFFFFF20] =	vst v0;
	v0 =	vld [tilespmem:s14+$0xFFFFFF60]  }
0x25d: {  	v7 =	vld [tilespmem:s14+$0xFFFFFFA0]  }
0x25e: {  	v8 =	vld [tilespmem:s14+$0xFFFFFFE0]  }
0x25f: {  	v9 =	vld [tilespmem:s14+$0x20]  }
0x260: {  	v10 =	vld [tilespmem:s14+$0x60]  }
0x261: {  	v0 =	vadd.f32 v1, v0;
	v11 =	vld [tilespmem:s14+$0xA0]  }
0x262: {  	v12 =	vld [tilespmem:s13+$0xFFFFFF30];
	v1 =	vadd.f32 v3, v7  }
0x263: {  	v3 =	vld [tilespmem:s14+$0xFFFFFF30];
	[tilespmem:s14+$0xFFFFFF60] =	vst v0;
	v0 =	vadd.f32 v4, v8  }
0x264: {  	v13 =	vld [tilespmem:s13+$0xFFFFFF70];
	[tilespmem:s14+$0xFFFFFFA0] =	vst v1;
	v5 =	vadd.f32 v5, v9  }
0x265: {  	v4 =	vld [tilespmem:s13+$0xFFFFFFB0];
	[tilespmem:s14+$0xFFFFFFE0] =	vst v0;
	v0 =	vadd.f32 v6, v10  }
0x266: {  	v1 =	vld [tilespmem:s13+$0xFFFFFFF0];
	[tilespmem:s14+$0x20] =	vst v5;
	v5 =	vadd.f32 v2, v11  }
0x267: {  	v2 =	vld [tilespmem:s13+$0x30];
	[tilespmem:s14+$0x60] =	vst v0  }
0x268: {  	v6 =	vadd.f32 v12, v3;
	v3 =	vld [tilespmem:s13+$0x70];
	[tilespmem:s14+$0xA0] =	vst v5  }
0x269: {  	v0 =	vld [tilespmem:s13+$0xB0]  }
0x26a: {  	[tilespmem:s14+$0xFFFFFF30] =	vst v6;
	v6 =	vld [tilespmem:s14+$0xFFFFFF70]  }
.Ltmp3:
0x26b: {  	v9 =	vld [tilespmem:s14+$0xFFFFFFB0];
	(pc) =	sbr.rel @p0 .LBB2_8-.Ltmp3, $4  }
0x26c: {  	v8 =	vld [tilespmem:s14+$0xFFFFFFF0]  }
0x26d: {  	v7 =	vld [tilespmem:s14+$0x30]  }
0x26e: {  	v5 =	vld [tilespmem:s14+$0x70]  }
0x26f: {  	s14 =	sadd.s32 $0x200, s14;
	v10 =	vadd.f32 v13, v6;
	v6 =	vld [tilespmem:s7+$0xB0]  }
0x270: {  	v4 =	vadd.f32 v4, v9  }
0x271: {  	[tilespmem:s7+$0xFFFFFF70] =	vst v10;
	v1 =	vadd.f32 v1, v8  }
0x272: {  	[tilespmem:s7+$0xFFFFFFB0] =	vst v4;
	v2 =	vadd.f32 v2, v7  }
0x273: {  	[tilespmem:s7+$0xFFFFFFF0] =	vst v1;
	v63 =	vadd.f32 v3, v5  }
0x274: {  	[tilespmem:s7+$0x30] =	vst v2;
	v0 =	vadd.f32 v0, v6  }
0x275: {  	[tilespmem:s7+$0x70] =	vst v63  }
0x276: {  	[tilespmem:s7+$0xB0] =	vst v0  }
0x277: {  	s2 =	rddreg [dreg:$0x8]  }
0x278: {  	[hbm4b:s2+s1] =	stream.strided.scatter [tilespmem:s25], [sflag:$0x8], $0x3200, s18, s1, $0x38;
	[tilespmem:$0x15E00] =	vst v63  }
0x279: {  	_ =	swait.ge [sflag:s10], $0x3200  }
0x27a: {  	[sflag:s10] =	ssyncset.done $0x0  }
0x27b: {  	s16 =	simm.s32 $0x4B0;
	[sflag:s10] =	ssyncadd.s32 $0xFFFFCE00  }
0x27c: {  	[tilespmem:s29], [sflag:$0x3] =	stream.indirect.gather [hbm4b:s6+s19], $0x40, s16, s19, $0xb8;
	[tilespmem:$0x15E00] =	vst v63  }
0x27d: {  	s17 =	simm.s32 $0x510;
	s13 =	simm.s32 $0x1  }
0x27e: {  	[tilespmem:s31], [sflag:$0x3] =	stream.indirect.gather [hbm4b:s6+s21], $0x40, s17, s21, $0xb8;
	[tilespmem:$0x15E00] =	vst v63  }
.LBB2_10:
0x27f: {  	_ =	swait.ge [sflag:s0], $0x1800  }
0x280: {  	[sflag:s0] =	ssyncset.done $0x0  }
0x281: {  	[sflag:s0] =	ssyncadd.s32 $0xFFFFE800  }
0x282: {  	_ =	swait.ge [sflag:s0], $0x1A00  }
0x283: {  	[sflag:s0] =	ssyncset.done $0x0  }
0x284: {  	s14 =	simm.s32 $0x9700;
	[sflag:s0] =	ssyncadd.s32 $0xFFFFE600  }
0x285: {  	s7 =	simm.s32 $0x6500;
	v0 =	vld [tilespmem:s14+$0xC0]  }
0x286: {  	v1 =	vld [tilespmem:s7+$0xC0]  }
0x287: {  	v2 =	vld [tilespmem:s7+$0xFFFFFF00]  }
0x288: {  	v3 =	vld [tilespmem:s14+$0xFFFFFF40]  }
0x289: {  	v4 =	vld [tilespmem:s14+$0xFFFFFF80]  }
0x28a: {  	v6 =	vld [tilespmem:s7+$0xFFFFFF80]  }
0x28b: {  	v7 =	vld [tilespmem:s14+$0xFFFFFFC0]  }
0x28c: {  	v8 =	vld [tilespmem:s7+$0xFFFFFFC0]  }
0x28d: {  	v9 =	vld [tilespmem:s14+$0x0]  }
0x28e: {  	v10 =	vld [tilespmem:s7+$0x0]  }
0x28f: {  	v11 =	vld [tilespmem:s7+$0x40]  }
0x290: {  	v60 =	vld [tilespmem:s14+$0xFFFFFFD0]  }
0x291: {  	v13 =	vld [tilespmem:s14+$0x10]  }
0x292: {  	v61 =	vld [tilespmem:s14+$0xFFFFFFE0]  }
0x293: {  	v62 =	vld [tilespmem:s14+$0x60];
	v0 =	vadd.f32 v1, v0  }
0x294: {  	v1 =	vld [tilespmem:s7+$0xFFFFFF40]  }
0x295: {  	[tilespmem:s14+$0xC0] =	vst v0;
	v0 =	vld [tilespmem:s14+$0xD0]  }
0x296: {  	v5 =	vld [tilespmem:s7+$0xD0]  }
0x297: {  	v63 =	vld [tilespmem:s14+$0xFFFFFF30];
	v4 =	vadd.f32 v6, v4  }
0x298: {  	v6 =	vld [tilespmem:s7+$0x80]  }
0x299: {  	[tilespmem:s14+$0xFFFFFF80] =	vst v4;
	v4 =	vadd.f32 v10, v9;
	v10 =	vld [tilespmem:s14+$0xFFFFFF50];
	v1 =	vadd.f32 v1, v3  }
0x29a: {  	v3 =	vld [tilespmem:s14+$0x80]  }
0x29b: {  	[tilespmem:s14+$0xFFFFFF40] =	vst v1;
	v0 =	vadd.f32 v5, v0;
	v5 =	vld [tilespmem:s14+$0x40]  }
0x29c: {  	v1 =	vadd.f32 v8, v7;
	v8 =	vld [tilespmem:s7+$0xFFFFFF50]  }
0x29d: {  	[tilespmem:s14+$0xD0] =	vst v0;
	v0 =	vld [tilespmem:s14+$0xE0]  }
0x29e: {  	[tilespmem:s14+$0x0] =	vst v4;
	v12 =	vld [tilespmem:s7+$0xE0]  }
0x29f: {  	v9 =	vld [tilespmem:s7+$0x10]  }
0x2a0: {  	v7 =	vld [tilespmem:s14+$0xFFFFFF00]  }
0x2a1: {  	[tilespmem:s14+$0xFFFFFFC0] =	vst v1;
	v1 =	vld [tilespmem:s7+$0xFFFFFF90]  }
0x2a2: {  	v4 =	vld [tilespmem:s7+$0xFFFFFFD0];
	v8 =	vadd.f32 v8, v10  }
0x2a3: {  	v5 =	vadd.f32 v11, v5;
	v11 =	vld [tilespmem:s14+$0xFFFFFF90];
	v0 =	vadd.f32 v12, v0  }
0x2a4: {  	v10 =	vld [tilespmem:s14+$0x90];
	[tilespmem:s14+$0xFFFFFF50] =	vst v8  }
0x2a5: {  	v8 =	vld [tilespmem:s7+$0xFFFFFF60];
	[tilespmem:s14+$0xE0] =	vst v0;
	v0 =	vadd.f32 v2, v7  }
0x2a6: {  	[tilespmem:s14+$0x40] =	vst v5;
	v7 =	vld [tilespmem:s14+$0xF0];
	v2 =	vadd.f32 v6, v3  }
0x2a7: {  	v5 =	vld [tilespmem:s7+$0xF0];
	[tilespmem:s14+$0xFFFFFF00] =	vst v0  }
0x2a8: {  	v1 =	vadd.f32 v1, v11;
	[tilespmem:s14+$0x80] =	vst v2;
	v2 =	vld [tilespmem:s14+$0xFFFFFF10]  }
0x2a9: {  	v3 =	vld [tilespmem:s7+$0xFFFFFF10]  }
0x2aa: {  	v0 =	vld [tilespmem:s7+$0x50];
	[tilespmem:s14+$0xFFFFFF90] =	vst v1;
	v1 =	vadd.f32 v9, v13  }
0x2ab: {  	v4 =	vadd.f32 v4, v60;
	v6 =	vld [tilespmem:s7+$0x90]  }
0x2ac: {  	v9 =	vld [tilespmem:s7+$0xFFFFFFA0];
	[tilespmem:s14+$0x10] =	vst v1  }
0x2ad: {  	[tilespmem:s14+$0xFFFFFFD0] =	vst v4;
	v4 =	vld [tilespmem:s7+$0x20]  }
0x2ae: {  	v5 =	vadd.f32 v5, v7;
	v7 =	vld [tilespmem:s14+$0x30];
	v2 =	vadd.f32 v3, v2  }
0x2af: {  	v3 =	vld [tilespmem:s14+$0x50]  }
0x2b0: {  	[tilespmem:s14+$0xFFFFFF10] =	vst v2;
	v2 =	vld [tilespmem:s14+$0xFFFFFF20]  }
0x2b1: {  	v11 =	vld [tilespmem:s7+$0xFFFFFF20]  }
0x2b2: {  	v1 =	vadd.f32 v6, v10;
	v6 =	vld [tilespmem:s14+$0xFFFFFF60]  }
0x2b3: {  	v10 =	vld [tilespmem:s14+$0xFFFFFFA0];
	[tilespmem:s14+$0xF0] =	vst v5  }
0x2b4: {  	v5 =	vld [tilespmem:s14+$0x70];
	[tilespmem:s14+$0x90] =	vst v1;
	v0 =	vadd.f32 v0, v3  }
0x2b5: {  	v1 =	vld [tilespmem:s7+$0xA0]  }
0x2b6: {  	v3 =	vld [tilespmem:s7+$0xFFFFFFE0];
	[tilespmem:s14+$0x50] =	vst v0;
	v2 =	vadd.f32 v11, v2  }
0x2b7: {  	v0 =	vld [tilespmem:s7+$0x60]  }
0x2b8: {  	[tilespmem:s14+$0xFFFFFF20] =	vst v2;
	v2 =	vadd.f32 v8, v6;
	v6 =	vld [tilespmem:s14+$0xA0]  }
0x2b9: {  	v11 =	vld [tilespmem:s14+$0x20]  }
0x2ba: {  	v8 =	vadd.f32 v9, v10;
	v9 =	vld [tilespmem:s14+$0xFFFFFFB0]  }
0x2bb: {  	v10 =	vld [tilespmem:s7+$0xFFFFFF30];
	[tilespmem:s14+$0xFFFFFF60] =	vst v2  }
0x2bc: {  	v2 =	vadd.f32 v3, v61;
	[tilespmem:s14+$0xFFFFFFA0] =	vst v8;
	v8 =	vld [tilespmem:s14+$0xFFFFFFF0]  }
0x2bd: {  	v14 =	vld [tilespmem:s7+$0xFFFFFF70];
	v6 =	vadd.f32 v1, v6  }
0x2be: {  	v3 =	vadd.f32 v4, v11;
	v4 =	vld [tilespmem:s7+$0xFFFFFFB0];
	[tilespmem:s14+$0xFFFFFFE0] =	vst v2  }
0x2bf: {  	v0 =	vadd.f32 v0, v62;
	[tilespmem:s14+$0xA0] =	vst v6;
	v6 =	vld [tilespmem:s14+$0xFFFFFF70]  }
0x2c0: {  	v2 =	vld [tilespmem:s7+$0xFFFFFFF0];
	[tilespmem:s14+$0x20] =	vst v3  }
0x2c1: {  	[tilespmem:s14+$0x60] =	vst v0;
	v3 =	vld [tilespmem:s7+$0x30]  }
0x2c2: {  	v1 =	vld [tilespmem:s7+$0x70];
	v10 =	vadd.f32 v10, v63  }
0x2c3: {  	v0 =	vld [tilespmem:s7+$0xB0]  }
0x2c4: {  	s2 =	simm.s32 $0x0;
	s15 =	simm.s32 $0x9900;
	[tilespmem:s14+$0xFFFFFF30] =	vst v10;
	v10 =	vadd.f32 v14, v6;
	v6 =	vld [tilespmem:s14+$0xB0]  }
.LBB2_11:
0x2c5: {  	v11 =	vld [tilespmem:s15+$0xC0];
	v4 =	vadd.f32 v4, v9;
	s7 =	sadd.s32 $0x200, s7  }
0x2c6: {  	s2 =	sadd.s32 $0x8, s2;
	v9 =	vld [tilespmem:s7+$0xC0];
	[tilespmem:s14+$0xFFFFFF70] =	vst v10;
	v2 =	vadd.f32 v2, v8  }
0x2c7: {  	p0 =	slt.u32 s2, $0xC0;
	v8 =	vld [tilespmem:s7+$0xFFFFFF00];
	[tilespmem:s14+$0xFFFFFFB0] =	vst v4;
	v3 =	vadd.f32 v3, v7  }
0x2c8: {  	v4 =	vld [tilespmem:s15+$0xFFFFFF40];
	[tilespmem:s14+$0xFFFFFFF0] =	vst v2;
	v1 =	vadd.f32 v1, v5  }
0x2c9: {  	v2 =	vld [tilespmem:s7+$0xFFFFFF40];
	[tilespmem:s14+$0x30] =	vst v3;
	v0 =	vadd.f32 v0, v6  }
0x2ca: {  	v3 =	vld [tilespmem:s15+$0xFFFFFF80];
	[tilespmem:s14+$0x70] =	vst v1  }
0x2cb: {  	v1 =	vld [tilespmem:s7+$0xFFFFFF80];
	v5 =	vadd.f32 v9, v11;
	[tilespmem:s14+$0xB0] =	vst v0;
	s14 =	smov.u32 s15  }
0x2cc: {  	v0 =	vld [tilespmem:s15+$0xFFFFFFC0]  }
0x2cd: {  	[tilespmem:s15+$0xC0] =	vst v5;
	v5 =	vld [tilespmem:s15+$0xD0]  }
0x2ce: {  	v2 =	vadd.f32 v2, v4;
	v4 =	vld [tilespmem:s7+$0xD0]  }
0x2cf: {  	v6 =	vld [tilespmem:s7+$0xFFFFFFC0]  }
0x2d0: {  	[tilespmem:s15+$0xFFFFFF40] =	vst v2;
	v1 =	vadd.f32 v1, v3;
	v2 =	vld [tilespmem:s15+$0x0]  }
0x2d1: {  	v3 =	vld [tilespmem:s7+$0x0]  }
0x2d2: {  	[tilespmem:s15+$0xFFFFFF80] =	vst v1;
	v1 =	vld [tilespmem:s15+$0x40]  }
0x2d3: {  	v7 =	vld [tilespmem:s7+$0x40];
	v4 =	vadd.f32 v4, v5  }
0x2d4: {  	v0 =	vadd.f32 v6, v0;
	v5 =	vld [tilespmem:s15+$0x80]  }
0x2d5: {  	[tilespmem:s15+$0xD0] =	vst v4;
	v4 =	vld [tilespmem:s15+$0xE0]  }
0x2d6: {  	[tilespmem:s15+$0xFFFFFFC0] =	vst v0;
	v0 =	vadd.f32 v3, v2;
	v2 =	vld [tilespmem:s7+$0xE0]  }
0x2d7: {  	v3 =	vld [tilespmem:s7+$0x80]  }
0x2d8: {  	v6 =	vld [tilespmem:s15+$0xFFFFFF00];
	[tilespmem:s15+$0x0] =	vst v0;
	v0 =	vadd.f32 v7, v1  }
0x2d9: {  	v1 =	vld [tilespmem:s7+$0xFFFFFF50]  }
0x2da: {  	v7 =	vld [tilespmem:s7+$0xFFFFFF90];
	[tilespmem:s15+$0x40] =	vst v0  }
0x2db: {  	v0 =	vld [tilespmem:s7+$0xFFFFFFD0];
	v2 =	vadd.f32 v2, v4  }
0x2dc: {  	v4 =	vld [tilespmem:s7+$0x10];
	v3 =	vadd.f32 v3, v5  }
0x2dd: {  	v5 =	vadd.f32 v8, v6;
	[tilespmem:s15+$0xE0] =	vst v2;
	v2 =	vld [tilespmem:s15+$0xF0]  }
0x2de: {  	[tilespmem:s15+$0x80] =	vst v3;
	v3 =	vld [tilespmem:s7+$0xF0]  }
0x2df: {  	[tilespmem:s15+$0xFFFFFF00] =	vst v5;
	v5 =	vld [tilespmem:s7+$0x50]  }
0x2e0: {  	v6 =	vld [tilespmem:s7+$0xFFFFFF10]  }
0x2e1: {  	v8 =	vld [tilespmem:s7+$0x90]  }
0x2e2: {  	v9 =	vld [tilespmem:s15+$0xFFFFFF10]  }
0x2e3: {  	v10 =	vld [tilespmem:s15+$0xFFFFFF50];
	v2 =	vadd.f32 v3, v2  }
0x2e4: {  	v3 =	vld [tilespmem:s15+$0xFFFFFF90]  }
0x2e5: {  	v11 =	vld [tilespmem:s15+$0xFFFFFFD0];
	[tilespmem:s15+$0xF0] =	vst v2  }
0x2e6: {  	v2 =	vld [tilespmem:s15+$0x10]  }
0x2e7: {  	v6 =	vadd.f32 v6, v9;
	v9 =	vld [tilespmem:s15+$0x50]  }
0x2e8: {  	v1 =	vadd.f32 v1, v10;
	v10 =	vld [tilespmem:s15+$0x90]  }
0x2e9: {  	[tilespmem:s15+$0xFFFFFF10] =	vst v6;
	v6 =	vld [tilespmem:s15+$0xFFFFFF20];
	v3 =	vadd.f32 v7, v3  }
0x2ea: {  	v7 =	vld [tilespmem:s7+$0xFFFFFF20];
	[tilespmem:s15+$0xFFFFFF50] =	vst v1;
	v0 =	vadd.f32 v0, v11  }
0x2eb: {  	v1 =	vld [tilespmem:s7+$0xFFFFFF60];
	[tilespmem:s15+$0xFFFFFF90] =	vst v3;
	v2 =	vadd.f32 v4, v2  }
0x2ec: {  	v3 =	vld [tilespmem:s7+$0xFFFFFFA0];
	[tilespmem:s15+$0xFFFFFFD0] =	vst v0;
	v0 =	vadd.f32 v5, v9  }
0x2ed: {  	v4 =	vld [tilespmem:s7+$0xFFFFFFE0];
	[tilespmem:s15+$0x10] =	vst v2;
	v2 =	vadd.f32 v8, v10  }
0x2ee: {  	v5 =	vld [tilespmem:s7+$0x20];
	[tilespmem:s15+$0x50] =	vst v0  }
0x2ef: {  	v0 =	vadd.f32 v7, v6;
	v6 =	vld [tilespmem:s7+$0x60];
	[tilespmem:s15+$0x90] =	vst v2  }
0x2f0: {  	v7 =	vld [tilespmem:s7+$0xA0]  }
0x2f1: {  	[tilespmem:s15+$0xFFFFFF20] =	vst v0;
	v0 =	vld [tilespmem:s15+$0xFFFFFF60]  }
0x2f2: {  	v2 =	vld [tilespmem:s15+$0xFFFFFFA0]  }
0x2f3: {  	v8 =	vld [tilespmem:s15+$0xFFFFFFE0]  }
0x2f4: {  	v9 =	vld [tilespmem:s15+$0x20]  }
0x2f5: {  	v10 =	vld [tilespmem:s15+$0x60]  }
0x2f6: {  	v0 =	vadd.f32 v1, v0;
	v1 =	vld [tilespmem:s15+$0xA0]  }
0x2f7: {  	v11 =	vld [tilespmem:s7+$0xFFFFFF30];
	v2 =	vadd.f32 v3, v2  }
0x2f8: {  	v12 =	vld [tilespmem:s15+$0xFFFFFF30];
	[tilespmem:s15+$0xFFFFFF60] =	vst v0;
	v0 =	vadd.f32 v4, v8  }
0x2f9: {  	v13 =	vld [tilespmem:s7+$0xFFFFFF70];
	[tilespmem:s15+$0xFFFFFFA0] =	vst v2;
	v3 =	vadd.f32 v5, v9  }
0x2fa: {  	v4 =	vld [tilespmem:s7+$0xFFFFFFB0];
	[tilespmem:s15+$0xFFFFFFE0] =	vst v0;
	v0 =	vadd.f32 v6, v10  }
0x2fb: {  	v2 =	vld [tilespmem:s7+$0xFFFFFFF0];
	[tilespmem:s15+$0x20] =	vst v3;
	v5 =	vadd.f32 v7, v1  }
0x2fc: {  	v3 =	vld [tilespmem:s7+$0x30];
	[tilespmem:s15+$0x60] =	vst v0  }
0x2fd: {  	v6 =	vadd.f32 v11, v12;
	v1 =	vld [tilespmem:s7+$0x70];
	[tilespmem:s15+$0xA0] =	vst v5  }
0x2fe: {  	v0 =	vld [tilespmem:s7+$0xB0]  }
0x2ff: {  	[tilespmem:s15+$0xFFFFFF30] =	vst v6;
	v6 =	vld [tilespmem:s15+$0xFFFFFF70]  }
.Ltmp4:
0x300: {  	v9 =	vld [tilespmem:s15+$0xFFFFFFB0];
	(pc) =	sbr.rel @p0 .LBB2_11-.Ltmp4, $4  }
0x301: {  	v8 =	vld [tilespmem:s15+$0xFFFFFFF0]  }
0x302: {  	v7 =	vld [tilespmem:s15+$0x30]  }
0x303: {  	v5 =	vld [tilespmem:s15+$0x70]  }
0x304: {  	s15 =	sadd.s32 $0x200, s15;
	v10 =	vadd.f32 v13, v6;
	v6 =	vld [tilespmem:s14+$0xB0]  }
0x305: {  	v4 =	vadd.f32 v4, v9  }
0x306: {  	[tilespmem:s14+$0xFFFFFF70] =	vst v10;
	v2 =	vadd.f32 v2, v8  }
0x307: {  	s15 =	sshll.u32 s13, $0x2;
	[tilespmem:s14+$0xFFFFFFB0] =	vst v4;
	v3 =	vadd.f32 v3, v7  }
0x308: {  	s2 =	sadd.s32 s3, s15;
	[tilespmem:s14+$0xFFFFFFF0] =	vst v2;
	v1 =	vadd.f32 v1, v5  }
0x309: {  	s2 =	smul.u32 $0xC80, s2;
	[tilespmem:s14+$0x30] =	vst v3;
	v0 =	vadd.f32 v0, v6  }
0x30a: {  	[tilespmem:s14+$0x70] =	vst v1  }
0x30b: {  	s2 =	sadd.s32 s5, s2;
	[tilespmem:s14+$0xB0] =	vst v0;
	s14 =	sshllo.u32 s13, $0x2  }
0x30c: {  	[hbm4b:s2+s1] =	stream.strided.scatter [tilespmem:s20], [sflag:$0x5], $0x3200, s18, s1, $0x38;
	[tilespmem:$0x15E00] =	vst v63  }
0x30d: {  	s17 =	smul.u32 $0x320, s14;
	_ =	swait.ge [sflag:s11], $0x3200  }
0x30e: {  	[sflag:s11] =	ssyncset.done $0x0  }
0x30f: {  	s2 =	sshra.s32 s17, $0x2;
	[sflag:s11] =	ssyncadd.s32 $0xFFFFCE00  }
0x310: {  	[tilespmem:s25], [sflag:$0x4] =	stream.indirect.gather [hbm4b:s6+s19], $0x40, s2, s19, $0xb8;
	[tilespmem:$0x15E00] =	vst v63  }
0x311: {  	s2 =	sadd.s32 $0x60, s2  }
0x312: {  	[tilespmem:s30], [sflag:$0x4] =	stream.indirect.gather [hbm4b:s6+s21], $0x40, s2, s21, $0xb8;
	[tilespmem:$0x15E00] =	vst v63  }
0x313: {  	_ =	swait.ge [sflag:s23], $0x1800  }
0x314: {  	[sflag:s23] =	ssyncset.done $0x0  }
0x315: {  	[sflag:s23] =	ssyncadd.s32 $0xFFFFE800  }
0x316: {  	_ =	swait.ge [sflag:s23], $0x1A00  }
0x317: {  	[sflag:s23] =	ssyncset.done $0x0  }
0x318: {  	s7 =	simm.s32 $0xC900;
	[sflag:s23] =	ssyncadd.s32 $0xFFFFE600  }
0x319: {  	s16 =	simm.s32 $0x6500;
	v0 =	vld [tilespmem:s7+$0xC0]  }
0x31a: {  	v1 =	vld [tilespmem:s16+$0xC0]  }
0x31b: {  	v2 =	vld [tilespmem:s16+$0xFFFFFF00]  }
0x31c: {  	v3 =	vld [tilespmem:s7+$0xFFFFFF40]  }
0x31d: {  	v4 =	vld [tilespmem:s7+$0xFFFFFF80]  }
0x31e: {  	v6 =	vld [tilespmem:s16+$0xFFFFFF80]  }
0x31f: {  	v7 =	vld [tilespmem:s7+$0xFFFFFFC0]  }
0x320: {  	v8 =	vld [tilespmem:s16+$0xFFFFFFC0]  }
0x321: {  	v9 =	vld [tilespmem:s7+$0x0]  }
0x322: {  	v10 =	vld [tilespmem:s16+$0x0]  }
0x323: {  	v11 =	vld [tilespmem:s16+$0x40]  }
0x324: {  	v60 =	vld [tilespmem:s7+$0xFFFFFFD0]  }
0x325: {  	v13 =	vld [tilespmem:s7+$0x10]  }
0x326: {  	v61 =	vld [tilespmem:s7+$0xFFFFFFE0]  }
0x327: {  	v62 =	vld [tilespmem:s7+$0x60];
	v0 =	vadd.f32 v1, v0  }
0x328: {  	v1 =	vld [tilespmem:s16+$0xFFFFFF40]  }
0x329: {  	[tilespmem:s7+$0xC0] =	vst v0;
	v0 =	vld [tilespmem:s7+$0xD0]  }
0x32a: {  	v5 =	vld [tilespmem:s16+$0xD0]  }
0x32b: {  	v63 =	vld [tilespmem:s7+$0xFFFFFF30];
	v4 =	vadd.f32 v6, v4  }
0x32c: {  	v6 =	vld [tilespmem:s16+$0x80]  }
0x32d: {  	[tilespmem:s7+$0xFFFFFF80] =	vst v4;
	v4 =	vadd.f32 v10, v9;
	v10 =	vld [tilespmem:s7+$0xFFFFFF50];
	v1 =	vadd.f32 v1, v3  }
0x32e: {  	v3 =	vld [tilespmem:s7+$0x80]  }
0x32f: {  	[tilespmem:s7+$0xFFFFFF40] =	vst v1;
	v0 =	vadd.f32 v5, v0;
	v5 =	vld [tilespmem:s7+$0x40]  }
0x330: {  	v1 =	vadd.f32 v8, v7;
	v8 =	vld [tilespmem:s16+$0xFFFFFF50]  }
0x331: {  	[tilespmem:s7+$0xD0] =	vst v0;
	v0 =	vld [tilespmem:s7+$0xE0]  }
0x332: {  	[tilespmem:s7+$0x0] =	vst v4;
	v12 =	vld [tilespmem:s16+$0xE0]  }
0x333: {  	v9 =	vld [tilespmem:s16+$0x10]  }
0x334: {  	v7 =	vld [tilespmem:s7+$0xFFFFFF00]  }
0x335: {  	[tilespmem:s7+$0xFFFFFFC0] =	vst v1;
	v1 =	vld [tilespmem:s16+$0xFFFFFF90]  }
0x336: {  	v4 =	vld [tilespmem:s16+$0xFFFFFFD0];
	v8 =	vadd.f32 v8, v10  }
0x337: {  	v5 =	vadd.f32 v11, v5;
	v11 =	vld [tilespmem:s7+$0xFFFFFF90];
	v0 =	vadd.f32 v12, v0  }
0x338: {  	v10 =	vld [tilespmem:s7+$0x90];
	[tilespmem:s7+$0xFFFFFF50] =	vst v8  }
0x339: {  	v8 =	vld [tilespmem:s16+$0xFFFFFF60];
	[tilespmem:s7+$0xE0] =	vst v0;
	v0 =	vadd.f32 v2, v7  }
0x33a: {  	[tilespmem:s7+$0x40] =	vst v5;
	v7 =	vld [tilespmem:s7+$0xF0];
	v2 =	vadd.f32 v6, v3  }
0x33b: {  	v5 =	vld [tilespmem:s16+$0xF0];
	[tilespmem:s7+$0xFFFFFF00] =	vst v0  }
0x33c: {  	v1 =	vadd.f32 v1, v11;
	[tilespmem:s7+$0x80] =	vst v2;
	v2 =	vld [tilespmem:s7+$0xFFFFFF10]  }
0x33d: {  	v3 =	vld [tilespmem:s16+$0xFFFFFF10]  }
0x33e: {  	v0 =	vld [tilespmem:s16+$0x50];
	[tilespmem:s7+$0xFFFFFF90] =	vst v1;
	v1 =	vadd.f32 v9, v13  }
0x33f: {  	v4 =	vadd.f32 v4, v60;
	v6 =	vld [tilespmem:s16+$0x90]  }
0x340: {  	v9 =	vld [tilespmem:s16+$0xFFFFFFA0];
	[tilespmem:s7+$0x10] =	vst v1  }
0x341: {  	[tilespmem:s7+$0xFFFFFFD0] =	vst v4;
	v4 =	vld [tilespmem:s16+$0x20]  }
0x342: {  	v5 =	vadd.f32 v5, v7;
	v7 =	vld [tilespmem:s7+$0x30];
	v2 =	vadd.f32 v3, v2  }
0x343: {  	v3 =	vld [tilespmem:s7+$0x50]  }
0x344: {  	[tilespmem:s7+$0xFFFFFF10] =	vst v2;
	v2 =	vld [tilespmem:s7+$0xFFFFFF20]  }
0x345: {  	v11 =	vld [tilespmem:s16+$0xFFFFFF20]  }
0x346: {  	v1 =	vadd.f32 v6, v10;
	v6 =	vld [tilespmem:s7+$0xFFFFFF60]  }
0x347: {  	v10 =	vld [tilespmem:s7+$0xFFFFFFA0];
	[tilespmem:s7+$0xF0] =	vst v5  }
0x348: {  	v5 =	vld [tilespmem:s7+$0x70];
	[tilespmem:s7+$0x90] =	vst v1;
	v0 =	vadd.f32 v0, v3  }
0x349: {  	v1 =	vld [tilespmem:s16+$0xA0]  }
0x34a: {  	v3 =	vld [tilespmem:s16+$0xFFFFFFE0];
	[tilespmem:s7+$0x50] =	vst v0;
	v2 =	vadd.f32 v11, v2  }
0x34b: {  	v0 =	vld [tilespmem:s16+$0x60]  }
0x34c: {  	[tilespmem:s7+$0xFFFFFF20] =	vst v2;
	v2 =	vadd.f32 v8, v6;
	v6 =	vld [tilespmem:s7+$0xA0]  }
0x34d: {  	v11 =	vld [tilespmem:s7+$0x20]  }
0x34e: {  	v8 =	vadd.f32 v9, v10;
	v9 =	vld [tilespmem:s7+$0xFFFFFFB0]  }
0x34f: {  	v10 =	vld [tilespmem:s16+$0xFFFFFF30];
	[tilespmem:s7+$0xFFFFFF60] =	vst v2  }
0x350: {  	v2 =	vadd.f32 v3, v61;
	[tilespmem:s7+$0xFFFFFFA0] =	vst v8;
	v8 =	vld [tilespmem:s7+$0xFFFFFFF0]  }
0x351: {  	v14 =	vld [tilespmem:s16+$0xFFFFFF70];
	v6 =	vadd.f32 v1, v6  }
0x352: {  	v3 =	vadd.f32 v4, v11;
	v4 =	vld [tilespmem:s16+$0xFFFFFFB0];
	[tilespmem:s7+$0xFFFFFFE0] =	vst v2  }
0x353: {  	v0 =	vadd.f32 v0, v62;
	[tilespmem:s7+$0xA0] =	vst v6;
	v6 =	vld [tilespmem:s7+$0xFFFFFF70]  }
0x354: {  	v2 =	vld [tilespmem:s16+$0xFFFFFFF0];
	[tilespmem:s7+$0x20] =	vst v3  }
0x355: {  	[tilespmem:s7+$0x60] =	vst v0;
	v3 =	vld [tilespmem:s16+$0x30]  }
0x356: {  	v1 =	vld [tilespmem:s16+$0x70];
	v10 =	vadd.f32 v10, v63  }
0x357: {  	v0 =	vld [tilespmem:s16+$0xB0]  }
0x358: {  	s17 =	simm.s32 $0xCB00;
	s2 =	simm.s32 $0x0;
	[tilespmem:s7+$0xFFFFFF30] =	vst v10;
	v10 =	vadd.f32 v14, v6;
	v6 =	vld [tilespmem:s7+$0xB0]  }
.LBB2_13:
0x359: {  	v11 =	vld [tilespmem:s17+$0xC0];
	v4 =	vadd.f32 v4, v9;
	s16 =	sadd.s32 $0x200, s16  }
0x35a: {  	s2 =	sadd.s32 $0x8, s2;
	v9 =	vld [tilespmem:s16+$0xC0];
	[tilespmem:s7+$0xFFFFFF70] =	vst v10;
	v2 =	vadd.f32 v2, v8  }
0x35b: {  	p0 =	slt.u32 s2, $0xC0;
	v8 =	vld [tilespmem:s16+$0xFFFFFF00];
	[tilespmem:s7+$0xFFFFFFB0] =	vst v4;
	v3 =	vadd.f32 v3, v7  }
0x35c: {  	v4 =	vld [tilespmem:s17+$0xFFFFFF40];
	[tilespmem:s7+$0xFFFFFFF0] =	vst v2;
	v1 =	vadd.f32 v1, v5  }
0x35d: {  	v2 =	vld [tilespmem:s16+$0xFFFFFF40];
	[tilespmem:s7+$0x30] =	vst v3;
	v0 =	vadd.f32 v0, v6  }
0x35e: {  	v3 =	vld [tilespmem:s17+$0xFFFFFF80];
	[tilespmem:s7+$0x70] =	vst v1  }
0x35f: {  	v1 =	vld [tilespmem:s16+$0xFFFFFF80];
	v5 =	vadd.f32 v9, v11;
	[tilespmem:s7+$0xB0] =	vst v0;
	s7 =	smov.u32 s17  }
0x360: {  	v0 =	vld [tilespmem:s17+$0xFFFFFFC0]  }
0x361: {  	[tilespmem:s17+$0xC0] =	vst v5;
	v5 =	vld [tilespmem:s17+$0xD0]  }
0x362: {  	v2 =	vadd.f32 v2, v4;
	v4 =	vld [tilespmem:s16+$0xD0]  }
0x363: {  	v6 =	vld [tilespmem:s16+$0xFFFFFFC0]  }
0x364: {  	[tilespmem:s17+$0xFFFFFF40] =	vst v2;
	v1 =	vadd.f32 v1, v3;
	v2 =	vld [tilespmem:s17+$0x0]  }
0x365: {  	v3 =	vld [tilespmem:s16+$0x0]  }
0x366: {  	[tilespmem:s17+$0xFFFFFF80] =	vst v1;
	v1 =	vld [tilespmem:s17+$0x40]  }
0x367: {  	v7 =	vld [tilespmem:s16+$0x40];
	v4 =	vadd.f32 v4, v5  }
0x368: {  	v0 =	vadd.f32 v6, v0;
	v5 =	vld [tilespmem:s17+$0x80]  }
0x369: {  	[tilespmem:s17+$0xD0] =	vst v4;
	v4 =	vld [tilespmem:s17+$0xE0]  }
0x36a: {  	[tilespmem:s17+$0xFFFFFFC0] =	vst v0;
	v0 =	vadd.f32 v3, v2;
	v2 =	vld [tilespmem:s16+$0xE0]  }
0x36b: {  	v3 =	vld [tilespmem:s16+$0x80]  }
0x36c: {  	v6 =	vld [tilespmem:s17+$0xFFFFFF00];
	[tilespmem:s17+$0x0] =	vst v0;
	v0 =	vadd.f32 v7, v1  }
0x36d: {  	v1 =	vld [tilespmem:s16+$0xFFFFFF50]  }
0x36e: {  	v7 =	vld [tilespmem:s16+$0xFFFFFF90];
	[tilespmem:s17+$0x40] =	vst v0  }
0x36f: {  	v0 =	vld [tilespmem:s16+$0xFFFFFFD0];
	v2 =	vadd.f32 v2, v4  }
0x370: {  	v4 =	vld [tilespmem:s16+$0x10];
	v3 =	vadd.f32 v3, v5  }
0x371: {  	v5 =	vadd.f32 v8, v6;
	[tilespmem:s17+$0xE0] =	vst v2;
	v2 =	vld [tilespmem:s17+$0xF0]  }
0x372: {  	[tilespmem:s17+$0x80] =	vst v3;
	v3 =	vld [tilespmem:s16+$0xF0]  }
0x373: {  	[tilespmem:s17+$0xFFFFFF00] =	vst v5;
	v5 =	vld [tilespmem:s16+$0x50]  }
0x374: {  	v6 =	vld [tilespmem:s16+$0xFFFFFF10]  }
0x375: {  	v8 =	vld [tilespmem:s16+$0x90]  }
0x376: {  	v9 =	vld [tilespmem:s17+$0xFFFFFF10]  }
0x377: {  	v10 =	vld [tilespmem:s17+$0xFFFFFF50];
	v2 =	vadd.f32 v3, v2  }
0x378: {  	v3 =	vld [tilespmem:s17+$0xFFFFFF90]  }
0x379: {  	v11 =	vld [tilespmem:s17+$0xFFFFFFD0];
	[tilespmem:s17+$0xF0] =	vst v2  }
0x37a: {  	v2 =	vld [tilespmem:s17+$0x10]  }
0x37b: {  	v6 =	vadd.f32 v6, v9;
	v9 =	vld [tilespmem:s17+$0x50]  }
0x37c: {  	v1 =	vadd.f32 v1, v10;
	v10 =	vld [tilespmem:s17+$0x90]  }
0x37d: {  	[tilespmem:s17+$0xFFFFFF10] =	vst v6;
	v6 =	vld [tilespmem:s17+$0xFFFFFF20];
	v3 =	vadd.f32 v7, v3  }
0x37e: {  	v7 =	vld [tilespmem:s16+$0xFFFFFF20];
	[tilespmem:s17+$0xFFFFFF50] =	vst v1;
	v0 =	vadd.f32 v0, v11  }
0x37f: {  	v1 =	vld [tilespmem:s16+$0xFFFFFF60];
	[tilespmem:s17+$0xFFFFFF90] =	vst v3;
	v2 =	vadd.f32 v4, v2  }
0x380: {  	v3 =	vld [tilespmem:s16+$0xFFFFFFA0];
	[tilespmem:s17+$0xFFFFFFD0] =	vst v0;
	v0 =	vadd.f32 v5, v9  }
0x381: {  	v4 =	vld [tilespmem:s16+$0xFFFFFFE0];
	[tilespmem:s17+$0x10] =	vst v2;
	v2 =	vadd.f32 v8, v10  }
0x382: {  	v5 =	vld [tilespmem:s16+$0x20];
	[tilespmem:s17+$0x50] =	vst v0  }
0x383: {  	v0 =	vadd.f32 v7, v6;
	v6 =	vld [tilespmem:s16+$0x60];
	[tilespmem:s17+$0x90] =	vst v2  }
0x384: {  	v7 =	vld [tilespmem:s16+$0xA0]  }
0x385: {  	[tilespmem:s17+$0xFFFFFF20] =	vst v0;
	v0 =	vld [tilespmem:s17+$0xFFFFFF60]  }
0x386: {  	v2 =	vld [tilespmem:s17+$0xFFFFFFA0]  }
0x387: {  	v8 =	vld [tilespmem:s17+$0xFFFFFFE0]  }
0x388: {  	v9 =	vld [tilespmem:s17+$0x20]  }
0x389: {  	v10 =	vld [tilespmem:s17+$0x60]  }
0x38a: {  	v0 =	vadd.f32 v1, v0;
	v1 =	vld [tilespmem:s17+$0xA0]  }
0x38b: {  	v11 =	vld [tilespmem:s16+$0xFFFFFF30];
	v2 =	vadd.f32 v3, v2  }
0x38c: {  	v12 =	vld [tilespmem:s17+$0xFFFFFF30];
	[tilespmem:s17+$0xFFFFFF60] =	vst v0;
	v0 =	vadd.f32 v4, v8  }
0x38d: {  	v13 =	vld [tilespmem:s16+$0xFFFFFF70];
	[tilespmem:s17+$0xFFFFFFA0] =	vst v2;
	v3 =	vadd.f32 v5, v9  }
0x38e: {  	v4 =	vld [tilespmem:s16+$0xFFFFFFB0];
	[tilespmem:s17+$0xFFFFFFE0] =	vst v0;
	v0 =	vadd.f32 v6, v10  }
0x38f: {  	v2 =	vld [tilespmem:s16+$0xFFFFFFF0];
	[tilespmem:s17+$0x20] =	vst v3;
	v5 =	vadd.f32 v7, v1  }
0x390: {  	v3 =	vld [tilespmem:s16+$0x30];
	[tilespmem:s17+$0x60] =	vst v0  }
0x391: {  	v6 =	vadd.f32 v11, v12;
	v1 =	vld [tilespmem:s16+$0x70];
	[tilespmem:s17+$0xA0] =	vst v5  }
0x392: {  	v0 =	vld [tilespmem:s16+$0xB0]  }
0x393: {  	[tilespmem:s17+$0xFFFFFF30] =	vst v6;
	v6 =	vld [tilespmem:s17+$0xFFFFFF70]  }
.Ltmp5:
0x394: {  	v9 =	vld [tilespmem:s17+$0xFFFFFFB0];
	(pc) =	sbr.rel @p0 .LBB2_13-.Ltmp5, $4  }
0x395: {  	v8 =	vld [tilespmem:s17+$0xFFFFFFF0]  }
0x396: {  	v7 =	vld [tilespmem:s17+$0x30]  }
0x397: {  	v5 =	vld [tilespmem:s17+$0x70]  }
0x398: {  	s17 =	sadd.s32 $0x200, s17;
	v10 =	vadd.f32 v13, v6;
	v6 =	vld [tilespmem:s7+$0xB0]  }
0x399: {  	v4 =	vadd.f32 v4, v9  }
0x39a: {  	[tilespmem:s7+$0xFFFFFF70] =	vst v10;
	v2 =	vadd.f32 v2, v8  }
0x39b: {  	s2 =	sadd.s32 s15, s3;
	[tilespmem:s7+$0xFFFFFFB0] =	vst v4;
	v3 =	vadd.f32 v3, v7  }
0x39c: {  	s2 =	smul.u32 $0xC80, s2;
	[tilespmem:s7+$0xFFFFFFF0] =	vst v2;
	v1 =	vadd.f32 v1, v5  }
0x39d: {  	[tilespmem:s7+$0x30] =	vst v3;
	v0 =	vadd.f32 v0, v6  }
0x39e: {  	s16 =	sadd.s32 s5, s2;
	[tilespmem:s7+$0x70] =	vst v1  }
0x39f: {  	s15 =	smul.u32 $0xC80, s13;
	s2 =	sadd.s32 $0xC80, s16;
	[tilespmem:s7+$0xB0] =	vst v0  }
0x3a0: {  	[hbm4b:s2+s1] =	stream.strided.scatter [tilespmem:s24], [sflag:$0x6], $0x3200, s18, s1, $0x38;
	[tilespmem:$0x15E00] =	vst v63  }
0x3a1: {  	_ =	swait.ge [sflag:s28], $0x3200  }
0x3a2: {  	s15 =	sshra.s32 s15, $0x2;
	[sflag:s28] =	ssyncset.done $0x0  }
0x3a3: {  	s2 =	sadd.s32 $0x320, s15;
	[sflag:s28] =	ssyncadd.s32 $0xFFFFCE00  }
0x3a4: {  	[tilespmem:s20], [sflag:$0x1] =	stream.indirect.gather [hbm4b:s6+s19], $0x40, s2, s19, $0xb8;
	[tilespmem:$0x15E00] =	vst v63  }
0x3a5: {  	s17 =	sadd.s32 $0x380, s15  }
0x3a6: {  	[tilespmem:s22], [sflag:$0x1] =	stream.indirect.gather [hbm4b:s6+s21], $0x40, s17, s21, $0xb8;
	[tilespmem:$0x15E00] =	vst v63  }
0x3a7: {  	_ =	swait.ge [sflag:s4], $0x1800  }
0x3a8: {  	[sflag:s4] =	ssyncset.done $0x0  }
0x3a9: {  	[sflag:s4] =	ssyncadd.s32 $0xFFFFE800  }
0x3aa: {  	_ =	swait.ge [sflag:s4], $0x1A00  }
0x3ab: {  	[sflag:s4] =	ssyncset.done $0x0  }
0x3ac: {  	s7 =	simm.s32 $0xFB00;
	[sflag:s4] =	ssyncadd.s32 $0xFFFFE600  }
0x3ad: {  	s2 =	simm.s32 $0x6500;
	v0 =	vld [tilespmem:s7+$0xC0]  }
0x3ae: {  	v1 =	vld [tilespmem:s2+$0xC0]  }
0x3af: {  	v2 =	vld [tilespmem:s2+$0xFFFFFF00]  }
0x3b0: {  	v3 =	vld [tilespmem:s7+$0xFFFFFF40]  }
0x3b1: {  	v4 =	vld [tilespmem:s7+$0xFFFFFF80]  }
0x3b2: {  	v6 =	vld [tilespmem:s2+$0xFFFFFF80]  }
0x3b3: {  	v7 =	vld [tilespmem:s7+$0xFFFFFFC0]  }
0x3b4: {  	v8 =	vld [tilespmem:s2+$0xFFFFFFC0]  }
0x3b5: {  	v9 =	vld [tilespmem:s7+$0x0]  }
0x3b6: {  	v10 =	vld [tilespmem:s2+$0x0]  }
0x3b7: {  	v11 =	vld [tilespmem:s2+$0x40]  }
0x3b8: {  	v60 =	vld [tilespmem:s7+$0xFFFFFFD0]  }
0x3b9: {  	v13 =	vld [tilespmem:s7+$0x10]  }
0x3ba: {  	v61 =	vld [tilespmem:s7+$0xFFFFFFE0]  }
0x3bb: {  	v62 =	vld [tilespmem:s7+$0x60];
	v0 =	vadd.f32 v1, v0  }
0x3bc: {  	v1 =	vld [tilespmem:s2+$0xFFFFFF40]  }
0x3bd: {  	[tilespmem:s7+$0xC0] =	vst v0;
	v0 =	vld [tilespmem:s7+$0xD0]  }
0x3be: {  	v5 =	vld [tilespmem:s2+$0xD0]  }
0x3bf: {  	v63 =	vld [tilespmem:s7+$0xFFFFFF30];
	v4 =	vadd.f32 v6, v4  }
0x3c0: {  	v6 =	vld [tilespmem:s2+$0x80]  }
0x3c1: {  	[tilespmem:s7+$0xFFFFFF80] =	vst v4;
	v4 =	vadd.f32 v10, v9;
	v10 =	vld [tilespmem:s7+$0xFFFFFF50];
	v1 =	vadd.f32 v1, v3  }
0x3c2: {  	v3 =	vld [tilespmem:s7+$0x80]  }
0x3c3: {  	[tilespmem:s7+$0xFFFFFF40] =	vst v1;
	v0 =	vadd.f32 v5, v0;
	v5 =	vld [tilespmem:s7+$0x40]  }
0x3c4: {  	v1 =	vadd.f32 v8, v7;
	v8 =	vld [tilespmem:s2+$0xFFFFFF50]  }
0x3c5: {  	[tilespmem:s7+$0xD0] =	vst v0;
	v0 =	vld [tilespmem:s7+$0xE0]  }
0x3c6: {  	[tilespmem:s7+$0x0] =	vst v4;
	v12 =	vld [tilespmem:s2+$0xE0]  }
0x3c7: {  	v9 =	vld [tilespmem:s2+$0x10]  }
0x3c8: {  	v7 =	vld [tilespmem:s7+$0xFFFFFF00]  }
0x3c9: {  	[tilespmem:s7+$0xFFFFFFC0] =	vst v1;
	v1 =	vld [tilespmem:s2+$0xFFFFFF90]  }
0x3ca: {  	v4 =	vld [tilespmem:s2+$0xFFFFFFD0];
	v8 =	vadd.f32 v8, v10  }
0x3cb: {  	v5 =	vadd.f32 v11, v5;
	v11 =	vld [tilespmem:s7+$0xFFFFFF90];
	v0 =	vadd.f32 v12, v0  }
0x3cc: {  	v10 =	vld [tilespmem:s7+$0x90];
	[tilespmem:s7+$0xFFFFFF50] =	vst v8  }
0x3cd: {  	v8 =	vld [tilespmem:s2+$0xFFFFFF60];
	[tilespmem:s7+$0xE0] =	vst v0;
	v0 =	vadd.f32 v2, v7  }
0x3ce: {  	[tilespmem:s7+$0x40] =	vst v5;
	v7 =	vld [tilespmem:s7+$0xF0];
	v2 =	vadd.f32 v6, v3  }
0x3cf: {  	v5 =	vld [tilespmem:s2+$0xF0];
	[tilespmem:s7+$0xFFFFFF00] =	vst v0  }
0x3d0: {  	v1 =	vadd.f32 v1, v11;
	[tilespmem:s7+$0x80] =	vst v2;
	v2 =	vld [tilespmem:s7+$0xFFFFFF10]  }
0x3d1: {  	v3 =	vld [tilespmem:s2+$0xFFFFFF10]  }
0x3d2: {  	[tilespmem:s7+$0xFFFFFF90] =	vst v1;
	v1 =	vadd.f32 v9, v13;
	v6 =	vld [tilespmem:s2+$0x90]  }
0x3d3: {  	v4 =	vadd.f32 v4, v60;
	v0 =	vld [tilespmem:s2+$0x50]  }
0x3d4: {  	v9 =	vld [tilespmem:s2+$0xFFFFFFA0];
	[tilespmem:s7+$0x10] =	vst v1  }
0x3d5: {  	[tilespmem:s7+$0xFFFFFFD0] =	vst v4;
	v4 =	vld [tilespmem:s2+$0x20]  }
0x3d6: {  	v2 =	vadd.f32 v3, v2;
	v3 =	vld [tilespmem:s7+$0x50]  }
0x3d7: {  	v1 =	vadd.f32 v6, v10;
	v10 =	vld [tilespmem:s7+$0xFFFFFFA0]  }
0x3d8: {  	[tilespmem:s7+$0xFFFFFF10] =	vst v2;
	v2 =	vld [tilespmem:s7+$0xFFFFFF20]  }
0x3d9: {  	v11 =	vld [tilespmem:s2+$0xFFFFFF20]  }
0x3da: {  	v5 =	vadd.f32 v5, v7;
	[tilespmem:s7+$0x90] =	vst v1;
	v1 =	vld [tilespmem:s7+$0xFFFFFF60]  }
0x3db: {  	v7 =	vld [tilespmem:s7+$0x30]  }
0x3dc: {  	[tilespmem:s7+$0xF0] =	vst v5;
	v5 =	vld [tilespmem:s7+$0x70]  }
0x3dd: {  	v6 =	vld [tilespmem:s2+$0xA0]  }
0x3de: {  	v0 =	vadd.f32 v0, v3;
	v3 =	vld [tilespmem:s2+$0xFFFFFFE0];
	v2 =	vadd.f32 v11, v2  }
0x3df: {  	v1 =	vadd.f32 v8, v1;
	v8 =	vadd.f32 v9, v10;
	v9 =	vld [tilespmem:s7+$0xFFFFFFB0]  }
0x3e0: {  	[tilespmem:s7+$0xFFFFFF20] =	vst v2;
	v2 =	vld [tilespmem:s7+$0xA0]  }
0x3e1: {  	[tilespmem:s7+$0x50] =	vst v0;
	v11 =	vld [tilespmem:s7+$0x20]  }
0x3e2: {  	v0 =	vld [tilespmem:s2+$0x60];
	[tilespmem:s7+$0xFFFFFF60] =	vst v1  }
0x3e3: {  	[tilespmem:s7+$0xFFFFFFA0] =	vst v8;
	v8 =	vld [tilespmem:s7+$0xFFFFFFF0]  }
0x3e4: {  	v1 =	vadd.f32 v3, v61;
	v14 =	vld [tilespmem:s2+$0xFFFFFF70]  }
0x3e5: {  	v10 =	vld [tilespmem:s2+$0xFFFFFF30];
	v6 =	vadd.f32 v6, v2  }
0x3e6: {  	[tilespmem:s7+$0xFFFFFFE0] =	vst v1;
	v3 =	vadd.f32 v4, v11;
	v4 =	vld [tilespmem:s2+$0xFFFFFFB0]  }
0x3e7: {  	v0 =	vadd.f32 v0, v62;
	[tilespmem:s7+$0xA0] =	vst v6;
	v6 =	vld [tilespmem:s7+$0xFFFFFF70]  }
0x3e8: {  	v1 =	vld [tilespmem:s2+$0xFFFFFFF0];
	[tilespmem:s7+$0x20] =	vst v3  }
0x3e9: {  	[tilespmem:s7+$0x60] =	vst v0;
	v2 =	vld [tilespmem:s2+$0x30]  }
0x3ea: {  	v3 =	vld [tilespmem:s2+$0x70];
	v10 =	vadd.f32 v10, v63  }
0x3eb: {  	v0 =	vld [tilespmem:s2+$0xB0]  }
0x3ec: {  	s12 =	simm.s32 $0xFD00;
	s17 =	simm.s32 $0x0;
	[tilespmem:s7+$0xFFFFFF30] =	vst v10;
	v10 =	vadd.f32 v14, v6;
	v6 =	vld [tilespmem:s7+$0xB0]  }
.LBB2_15:
0x3ed: {  	v11 =	vld [tilespmem:s12+$0xC0];
	v4 =	vadd.f32 v4, v9;
	s2 =	sadd.s32 $0x200, s2  }
0x3ee: {  	s17 =	sadd.s32 $0x8, s17;
	v9 =	vld [tilespmem:s2+$0xC0];
	[tilespmem:s7+$0xFFFFFF70] =	vst v10;
	v1 =	vadd.f32 v1, v8  }
0x3ef: {  	p0 =	slt.u32 s17, $0xC0;
	v8 =	vld [tilespmem:s2+$0xFFFFFF00];
	[tilespmem:s7+$0xFFFFFFB0] =	vst v4;
	v2 =	vadd.f32 v2, v7  }
0x3f0: {  	v4 =	vld [tilespmem:s12+$0xFFFFFF40];
	[tilespmem:s7+$0xFFFFFFF0] =	vst v1;
	v1 =	vadd.f32 v3, v5  }
0x3f1: {  	v3 =	vld [tilespmem:s2+$0xFFFFFF40];
	[tilespmem:s7+$0x30] =	vst v2;
	v0 =	vadd.f32 v0, v6  }
0x3f2: {  	v2 =	vld [tilespmem:s12+$0xFFFFFF80];
	[tilespmem:s7+$0x70] =	vst v1  }
0x3f3: {  	v1 =	vld [tilespmem:s2+$0xFFFFFF80];
	v5 =	vadd.f32 v9, v11;
	[tilespmem:s7+$0xB0] =	vst v0;
	s7 =	smov.u32 s12  }
0x3f4: {  	v0 =	vld [tilespmem:s12+$0xFFFFFFC0]  }
0x3f5: {  	[tilespmem:s12+$0xC0] =	vst v5;
	v5 =	vld [tilespmem:s12+$0xD0]  }
0x3f6: {  	v3 =	vadd.f32 v3, v4;
	v4 =	vld [tilespmem:s2+$0xD0]  }
0x3f7: {  	v6 =	vld [tilespmem:s2+$0xFFFFFFC0]  }
0x3f8: {  	[tilespmem:s12+$0xFFFFFF40] =	vst v3;
	v1 =	vadd.f32 v1, v2;
	v2 =	vld [tilespmem:s12+$0x0]  }
0x3f9: {  	v3 =	vld [tilespmem:s2+$0x0]  }
0x3fa: {  	[tilespmem:s12+$0xFFFFFF80] =	vst v1;
	v1 =	vld [tilespmem:s12+$0x40]  }
0x3fb: {  	v7 =	vld [tilespmem:s2+$0x40];
	v4 =	vadd.f32 v4, v5  }
0x3fc: {  	v0 =	vadd.f32 v6, v0;
	v5 =	vld [tilespmem:s12+$0x80]  }
0x3fd: {  	[tilespmem:s12+$0xD0] =	vst v4;
	v4 =	vld [tilespmem:s12+$0xE0]  }
0x3fe: {  	[tilespmem:s12+$0xFFFFFFC0] =	vst v0;
	v0 =	vadd.f32 v3, v2;
	v2 =	vld [tilespmem:s2+$0xE0]  }
0x3ff: {  	v3 =	vld [tilespmem:s2+$0x80]  }
0x400: {  	v6 =	vld [tilespmem:s12+$0xFFFFFF00];
	[tilespmem:s12+$0x0] =	vst v0;
	v0 =	vadd.f32 v7, v1  }
0x401: {  	v1 =	vld [tilespmem:s2+$0xFFFFFF50]  }
0x402: {  	v7 =	vld [tilespmem:s2+$0xFFFFFF90];
	[tilespmem:s12+$0x40] =	vst v0  }
0x403: {  	v0 =	vld [tilespmem:s2+$0xFFFFFFD0];
	v2 =	vadd.f32 v2, v4  }
0x404: {  	v4 =	vld [tilespmem:s2+$0x10];
	v3 =	vadd.f32 v3, v5  }
0x405: {  	v5 =	vadd.f32 v8, v6;
	[tilespmem:s12+$0xE0] =	vst v2;
	v2 =	vld [tilespmem:s12+$0xF0]  }
0x406: {  	[tilespmem:s12+$0x80] =	vst v3;
	v3 =	vld [tilespmem:s2+$0xF0]  }
0x407: {  	[tilespmem:s12+$0xFFFFFF00] =	vst v5;
	v5 =	vld [tilespmem:s2+$0x50]  }
0x408: {  	v6 =	vld [tilespmem:s2+$0xFFFFFF10]  }
0x409: {  	v8 =	vld [tilespmem:s2+$0x90]  }
0x40a: {  	v9 =	vld [tilespmem:s12+$0xFFFFFF10]  }
0x40b: {  	v10 =	vld [tilespmem:s12+$0xFFFFFF50];
	v2 =	vadd.f32 v3, v2  }
0x40c: {  	v3 =	vld [tilespmem:s12+$0xFFFFFF90]  }
0x40d: {  	v11 =	vld [tilespmem:s12+$0xFFFFFFD0];
	[tilespmem:s12+$0xF0] =	vst v2  }
0x40e: {  	v2 =	vld [tilespmem:s12+$0x10]  }
0x40f: {  	v6 =	vadd.f32 v6, v9;
	v9 =	vld [tilespmem:s12+$0x50]  }
0x410: {  	v1 =	vadd.f32 v1, v10;
	v10 =	vld [tilespmem:s12+$0x90]  }
0x411: {  	[tilespmem:s12+$0xFFFFFF10] =	vst v6;
	v6 =	vld [tilespmem:s12+$0xFFFFFF20];
	v3 =	vadd.f32 v7, v3  }
0x412: {  	v7 =	vld [tilespmem:s2+$0xFFFFFF20];
	[tilespmem:s12+$0xFFFFFF50] =	vst v1;
	v0 =	vadd.f32 v0, v11  }
0x413: {  	v1 =	vld [tilespmem:s2+$0xFFFFFF60];
	[tilespmem:s12+$0xFFFFFF90] =	vst v3;
	v2 =	vadd.f32 v4, v2  }
0x414: {  	v3 =	vld [tilespmem:s2+$0xFFFFFFA0];
	[tilespmem:s12+$0xFFFFFFD0] =	vst v0;
	v0 =	vadd.f32 v5, v9  }
0x415: {  	v4 =	vld [tilespmem:s2+$0xFFFFFFE0];
	[tilespmem:s12+$0x10] =	vst v2;
	v2 =	vadd.f32 v8, v10  }
0x416: {  	v5 =	vld [tilespmem:s2+$0x20];
	[tilespmem:s12+$0x50] =	vst v0  }
0x417: {  	v0 =	vadd.f32 v7, v6;
	v6 =	vld [tilespmem:s2+$0x60];
	[tilespmem:s12+$0x90] =	vst v2  }
0x418: {  	v2 =	vld [tilespmem:s2+$0xA0]  }
0x419: {  	[tilespmem:s12+$0xFFFFFF20] =	vst v0;
	v0 =	vld [tilespmem:s12+$0xFFFFFF60]  }
0x41a: {  	v7 =	vld [tilespmem:s12+$0xFFFFFFA0]  }
0x41b: {  	v8 =	vld [tilespmem:s12+$0xFFFFFFE0]  }
0x41c: {  	v9 =	vld [tilespmem:s12+$0x20]  }
0x41d: {  	v10 =	vld [tilespmem:s12+$0x60]  }
0x41e: {  	v0 =	vadd.f32 v1, v0;
	v11 =	vld [tilespmem:s12+$0xA0]  }
0x41f: {  	v12 =	vld [tilespmem:s2+$0xFFFFFF30];
	v1 =	vadd.f32 v3, v7  }
0x420: {  	v3 =	vld [tilespmem:s12+$0xFFFFFF30];
	[tilespmem:s12+$0xFFFFFF60] =	vst v0;
	v0 =	vadd.f32 v4, v8  }
0x421: {  	v13 =	vld [tilespmem:s2+$0xFFFFFF70];
	[tilespmem:s12+$0xFFFFFFA0] =	vst v1;
	v5 =	vadd.f32 v5, v9  }
0x422: {  	v4 =	vld [tilespmem:s2+$0xFFFFFFB0];
	[tilespmem:s12+$0xFFFFFFE0] =	vst v0;
	v0 =	vadd.f32 v6, v10  }
0x423: {  	v1 =	vld [tilespmem:s2+$0xFFFFFFF0];
	[tilespmem:s12+$0x20] =	vst v5;
	v5 =	vadd.f32 v2, v11  }
0x424: {  	v2 =	vld [tilespmem:s2+$0x30];
	[tilespmem:s12+$0x60] =	vst v0  }
0x425: {  	v6 =	vadd.f32 v12, v3;
	v3 =	vld [tilespmem:s2+$0x70];
	[tilespmem:s12+$0xA0] =	vst v5  }
0x426: {  	v0 =	vld [tilespmem:s2+$0xB0]  }
0x427: {  	[tilespmem:s12+$0xFFFFFF30] =	vst v6;
	v6 =	vld [tilespmem:s12+$0xFFFFFF70]  }
.Ltmp6:
0x428: {  	v9 =	vld [tilespmem:s12+$0xFFFFFFB0];
	(pc) =	sbr.rel @p0 .LBB2_15-.Ltmp6, $4  }
0x429: {  	v8 =	vld [tilespmem:s12+$0xFFFFFFF0]  }
0x42a: {  	v7 =	vld [tilespmem:s12+$0x30]  }
0x42b: {  	v5 =	vld [tilespmem:s12+$0x70]  }
0x42c: {  	s12 =	sadd.s32 $0x200, s12;
	v10 =	vadd.f32 v13, v6;
	v6 =	vld [tilespmem:s7+$0xB0]  }
0x42d: {  	v4 =	vadd.f32 v4, v9  }
0x42e: {  	[tilespmem:s7+$0xFFFFFF70] =	vst v10;
	v1 =	vadd.f32 v1, v8  }
0x42f: {  	[tilespmem:s7+$0xFFFFFFB0] =	vst v4;
	v2 =	vadd.f32 v2, v7  }
0x430: {  	[tilespmem:s7+$0xFFFFFFF0] =	vst v1;
	v1 =	vadd.f32 v3, v5  }
0x431: {  	[tilespmem:s7+$0x30] =	vst v2;
	v0 =	vadd.f32 v0, v6  }
0x432: {  	[tilespmem:s7+$0x70] =	vst v1  }
0x433: {  	s2 =	sadd.s32 $0x1900, s16;
	[tilespmem:s7+$0xB0] =	vst v0  }
0x434: {  	[hbm4b:s2+s1] =	stream.strided.scatter [tilespmem:s29], [sflag:$0x7], $0x3200, s18, s1, $0x38;
	[tilespmem:$0x15E00] =	vst v63  }
0x435: {  	_ =	swait.ge [sflag:s8], $0x3200  }
0x436: {  	[sflag:s8] =	ssyncset.done $0x0  }
0x437: {  	s16 =	sadd.s32 $0x3E8, s15;
	[sflag:s8] =	ssyncadd.s32 $0xFFFFCE00  }
0x438: {  	[tilespmem:s24], [sflag:$0x2] =	stream.indirect.gather [hbm4b:s6+s19], $0x40, s16, s19, $0xb8;
	[tilespmem:$0x15E00] =	vst v63  }
0x439: {  	s17 =	sadd.s32 $0x448, s15  }
0x43a: {  	[tilespmem:s26], [sflag:$0x2] =	stream.indirect.gather [hbm4b:s6+s21], $0x40, s17, s21, $0xb8;
	[tilespmem:$0x15E00] =	vst v63  }
0x43b: {  	_ =	swait.ge [sflag:s9], $0x1800  }
0x43c: {  	[sflag:s9] =	ssyncset.done $0x0  }
0x43d: {  	[sflag:s9] =	ssyncadd.s32 $0xFFFFE800  }
0x43e: {  	_ =	swait.ge [sflag:s9], $0x1A00  }
0x43f: {  	[sflag:s9] =	ssyncset.done $0x0  }
0x440: {  	s7 =	simm.s32 $0x12D00;
	[sflag:s9] =	ssyncadd.s32 $0xFFFFE600  }
0x441: {  	s2 =	simm.s32 $0x6500;
	v0 =	vld [tilespmem:s7+$0xC0]  }
0x442: {  	v1 =	vld [tilespmem:s2+$0xC0]  }
0x443: {  	v2 =	vld [tilespmem:s2+$0xFFFFFF00]  }
0x444: {  	v3 =	vld [tilespmem:s7+$0xFFFFFF40]  }
0x445: {  	v4 =	vld [tilespmem:s7+$0xFFFFFF80]  }
0x446: {  	v6 =	vld [tilespmem:s2+$0xFFFFFF80]  }
0x447: {  	v7 =	vld [tilespmem:s7+$0xFFFFFFC0]  }
0x448: {  	v8 =	vld [tilespmem:s2+$0xFFFFFFC0]  }
0x449: {  	v9 =	vld [tilespmem:s7+$0x0]  }
0x44a: {  	v10 =	vld [tilespmem:s2+$0x0]  }
0x44b: {  	v11 =	vld [tilespmem:s2+$0x40]  }
0x44c: {  	v60 =	vld [tilespmem:s7+$0xFFFFFFD0]  }
0x44d: {  	v13 =	vld [tilespmem:s7+$0x10]  }
0x44e: {  	v61 =	vld [tilespmem:s7+$0xFFFFFFE0]  }
0x44f: {  	v62 =	vld [tilespmem:s7+$0x60];
	v0 =	vadd.f32 v1, v0  }
0x450: {  	v1 =	vld [tilespmem:s2+$0xFFFFFF40]  }
0x451: {  	[tilespmem:s7+$0xC0] =	vst v0;
	v0 =	vld [tilespmem:s7+$0xD0]  }
0x452: {  	v5 =	vld [tilespmem:s2+$0xD0]  }
0x453: {  	v63 =	vld [tilespmem:s7+$0xFFFFFF30];
	v4 =	vadd.f32 v6, v4  }
0x454: {  	v6 =	vld [tilespmem:s2+$0x80]  }
0x455: {  	[tilespmem:s7+$0xFFFFFF80] =	vst v4;
	v4 =	vadd.f32 v10, v9;
	v10 =	vld [tilespmem:s7+$0xFFFFFF50];
	v1 =	vadd.f32 v1, v3  }
0x456: {  	v3 =	vld [tilespmem:s7+$0x80]  }
0x457: {  	[tilespmem:s7+$0xFFFFFF40] =	vst v1;
	v0 =	vadd.f32 v5, v0;
	v5 =	vld [tilespmem:s7+$0x40]  }
0x458: {  	v1 =	vadd.f32 v8, v7;
	v8 =	vld [tilespmem:s2+$0xFFFFFF50]  }
0x459: {  	[tilespmem:s7+$0xD0] =	vst v0;
	v0 =	vld [tilespmem:s7+$0xE0]  }
0x45a: {  	[tilespmem:s7+$0x0] =	vst v4;
	v12 =	vld [tilespmem:s2+$0xE0]  }
0x45b: {  	v9 =	vld [tilespmem:s2+$0x10]  }
0x45c: {  	v7 =	vld [tilespmem:s7+$0xFFFFFF00]  }
0x45d: {  	[tilespmem:s7+$0xFFFFFFC0] =	vst v1;
	v1 =	vld [tilespmem:s2+$0xFFFFFF90]  }
0x45e: {  	v4 =	vld [tilespmem:s2+$0xFFFFFFD0];
	v8 =	vadd.f32 v8, v10  }
0x45f: {  	v5 =	vadd.f32 v11, v5;
	v11 =	vld [tilespmem:s7+$0xFFFFFF90];
	v0 =	vadd.f32 v12, v0  }
0x460: {  	v10 =	vld [tilespmem:s7+$0x90];
	[tilespmem:s7+$0xFFFFFF50] =	vst v8  }
0x461: {  	v8 =	vld [tilespmem:s2+$0xFFFFFF60];
	[tilespmem:s7+$0xE0] =	vst v0;
	v0 =	vadd.f32 v2, v7  }
0x462: {  	[tilespmem:s7+$0x40] =	vst v5;
	v7 =	vld [tilespmem:s7+$0xF0];
	v2 =	vadd.f32 v6, v3  }
0x463: {  	v5 =	vld [tilespmem:s2+$0xF0];
	[tilespmem:s7+$0xFFFFFF00] =	vst v0  }
0x464: {  	v1 =	vadd.f32 v1, v11;
	[tilespmem:s7+$0x80] =	vst v2;
	v2 =	vld [tilespmem:s7+$0xFFFFFF10]  }
0x465: {  	v3 =	vld [tilespmem:s2+$0xFFFFFF10]  }
0x466: {  	[tilespmem:s7+$0xFFFFFF90] =	vst v1;
	v1 =	vadd.f32 v9, v13;
	v6 =	vld [tilespmem:s2+$0x90]  }
0x467: {  	v4 =	vadd.f32 v4, v60;
	v0 =	vld [tilespmem:s2+$0x50]  }
0x468: {  	v9 =	vld [tilespmem:s2+$0xFFFFFFA0];
	[tilespmem:s7+$0x10] =	vst v1  }
0x469: {  	[tilespmem:s7+$0xFFFFFFD0] =	vst v4;
	v4 =	vld [tilespmem:s2+$0x20]  }
0x46a: {  	v2 =	vadd.f32 v3, v2;
	v3 =	vld [tilespmem:s7+$0x50]  }
0x46b: {  	v1 =	vadd.f32 v6, v10;
	v10 =	vld [tilespmem:s7+$0xFFFFFFA0]  }
0x46c: {  	[tilespmem:s7+$0xFFFFFF10] =	vst v2;
	v2 =	vld [tilespmem:s7+$0xFFFFFF20]  }
0x46d: {  	v11 =	vld [tilespmem:s2+$0xFFFFFF20]  }
0x46e: {  	v5 =	vadd.f32 v5, v7;
	[tilespmem:s7+$0x90] =	vst v1;
	v1 =	vld [tilespmem:s7+$0xFFFFFF60]  }
0x46f: {  	v7 =	vld [tilespmem:s7+$0x30]  }
0x470: {  	[tilespmem:s7+$0xF0] =	vst v5;
	v5 =	vld [tilespmem:s7+$0x70]  }
0x471: {  	v6 =	vld [tilespmem:s2+$0xA0]  }
0x472: {  	v0 =	vadd.f32 v0, v3;
	v3 =	vld [tilespmem:s2+$0xFFFFFFE0];
	v2 =	vadd.f32 v11, v2  }
0x473: {  	v1 =	vadd.f32 v8, v1;
	v8 =	vadd.f32 v9, v10;
	v9 =	vld [tilespmem:s7+$0xFFFFFFB0]  }
0x474: {  	[tilespmem:s7+$0xFFFFFF20] =	vst v2;
	v2 =	vld [tilespmem:s7+$0xA0]  }
0x475: {  	[tilespmem:s7+$0x50] =	vst v0;
	v11 =	vld [tilespmem:s7+$0x20]  }
0x476: {  	v0 =	vld [tilespmem:s2+$0x60];
	[tilespmem:s7+$0xFFFFFF60] =	vst v1  }
0x477: {  	[tilespmem:s7+$0xFFFFFFA0] =	vst v8;
	v8 =	vld [tilespmem:s7+$0xFFFFFFF0]  }
0x478: {  	v1 =	vadd.f32 v3, v61;
	v14 =	vld [tilespmem:s2+$0xFFFFFF70]  }
0x479: {  	v10 =	vld [tilespmem:s2+$0xFFFFFF30];
	v6 =	vadd.f32 v6, v2  }
0x47a: {  	[tilespmem:s7+$0xFFFFFFE0] =	vst v1;
	v3 =	vadd.f32 v4, v11;
	v4 =	vld [tilespmem:s2+$0xFFFFFFB0]  }
0x47b: {  	v0 =	vadd.f32 v0, v62;
	[tilespmem:s7+$0xA0] =	vst v6;
	v6 =	vld [tilespmem:s7+$0xFFFFFF70]  }
0x47c: {  	v1 =	vld [tilespmem:s2+$0xFFFFFFF0];
	[tilespmem:s7+$0x20] =	vst v3  }
0x47d: {  	[tilespmem:s7+$0x60] =	vst v0;
	v2 =	vld [tilespmem:s2+$0x30]  }
0x47e: {  	v3 =	vld [tilespmem:s2+$0x70];
	v10 =	vadd.f32 v10, v63  }
0x47f: {  	v0 =	vld [tilespmem:s2+$0xB0]  }
0x480: {  	s12 =	simm.s32 $0x12F00;
	s16 =	simm.s32 $0x0;
	[tilespmem:s7+$0xFFFFFF30] =	vst v10;
	v10 =	vadd.f32 v14, v6;
	v6 =	vld [tilespmem:s7+$0xB0]  }
.LBB2_17:
0x481: {  	v11 =	vld [tilespmem:s12+$0xC0];
	v4 =	vadd.f32 v4, v9;
	s2 =	sadd.s32 $0x200, s2  }
0x482: {  	s16 =	sadd.s32 $0x8, s16;
	v9 =	vld [tilespmem:s2+$0xC0];
	[tilespmem:s7+$0xFFFFFF70] =	vst v10;
	v1 =	vadd.f32 v1, v8  }
0x483: {  	p0 =	slt.u32 s16, $0xC0;
	v8 =	vld [tilespmem:s2+$0xFFFFFF00];
	[tilespmem:s7+$0xFFFFFFB0] =	vst v4;
	v2 =	vadd.f32 v2, v7  }
0x484: {  	v4 =	vld [tilespmem:s12+$0xFFFFFF40];
	[tilespmem:s7+$0xFFFFFFF0] =	vst v1;
	v1 =	vadd.f32 v3, v5  }
0x485: {  	v3 =	vld [tilespmem:s2+$0xFFFFFF40];
	[tilespmem:s7+$0x30] =	vst v2;
	v0 =	vadd.f32 v0, v6  }
0x486: {  	v2 =	vld [tilespmem:s12+$0xFFFFFF80];
	[tilespmem:s7+$0x70] =	vst v1  }
0x487: {  	v1 =	vld [tilespmem:s2+$0xFFFFFF80];
	v5 =	vadd.f32 v9, v11;
	[tilespmem:s7+$0xB0] =	vst v0;
	s7 =	smov.u32 s12  }
0x488: {  	v0 =	vld [tilespmem:s12+$0xFFFFFFC0]  }
0x489: {  	[tilespmem:s12+$0xC0] =	vst v5;
	v5 =	vld [tilespmem:s12+$0xD0]  }
0x48a: {  	v3 =	vadd.f32 v3, v4;
	v4 =	vld [tilespmem:s2+$0xD0]  }
0x48b: {  	v6 =	vld [tilespmem:s2+$0xFFFFFFC0]  }
0x48c: {  	[tilespmem:s12+$0xFFFFFF40] =	vst v3;
	v1 =	vadd.f32 v1, v2;
	v2 =	vld [tilespmem:s12+$0x0]  }
0x48d: {  	v3 =	vld [tilespmem:s2+$0x0]  }
0x48e: {  	[tilespmem:s12+$0xFFFFFF80] =	vst v1;
	v1 =	vld [tilespmem:s12+$0x40]  }
0x48f: {  	v7 =	vld [tilespmem:s2+$0x40];
	v4 =	vadd.f32 v4, v5  }
0x490: {  	v0 =	vadd.f32 v6, v0;
	v5 =	vld [tilespmem:s12+$0x80]  }
0x491: {  	[tilespmem:s12+$0xD0] =	vst v4;
	v4 =	vld [tilespmem:s12+$0xE0]  }
0x492: {  	[tilespmem:s12+$0xFFFFFFC0] =	vst v0;
	v0 =	vadd.f32 v3, v2;
	v2 =	vld [tilespmem:s2+$0xE0]  }
0x493: {  	v3 =	vld [tilespmem:s2+$0x80]  }
0x494: {  	v6 =	vld [tilespmem:s12+$0xFFFFFF00];
	[tilespmem:s12+$0x0] =	vst v0;
	v0 =	vadd.f32 v7, v1  }
0x495: {  	v1 =	vld [tilespmem:s2+$0xFFFFFF50]  }
0x496: {  	v7 =	vld [tilespmem:s2+$0xFFFFFF90];
	[tilespmem:s12+$0x40] =	vst v0  }
0x497: {  	v0 =	vld [tilespmem:s2+$0xFFFFFFD0];
	v2 =	vadd.f32 v2, v4  }
0x498: {  	v4 =	vld [tilespmem:s2+$0x10];
	v3 =	vadd.f32 v3, v5  }
0x499: {  	v5 =	vadd.f32 v8, v6;
	[tilespmem:s12+$0xE0] =	vst v2;
	v2 =	vld [tilespmem:s12+$0xF0]  }
0x49a: {  	[tilespmem:s12+$0x80] =	vst v3;
	v3 =	vld [tilespmem:s2+$0xF0]  }
0x49b: {  	[tilespmem:s12+$0xFFFFFF00] =	vst v5;
	v5 =	vld [tilespmem:s2+$0x50]  }
0x49c: {  	v6 =	vld [tilespmem:s2+$0xFFFFFF10]  }
0x49d: {  	v8 =	vld [tilespmem:s2+$0x90]  }
0x49e: {  	v9 =	vld [tilespmem:s12+$0xFFFFFF10]  }
0x49f: {  	v10 =	vld [tilespmem:s12+$0xFFFFFF50];
	v2 =	vadd.f32 v3, v2  }
0x4a0: {  	v3 =	vld [tilespmem:s12+$0xFFFFFF90]  }
0x4a1: {  	v11 =	vld [tilespmem:s12+$0xFFFFFFD0];
	[tilespmem:s12+$0xF0] =	vst v2  }
0x4a2: {  	v2 =	vld [tilespmem:s12+$0x10]  }
0x4a3: {  	v6 =	vadd.f32 v6, v9;
	v9 =	vld [tilespmem:s12+$0x50]  }
0x4a4: {  	v1 =	vadd.f32 v1, v10;
	v10 =	vld [tilespmem:s12+$0x90]  }
0x4a5: {  	[tilespmem:s12+$0xFFFFFF10] =	vst v6;
	v6 =	vld [tilespmem:s12+$0xFFFFFF20];
	v3 =	vadd.f32 v7, v3  }
0x4a6: {  	v7 =	vld [tilespmem:s2+$0xFFFFFF20];
	[tilespmem:s12+$0xFFFFFF50] =	vst v1;
	v0 =	vadd.f32 v0, v11  }
0x4a7: {  	v1 =	vld [tilespmem:s2+$0xFFFFFF60];
	[tilespmem:s12+$0xFFFFFF90] =	vst v3;
	v2 =	vadd.f32 v4, v2  }
0x4a8: {  	v3 =	vld [tilespmem:s2+$0xFFFFFFA0];
	[tilespmem:s12+$0xFFFFFFD0] =	vst v0;
	v0 =	vadd.f32 v5, v9  }
0x4a9: {  	v4 =	vld [tilespmem:s2+$0xFFFFFFE0];
	[tilespmem:s12+$0x10] =	vst v2;
	v2 =	vadd.f32 v8, v10  }
0x4aa: {  	v5 =	vld [tilespmem:s2+$0x20];
	[tilespmem:s12+$0x50] =	vst v0  }
0x4ab: {  	v0 =	vadd.f32 v7, v6;
	v6 =	vld [tilespmem:s2+$0x60];
	[tilespmem:s12+$0x90] =	vst v2  }
0x4ac: {  	v2 =	vld [tilespmem:s2+$0xA0]  }
0x4ad: {  	[tilespmem:s12+$0xFFFFFF20] =	vst v0;
	v0 =	vld [tilespmem:s12+$0xFFFFFF60]  }
0x4ae: {  	v7 =	vld [tilespmem:s12+$0xFFFFFFA0]  }
0x4af: {  	v8 =	vld [tilespmem:s12+$0xFFFFFFE0]  }
0x4b0: {  	v9 =	vld [tilespmem:s12+$0x20]  }
0x4b1: {  	v10 =	vld [tilespmem:s12+$0x60]  }
0x4b2: {  	v0 =	vadd.f32 v1, v0;
	v11 =	vld [tilespmem:s12+$0xA0]  }
0x4b3: {  	v12 =	vld [tilespmem:s2+$0xFFFFFF30];
	v1 =	vadd.f32 v3, v7  }
0x4b4: {  	v3 =	vld [tilespmem:s12+$0xFFFFFF30];
	[tilespmem:s12+$0xFFFFFF60] =	vst v0;
	v0 =	vadd.f32 v4, v8  }
0x4b5: {  	v13 =	vld [tilespmem:s2+$0xFFFFFF70];
	[tilespmem:s12+$0xFFFFFFA0] =	vst v1;
	v5 =	vadd.f32 v5, v9  }
0x4b6: {  	v4 =	vld [tilespmem:s2+$0xFFFFFFB0];
	[tilespmem:s12+$0xFFFFFFE0] =	vst v0;
	v0 =	vadd.f32 v6, v10  }
0x4b7: {  	v1 =	vld [tilespmem:s2+$0xFFFFFFF0];
	[tilespmem:s12+$0x20] =	vst v5;
	v5 =	vadd.f32 v2, v11  }
0x4b8: {  	v2 =	vld [tilespmem:s2+$0x30];
	[tilespmem:s12+$0x60] =	vst v0  }
0x4b9: {  	v6 =	vadd.f32 v12, v3;
	v3 =	vld [tilespmem:s2+$0x70];
	[tilespmem:s12+$0xA0] =	vst v5  }
0x4ba: {  	v0 =	vld [tilespmem:s2+$0xB0]  }
0x4bb: {  	[tilespmem:s12+$0xFFFFFF30] =	vst v6;
	v6 =	vld [tilespmem:s12+$0xFFFFFF70]  }
.Ltmp7:
0x4bc: {  	v9 =	vld [tilespmem:s12+$0xFFFFFFB0];
	(pc) =	sbr.rel @p0 .LBB2_17-.Ltmp7, $4  }
0x4bd: {  	v8 =	vld [tilespmem:s12+$0xFFFFFFF0]  }
0x4be: {  	v7 =	vld [tilespmem:s12+$0x30]  }
0x4bf: {  	v5 =	vld [tilespmem:s12+$0x70]  }
0x4c0: {  	s12 =	sadd.s32 $0x200, s12;
	v10 =	vadd.f32 v13, v6;
	v6 =	vld [tilespmem:s7+$0xB0]  }
0x4c1: {  	v4 =	vadd.f32 v4, v9  }
0x4c2: {  	[tilespmem:s7+$0xFFFFFF70] =	vst v10;
	v1 =	vadd.f32 v1, v8  }
0x4c3: {  	[tilespmem:s7+$0xFFFFFFB0] =	vst v4;
	v2 =	vadd.f32 v2, v7  }
0x4c4: {  	s2 =	sadd.s32 s3, s14;
	[tilespmem:s7+$0xFFFFFFF0] =	vst v1;
	v63 =	vadd.f32 v3, v5  }
0x4c5: {  	s2 =	smul.u32 $0xC80, s2;
	[tilespmem:s7+$0x30] =	vst v2;
	v0 =	vadd.f32 v0, v6  }
0x4c6: {  	[tilespmem:s7+$0x70] =	vst v63  }
0x4c7: {  	s13 =	sadd.s32 $0x1, s13;
	s2 =	sadd.s32 s5, s2;
	[tilespmem:s7+$0xB0] =	vst v0  }
0x4c8: {  	[hbm4b:s2+s1] =	stream.strided.scatter [tilespmem:s25], [sflag:$0x8], $0x3200, s18, s1, $0x38;
	[tilespmem:$0x15E00] =	vst v63  }
0x4c9: {  	p0 =	sne.s32 s13, $0x1F;
	_ =	swait.ge [sflag:s10], $0x3200  }
.Ltmp8:
0x4ca: {  	[sflag:s10] =	ssyncset.done $0x0;
	(pc) =	sbr.rel @p0 .LBB2_10-.Ltmp8, $4  }
0x4cb: {  	s16 =	sadd.s32 $0x4B0, s15;
	[sflag:s10] =	ssyncadd.s32 $0xFFFFCE00  }
0x4cc: {  	[tilespmem:s29], [sflag:$0x3] =	stream.indirect.gather [hbm4b:s6+s19], $0x40, s16, s19, $0xb8;
	[tilespmem:$0x15E00] =	vst v63  }
0x4cd: {  	s17 =	sadd.s32 $0x510, s15  }
0x4ce: {  	[tilespmem:s31], [sflag:$0x3] =	stream.indirect.gather [hbm4b:s6+s21], $0x40, s17, s21, $0xb8;
	[tilespmem:$0x15E00] =	vst v63  }
0x4cf: {  	_ =	swait.ge [sflag:s0], $0x1800  }
0x4d0: {  	[sflag:s0] =	ssyncset.done $0x0  }
0x4d1: {  	[sflag:s0] =	ssyncadd.s32 $0xFFFFE800  }
0x4d2: {  	_ =	swait.ge [sflag:s0], $0x1A00  }
0x4d3: {  	[sflag:s0] =	ssyncset.done $0x0  }
0x4d4: {  	s7 =	simm.s32 $0x9700;
	[sflag:s0] =	ssyncadd.s32 $0xFFFFE600  }
0x4d5: {  	s2 =	simm.s32 $0x6500;
	v0 =	vld [tilespmem:s7+$0xC0]  }
0x4d6: {  	v1 =	vld [tilespmem:s2+$0xC0]  }
0x4d7: {  	v2 =	vld [tilespmem:s2+$0xFFFFFF00]  }
0x4d8: {  	v3 =	vld [tilespmem:s7+$0xFFFFFF40]  }
0x4d9: {  	v4 =	vld [tilespmem:s7+$0xFFFFFF80]  }
0x4da: {  	v6 =	vld [tilespmem:s2+$0xFFFFFF80]  }
0x4db: {  	v7 =	vld [tilespmem:s7+$0xFFFFFFC0]  }
0x4dc: {  	v8 =	vld [tilespmem:s2+$0xFFFFFFC0]  }
0x4dd: {  	v9 =	vld [tilespmem:s7+$0x0]  }
0x4de: {  	v10 =	vld [tilespmem:s2+$0x0]  }
0x4df: {  	v11 =	vld [tilespmem:s2+$0x40]  }
0x4e0: {  	v60 =	vld [tilespmem:s7+$0xFFFFFFD0]  }
0x4e1: {  	v13 =	vld [tilespmem:s7+$0x10]  }
0x4e2: {  	v61 =	vld [tilespmem:s7+$0xFFFFFFE0]  }
0x4e3: {  	v62 =	vld [tilespmem:s7+$0x60];
	v0 =	vadd.f32 v1, v0  }
0x4e4: {  	v1 =	vld [tilespmem:s2+$0xFFFFFF40]  }
0x4e5: {  	[tilespmem:s7+$0xC0] =	vst v0;
	v0 =	vld [tilespmem:s7+$0xD0]  }
0x4e6: {  	v5 =	vld [tilespmem:s2+$0xD0]  }
0x4e7: {  	v63 =	vld [tilespmem:s7+$0xFFFFFF30];
	v4 =	vadd.f32 v6, v4  }
0x4e8: {  	v6 =	vld [tilespmem:s2+$0x80]  }
0x4e9: {  	[tilespmem:s7+$0xFFFFFF80] =	vst v4;
	v4 =	vadd.f32 v10, v9;
	v10 =	vld [tilespmem:s7+$0xFFFFFF50];
	v1 =	vadd.f32 v1, v3  }
0x4ea: {  	v3 =	vld [tilespmem:s7+$0x80]  }
0x4eb: {  	[tilespmem:s7+$0xFFFFFF40] =	vst v1;
	v0 =	vadd.f32 v5, v0;
	v5 =	vld [tilespmem:s7+$0x40]  }
0x4ec: {  	v1 =	vadd.f32 v8, v7;
	v8 =	vld [tilespmem:s2+$0xFFFFFF50]  }
0x4ed: {  	[tilespmem:s7+$0xD0] =	vst v0;
	v0 =	vld [tilespmem:s7+$0xE0]  }
0x4ee: {  	[tilespmem:s7+$0x0] =	vst v4;
	v12 =	vld [tilespmem:s2+$0xE0]  }
0x4ef: {  	v9 =	vld [tilespmem:s2+$0x10]  }
0x4f0: {  	v7 =	vld [tilespmem:s7+$0xFFFFFF00]  }
0x4f1: {  	[tilespmem:s7+$0xFFFFFFC0] =	vst v1;
	v1 =	vld [tilespmem:s2+$0xFFFFFF90]  }
0x4f2: {  	v4 =	vld [tilespmem:s2+$0xFFFFFFD0];
	v8 =	vadd.f32 v8, v10  }
0x4f3: {  	v5 =	vadd.f32 v11, v5;
	v11 =	vld [tilespmem:s7+$0xFFFFFF90];
	v0 =	vadd.f32 v12, v0  }
0x4f4: {  	v10 =	vld [tilespmem:s7+$0x90];
	[tilespmem:s7+$0xFFFFFF50] =	vst v8  }
0x4f5: {  	v8 =	vld [tilespmem:s2+$0xFFFFFF60];
	[tilespmem:s7+$0xE0] =	vst v0;
	v0 =	vadd.f32 v2, v7  }
0x4f6: {  	[tilespmem:s7+$0x40] =	vst v5;
	v7 =	vld [tilespmem:s7+$0xF0];
	v2 =	vadd.f32 v6, v3  }
0x4f7: {  	v5 =	vld [tilespmem:s2+$0xF0];
	[tilespmem:s7+$0xFFFFFF00] =	vst v0  }
0x4f8: {  	v1 =	vadd.f32 v1, v11;
	[tilespmem:s7+$0x80] =	vst v2;
	v2 =	vld [tilespmem:s7+$0xFFFFFF10]  }
0x4f9: {  	v3 =	vld [tilespmem:s2+$0xFFFFFF10]  }
0x4fa: {  	[tilespmem:s7+$0xFFFFFF90] =	vst v1;
	v1 =	vadd.f32 v9, v13;
	v6 =	vld [tilespmem:s2+$0x90]  }
0x4fb: {  	v4 =	vadd.f32 v4, v60;
	v0 =	vld [tilespmem:s2+$0x50]  }
0x4fc: {  	v9 =	vld [tilespmem:s2+$0xFFFFFFA0];
	[tilespmem:s7+$0x10] =	vst v1  }
0x4fd: {  	[tilespmem:s7+$0xFFFFFFD0] =	vst v4;
	v4 =	vld [tilespmem:s2+$0x20]  }
0x4fe: {  	v2 =	vadd.f32 v3, v2;
	v3 =	vld [tilespmem:s7+$0x50]  }
0x4ff: {  	v1 =	vadd.f32 v6, v10;
	v10 =	vld [tilespmem:s7+$0xFFFFFFA0]  }
0x500: {  	[tilespmem:s7+$0xFFFFFF10] =	vst v2;
	v2 =	vld [tilespmem:s7+$0xFFFFFF20]  }
0x501: {  	v11 =	vld [tilespmem:s2+$0xFFFFFF20]  }
0x502: {  	v5 =	vadd.f32 v5, v7;
	[tilespmem:s7+$0x90] =	vst v1;
	v1 =	vld [tilespmem:s7+$0xFFFFFF60]  }
0x503: {  	v7 =	vld [tilespmem:s7+$0x30]  }
0x504: {  	[tilespmem:s7+$0xF0] =	vst v5;
	v5 =	vld [tilespmem:s7+$0x70]  }
0x505: {  	v6 =	vld [tilespmem:s2+$0xA0]  }
0x506: {  	v0 =	vadd.f32 v0, v3;
	v3 =	vld [tilespmem:s2+$0xFFFFFFE0];
	v2 =	vadd.f32 v11, v2  }
0x507: {  	v1 =	vadd.f32 v8, v1;
	v8 =	vadd.f32 v9, v10;
	v9 =	vld [tilespmem:s7+$0xFFFFFFB0]  }
0x508: {  	[tilespmem:s7+$0xFFFFFF20] =	vst v2;
	v2 =	vld [tilespmem:s7+$0xA0]  }
0x509: {  	[tilespmem:s7+$0x50] =	vst v0;
	v11 =	vld [tilespmem:s7+$0x20]  }
0x50a: {  	v0 =	vld [tilespmem:s2+$0x60];
	[tilespmem:s7+$0xFFFFFF60] =	vst v1  }
0x50b: {  	[tilespmem:s7+$0xFFFFFFA0] =	vst v8;
	v8 =	vld [tilespmem:s7+$0xFFFFFFF0]  }
0x50c: {  	v1 =	vadd.f32 v3, v61;
	v14 =	vld [tilespmem:s2+$0xFFFFFF70]  }
0x50d: {  	v10 =	vld [tilespmem:s2+$0xFFFFFF30];
	v6 =	vadd.f32 v6, v2  }
0x50e: {  	[tilespmem:s7+$0xFFFFFFE0] =	vst v1;
	v3 =	vadd.f32 v4, v11;
	v4 =	vld [tilespmem:s2+$0xFFFFFFB0]  }
0x50f: {  	v0 =	vadd.f32 v0, v62;
	[tilespmem:s7+$0xA0] =	vst v6;
	v6 =	vld [tilespmem:s7+$0xFFFFFF70]  }
0x510: {  	v1 =	vld [tilespmem:s2+$0xFFFFFFF0];
	[tilespmem:s7+$0x20] =	vst v3  }
0x511: {  	[tilespmem:s7+$0x60] =	vst v0;
	v2 =	vld [tilespmem:s2+$0x30]  }
0x512: {  	v3 =	vld [tilespmem:s2+$0x70];
	v10 =	vadd.f32 v10, v63  }
0x513: {  	v0 =	vld [tilespmem:s2+$0xB0]  }
0x514: {  	s13 =	simm.s32 $0x0;
	s12 =	simm.s32 $0x9900;
	[tilespmem:s7+$0xFFFFFF30] =	vst v10;
	v10 =	vadd.f32 v14, v6;
	v6 =	vld [tilespmem:s7+$0xB0]  }
.LBB2_20:
0x515: {  	v11 =	vld [tilespmem:s12+$0xC0];
	v4 =	vadd.f32 v4, v9;
	s2 =	sadd.s32 $0x200, s2  }
0x516: {  	s13 =	sadd.s32 $0x8, s13;
	v9 =	vld [tilespmem:s2+$0xC0];
	[tilespmem:s7+$0xFFFFFF70] =	vst v10;
	v1 =	vadd.f32 v1, v8  }
0x517: {  	p0 =	slt.u32 s13, $0xC0;
	v8 =	vld [tilespmem:s2+$0xFFFFFF00];
	[tilespmem:s7+$0xFFFFFFB0] =	vst v4;
	v2 =	vadd.f32 v2, v7  }
0x518: {  	v4 =	vld [tilespmem:s12+$0xFFFFFF40];
	[tilespmem:s7+$0xFFFFFFF0] =	vst v1;
	v1 =	vadd.f32 v3, v5  }
0x519: {  	v3 =	vld [tilespmem:s2+$0xFFFFFF40];
	[tilespmem:s7+$0x30] =	vst v2;
	v0 =	vadd.f32 v0, v6  }
0x51a: {  	v2 =	vld [tilespmem:s12+$0xFFFFFF80];
	[tilespmem:s7+$0x70] =	vst v1  }
0x51b: {  	v1 =	vld [tilespmem:s2+$0xFFFFFF80];
	v5 =	vadd.f32 v9, v11;
	[tilespmem:s7+$0xB0] =	vst v0;
	s7 =	smov.u32 s12  }
0x51c: {  	v0 =	vld [tilespmem:s12+$0xFFFFFFC0]  }
0x51d: {  	[tilespmem:s12+$0xC0] =	vst v5;
	v5 =	vld [tilespmem:s12+$0xD0]  }
0x51e: {  	v3 =	vadd.f32 v3, v4;
	v4 =	vld [tilespmem:s2+$0xD0]  }
0x51f: {  	v6 =	vld [tilespmem:s2+$0xFFFFFFC0]  }
0x520: {  	[tilespmem:s12+$0xFFFFFF40] =	vst v3;
	v1 =	vadd.f32 v1, v2;
	v2 =	vld [tilespmem:s12+$0x0]  }
0x521: {  	v3 =	vld [tilespmem:s2+$0x0]  }
0x522: {  	[tilespmem:s12+$0xFFFFFF80] =	vst v1;
	v1 =	vld [tilespmem:s12+$0x40]  }
0x523: {  	v7 =	vld [tilespmem:s2+$0x40];
	v4 =	vadd.f32 v4, v5  }
0x524: {  	v0 =	vadd.f32 v6, v0;
	v5 =	vld [tilespmem:s12+$0x80]  }
0x525: {  	[tilespmem:s12+$0xD0] =	vst v4;
	v4 =	vld [tilespmem:s12+$0xE0]  }
0x526: {  	[tilespmem:s12+$0xFFFFFFC0] =	vst v0;
	v0 =	vadd.f32 v3, v2;
	v2 =	vld [tilespmem:s2+$0xE0]  }
0x527: {  	v3 =	vld [tilespmem:s2+$0x80]  }
0x528: {  	v6 =	vld [tilespmem:s12+$0xFFFFFF00];
	[tilespmem:s12+$0x0] =	vst v0;
	v0 =	vadd.f32 v7, v1  }
0x529: {  	v1 =	vld [tilespmem:s2+$0xFFFFFF50]  }
0x52a: {  	v7 =	vld [tilespmem:s2+$0xFFFFFF90];
	[tilespmem:s12+$0x40] =	vst v0  }
0x52b: {  	v0 =	vld [tilespmem:s2+$0xFFFFFFD0];
	v2 =	vadd.f32 v2, v4  }
0x52c: {  	v4 =	vld [tilespmem:s2+$0x10];
	v3 =	vadd.f32 v3, v5  }
0x52d: {  	v5 =	vadd.f32 v8, v6;
	[tilespmem:s12+$0xE0] =	vst v2;
	v2 =	vld [tilespmem:s12+$0xF0]  }
0x52e: {  	[tilespmem:s12+$0x80] =	vst v3;
	v3 =	vld [tilespmem:s2+$0xF0]  }
0x52f: {  	[tilespmem:s12+$0xFFFFFF00] =	vst v5;
	v5 =	vld [tilespmem:s2+$0x50]  }
0x530: {  	v6 =	vld [tilespmem:s2+$0xFFFFFF10]  }
0x531: {  	v8 =	vld [tilespmem:s2+$0x90]  }
0x532: {  	v9 =	vld [tilespmem:s12+$0xFFFFFF10]  }
0x533: {  	v10 =	vld [tilespmem:s12+$0xFFFFFF50];
	v2 =	vadd.f32 v3, v2  }
0x534: {  	v3 =	vld [tilespmem:s12+$0xFFFFFF90]  }
0x535: {  	v11 =	vld [tilespmem:s12+$0xFFFFFFD0];
	[tilespmem:s12+$0xF0] =	vst v2  }
0x536: {  	v2 =	vld [tilespmem:s12+$0x10]  }
0x537: {  	v6 =	vadd.f32 v6, v9;
	v9 =	vld [tilespmem:s12+$0x50]  }
0x538: {  	v1 =	vadd.f32 v1, v10;
	v10 =	vld [tilespmem:s12+$0x90]  }
0x539: {  	[tilespmem:s12+$0xFFFFFF10] =	vst v6;
	v6 =	vld [tilespmem:s12+$0xFFFFFF20];
	v3 =	vadd.f32 v7, v3  }
0x53a: {  	v7 =	vld [tilespmem:s2+$0xFFFFFF20];
	[tilespmem:s12+$0xFFFFFF50] =	vst v1;
	v0 =	vadd.f32 v0, v11  }
0x53b: {  	v1 =	vld [tilespmem:s2+$0xFFFFFF60];
	[tilespmem:s12+$0xFFFFFF90] =	vst v3;
	v2 =	vadd.f32 v4, v2  }
0x53c: {  	v3 =	vld [tilespmem:s2+$0xFFFFFFA0];
	[tilespmem:s12+$0xFFFFFFD0] =	vst v0;
	v0 =	vadd.f32 v5, v9  }
0x53d: {  	v4 =	vld [tilespmem:s2+$0xFFFFFFE0];
	[tilespmem:s12+$0x10] =	vst v2;
	v2 =	vadd.f32 v8, v10  }
0x53e: {  	v5 =	vld [tilespmem:s2+$0x20];
	[tilespmem:s12+$0x50] =	vst v0  }
0x53f: {  	v0 =	vadd.f32 v7, v6;
	v6 =	vld [tilespmem:s2+$0x60];
	[tilespmem:s12+$0x90] =	vst v2  }
0x540: {  	v2 =	vld [tilespmem:s2+$0xA0]  }
0x541: {  	[tilespmem:s12+$0xFFFFFF20] =	vst v0;
	v0 =	vld [tilespmem:s12+$0xFFFFFF60]  }
0x542: {  	v7 =	vld [tilespmem:s12+$0xFFFFFFA0]  }
0x543: {  	v8 =	vld [tilespmem:s12+$0xFFFFFFE0]  }
0x544: {  	v9 =	vld [tilespmem:s12+$0x20]  }
0x545: {  	v10 =	vld [tilespmem:s12+$0x60]  }
0x546: {  	v0 =	vadd.f32 v1, v0;
	v11 =	vld [tilespmem:s12+$0xA0]  }
0x547: {  	v12 =	vld [tilespmem:s2+$0xFFFFFF30];
	v1 =	vadd.f32 v3, v7  }
0x548: {  	v3 =	vld [tilespmem:s12+$0xFFFFFF30];
	[tilespmem:s12+$0xFFFFFF60] =	vst v0;
	v0 =	vadd.f32 v4, v8  }
0x549: {  	v13 =	vld [tilespmem:s2+$0xFFFFFF70];
	[tilespmem:s12+$0xFFFFFFA0] =	vst v1;
	v5 =	vadd.f32 v5, v9  }
0x54a: {  	v4 =	vld [tilespmem:s2+$0xFFFFFFB0];
	[tilespmem:s12+$0xFFFFFFE0] =	vst v0;
	v0 =	vadd.f32 v6, v10  }
0x54b: {  	v1 =	vld [tilespmem:s2+$0xFFFFFFF0];
	[tilespmem:s12+$0x20] =	vst v5;
	v5 =	vadd.f32 v2, v11  }
0x54c: {  	v2 =	vld [tilespmem:s2+$0x30];
	[tilespmem:s12+$0x60] =	vst v0  }
0x54d: {  	v6 =	vadd.f32 v12, v3;
	v3 =	vld [tilespmem:s2+$0x70];
	[tilespmem:s12+$0xA0] =	vst v5  }
0x54e: {  	v0 =	vld [tilespmem:s2+$0xB0]  }
0x54f: {  	[tilespmem:s12+$0xFFFFFF30] =	vst v6;
	v6 =	vld [tilespmem:s12+$0xFFFFFF70]  }
.Ltmp9:
0x550: {  	v9 =	vld [tilespmem:s12+$0xFFFFFFB0];
	(pc) =	sbr.rel @p0 .LBB2_20-.Ltmp9, $4  }
0x551: {  	v8 =	vld [tilespmem:s12+$0xFFFFFFF0]  }
0x552: {  	v7 =	vld [tilespmem:s12+$0x30]  }
0x553: {  	v5 =	vld [tilespmem:s12+$0x70]  }
0x554: {  	s12 =	sadd.s32 $0x200, s12;
	v10 =	vadd.f32 v13, v6;
	v6 =	vld [tilespmem:s7+$0xB0]  }
0x555: {  	v4 =	vadd.f32 v4, v9  }
0x556: {  	[tilespmem:s7+$0xFFFFFF70] =	vst v10;
	v1 =	vadd.f32 v1, v8  }
0x557: {  	[tilespmem:s7+$0xFFFFFFB0] =	vst v4;
	v2 =	vadd.f32 v2, v7  }
0x558: {  	[tilespmem:s7+$0xFFFFFFF0] =	vst v1;
	v1 =	vadd.f32 v3, v5  }
0x559: {  	[tilespmem:s7+$0x30] =	vst v2;
	v0 =	vadd.f32 v0, v6  }
0x55a: {  	[tilespmem:s7+$0x70] =	vst v1  }
0x55b: {  	[tilespmem:s7+$0xB0] =	vst v0  }
0x55c: {  	s2 =	rddreg [dreg:$0x9]  }
0x55d: {  	[hbm4b:s2+s1] =	stream.strided.scatter [tilespmem:s20], [sflag:$0x5], $0x3200, s18, s1, $0x38;
	[tilespmem:$0x15E00] =	vst v63  }
0x55e: {  	_ =	swait.ge [sflag:s11], $0x3200  }
0x55f: {  	[sflag:s11] =	ssyncset.done $0x0  }
0x560: {  	s16 =	simm.s32 $0x6338;
	[sflag:s11] =	ssyncadd.s32 $0xFFFFCE00  }
0x561: {  	[tilespmem:s25], [sflag:$0x4] =	stream.indirect.gather [hbm4b:s6+s19], $0x40, s16, s19, $0xb8;
	[tilespmem:$0x15E00] =	vst v63  }
0x562: {  	s17 =	simm.s32 $0x6398  }
0x563: {  	[tilespmem:s30], [sflag:$0x4] =	stream.indirect.gather [hbm4b:s6+s21], $0x40, s17, s21, $0xb8;
	[tilespmem:$0x15E00] =	vst v63  }
0x564: {  	_ =	swait.ge [sflag:s23], $0x1800  }
0x565: {  	[sflag:s23] =	ssyncset.done $0x0  }
0x566: {  	[sflag:s23] =	ssyncadd.s32 $0xFFFFE800  }
0x567: {  	_ =	swait.ge [sflag:s23], $0x1A00  }
0x568: {  	[sflag:s23] =	ssyncset.done $0x0  }
0x569: {  	s7 =	simm.s32 $0xC900;
	[sflag:s23] =	ssyncadd.s32 $0xFFFFE600  }
0x56a: {  	s2 =	simm.s32 $0x6500;
	v0 =	vld [tilespmem:s7+$0xC0]  }
0x56b: {  	v1 =	vld [tilespmem:s2+$0xC0]  }
0x56c: {  	v2 =	vld [tilespmem:s2+$0xFFFFFF00]  }
0x56d: {  	v3 =	vld [tilespmem:s7+$0xFFFFFF40]  }
0x56e: {  	v4 =	vld [tilespmem:s7+$0xFFFFFF80]  }
0x56f: {  	v6 =	vld [tilespmem:s2+$0xFFFFFF80]  }
0x570: {  	v7 =	vld [tilespmem:s7+$0xFFFFFFC0]  }
0x571: {  	v8 =	vld [tilespmem:s2+$0xFFFFFFC0]  }
0x572: {  	v9 =	vld [tilespmem:s7+$0x0]  }
0x573: {  	v10 =	vld [tilespmem:s2+$0x0]  }
0x574: {  	v11 =	vld [tilespmem:s2+$0x40]  }
0x575: {  	v60 =	vld [tilespmem:s7+$0xFFFFFFD0]  }
0x576: {  	v13 =	vld [tilespmem:s7+$0x10]  }
0x577: {  	v61 =	vld [tilespmem:s7+$0xFFFFFFE0]  }
0x578: {  	v62 =	vld [tilespmem:s7+$0x60];
	v0 =	vadd.f32 v1, v0  }
0x579: {  	v1 =	vld [tilespmem:s2+$0xFFFFFF40]  }
0x57a: {  	[tilespmem:s7+$0xC0] =	vst v0;
	v0 =	vld [tilespmem:s7+$0xD0]  }
0x57b: {  	v5 =	vld [tilespmem:s2+$0xD0]  }
0x57c: {  	v63 =	vld [tilespmem:s7+$0xFFFFFF30];
	v4 =	vadd.f32 v6, v4  }
0x57d: {  	v6 =	vld [tilespmem:s2+$0x80]  }
0x57e: {  	[tilespmem:s7+$0xFFFFFF80] =	vst v4;
	v4 =	vadd.f32 v10, v9;
	v10 =	vld [tilespmem:s7+$0xFFFFFF50];
	v1 =	vadd.f32 v1, v3  }
0x57f: {  	v3 =	vld [tilespmem:s7+$0x80]  }
0x580: {  	[tilespmem:s7+$0xFFFFFF40] =	vst v1;
	v0 =	vadd.f32 v5, v0;
	v5 =	vld [tilespmem:s7+$0x40]  }
0x581: {  	v1 =	vadd.f32 v8, v7;
	v8 =	vld [tilespmem:s2+$0xFFFFFF50]  }
0x582: {  	[tilespmem:s7+$0xD0] =	vst v0;
	v0 =	vld [tilespmem:s7+$0xE0]  }
0x583: {  	[tilespmem:s7+$0x0] =	vst v4;
	v12 =	vld [tilespmem:s2+$0xE0]  }
0x584: {  	v9 =	vld [tilespmem:s2+$0x10]  }
0x585: {  	v7 =	vld [tilespmem:s7+$0xFFFFFF00]  }
0x586: {  	[tilespmem:s7+$0xFFFFFFC0] =	vst v1;
	v1 =	vld [tilespmem:s2+$0xFFFFFF90]  }
0x587: {  	v4 =	vld [tilespmem:s2+$0xFFFFFFD0];
	v8 =	vadd.f32 v8, v10  }
0x588: {  	v5 =	vadd.f32 v11, v5;
	v11 =	vld [tilespmem:s7+$0xFFFFFF90];
	v0 =	vadd.f32 v12, v0  }
0x589: {  	v10 =	vld [tilespmem:s7+$0x90];
	[tilespmem:s7+$0xFFFFFF50] =	vst v8  }
0x58a: {  	v8 =	vld [tilespmem:s2+$0xFFFFFF60];
	[tilespmem:s7+$0xE0] =	vst v0;
	v0 =	vadd.f32 v2, v7  }
0x58b: {  	[tilespmem:s7+$0x40] =	vst v5;
	v7 =	vld [tilespmem:s7+$0xF0];
	v2 =	vadd.f32 v6, v3  }
0x58c: {  	v5 =	vld [tilespmem:s2+$0xF0];
	[tilespmem:s7+$0xFFFFFF00] =	vst v0  }
0x58d: {  	v1 =	vadd.f32 v1, v11;
	[tilespmem:s7+$0x80] =	vst v2;
	v2 =	vld [tilespmem:s7+$0xFFFFFF10]  }
0x58e: {  	v3 =	vld [tilespmem:s2+$0xFFFFFF10]  }
0x58f: {  	[tilespmem:s7+$0xFFFFFF90] =	vst v1;
	v1 =	vadd.f32 v9, v13;
	v6 =	vld [tilespmem:s2+$0x90]  }
0x590: {  	v4 =	vadd.f32 v4, v60;
	v0 =	vld [tilespmem:s2+$0x50]  }
0x591: {  	v9 =	vld [tilespmem:s2+$0xFFFFFFA0];
	[tilespmem:s7+$0x10] =	vst v1  }
0x592: {  	[tilespmem:s7+$0xFFFFFFD0] =	vst v4;
	v4 =	vld [tilespmem:s2+$0x20]  }
0x593: {  	v2 =	vadd.f32 v3, v2;
	v3 =	vld [tilespmem:s7+$0x50]  }
0x594: {  	v1 =	vadd.f32 v6, v10;
	v10 =	vld [tilespmem:s7+$0xFFFFFFA0]  }
0x595: {  	[tilespmem:s7+$0xFFFFFF10] =	vst v2;
	v2 =	vld [tilespmem:s7+$0xFFFFFF20]  }
0x596: {  	v11 =	vld [tilespmem:s2+$0xFFFFFF20]  }
0x597: {  	v5 =	vadd.f32 v5, v7;
	[tilespmem:s7+$0x90] =	vst v1;
	v1 =	vld [tilespmem:s7+$0xFFFFFF60]  }
0x598: {  	v7 =	vld [tilespmem:s7+$0x30]  }
0x599: {  	[tilespmem:s7+$0xF0] =	vst v5;
	v5 =	vld [tilespmem:s7+$0x70]  }
0x59a: {  	v6 =	vld [tilespmem:s2+$0xA0]  }
0x59b: {  	v0 =	vadd.f32 v0, v3;
	v3 =	vld [tilespmem:s2+$0xFFFFFFE0];
	v2 =	vadd.f32 v11, v2  }
0x59c: {  	v1 =	vadd.f32 v8, v1;
	v8 =	vadd.f32 v9, v10;
	v9 =	vld [tilespmem:s7+$0xFFFFFFB0]  }
0x59d: {  	[tilespmem:s7+$0xFFFFFF20] =	vst v2;
	v2 =	vld [tilespmem:s7+$0xA0]  }
0x59e: {  	[tilespmem:s7+$0x50] =	vst v0;
	v11 =	vld [tilespmem:s7+$0x20]  }
0x59f: {  	v0 =	vld [tilespmem:s2+$0x60];
	[tilespmem:s7+$0xFFFFFF60] =	vst v1  }
0x5a0: {  	[tilespmem:s7+$0xFFFFFFA0] =	vst v8;
	v8 =	vld [tilespmem:s7+$0xFFFFFFF0]  }
0x5a1: {  	v1 =	vadd.f32 v3, v61;
	v14 =	vld [tilespmem:s2+$0xFFFFFF70]  }
0x5a2: {  	v10 =	vld [tilespmem:s2+$0xFFFFFF30];
	v6 =	vadd.f32 v6, v2  }
0x5a3: {  	[tilespmem:s7+$0xFFFFFFE0] =	vst v1;
	v3 =	vadd.f32 v4, v11;
	v4 =	vld [tilespmem:s2+$0xFFFFFFB0]  }
0x5a4: {  	v0 =	vadd.f32 v0, v62;
	[tilespmem:s7+$0xA0] =	vst v6;
	v6 =	vld [tilespmem:s7+$0xFFFFFF70]  }
0x5a5: {  	v1 =	vld [tilespmem:s2+$0xFFFFFFF0];
	[tilespmem:s7+$0x20] =	vst v3  }
0x5a6: {  	[tilespmem:s7+$0x60] =	vst v0;
	v2 =	vld [tilespmem:s2+$0x30]  }
0x5a7: {  	v3 =	vld [tilespmem:s2+$0x70];
	v10 =	vadd.f32 v10, v63  }
0x5a8: {  	v0 =	vld [tilespmem:s2+$0xB0]  }
0x5a9: {  	s13 =	simm.s32 $0x0;
	s12 =	simm.s32 $0xCB00;
	[tilespmem:s7+$0xFFFFFF30] =	vst v10;
	v10 =	vadd.f32 v14, v6;
	v6 =	vld [tilespmem:s7+$0xB0]  }
.LBB2_22:
0x5aa: {  	v11 =	vld [tilespmem:s12+$0xC0];
	v4 =	vadd.f32 v4, v9;
	s2 =	sadd.s32 $0x200, s2  }
0x5ab: {  	s13 =	sadd.s32 $0x8, s13;
	v9 =	vld [tilespmem:s2+$0xC0];
	[tilespmem:s7+$0xFFFFFF70] =	vst v10;
	v1 =	vadd.f32 v1, v8  }
0x5ac: {  	p0 =	slt.u32 s13, $0xC0;
	v8 =	vld [tilespmem:s2+$0xFFFFFF00];
	[tilespmem:s7+$0xFFFFFFB0] =	vst v4;
	v2 =	vadd.f32 v2, v7  }
0x5ad: {  	v4 =	vld [tilespmem:s12+$0xFFFFFF40];
	[tilespmem:s7+$0xFFFFFFF0] =	vst v1;
	v1 =	vadd.f32 v3, v5  }
0x5ae: {  	v3 =	vld [tilespmem:s2+$0xFFFFFF40];
	[tilespmem:s7+$0x30] =	vst v2;
	v0 =	vadd.f32 v0, v6  }
0x5af: {  	v2 =	vld [tilespmem:s12+$0xFFFFFF80];
	[tilespmem:s7+$0x70] =	vst v1  }
0x5b0: {  	v1 =	vld [tilespmem:s2+$0xFFFFFF80];
	v5 =	vadd.f32 v9, v11;
	[tilespmem:s7+$0xB0] =	vst v0;
	s7 =	smov.u32 s12  }
0x5b1: {  	v0 =	vld [tilespmem:s12+$0xFFFFFFC0]  }
0x5b2: {  	[tilespmem:s12+$0xC0] =	vst v5;
	v5 =	vld [tilespmem:s12+$0xD0]  }
0x5b3: {  	v3 =	vadd.f32 v3, v4;
	v4 =	vld [tilespmem:s2+$0xD0]  }
0x5b4: {  	v6 =	vld [tilespmem:s2+$0xFFFFFFC0]  }
0x5b5: {  	[tilespmem:s12+$0xFFFFFF40] =	vst v3;
	v1 =	vadd.f32 v1, v2;
	v2 =	vld [tilespmem:s12+$0x0]  }
0x5b6: {  	v3 =	vld [tilespmem:s2+$0x0]  }
0x5b7: {  	[tilespmem:s12+$0xFFFFFF80] =	vst v1;
	v1 =	vld [tilespmem:s12+$0x40]  }
0x5b8: {  	v7 =	vld [tilespmem:s2+$0x40];
	v4 =	vadd.f32 v4, v5  }
0x5b9: {  	v0 =	vadd.f32 v6, v0;
	v5 =	vld [tilespmem:s12+$0x80]  }
0x5ba: {  	[tilespmem:s12+$0xD0] =	vst v4;
	v4 =	vld [tilespmem:s12+$0xE0]  }
0x5bb: {  	[tilespmem:s12+$0xFFFFFFC0] =	vst v0;
	v0 =	vadd.f32 v3, v2;
	v2 =	vld [tilespmem:s2+$0xE0]  }
0x5bc: {  	v3 =	vld [tilespmem:s2+$0x80]  }
0x5bd: {  	v6 =	vld [tilespmem:s12+$0xFFFFFF00];
	[tilespmem:s12+$0x0] =	vst v0;
	v0 =	vadd.f32 v7, v1  }
0x5be: {  	v1 =	vld [tilespmem:s2+$0xFFFFFF50]  }
0x5bf: {  	v7 =	vld [tilespmem:s2+$0xFFFFFF90];
	[tilespmem:s12+$0x40] =	vst v0  }
0x5c0: {  	v0 =	vld [tilespmem:s2+$0xFFFFFFD0];
	v2 =	vadd.f32 v2, v4  }
0x5c1: {  	v4 =	vld [tilespmem:s2+$0x10];
	v3 =	vadd.f32 v3, v5  }
0x5c2: {  	v5 =	vadd.f32 v8, v6;
	[tilespmem:s12+$0xE0] =	vst v2;
	v2 =	vld [tilespmem:s12+$0xF0]  }
0x5c3: {  	[tilespmem:s12+$0x80] =	vst v3;
	v3 =	vld [tilespmem:s2+$0xF0]  }
0x5c4: {  	[tilespmem:s12+$0xFFFFFF00] =	vst v5;
	v5 =	vld [tilespmem:s2+$0x50]  }
0x5c5: {  	v6 =	vld [tilespmem:s2+$0xFFFFFF10]  }
0x5c6: {  	v8 =	vld [tilespmem:s2+$0x90]  }
0x5c7: {  	v9 =	vld [tilespmem:s12+$0xFFFFFF10]  }
0x5c8: {  	v10 =	vld [tilespmem:s12+$0xFFFFFF50];
	v2 =	vadd.f32 v3, v2  }
0x5c9: {  	v3 =	vld [tilespmem:s12+$0xFFFFFF90]  }
0x5ca: {  	v11 =	vld [tilespmem:s12+$0xFFFFFFD0];
	[tilespmem:s12+$0xF0] =	vst v2  }
0x5cb: {  	v2 =	vld [tilespmem:s12+$0x10]  }
0x5cc: {  	v6 =	vadd.f32 v6, v9;
	v9 =	vld [tilespmem:s12+$0x50]  }
0x5cd: {  	v1 =	vadd.f32 v1, v10;
	v10 =	vld [tilespmem:s12+$0x90]  }
0x5ce: {  	[tilespmem:s12+$0xFFFFFF10] =	vst v6;
	v6 =	vld [tilespmem:s12+$0xFFFFFF20];
	v3 =	vadd.f32 v7, v3  }
0x5cf: {  	v7 =	vld [tilespmem:s2+$0xFFFFFF20];
	[tilespmem:s12+$0xFFFFFF50] =	vst v1;
	v0 =	vadd.f32 v0, v11  }
0x5d0: {  	v1 =	vld [tilespmem:s2+$0xFFFFFF60];
	[tilespmem:s12+$0xFFFFFF90] =	vst v3;
	v2 =	vadd.f32 v4, v2  }
0x5d1: {  	v3 =	vld [tilespmem:s2+$0xFFFFFFA0];
	[tilespmem:s12+$0xFFFFFFD0] =	vst v0;
	v0 =	vadd.f32 v5, v9  }
0x5d2: {  	v4 =	vld [tilespmem:s2+$0xFFFFFFE0];
	[tilespmem:s12+$0x10] =	vst v2;
	v2 =	vadd.f32 v8, v10  }
0x5d3: {  	v5 =	vld [tilespmem:s2+$0x20];
	[tilespmem:s12+$0x50] =	vst v0  }
0x5d4: {  	v0 =	vadd.f32 v7, v6;
	v6 =	vld [tilespmem:s2+$0x60];
	[tilespmem:s12+$0x90] =	vst v2  }
0x5d5: {  	v2 =	vld [tilespmem:s2+$0xA0]  }
0x5d6: {  	[tilespmem:s12+$0xFFFFFF20] =	vst v0;
	v0 =	vld [tilespmem:s12+$0xFFFFFF60]  }
0x5d7: {  	v7 =	vld [tilespmem:s12+$0xFFFFFFA0]  }
0x5d8: {  	v8 =	vld [tilespmem:s12+$0xFFFFFFE0]  }
0x5d9: {  	v9 =	vld [tilespmem:s12+$0x20]  }
0x5da: {  	v10 =	vld [tilespmem:s12+$0x60]  }
0x5db: {  	v0 =	vadd.f32 v1, v0;
	v11 =	vld [tilespmem:s12+$0xA0]  }
0x5dc: {  	v12 =	vld [tilespmem:s2+$0xFFFFFF30];
	v1 =	vadd.f32 v3, v7  }
0x5dd: {  	v3 =	vld [tilespmem:s12+$0xFFFFFF30];
	[tilespmem:s12+$0xFFFFFF60] =	vst v0;
	v0 =	vadd.f32 v4, v8  }
0x5de: {  	v13 =	vld [tilespmem:s2+$0xFFFFFF70];
	[tilespmem:s12+$0xFFFFFFA0] =	vst v1;
	v5 =	vadd.f32 v5, v9  }
0x5df: {  	v4 =	vld [tilespmem:s2+$0xFFFFFFB0];
	[tilespmem:s12+$0xFFFFFFE0] =	vst v0;
	v0 =	vadd.f32 v6, v10  }
0x5e0: {  	v1 =	vld [tilespmem:s2+$0xFFFFFFF0];
	[tilespmem:s12+$0x20] =	vst v5;
	v5 =	vadd.f32 v2, v11  }
0x5e1: {  	v2 =	vld [tilespmem:s2+$0x30];
	[tilespmem:s12+$0x60] =	vst v0  }
0x5e2: {  	v6 =	vadd.f32 v12, v3;
	v3 =	vld [tilespmem:s2+$0x70];
	[tilespmem:s12+$0xA0] =	vst v5  }
0x5e3: {  	v0 =	vld [tilespmem:s2+$0xB0]  }
0x5e4: {  	[tilespmem:s12+$0xFFFFFF30] =	vst v6;
	v6 =	vld [tilespmem:s12+$0xFFFFFF70]  }
.Ltmp10:
0x5e5: {  	v9 =	vld [tilespmem:s12+$0xFFFFFFB0];
	(pc) =	sbr.rel @p0 .LBB2_22-.Ltmp10, $4  }
0x5e6: {  	v8 =	vld [tilespmem:s12+$0xFFFFFFF0]  }
0x5e7: {  	v7 =	vld [tilespmem:s12+$0x30]  }
0x5e8: {  	v5 =	vld [tilespmem:s12+$0x70]  }
0x5e9: {  	s12 =	sadd.s32 $0x200, s12;
	v10 =	vadd.f32 v13, v6;
	v6 =	vld [tilespmem:s7+$0xB0]  }
0x5ea: {  	v4 =	vadd.f32 v4, v9  }
0x5eb: {  	[tilespmem:s7+$0xFFFFFF70] =	vst v10;
	v1 =	vadd.f32 v1, v8  }
0x5ec: {  	[tilespmem:s7+$0xFFFFFFB0] =	vst v4;
	v2 =	vadd.f32 v2, v7  }
0x5ed: {  	[tilespmem:s7+$0xFFFFFFF0] =	vst v1;
	v1 =	vadd.f32 v3, v5  }
0x5ee: {  	[tilespmem:s7+$0x30] =	vst v2;
	v0 =	vadd.f32 v0, v6  }
0x5ef: {  	[tilespmem:s7+$0x70] =	vst v1  }
0x5f0: {  	[tilespmem:s7+$0xB0] =	vst v0  }
0x5f1: {  	s2 =	rddreg [dreg:$0xa]  }
0x5f2: {  	[hbm4b:s2+s1] =	stream.strided.scatter [tilespmem:s24], [sflag:$0x6], $0x3200, s18, s1, $0x38;
	[tilespmem:$0x15E00] =	vst v63  }
0x5f3: {  	_ =	swait.ge [sflag:s4], $0x1800  }
0x5f4: {  	[sflag:s4] =	ssyncset.done $0x0  }
0x5f5: {  	[sflag:s4] =	ssyncadd.s32 $0xFFFFE800  }
0x5f6: {  	_ =	swait.ge [sflag:s4], $0x1A00  }
0x5f7: {  	[sflag:s4] =	ssyncset.done $0x0  }
0x5f8: {  	s7 =	simm.s32 $0xFB00;
	[sflag:s4] =	ssyncadd.s32 $0xFFFFE600  }
0x5f9: {  	s2 =	simm.s32 $0x6500;
	v0 =	vld [tilespmem:s7+$0xC0]  }
0x5fa: {  	v1 =	vld [tilespmem:s2+$0xC0]  }
0x5fb: {  	v2 =	vld [tilespmem:s2+$0xFFFFFF00]  }
0x5fc: {  	v3 =	vld [tilespmem:s7+$0xFFFFFF40]  }
0x5fd: {  	v4 =	vld [tilespmem:s7+$0xFFFFFF80]  }
0x5fe: {  	v6 =	vld [tilespmem:s2+$0xFFFFFF80]  }
0x5ff: {  	v7 =	vld [tilespmem:s7+$0xFFFFFFC0]  }
0x600: {  	v8 =	vld [tilespmem:s2+$0xFFFFFFC0]  }
0x601: {  	v9 =	vld [tilespmem:s7+$0x0]  }
0x602: {  	v10 =	vld [tilespmem:s2+$0x0]  }
0x603: {  	v11 =	vld [tilespmem:s2+$0x40]  }
0x604: {  	v60 =	vld [tilespmem:s7+$0xFFFFFFD0]  }
0x605: {  	v13 =	vld [tilespmem:s7+$0x10]  }
0x606: {  	v61 =	vld [tilespmem:s7+$0xFFFFFFE0]  }
0x607: {  	v62 =	vld [tilespmem:s7+$0x60];
	v0 =	vadd.f32 v1, v0  }
0x608: {  	v1 =	vld [tilespmem:s2+$0xFFFFFF40]  }
0x609: {  	[tilespmem:s7+$0xC0] =	vst v0;
	v0 =	vld [tilespmem:s7+$0xD0]  }
0x60a: {  	v5 =	vld [tilespmem:s2+$0xD0]  }
0x60b: {  	v63 =	vld [tilespmem:s7+$0xFFFFFF30];
	v4 =	vadd.f32 v6, v4  }
0x60c: {  	v6 =	vld [tilespmem:s2+$0x80]  }
0x60d: {  	[tilespmem:s7+$0xFFFFFF80] =	vst v4;
	v4 =	vadd.f32 v10, v9;
	v10 =	vld [tilespmem:s7+$0xFFFFFF50];
	v1 =	vadd.f32 v1, v3  }
0x60e: {  	v3 =	vld [tilespmem:s7+$0x80]  }
0x60f: {  	[tilespmem:s7+$0xFFFFFF40] =	vst v1;
	v0 =	vadd.f32 v5, v0;
	v5 =	vld [tilespmem:s7+$0x40]  }
0x610: {  	v1 =	vadd.f32 v8, v7;
	v8 =	vld [tilespmem:s2+$0xFFFFFF50]  }
0x611: {  	[tilespmem:s7+$0xD0] =	vst v0;
	v0 =	vld [tilespmem:s7+$0xE0]  }
0x612: {  	[tilespmem:s7+$0x0] =	vst v4;
	v12 =	vld [tilespmem:s2+$0xE0]  }
0x613: {  	v9 =	vld [tilespmem:s2+$0x10]  }
0x614: {  	v7 =	vld [tilespmem:s7+$0xFFFFFF00]  }
0x615: {  	[tilespmem:s7+$0xFFFFFFC0] =	vst v1;
	v1 =	vld [tilespmem:s2+$0xFFFFFF90]  }
0x616: {  	v4 =	vld [tilespmem:s2+$0xFFFFFFD0];
	v8 =	vadd.f32 v8, v10  }
0x617: {  	v5 =	vadd.f32 v11, v5;
	v11 =	vld [tilespmem:s7+$0xFFFFFF90];
	v0 =	vadd.f32 v12, v0  }
0x618: {  	v10 =	vld [tilespmem:s7+$0x90];
	[tilespmem:s7+$0xFFFFFF50] =	vst v8  }
0x619: {  	v8 =	vld [tilespmem:s2+$0xFFFFFF60];
	[tilespmem:s7+$0xE0] =	vst v0;
	v0 =	vadd.f32 v2, v7  }
0x61a: {  	[tilespmem:s7+$0x40] =	vst v5;
	v7 =	vld [tilespmem:s7+$0xF0];
	v2 =	vadd.f32 v6, v3  }
0x61b: {  	v5 =	vld [tilespmem:s2+$0xF0];
	[tilespmem:s7+$0xFFFFFF00] =	vst v0  }
0x61c: {  	v1 =	vadd.f32 v1, v11;
	[tilespmem:s7+$0x80] =	vst v2;
	v2 =	vld [tilespmem:s7+$0xFFFFFF10]  }
0x61d: {  	v3 =	vld [tilespmem:s2+$0xFFFFFF10]  }
0x61e: {  	[tilespmem:s7+$0xFFFFFF90] =	vst v1;
	v1 =	vadd.f32 v9, v13;
	v6 =	vld [tilespmem:s2+$0x90]  }
0x61f: {  	v4 =	vadd.f32 v4, v60;
	v0 =	vld [tilespmem:s2+$0x50]  }
0x620: {  	v9 =	vld [tilespmem:s2+$0xFFFFFFA0];
	[tilespmem:s7+$0x10] =	vst v1  }
0x621: {  	[tilespmem:s7+$0xFFFFFFD0] =	vst v4;
	v4 =	vld [tilespmem:s2+$0x20]  }
0x622: {  	v2 =	vadd.f32 v3, v2;
	v3 =	vld [tilespmem:s7+$0x50]  }
0x623: {  	v1 =	vadd.f32 v6, v10;
	v10 =	vld [tilespmem:s7+$0xFFFFFFA0]  }
0x624: {  	[tilespmem:s7+$0xFFFFFF10] =	vst v2;
	v2 =	vld [tilespmem:s7+$0xFFFFFF20]  }
0x625: {  	v11 =	vld [tilespmem:s2+$0xFFFFFF20]  }
0x626: {  	v5 =	vadd.f32 v5, v7;
	[tilespmem:s7+$0x90] =	vst v1;
	v1 =	vld [tilespmem:s7+$0xFFFFFF60]  }
0x627: {  	v7 =	vld [tilespmem:s7+$0x30]  }
0x628: {  	[tilespmem:s7+$0xF0] =	vst v5;
	v5 =	vld [tilespmem:s7+$0x70]  }
0x629: {  	v6 =	vld [tilespmem:s2+$0xA0]  }
0x62a: {  	v0 =	vadd.f32 v0, v3;
	v3 =	vld [tilespmem:s2+$0xFFFFFFE0];
	v2 =	vadd.f32 v11, v2  }
0x62b: {  	v1 =	vadd.f32 v8, v1;
	v8 =	vadd.f32 v9, v10;
	v9 =	vld [tilespmem:s7+$0xFFFFFFB0]  }
0x62c: {  	[tilespmem:s7+$0xFFFFFF20] =	vst v2;
	v2 =	vld [tilespmem:s7+$0xA0]  }
0x62d: {  	[tilespmem:s7+$0x50] =	vst v0;
	v11 =	vld [tilespmem:s7+$0x20]  }
0x62e: {  	v0 =	vld [tilespmem:s2+$0x60];
	[tilespmem:s7+$0xFFFFFF60] =	vst v1  }
0x62f: {  	[tilespmem:s7+$0xFFFFFFA0] =	vst v8;
	v8 =	vld [tilespmem:s7+$0xFFFFFFF0]  }
0x630: {  	v1 =	vadd.f32 v3, v61;
	v14 =	vld [tilespmem:s2+$0xFFFFFF70]  }
0x631: {  	v10 =	vld [tilespmem:s2+$0xFFFFFF30];
	v6 =	vadd.f32 v6, v2  }
0x632: {  	[tilespmem:s7+$0xFFFFFFE0] =	vst v1;
	v3 =	vadd.f32 v4, v11;
	v4 =	vld [tilespmem:s2+$0xFFFFFFB0]  }
0x633: {  	v0 =	vadd.f32 v0, v62;
	[tilespmem:s7+$0xA0] =	vst v6;
	v6 =	vld [tilespmem:s7+$0xFFFFFF70]  }
0x634: {  	v1 =	vld [tilespmem:s2+$0xFFFFFFF0];
	[tilespmem:s7+$0x20] =	vst v3  }
0x635: {  	[tilespmem:s7+$0x60] =	vst v0;
	v2 =	vld [tilespmem:s2+$0x30]  }
0x636: {  	v3 =	vld [tilespmem:s2+$0x70];
	v10 =	vadd.f32 v10, v63  }
0x637: {  	v0 =	vld [tilespmem:s2+$0xB0]  }
0x638: {  	s13 =	simm.s32 $0x0;
	s12 =	simm.s32 $0xFD00;
	[tilespmem:s7+$0xFFFFFF30] =	vst v10;
	v10 =	vadd.f32 v14, v6;
	v6 =	vld [tilespmem:s7+$0xB0]  }
.LBB2_24:
0x639: {  	v11 =	vld [tilespmem:s12+$0xC0];
	v4 =	vadd.f32 v4, v9;
	s2 =	sadd.s32 $0x200, s2  }
0x63a: {  	s13 =	sadd.s32 $0x8, s13;
	v9 =	vld [tilespmem:s2+$0xC0];
	[tilespmem:s7+$0xFFFFFF70] =	vst v10;
	v1 =	vadd.f32 v1, v8  }
0x63b: {  	p0 =	slt.u32 s13, $0xC0;
	v8 =	vld [tilespmem:s2+$0xFFFFFF00];
	[tilespmem:s7+$0xFFFFFFB0] =	vst v4;
	v2 =	vadd.f32 v2, v7  }
0x63c: {  	v4 =	vld [tilespmem:s12+$0xFFFFFF40];
	[tilespmem:s7+$0xFFFFFFF0] =	vst v1;
	v1 =	vadd.f32 v3, v5  }
0x63d: {  	v3 =	vld [tilespmem:s2+$0xFFFFFF40];
	[tilespmem:s7+$0x30] =	vst v2;
	v0 =	vadd.f32 v0, v6  }
0x63e: {  	v2 =	vld [tilespmem:s12+$0xFFFFFF80];
	[tilespmem:s7+$0x70] =	vst v1  }
0x63f: {  	v1 =	vld [tilespmem:s2+$0xFFFFFF80];
	v5 =	vadd.f32 v9, v11;
	[tilespmem:s7+$0xB0] =	vst v0;
	s7 =	smov.u32 s12  }
0x640: {  	v0 =	vld [tilespmem:s12+$0xFFFFFFC0]  }
0x641: {  	[tilespmem:s12+$0xC0] =	vst v5;
	v5 =	vld [tilespmem:s12+$0xD0]  }
0x642: {  	v3 =	vadd.f32 v3, v4;
	v4 =	vld [tilespmem:s2+$0xD0]  }
0x643: {  	v6 =	vld [tilespmem:s2+$0xFFFFFFC0]  }
0x644: {  	[tilespmem:s12+$0xFFFFFF40] =	vst v3;
	v1 =	vadd.f32 v1, v2;
	v2 =	vld [tilespmem:s12+$0x0]  }
0x645: {  	v3 =	vld [tilespmem:s2+$0x0]  }
0x646: {  	[tilespmem:s12+$0xFFFFFF80] =	vst v1;
	v1 =	vld [tilespmem:s12+$0x40]  }
0x647: {  	v7 =	vld [tilespmem:s2+$0x40];
	v4 =	vadd.f32 v4, v5  }
0x648: {  	v0 =	vadd.f32 v6, v0;
	v5 =	vld [tilespmem:s12+$0x80]  }
0x649: {  	[tilespmem:s12+$0xD0] =	vst v4;
	v4 =	vld [tilespmem:s12+$0xE0]  }
0x64a: {  	[tilespmem:s12+$0xFFFFFFC0] =	vst v0;
	v0 =	vadd.f32 v3, v2;
	v2 =	vld [tilespmem:s2+$0xE0]  }
0x64b: {  	v3 =	vld [tilespmem:s2+$0x80]  }
0x64c: {  	v6 =	vld [tilespmem:s12+$0xFFFFFF00];
	[tilespmem:s12+$0x0] =	vst v0;
	v0 =	vadd.f32 v7, v1  }
0x64d: {  	v1 =	vld [tilespmem:s2+$0xFFFFFF50]  }
0x64e: {  	v7 =	vld [tilespmem:s2+$0xFFFFFF90];
	[tilespmem:s12+$0x40] =	vst v0  }
0x64f: {  	v0 =	vld [tilespmem:s2+$0xFFFFFFD0];
	v2 =	vadd.f32 v2, v4  }
0x650: {  	v4 =	vld [tilespmem:s2+$0x10];
	v3 =	vadd.f32 v3, v5  }
0x651: {  	v5 =	vadd.f32 v8, v6;
	[tilespmem:s12+$0xE0] =	vst v2;
	v2 =	vld [tilespmem:s12+$0xF0]  }
0x652: {  	[tilespmem:s12+$0x80] =	vst v3;
	v3 =	vld [tilespmem:s2+$0xF0]  }
0x653: {  	[tilespmem:s12+$0xFFFFFF00] =	vst v5;
	v5 =	vld [tilespmem:s2+$0x50]  }
0x654: {  	v6 =	vld [tilespmem:s2+$0xFFFFFF10]  }
0x655: {  	v8 =	vld [tilespmem:s2+$0x90]  }
0x656: {  	v9 =	vld [tilespmem:s12+$0xFFFFFF10]  }
0x657: {  	v10 =	vld [tilespmem:s12+$0xFFFFFF50];
	v2 =	vadd.f32 v3, v2  }
0x658: {  	v3 =	vld [tilespmem:s12+$0xFFFFFF90]  }
0x659: {  	v11 =	vld [tilespmem:s12+$0xFFFFFFD0];
	[tilespmem:s12+$0xF0] =	vst v2  }
0x65a: {  	v2 =	vld [tilespmem:s12+$0x10]  }
0x65b: {  	v6 =	vadd.f32 v6, v9;
	v9 =	vld [tilespmem:s12+$0x50]  }
0x65c: {  	v1 =	vadd.f32 v1, v10;
	v10 =	vld [tilespmem:s12+$0x90]  }
0x65d: {  	[tilespmem:s12+$0xFFFFFF10] =	vst v6;
	v6 =	vld [tilespmem:s12+$0xFFFFFF20];
	v3 =	vadd.f32 v7, v3  }
0x65e: {  	v7 =	vld [tilespmem:s2+$0xFFFFFF20];
	[tilespmem:s12+$0xFFFFFF50] =	vst v1;
	v0 =	vadd.f32 v0, v11  }
0x65f: {  	v1 =	vld [tilespmem:s2+$0xFFFFFF60];
	[tilespmem:s12+$0xFFFFFF90] =	vst v3;
	v2 =	vadd.f32 v4, v2  }
0x660: {  	v3 =	vld [tilespmem:s2+$0xFFFFFFA0];
	[tilespmem:s12+$0xFFFFFFD0] =	vst v0;
	v0 =	vadd.f32 v5, v9  }
0x661: {  	v4 =	vld [tilespmem:s2+$0xFFFFFFE0];
	[tilespmem:s12+$0x10] =	vst v2;
	v2 =	vadd.f32 v8, v10  }
0x662: {  	v5 =	vld [tilespmem:s2+$0x20];
	[tilespmem:s12+$0x50] =	vst v0  }
0x663: {  	v0 =	vadd.f32 v7, v6;
	v6 =	vld [tilespmem:s2+$0x60];
	[tilespmem:s12+$0x90] =	vst v2  }
0x664: {  	v2 =	vld [tilespmem:s2+$0xA0]  }
0x665: {  	[tilespmem:s12+$0xFFFFFF20] =	vst v0;
	v0 =	vld [tilespmem:s12+$0xFFFFFF60]  }
0x666: {  	v7 =	vld [tilespmem:s12+$0xFFFFFFA0]  }
0x667: {  	v8 =	vld [tilespmem:s12+$0xFFFFFFE0]  }
0x668: {  	v9 =	vld [tilespmem:s12+$0x20]  }
0x669: {  	v10 =	vld [tilespmem:s12+$0x60]  }
0x66a: {  	v0 =	vadd.f32 v1, v0;
	v11 =	vld [tilespmem:s12+$0xA0]  }
0x66b: {  	v12 =	vld [tilespmem:s2+$0xFFFFFF30];
	v1 =	vadd.f32 v3, v7  }
0x66c: {  	v3 =	vld [tilespmem:s12+$0xFFFFFF30];
	[tilespmem:s12+$0xFFFFFF60] =	vst v0;
	v0 =	vadd.f32 v4, v8  }
0x66d: {  	v13 =	vld [tilespmem:s2+$0xFFFFFF70];
	[tilespmem:s12+$0xFFFFFFA0] =	vst v1;
	v5 =	vadd.f32 v5, v9  }
0x66e: {  	v4 =	vld [tilespmem:s2+$0xFFFFFFB0];
	[tilespmem:s12+$0xFFFFFFE0] =	vst v0;
	v0 =	vadd.f32 v6, v10  }
0x66f: {  	v1 =	vld [tilespmem:s2+$0xFFFFFFF0];
	[tilespmem:s12+$0x20] =	vst v5;
	v5 =	vadd.f32 v2, v11  }
0x670: {  	v2 =	vld [tilespmem:s2+$0x30];
	[tilespmem:s12+$0x60] =	vst v0  }
0x671: {  	v6 =	vadd.f32 v12, v3;
	v3 =	vld [tilespmem:s2+$0x70];
	[tilespmem:s12+$0xA0] =	vst v5  }
0x672: {  	v0 =	vld [tilespmem:s2+$0xB0]  }
0x673: {  	[tilespmem:s12+$0xFFFFFF30] =	vst v6;
	v6 =	vld [tilespmem:s12+$0xFFFFFF70]  }
.Ltmp11:
0x674: {  	v9 =	vld [tilespmem:s12+$0xFFFFFFB0];
	(pc) =	sbr.rel @p0 .LBB2_24-.Ltmp11, $4  }
0x675: {  	v8 =	vld [tilespmem:s12+$0xFFFFFFF0]  }
0x676: {  	v7 =	vld [tilespmem:s12+$0x30]  }
0x677: {  	v5 =	vld [tilespmem:s12+$0x70]  }
0x678: {  	s12 =	sadd.s32 $0x200, s12;
	v10 =	vadd.f32 v13, v6;
	v6 =	vld [tilespmem:s7+$0xB0]  }
0x679: {  	v4 =	vadd.f32 v4, v9  }
0x67a: {  	[tilespmem:s7+$0xFFFFFF70] =	vst v10;
	v1 =	vadd.f32 v1, v8  }
0x67b: {  	[tilespmem:s7+$0xFFFFFFB0] =	vst v4;
	v2 =	vadd.f32 v2, v7  }
0x67c: {  	[tilespmem:s7+$0xFFFFFFF0] =	vst v1;
	v1 =	vadd.f32 v3, v5  }
0x67d: {  	[tilespmem:s7+$0x30] =	vst v2;
	v0 =	vadd.f32 v0, v6  }
0x67e: {  	[tilespmem:s7+$0x70] =	vst v1  }
0x67f: {  	[tilespmem:s7+$0xB0] =	vst v0  }
0x680: {  	s2 =	rddreg [dreg:$0xb]  }
0x681: {  	[hbm4b:s2+s1] =	stream.strided.scatter [tilespmem:s29], [sflag:$0x7], $0x3200, s18, s1, $0x38;
	[tilespmem:$0x15E00] =	vst v63  }
0x682: {  	_ =	swait.ge [sflag:s9], $0x1800  }
0x683: {  	[sflag:s9] =	ssyncset.done $0x0  }
0x684: {  	[sflag:s9] =	ssyncadd.s32 $0xFFFFE800  }
0x685: {  	_ =	swait.ge [sflag:s9], $0x1A00  }
0x686: {  	[sflag:s9] =	ssyncset.done $0x0  }
0x687: {  	s7 =	simm.s32 $0x12D00;
	[sflag:s9] =	ssyncadd.s32 $0xFFFFE600  }
0x688: {  	s2 =	simm.s32 $0x6500;
	v0 =	vld [tilespmem:s7+$0xC0]  }
0x689: {  	v1 =	vld [tilespmem:s2+$0xC0]  }
0x68a: {  	v2 =	vld [tilespmem:s2+$0xFFFFFF00]  }
0x68b: {  	v3 =	vld [tilespmem:s7+$0xFFFFFF40]  }
0x68c: {  	v4 =	vld [tilespmem:s7+$0xFFFFFF80]  }
0x68d: {  	v6 =	vld [tilespmem:s2+$0xFFFFFF80]  }
0x68e: {  	v7 =	vld [tilespmem:s7+$0xFFFFFFC0]  }
0x68f: {  	v8 =	vld [tilespmem:s2+$0xFFFFFFC0]  }
0x690: {  	v9 =	vld [tilespmem:s7+$0x0]  }
0x691: {  	v10 =	vld [tilespmem:s2+$0x0]  }
0x692: {  	v11 =	vld [tilespmem:s2+$0x40]  }
0x693: {  	v60 =	vld [tilespmem:s7+$0xFFFFFFD0]  }
0x694: {  	v13 =	vld [tilespmem:s7+$0x10]  }
0x695: {  	v61 =	vld [tilespmem:s7+$0xFFFFFFE0]  }
0x696: {  	v62 =	vld [tilespmem:s7+$0x60];
	v0 =	vadd.f32 v1, v0  }
0x697: {  	v1 =	vld [tilespmem:s2+$0xFFFFFF40]  }
0x698: {  	[tilespmem:s7+$0xC0] =	vst v0;
	v0 =	vld [tilespmem:s7+$0xD0]  }
0x699: {  	v5 =	vld [tilespmem:s2+$0xD0]  }
0x69a: {  	v63 =	vld [tilespmem:s7+$0xFFFFFF30];
	v4 =	vadd.f32 v6, v4  }
0x69b: {  	v6 =	vld [tilespmem:s2+$0x80]  }
0x69c: {  	[tilespmem:s7+$0xFFFFFF80] =	vst v4;
	v4 =	vadd.f32 v10, v9;
	v10 =	vld [tilespmem:s7+$0xFFFFFF50];
	v1 =	vadd.f32 v1, v3  }
0x69d: {  	v3 =	vld [tilespmem:s7+$0x80]  }
0x69e: {  	[tilespmem:s7+$0xFFFFFF40] =	vst v1;
	v0 =	vadd.f32 v5, v0;
	v5 =	vld [tilespmem:s7+$0x40]  }
0x69f: {  	v1 =	vadd.f32 v8, v7;
	v8 =	vld [tilespmem:s2+$0xFFFFFF50]  }
0x6a0: {  	[tilespmem:s7+$0xD0] =	vst v0;
	v0 =	vld [tilespmem:s7+$0xE0]  }
0x6a1: {  	[tilespmem:s7+$0x0] =	vst v4;
	v12 =	vld [tilespmem:s2+$0xE0]  }
0x6a2: {  	v9 =	vld [tilespmem:s2+$0x10]  }
0x6a3: {  	v7 =	vld [tilespmem:s7+$0xFFFFFF00]  }
0x6a4: {  	[tilespmem:s7+$0xFFFFFFC0] =	vst v1;
	v1 =	vld [tilespmem:s2+$0xFFFFFF90]  }
0x6a5: {  	v4 =	vld [tilespmem:s2+$0xFFFFFFD0];
	v8 =	vadd.f32 v8, v10  }
0x6a6: {  	v5 =	vadd.f32 v11, v5;
	v11 =	vld [tilespmem:s7+$0xFFFFFF90];
	v0 =	vadd.f32 v12, v0  }
0x6a7: {  	v10 =	vld [tilespmem:s7+$0x90];
	[tilespmem:s7+$0xFFFFFF50] =	vst v8  }
0x6a8: {  	v8 =	vld [tilespmem:s2+$0xFFFFFF60];
	[tilespmem:s7+$0xE0] =	vst v0;
	v0 =	vadd.f32 v2, v7  }
0x6a9: {  	[tilespmem:s7+$0x40] =	vst v5;
	v7 =	vld [tilespmem:s7+$0xF0];
	v2 =	vadd.f32 v6, v3  }
0x6aa: {  	v5 =	vld [tilespmem:s2+$0xF0];
	[tilespmem:s7+$0xFFFFFF00] =	vst v0  }
0x6ab: {  	v1 =	vadd.f32 v1, v11;
	[tilespmem:s7+$0x80] =	vst v2;
	v2 =	vld [tilespmem:s7+$0xFFFFFF10]  }
0x6ac: {  	v3 =	vld [tilespmem:s2+$0xFFFFFF10]  }
0x6ad: {  	[tilespmem:s7+$0xFFFFFF90] =	vst v1;
	v1 =	vadd.f32 v9, v13;
	v6 =	vld [tilespmem:s2+$0x90]  }
0x6ae: {  	v4 =	vadd.f32 v4, v60;
	v0 =	vld [tilespmem:s2+$0x50]  }
0x6af: {  	v9 =	vld [tilespmem:s2+$0xFFFFFFA0];
	[tilespmem:s7+$0x10] =	vst v1  }
0x6b0: {  	[tilespmem:s7+$0xFFFFFFD0] =	vst v4;
	v4 =	vld [tilespmem:s2+$0x20]  }
0x6b1: {  	v2 =	vadd.f32 v3, v2;
	v3 =	vld [tilespmem:s7+$0x50]  }
0x6b2: {  	v1 =	vadd.f32 v6, v10;
	v10 =	vld [tilespmem:s7+$0xFFFFFFA0]  }
0x6b3: {  	[tilespmem:s7+$0xFFFFFF10] =	vst v2;
	v2 =	vld [tilespmem:s7+$0xFFFFFF20]  }
0x6b4: {  	v11 =	vld [tilespmem:s2+$0xFFFFFF20]  }
0x6b5: {  	v5 =	vadd.f32 v5, v7;
	[tilespmem:s7+$0x90] =	vst v1;
	v1 =	vld [tilespmem:s7+$0xFFFFFF60]  }
0x6b6: {  	v7 =	vld [tilespmem:s7+$0x30]  }
0x6b7: {  	[tilespmem:s7+$0xF0] =	vst v5;
	v5 =	vld [tilespmem:s7+$0x70]  }
0x6b8: {  	v6 =	vld [tilespmem:s2+$0xA0]  }
0x6b9: {  	v0 =	vadd.f32 v0, v3;
	v3 =	vld [tilespmem:s2+$0xFFFFFFE0];
	v2 =	vadd.f32 v11, v2  }
0x6ba: {  	v1 =	vadd.f32 v8, v1;
	v8 =	vadd.f32 v9, v10;
	v9 =	vld [tilespmem:s7+$0xFFFFFFB0]  }
0x6bb: {  	[tilespmem:s7+$0xFFFFFF20] =	vst v2;
	v2 =	vld [tilespmem:s7+$0xA0]  }
0x6bc: {  	[tilespmem:s7+$0x50] =	vst v0;
	v11 =	vld [tilespmem:s7+$0x20]  }
0x6bd: {  	v0 =	vld [tilespmem:s2+$0x60];
	[tilespmem:s7+$0xFFFFFF60] =	vst v1  }
0x6be: {  	[tilespmem:s7+$0xFFFFFFA0] =	vst v8;
	v8 =	vld [tilespmem:s7+$0xFFFFFFF0]  }
0x6bf: {  	v1 =	vadd.f32 v3, v61;
	v14 =	vld [tilespmem:s2+$0xFFFFFF70]  }
0x6c0: {  	v10 =	vld [tilespmem:s2+$0xFFFFFF30];
	v6 =	vadd.f32 v6, v2  }
0x6c1: {  	[tilespmem:s7+$0xFFFFFFE0] =	vst v1;
	v3 =	vadd.f32 v4, v11;
	v4 =	vld [tilespmem:s2+$0xFFFFFFB0]  }
0x6c2: {  	v0 =	vadd.f32 v0, v62;
	[tilespmem:s7+$0xA0] =	vst v6;
	v6 =	vld [tilespmem:s7+$0xFFFFFF70]  }
0x6c3: {  	v1 =	vld [tilespmem:s2+$0xFFFFFFF0];
	[tilespmem:s7+$0x20] =	vst v3  }
0x6c4: {  	[tilespmem:s7+$0x60] =	vst v0;
	v2 =	vld [tilespmem:s2+$0x30]  }
0x6c5: {  	v3 =	vld [tilespmem:s2+$0x70];
	v10 =	vadd.f32 v10, v63  }
0x6c6: {  	v0 =	vld [tilespmem:s2+$0xB0]  }
0x6c7: {  	s13 =	simm.s32 $0x0;
	s12 =	simm.s32 $0x12F00;
	[tilespmem:s7+$0xFFFFFF30] =	vst v10;
	v10 =	vadd.f32 v14, v6;
	v6 =	vld [tilespmem:s7+$0xB0]  }
.LBB2_26:
0x6c8: {  	v11 =	vld [tilespmem:s12+$0xC0];
	v4 =	vadd.f32 v4, v9;
	s2 =	sadd.s32 $0x200, s2  }
0x6c9: {  	s13 =	sadd.s32 $0x8, s13;
	v9 =	vld [tilespmem:s2+$0xC0];
	[tilespmem:s7+$0xFFFFFF70] =	vst v10;
	v1 =	vadd.f32 v1, v8  }
0x6ca: {  	p0 =	slt.u32 s13, $0xC0;
	v8 =	vld [tilespmem:s2+$0xFFFFFF00];
	[tilespmem:s7+$0xFFFFFFB0] =	vst v4;
	v2 =	vadd.f32 v2, v7  }
0x6cb: {  	v4 =	vld [tilespmem:s12+$0xFFFFFF40];
	[tilespmem:s7+$0xFFFFFFF0] =	vst v1;
	v1 =	vadd.f32 v3, v5  }
0x6cc: {  	v3 =	vld [tilespmem:s2+$0xFFFFFF40];
	[tilespmem:s7+$0x30] =	vst v2;
	v0 =	vadd.f32 v0, v6  }
0x6cd: {  	v2 =	vld [tilespmem:s12+$0xFFFFFF80];
	[tilespmem:s7+$0x70] =	vst v1  }
0x6ce: {  	v1 =	vld [tilespmem:s2+$0xFFFFFF80];
	v5 =	vadd.f32 v9, v11;
	[tilespmem:s7+$0xB0] =	vst v0;
	s7 =	smov.u32 s12  }
0x6cf: {  	v0 =	vld [tilespmem:s12+$0xFFFFFFC0]  }
0x6d0: {  	[tilespmem:s12+$0xC0] =	vst v5;
	v5 =	vld [tilespmem:s12+$0xD0]  }
0x6d1: {  	v3 =	vadd.f32 v3, v4;
	v4 =	vld [tilespmem:s2+$0xD0]  }
0x6d2: {  	v6 =	vld [tilespmem:s2+$0xFFFFFFC0]  }
0x6d3: {  	[tilespmem:s12+$0xFFFFFF40] =	vst v3;
	v1 =	vadd.f32 v1, v2;
	v2 =	vld [tilespmem:s12+$0x0]  }
0x6d4: {  	v3 =	vld [tilespmem:s2+$0x0]  }
0x6d5: {  	[tilespmem:s12+$0xFFFFFF80] =	vst v1;
	v1 =	vld [tilespmem:s12+$0x40]  }
0x6d6: {  	v7 =	vld [tilespmem:s2+$0x40];
	v4 =	vadd.f32 v4, v5  }
0x6d7: {  	v0 =	vadd.f32 v6, v0;
	v5 =	vld [tilespmem:s12+$0x80]  }
0x6d8: {  	[tilespmem:s12+$0xD0] =	vst v4;
	v4 =	vld [tilespmem:s12+$0xE0]  }
0x6d9: {  	[tilespmem:s12+$0xFFFFFFC0] =	vst v0;
	v0 =	vadd.f32 v3, v2;
	v2 =	vld [tilespmem:s2+$0xE0]  }
0x6da: {  	v3 =	vld [tilespmem:s2+$0x80]  }
0x6db: {  	v6 =	vld [tilespmem:s12+$0xFFFFFF00];
	[tilespmem:s12+$0x0] =	vst v0;
	v0 =	vadd.f32 v7, v1  }
0x6dc: {  	v1 =	vld [tilespmem:s2+$0xFFFFFF50]  }
0x6dd: {  	v7 =	vld [tilespmem:s2+$0xFFFFFF90];
	[tilespmem:s12+$0x40] =	vst v0  }
0x6de: {  	v0 =	vld [tilespmem:s2+$0xFFFFFFD0];
	v2 =	vadd.f32 v2, v4  }
0x6df: {  	v4 =	vld [tilespmem:s2+$0x10];
	v3 =	vadd.f32 v3, v5  }
0x6e0: {  	v5 =	vadd.f32 v8, v6;
	[tilespmem:s12+$0xE0] =	vst v2;
	v2 =	vld [tilespmem:s12+$0xF0]  }
0x6e1: {  	[tilespmem:s12+$0x80] =	vst v3;
	v3 =	vld [tilespmem:s2+$0xF0]  }
0x6e2: {  	[tilespmem:s12+$0xFFFFFF00] =	vst v5;
	v5 =	vld [tilespmem:s2+$0x50]  }
0x6e3: {  	v6 =	vld [tilespmem:s2+$0xFFFFFF10]  }
0x6e4: {  	v8 =	vld [tilespmem:s2+$0x90]  }
0x6e5: {  	v9 =	vld [tilespmem:s12+$0xFFFFFF10]  }
0x6e6: {  	v10 =	vld [tilespmem:s12+$0xFFFFFF50];
	v2 =	vadd.f32 v3, v2  }
0x6e7: {  	v3 =	vld [tilespmem:s12+$0xFFFFFF90]  }
0x6e8: {  	v11 =	vld [tilespmem:s12+$0xFFFFFFD0];
	[tilespmem:s12+$0xF0] =	vst v2  }
0x6e9: {  	v2 =	vld [tilespmem:s12+$0x10]  }
0x6ea: {  	v6 =	vadd.f32 v6, v9;
	v9 =	vld [tilespmem:s12+$0x50]  }
0x6eb: {  	v1 =	vadd.f32 v1, v10;
	v10 =	vld [tilespmem:s12+$0x90]  }
0x6ec: {  	[tilespmem:s12+$0xFFFFFF10] =	vst v6;
	v6 =	vld [tilespmem:s12+$0xFFFFFF20];
	v3 =	vadd.f32 v7, v3  }
0x6ed: {  	v7 =	vld [tilespmem:s2+$0xFFFFFF20];
	[tilespmem:s12+$0xFFFFFF50] =	vst v1;
	v0 =	vadd.f32 v0, v11  }
0x6ee: {  	v1 =	vld [tilespmem:s2+$0xFFFFFF60];
	[tilespmem:s12+$0xFFFFFF90] =	vst v3;
	v2 =	vadd.f32 v4, v2  }
0x6ef: {  	v3 =	vld [tilespmem:s2+$0xFFFFFFA0];
	[tilespmem:s12+$0xFFFFFFD0] =	vst v0;
	v0 =	vadd.f32 v5, v9  }
0x6f0: {  	v4 =	vld [tilespmem:s2+$0xFFFFFFE0];
	[tilespmem:s12+$0x10] =	vst v2;
	v2 =	vadd.f32 v8, v10  }
0x6f1: {  	v5 =	vld [tilespmem:s2+$0x20];
	[tilespmem:s12+$0x50] =	vst v0  }
0x6f2: {  	v0 =	vadd.f32 v7, v6;
	v6 =	vld [tilespmem:s2+$0x60];
	[tilespmem:s12+$0x90] =	vst v2  }
0x6f3: {  	v2 =	vld [tilespmem:s2+$0xA0]  }
0x6f4: {  	[tilespmem:s12+$0xFFFFFF20] =	vst v0;
	v0 =	vld [tilespmem:s12+$0xFFFFFF60]  }
0x6f5: {  	v7 =	vld [tilespmem:s12+$0xFFFFFFA0]  }
0x6f6: {  	v8 =	vld [tilespmem:s12+$0xFFFFFFE0]  }
0x6f7: {  	v9 =	vld [tilespmem:s12+$0x20]  }
0x6f8: {  	v10 =	vld [tilespmem:s12+$0x60]  }
0x6f9: {  	v0 =	vadd.f32 v1, v0;
	v11 =	vld [tilespmem:s12+$0xA0]  }
0x6fa: {  	v12 =	vld [tilespmem:s2+$0xFFFFFF30];
	v1 =	vadd.f32 v3, v7  }
0x6fb: {  	v3 =	vld [tilespmem:s12+$0xFFFFFF30];
	[tilespmem:s12+$0xFFFFFF60] =	vst v0;
	v0 =	vadd.f32 v4, v8  }
0x6fc: {  	v13 =	vld [tilespmem:s2+$0xFFFFFF70];
	[tilespmem:s12+$0xFFFFFFA0] =	vst v1;
	v5 =	vadd.f32 v5, v9  }
0x6fd: {  	v4 =	vld [tilespmem:s2+$0xFFFFFFB0];
	[tilespmem:s12+$0xFFFFFFE0] =	vst v0;
	v0 =	vadd.f32 v6, v10  }
0x6fe: {  	v1 =	vld [tilespmem:s2+$0xFFFFFFF0];
	[tilespmem:s12+$0x20] =	vst v5;
	v5 =	vadd.f32 v2, v11  }
0x6ff: {  	v2 =	vld [tilespmem:s2+$0x30];
	[tilespmem:s12+$0x60] =	vst v0  }
0x700: {  	v6 =	vadd.f32 v12, v3;
	v3 =	vld [tilespmem:s2+$0x70];
	[tilespmem:s12+$0xA0] =	vst v5  }
0x701: {  	v0 =	vld [tilespmem:s2+$0xB0]  }
0x702: {  	[tilespmem:s12+$0xFFFFFF30] =	vst v6;
	v6 =	vld [tilespmem:s12+$0xFFFFFF70]  }
.Ltmp12:
0x703: {  	v9 =	vld [tilespmem:s12+$0xFFFFFFB0];
	(pc) =	sbr.rel @p0 .LBB2_26-.Ltmp12, $4  }
0x704: {  	v8 =	vld [tilespmem:s12+$0xFFFFFFF0]  }
0x705: {  	v7 =	vld [tilespmem:s12+$0x30]  }
0x706: {  	v5 =	vld [tilespmem:s12+$0x70]  }
0x707: {  	s12 =	sadd.s32 $0x200, s12;
	v10 =	vadd.f32 v13, v6;
	v6 =	vld [tilespmem:s7+$0xB0]  }
0x708: {  	v4 =	vadd.f32 v4, v9  }
0x709: {  	[tilespmem:s7+$0xFFFFFF70] =	vst v10;
	v1 =	vadd.f32 v1, v8  }
0x70a: {  	[tilespmem:s7+$0xFFFFFFB0] =	vst v4;
	v2 =	vadd.f32 v2, v7  }
0x70b: {  	[tilespmem:s7+$0xFFFFFFF0] =	vst v1;
	v63 =	vadd.f32 v3, v5  }
0x70c: {  	[tilespmem:s7+$0x30] =	vst v2;
	v0 =	vadd.f32 v0, v6  }
0x70d: {  	[tilespmem:s7+$0x70] =	vst v63  }
0x70e: {  	[tilespmem:s7+$0xB0] =	vst v0  }
0x70f: {  	s2 =	rddreg [dreg:$0xc]  }
0x710: {  	[hbm4b:s2+s1] =	stream.strided.scatter [tilespmem:s25], [sflag:$0x8], $0x3200, s18, s1, $0x38;
	[tilespmem:$0x15E00] =	vst v63  }
0x711: {  	_ =	swait.ge [sflag:s28], $0x3200  }
0x712: {  	[sflag:s28] =	ssyncset.done $0x0  }
0x713: {  	[sflag:s28] =	ssyncadd.s32 $0xFFFFCE00  }
0x714: {  	_ =	swait.ge [sflag:s8], $0x3200  }
0x715: {  	[sflag:s8] =	ssyncset.done $0x0  }
0x716: {  	[sflag:s8] =	ssyncadd.s32 $0xFFFFCE00  }
0x717: {  	_ =	swait.ge [sflag:s10], $0x3200  }
0x718: {  	[sflag:s10] =	ssyncset.done $0x0  }
0x719: {  	[sflag:s10] =	ssyncadd.s32 $0xFFFFCE00  }
0x71a: {  	_ =	swait.ge [sflag:s11], $0x3200  }
0x71b: {  	s16 =	rddreg [dreg:$0xe]  }
0x71c: {  	s17 =	rddreg [dreg:$0xd];
	s7 =	sadd.s32 $0x1, s16  }
0x71d: {  	p0 =	sne.s32 s7, s17  }
.Ltmp13:
0x71e: {  	_ = 	snop;
	(pc) =	sbr.rel @p0 .LBB2_1-.Ltmp13, $3  }
0x71f: {  	_ =	sdelay $0x1  }
0x720: {  	[sflag:s11] =	ssyncset.done $0x0  }
0x721: {  	[sflag:s11] =	ssyncadd.s32 $0xFFFFCE00  }
0x722: {  	_ =	sfence.sel $0x180000  }
0x723: {  	[bflag:$0x0] =	sbarrier.arrive $0xFFFF  }
0x724: {  	_ =	strace $0x90000047  }
0x725: {  	s0 =	stileid.u32;
	[bflag:$0x2] =	sbarrier.arrive $0xFFFF  }
0x726: {  	p0 =	sne.s32 s0, $0x0;
	s0 =	rddreg [dreg:$0x2]  }
0x727: {  	s0 =	sadd.s32 @!p0 $0x100000, s0  }
0x728: {  	[sflag:s0] =	ssyncadd.tile.s32 @!p0 $0x1;
	_ =	shalt  }
.Lfunc_end2:
_tile_overlayer_lowered:
.L_overlay_start_2:
0x729: {  	(tag) =	ssettag $0x2  }
0x72a: {  	s0 =	rddreg [dreg:$0x0];
	s2 =	stileid.u32  }
0x72b: {  	s1 =	rddreg [dreg:$0x1];
	p0 =	sne.s32 s2, $0x0  }
0x72c: {  	s3 =	rddreg [dreg:$0x2];
	[bflag:$0x3] =	sbarrier.arrive $0xFFFF;
	s2 =	simm.s32 @!p0 $0x1C09  }
0x72d: {  	[timem:s3], [sflag:s2] =	dma.local @!p0 [hbm:s0], s1  }
0x72e: {  	s0 =	simm.s32 @!p0 $0x9  }
0x72f: {  	_ =	swait.ge @!p0 [sflag:s0], s1  }
0x730: {  	s1 =	ssub.s32 @!p0 $0x0, s1;
	[sflag:s0] =	ssyncset.done @!p0 $0x0  }
0x731: {  	[sflag:s0] =	ssyncadd.s32 @!p0 s1  }
0x732: {  	[bflag:$0x3] =	sbarrier.arrive $0xFFFF  }
0x733: {  	_ =	shalt  }

// kernel: sparse-core-data-format-call.cloned.1.call-start
scs
called_computation_lowered:
.L_overlay_start_0:
0x0: {  	s2 =	sld [smem:$0x3FD9]  }
0x1: {  	s3 =	sld [smem:$0x3FFE];
	_ =	sdelay $0x1  }
0x2: {  	s1 =	srdreg.scid  }
0x3: {  	s0 =	sand.u32 $0x1, s1  }
0x4: {  	s18 =	sshll.u32 s0, $0xA;
	s2 =	sadd.s32 s3, s2  }
0x5: {  	s2 =	sadd.s32 s2, s18  }
0x6: {  	[smem:$0x3FC5] =	sst s2  }
0x7: {  	_ = 	snop  }
0x8: {  	s2 =	sld [smem:$0x3FD0];
	(tm) =	ssettm $0x1  }
0x9: {  	s19 =	sld [smem:$0x3FFB];
	_ =	sdelay $0x3  }
0xa: {  	_ =	strace s19  }
0xb: {  	s3 =	sld [smem:$0x3FFC];
	_ =	sdelay $0x3  }
0xc: {  	_ =	strace s3  }
0xd: {  	s3 =	sld [smem:$0x3FFD];
	_ =	sdelay $0x3  }
0xe: {  	_ =	strace s3  }
0xf: {  	_ =	strace $0x8FFFFFFF  }
0x10: {  	s20 =	sld [smem:$0x3FDB];
	_ =	sdelay $0x1  }
0x11: {  	s4 =	simm.s32 $_scs_section_size  }
0x12: {  	s5 =	simm.s32 $_size__tile_overlayer_lowered;
	s6 =	simm.s32 $_tile_overlayer_lowered  }
0x13: {  	s23 =	simm.s32 $0x1BFF;
	s22 =	sshll.u32 s6, $0x1;
	s3 =	sadd.s32 s4, s20  }
0x14: {  	s7 =	simm.s32 $0x0;
	s21 =	sshll.u32 s5, $0x1;
	s5 =	sadd.s32 s22, s3  }
0x15: {  	[timem:s7], [sflag:s23] =	dma.local [hbm:s5], s21  }
0x16: {  	_ =	swait.ge [sflag:s23], s21  }
0x17: {  	s4 =	ssub.s32 $0x0, s21;
	[sflag:s23] =	ssyncset.done $0x0  }
0x18: {  	[sflag:s23] =	ssyncadd.s32 s4;
	_ =	sdelay $0x1  }
0x19: {  	s24 =	simm.s32 $0x1B8B  }
0x1a: {  	_ =	swait.ge [sflag:s24], $0x1  }
0x1b: {  	[sflag:s24] =	ssyncset.done $0x0  }
0x1c: {  	s26 =	simm.s32 $0x1B8E;
	s25 =	sld [smem:$0x3FFE];
	[sflag:s24] =	ssyncadd.s32 $0xFFFFFFFF  }
0x1d: {  	s27 =	simm.s32 $execute0_lowered;
	[smem:$0x3FD2] =	sst s26  }
0x1e: {  	s5 =	sshll.u32 s27, $0x1;
	_ =	strace $0x80000049;
	[dreg:$0x1] =	wrdreg $0xFFFFFFFF  }
0x1f: {  	s28 =	simm.s32 $_size_execute0_lowered;
	s3 =	sadd.s32 s3, s5;
	[dreg:$0x0] =	wrdreg $0x0  }
0x20: {  	s5 =	sshll.u32 s28, $0x1;
	[dreg:$0x2] =	wrdreg s3  }
0x21: {  	[dreg:$0x3] =	wrdreg s5  }
0x22: {  	[dreg:$0x4] =	wrdreg $0xC0  }
0x23: {  	_ =	task [dreg:s7], $0x5FFFF  }
0x24: {  	[dreg:$0x1] =	wrdreg $0xFFFFFFFF  }
0x25: {  	[dreg:$0x0] =	wrdreg $0x60  }
0x26: {  	[dreg:$0x2] =	wrdreg s25  }
0x27: {  	[dreg:$0x3] =	wrdreg s2  }
0x28: {  	[dreg:$0x4] =	wrdreg $0x9  }
0x29: {  	_ =	task.clear_ibuf [dreg:s7], $0x5FFFF;
	_ =	strace $0x90000049  }
0x2a: {  	s29 =	simm.s32 $0x9;
	_ =	strace $0x8000004B  }
0x2b: {  	_ =	swait.ge [sflag:s29], $0x1  }
0x2c: {  	[sflag:s29] =	ssyncadd.s32 $0xFFFFFFFF  }
0x2d: {  	_ =	strace $0x9000004B  }
0x2e: {  	_ =	sfence  }
0x2f: {  	s30 =	sld [smem:$0x0];
	_ =	sdelay $0x2  }
0x30: {  	s31 =	sshll.u32 s1, $0xD;
	s1 =	sshrl.u32 s1, $0x2  }
0x31: {  	s3 =	sand.u32 $0x4000, s31;
	s1 =	sadd.s32 s1, s30  }
0x32: {  	s0 =	sor.u32 s3, s0;
	s1 =	sshll.u32 s1, $0x11  }
0x33: {  	s0 =	sor.u32 s1, s0  }
0x34: {  	s0 =	sadd.s32 $0x8F2B, s0  }
0x35: {  	[sflag:s0] =	ssyncadd.remote.s32 $0x1  }
0x36: {  	_ =	sfence.sel $0xFFFF  }
0x37: {  	[dreg:$0x0] =	wrdreg $0xFFFFFFFF;
	(pc) =	sbr.abs _section_cstart, $3  }
0x38: {  	[dreg:$0x1] =	wrdreg $0xFFFFFFFF  }
0x39: {  	_ =	task.clear_ibuf [dreg:s7], $0x2FFFF;
	_ =	strace $0x9FFFFFFF  }
0x3a: {  	(tm) =	ssettm $0x7FFFFFFF  }
0x3b: {  	_ =	shalt  }
tec
execute0_lowered:
.L_overlay_start_1:
0x0: {  	(tag) =	ssettag $0x1  }
0x1: {  	s0 =	srdreg.scid  }
0x2: {  	s1 =	sshll.u32 s0, $0x4  }
0x3: {  	s0 =	stileid.u32;
	s1 =	sand.u32 $0x10, s1  }
0x4: {  	s1 =	sor.u32 s0, s1  }
0x5: {  	s6 =	rddreg [dreg:$0x0];
	s4 =	simm.s32 $0x1;
	s2 =	sshll.u32 s1, $0x7  }
0x6: {  	s7 =	simm.s32 $0x2;
	s12 =	simm.s32 $0x0;
	s1 =	ssub.s32 $0x1000, s2  }
0x7: {  	s8 =	simm.s32 $0x8000;
	s13 =	simm.s32 $0x0;
	s3 =	sand.u32 $0xF80, s1  }
0x8: {  	s9 =	simm.s32 $0x0;
	s5 =	sshrl.u32 s1, $0xC;
	p0 =	sne.s32 s3, $0x0  }
.Ltmp0:
0x9: {  	s1 =	rddreg [dreg:$0x2];
	s4 =	simm.s32 @!p0 $0x0;
	(pc) =	sbr.rel .LBB1_1-.Ltmp0, $4  }
0xa: {  	s11 =	simm.s32 $0x0;
	s3 =	rddreg [dreg:$0x1];
	s5 =	sadd.s32 s4, s5  }
0xb: {  	_ =	strace $0x8000004A;
	s4 =	simm.s32 $0x1;
	s5 =	smul.u32 $0xC8, s5  }
0xc: {  	s6 =	sadd.s32 $0xF43400, s6;
	s10 =	smov.u32 s2;
	[sflag:s4] =	ssyncpa.u1 $0x0  }
0xd: {  	p0 =	por $0x0, $0x0;
	[sflag:s7] =	ssyncpa.u1 $0x0;
	s7 =	sor.u32 $0x1, s5  }
.LBB1_4:
0xe: {  	s16 =	sshll.u32 s13, $0x3;
	s17 =	sand.u32 $0x78, s13  }
0xf: {  	s30 =	sand.u32 $0x7E00, s13;
	s12 =	sshll.u32 s12, $0xF;
	s16 =	sand.u32 $0xC00, s16  }
0x10: {  	[tilespmem:s15+$0x810 ss:$0x81] =	vst.msk $0xffff, v2;
	s31 =	sand.u32 $0x7, s13;
	s16 =	sor.u32 s17, s16;
	s17 =	sadd.s32 s3, s30  }
0x11: {  	[tilespmem:s15+$0x1020 ss:$0x81] =	vst.msk $0xffff, v0;
	s13 =	sshll.u32 s31, $0x12;
	s12 =	sadd.s32 s12, s17;
	s16 =	sshrl.u32 s16, $0x3  }
0x12: {  	[tilespmem:s15+$0x0 ss:$0x81] =	vst.msk $0xffff, v1;
	s13 =	sor.u32 $0x400, s13;
	s12 =	sadd.s32 s16, s12  }
0x13: {  	[hbm4b:s12+s13] =	stream.strided.scatter [tilespmem:s14], [sflag:$0x2], $0x2000, s8, s13, $0x20;
	[tilespmem:$0x8080] =	vst v63  }
.LBB1_5:
0x14: {  	s14 =	sadd.s32 $0x1, s9  }
0x15: {  	s12 =	sadd.s32 $0x1000, s10;
	s16 =	smov.u32 s10;
	p2 =	sgt.s32 s14, $0xC7  }
0x16: {  	s16 =	smov.u32 @p2 s12  }
0x17: {  	s14 =	simm.s32 @p2 $0x0;
	p2 =	sgt.s32 s16, $0xFFF  }
0x18: {  	s16 =	smov.u32 @p2 s2;
	p2 =	sne.s32 s11, s7  }
.Ltmp1:
0x19: {  	p1 =	slt.u32 s11, $0x2;
	(pc) =	sbr.rel @!p2 .LBB1_6-.Ltmp1, $4  }
0x1a: {  	s15 =	simm.s32 @!p1 $0x2  }
0x1b: {  	s13 =	smov.u32 s10;
	p0 =	por !p0, !p0;
	_ =	swait.ge @!p1 [sflag:s15], $0x2000  }
0x1c: {  	s12 =	smov.u32 s9;
	[sflag:s15] =	ssyncset.done @!p1 $0x0;
	s9 =	smov.u32 s14  }
0x1d: {  	s11 =	sadd.s32 $0x1, s11;
	[sflag:s15] =	ssyncadd.s32 @!p1 $0xFFFFE000;
	s10 =	smov.u32 s16  }
.LBB1_1:
0x1e: {  	p1 =	sge.u32 s11, s5  }
0x1f: {  	s14 =	sand.u32 @!p1 $0x1FFFFFF, s9  }
0x20: {  	s15 =	smulhi.u32 @!p1 $0x147AE15, s14;
	_ =	sdelay $0x1  }
0x21: {  	s15 =	smul.u32 @!p1 $0xC8, s15  }
0x22: {  	s16 =	sxor.u32 @!p1 $0xFFFFFFFF, s11;
	s17 =	smul.u32 @!p1 $0xC80, s10  }
0x23: {  	s31 =	sadd.s32 $0xFFFFFFFF, s11;
	s16 =	sshll.u32 @!p1 s16, $0xD;
	s14 =	ssub.s32 @!p1 s14, s15  }
0x24: {  	s15 =	sand.u32 @!p1 $0x2000, s16;
	s16 =	sadd.s32 @!p1 s6, s17;
	s14 =	sshll.u32 @!p1 s14, $0x4  }
0x25: {  	s17 =	simm.s32 @!p1 $0x6400;
	s14 =	sadd.s32 @!p1 s14, s16;
	s16 =	simm.s32 @!p1 $0x40  }
0x26: {  	[tilespmem:s15], [sflag:$0x1] =	stream.strided.gather @!p1 [hbm4b:s14+s16], $0x2000, s17, s16, $0x38;
	[tilespmem:$0x8080] =	vst v63  }
0x27: {  	p1 =	sge.u32 s31, s5  }
.Ltmp2:
0x28: {  	_ = 	snop;
	(pc) =	sbr.rel @p1 .LBB1_5-.Ltmp2, $1  }
0x29: {  	_ =	sdelay $0x3  }
0x2a: {  	s14 =	simm.s32 $0x1  }
0x2b: {  	_ =	swait.ge [sflag:s4], $0x2000;
	s14 =	simm.s32 @!p0 $0x0  }
0x2c: {  	[sflag:s4] =	ssyncset.done $0x0;
	s15 =	sshll.u32 s14, $0xD  }
0x2d: {  	[sflag:s4] =	ssyncadd.s32 $0xFFFFE000;
	s18 =	sor.u32 $0x20, s15  }
0x2e: {  	s14 =	smul.u32 $0x8100, s14;
	v3 =	vld [tilespmem:s18+$0x10]  }
0x2f: {  	s30 =	sand.u32 $0x1, s11;
	v2 =	vld [tilespmem:s18+$0xFFFFFFF0]  }
0x30: {  	s15 =	smul.u32 $0x8100, s30;
	s14 =	sshrl.u32 s14, $0x2;
	v0 =	vld [tilespmem:s18+$0x0]  }
0x31: {  	v1 =	vld [tilespmem:s18+$0xFFFFFFE0];
	s16 =	sor.u32 $0x4000, s14  }
0x32: {  	s31 =	sshrl.u32 s15, $0x2;
	s15 =	sadd.s32 $0x0, s16  }
0x33: {  	s17 =	simm.s32 $0x4;
	s18 =	sadd.s32 $0x40, s18;
	s14 =	sor.u32 $0x4000, s31;
	[tilespmem:s15+$0x1830 ss:$0x81] =	vst.msk $0xffff, v3  }
.LBB1_3:
0x34: {  	v3 =	vld [tilespmem:s18+$0x10];
	p1 =	sne.s32 s17, $0x1FC;
	[tilespmem:s15+$0x810 ss:$0x81] =	vst.msk $0xffff, v2;
	s19 =	smov.u32 s17;
	s17 =	sadd.s32 $0x4, s17  }
.Ltmp3:
0x35: {  	v2 =	vld [tilespmem:s18+$0xFFFFFFF0];
	[tilespmem:s15+$0x1020 ss:$0x81] =	vst.msk $0xffff, v0;
	(pc) =	sbr.rel @p1 .LBB1_3-.Ltmp3, $4  }
0x36: {  	v0 =	vld [tilespmem:s18+$0x0];
	[tilespmem:s15+$0x0 ss:$0x81] =	vst.msk $0xffff, v1  }
0x37: {  	s15 =	sshra.s32 s19, $0x2;
	v1 =	vld [tilespmem:s18+$0xFFFFFFE0]  }
0x38: {  	s15 =	sadd.s32 s15, s16  }
0x39: {  	s18 =	sadd.s32 $0x40, s18;
	[tilespmem:s15+$0x1830 ss:$0x81] =	vst.msk $0xffff, v3  }
.Ltmp4:
0x3a: {  	_ = 	snop;
	(pc) =	sbr.rel .LBB1_4-.Ltmp4, $1  }
0x3b: {  	_ =	sdelay $0x3  }
.LBB1_6:
0x3c: {  	_ =	sfence.sel $0x180000  }
0x3d: {  	s2 =	simm.s32 $0x1;
	[bflag:$0x0] =	sbarrier.arrive $0xFFFF  }
0x3e: {  	s31 =	simm.s32 $0x2;
	[sflag:s2] =	ssyncpa.u1 $0x1  }
0x3f: {  	[sflag:s31] =	ssyncpa.u1 $0x1  }
0x40: {  	p0 =	sne.s32 s0, $0x0;
	_ =	strace $0x9000004A  }
0x41: {  	s0 =	sadd.s32 @!p0 $0x100000, s1;
	[bflag:$0x2] =	sbarrier.arrive $0xFFFF  }
0x42: {  	[sflag:s0] =	ssyncadd.tile.s32 @!p0 $0x1;
	_ =	shalt  }
.Lfunc_end1:
_tile_overlayer_lowered:
.L_overlay_start_2:
0x43: {  	(tag) =	ssettag $0x2  }
0x44: {  	s0 =	rddreg [dreg:$0x0];
	s2 =	stileid.u32  }
0x45: {  	s1 =	rddreg [dreg:$0x1];
	p0 =	sne.s32 s2, $0x0  }
0x46: {  	s3 =	rddreg [dreg:$0x2];
	[bflag:$0x3] =	sbarrier.arrive $0xFFFF;
	s2 =	simm.s32 @!p0 $0x1C01  }
0x47: {  	[timem:s3], [sflag:s2] =	dma.local @!p0 [hbm:s0], s1  }
0x48: {  	s0 =	simm.s32 @!p0 $0x1  }
0x49: {  	_ =	swait.ge @!p0 [sflag:s0], s1  }
0x4a: {  	s1 =	ssub.s32 @!p0 $0x0, s1;
	[sflag:s0] =	ssyncset.done @!p0 $0x0  }
0x4b: {  	[sflag:s0] =	ssyncadd.s32 @!p0 s1  }
0x4c: {  	[bflag:$0x3] =	sbarrier.arrive $0xFFFF  }
0x4d: {  	_ =	shalt  }

</sc_bundles>
